<compile_context>
chip_gen: v7x
topology: tpu7x:2x2x1
jax: 0.10.2.dev20260603
libtpu: 0.0.44.dev20260713+nightly
codegen_flags: <defaults>
</compile_context>

<pallas_src>
import functools

import jax
import jax.numpy as jnp
from jax import lax
from jax.experimental import pallas as pl
from jax.experimental.pallas import tpu as pltpu
from jax.experimental.pallas import tpu_sc as plsc

_C = 128
_L = 16
_NT = 32
_NS = 16


@functools.lru_cache(maxsize=None)
def _sc_message_kernel(Np, R):
    base_cnt, extra = R // _NT, R % _NT
    pairs, resid = base_cnt // 2, base_cnt % 2
    E = R * _C

    mesh = plsc.VectorSubcoreMesh(core_axis_name="c", subcore_axis_name="s")

    def body(ei_h, sh0_h, sh1_h, nodes_h, zeros_h, aw_h, out_h,
             tab0, tab1, tab2, tab3, acc0, acc1, acc2, acc3,
             src_v0, tgt_v0, sh0_v0, u1_v0, u2_v0, u3_v0,
             f0_0, f1_0, f2_0, f3_0, m0_0, m1_0, m2_0, m3_0,
             src_v1, tgt_v1, sh0_v1, u1_v1, u2_v1, u3_v1,
             f0_1, f1_1, f2_1, f3_1, m0_1, m1_1, m2_1, m3_1,
             aw_v,
             lsem0, lsem1, gsem0, gsem1, ssem0, ssem1):
        c = lax.axis_index("c")
        s = lax.axis_index("s")
        wid = c * _NS + s
        tabs = [tab0, tab1, tab2, tab3]
        accs = [acc0, acc1, acc2, acc3]
        slots = [
            dict(src=src_v0, tgt=tgt_v0, sh0=sh0_v0, us=[u1_v0, u2_v0, u3_v0],
                 fs=[f0_0, f1_0, f2_0, f3_0], ms=[m0_0, m1_0, m2_0, m3_0],
                 lsem=lsem0, gsem=gsem0, ssem=ssem0),
            dict(src=src_v1, tgt=tgt_v1, sh0=sh0_v1, us=[u1_v1, u2_v1, u3_v1],
                 fs=[f0_1, f1_1, f2_1, f3_1], ms=[m0_1, m1_1, m2_1, m3_1],
                 lsem=lsem1, gsem=gsem1, ssem=ssem1),
        ]

        @pl.when(s == 0)
        def _():
            for k in range(4):
                pltpu.sync_copy(nodes_h.at[pl.ds(k * Np, Np)], tabs[k])
                pltpu.sync_copy(zeros_h, accs[k])
        pltpu.sync_copy(aw_h, aw_v)
        plsc.subcore_barrier()

        A0 = aw_v[0]
        A1 = aw_v[1]
        A2 = aw_v[2]
        A3 = aw_v[3]
        A4 = aw_v[4]

        def load_copies(b, r):
            e0 = pl.multiple_of(r * _C, _C)
            return [
                pltpu.make_async_copy(ei_h.at[pl.ds(e0, _C)], b["src"], b["lsem"]),
                pltpu.make_async_copy(ei_h.at[pl.ds(e0 + E, _C)], b["tgt"], b["lsem"]),
                pltpu.make_async_copy(sh0_h.at[pl.ds(e0, _C)], b["sh0"], b["lsem"]),
                pltpu.make_async_copy(sh1_h.at[pl.ds(e0, _C)], b["us"][0], b["lsem"]),
                pltpu.make_async_copy(sh1_h.at[pl.ds(e0 + E, _C)], b["us"][1], b["lsem"]),
                pltpu.make_async_copy(sh1_h.at[pl.ds(e0 + 2 * E, _C)], b["us"][2], b["lsem"]),
            ]

        def gather_copies(b):
            return [pltpu.make_async_copy(tabs[k].at[b["src"]], b["fs"][k], b["gsem"])
                    for k in range(4)]

        def scatter_copies(b):
            return [pltpu.make_async_copy(b["ms"][k], accs[k].at[b["tgt"]], b["ssem"])
                    for k in range(4)]

        def issue_loads(b, r):
            for d in load_copies(b, r):
                d.start()

        def wait_loads(b, r):
            for d in load_copies(b, r):
                d.wait()

        def compute(b):
            for g in range(_C // _L):
                sl = pl.ds(g * _L, _L)
                sv = b["fs"][0][sl]
                v1 = b["fs"][1][sl]
                v2 = b["fs"][2][sl]
                v3 = b["fs"][3][sl]
                u1 = b["us"][0][sl]
                u2 = b["us"][1][sl]
                u3 = b["us"][2][sl]
                t0 = b["sh0"][sl]
                uv = u1 * v1 + u2 * v2 + u3 * v3
                b["ms"][0][sl] = A0 * (t0 * sv) + A3 * uv
                b["ms"][1][sl] = A1 * (t0 * v1) + A2 * (sv * u1) + A4 * (u2 * v3 - u3 * v2)
                b["ms"][2][sl] = A1 * (t0 * v2) + A2 * (sv * u2) + A4 * (u3 * v1 - u1 * v3)
                b["ms"][3][sl] = A1 * (t0 * v3) + A2 * (sv * u3) + A4 * (u1 * v2 - u2 * v1)

        def chunk_sync(r):
            b = slots[0]
            wait_loads(b, r)
            for d in gather_copies(b):
                d.start()
            for d in gather_copies(b):
                d.wait()
            compute(b)
            for d in scatter_copies(b):
                d.start(add=True)
            for d in scatter_copies(b):
                d.wait()

        base = wid * base_cnt
        if pairs:
            issue_loads(slots[0], base)

            def pair(i, carry):
                r0 = base + 2 * i
                b0, b1 = slots
                wait_loads(b0, r0)
                for d in gather_copies(b0):
                    d.start()
                @pl.when(i > 0)
                def _():
                    for d in scatter_copies(b1):
                        d.wait()
                issue_loads(b1, r0 + 1)
                for d in gather_copies(b0):
                    d.wait()
                compute(b0)
                for d in scatter_copies(b0):
                    d.start(add=True)
                wait_loads(b1, r0 + 1)
                for d in gather_copies(b1):
                    d.start()
                @pl.when(i < pairs - 1)
                def _():
                    for d in scatter_copies(b0):
                        d.wait()
                    issue_loads(b0, r0 + 2)
                for d in gather_copies(b1):
                    d.wait()
                compute(b1)
                for d in scatter_copies(b1):
                    d.start(add=True)
                return carry

            lax.fori_loop(0, pairs, pair, 0)
            for d in scatter_copies(slots[0]):
                d.wait()
            for d in scatter_copies(slots[1]):
                d.wait()
        if resid:
            issue_loads(slots[0], base + base_cnt - 1)
            chunk_sync(base + base_cnt - 1)
        if extra:
            @pl.when(wid < extra)
            def _():
                issue_loads(slots[0], _NT * base_cnt + wid)
                chunk_sync(_NT * base_cnt + wid)

        plsc.subcore_barrier()
        @pl.when(s == 0)
        def _():
            for k in range(4):
                off = pl.multiple_of((c * 4 + k) * Np, 128)
                pltpu.sync_copy(accs[k], out_h.at[pl.ds(off, Np)])

    slot_scratch = [
        pltpu.VMEM((_C,), jnp.int32),
        pltpu.VMEM((_C,), jnp.int32),
        pltpu.VMEM((_C,), jnp.float32),
        pltpu.VMEM((_C,), jnp.float32),
        pltpu.VMEM((_C,), jnp.float32),
        pltpu.VMEM((_C,), jnp.float32),
        pltpu.VMEM((_C,), jnp.float32),
        pltpu.VMEM((_C,), jnp.float32),
        pltpu.VMEM((_C,), jnp.float32),
        pltpu.VMEM((_C,), jnp.float32),
        pltpu.VMEM((_C,), jnp.float32),
        pltpu.VMEM((_C,), jnp.float32),
        pltpu.VMEM((_C,), jnp.float32),
        pltpu.VMEM((_C,), jnp.float32),
    ]

    return pl.kernel(
        body,
        out_type=jax.ShapeDtypeStruct((8 * Np,), jnp.float32),
        mesh=mesh,
        scratch_types=(
            [pltpu.VMEM_SHARED((Np,), jnp.float32)] * 4
            + [pltpu.VMEM_SHARED((Np,), jnp.float32)] * 4
            + slot_scratch
            + slot_scratch
            + [pltpu.VMEM((5, _L), jnp.float32)]
            + [pltpu.SemaphoreType.DMA] * 6
        ),
    )


def _tc_add(p):
    def body(p_ref, o_ref):
        o_ref[...] = p_ref[0] + p_ref[1]
    return pl.pallas_call(
        body,
        out_shape=jax.ShapeDtypeStruct(p.shape[1:], p.dtype),
    )(p)


def kernel(node_irreps, sh_edge_0, sh_edge_1, weights, edge_index):
    N = node_irreps.shape[0]
    E = edge_index.shape[1]
    assert E % _C == 0
    R = E // _C
    Np = -(-N // 128) * 128
    ei = edge_index.reshape(2 * E)
    sh0 = sh_edge_0.reshape(E)
    sh1 = sh_edge_1.astype(jnp.float32).T.reshape(3 * E)
    nodes = jnp.zeros((4, Np), jnp.float32).at[:, :N].set(
        node_irreps.astype(jnp.float32).T).reshape(4 * Np)
    scale = jnp.array([1.0, 3.0 ** -0.5, 3.0 ** -0.5, 3.0 ** -0.5, 6.0 ** -0.5],
                      jnp.float32)
    aw = jnp.broadcast_to((weights * scale)[:, None], (5, _L)).astype(jnp.float32)
    zeros = jnp.zeros((Np,), jnp.float32)
    partial = _sc_message_kernel(Np, R)(ei, sh0, sh1, nodes, zeros, aw)
    flat = partial.reshape(2, (4 * Np) // 128, 128)
    summed = _tc_add(flat).reshape(4, Np)
    return summed[:, :N].T

# --- scband reference (transcript-rebuilt; emitter-appended) ---
"""Pipeline reference for scband-message-layer-52407190946315 (READ-ONLY COPY).

The authoritative reference and input builder live on the scoring server;
editing this copy changes nothing except your own understanding.
"""

import jax, jax.numpy as jnp
import numpy as np

# CG coefficients for base irreps l=0 (dim 1) and l=1 (dim 3), sh degrees 0..1.
# These match e3nn's real SO(3) Clebsch-Gordan (wigner_3j) values:
#   CG(0,0,0)=1; CG(0,1,1)[0,i,j]=delta_ij/sqrt(3); CG(1,0,1)[i,0,j]=delta_ij/sqrt(3);
#   CG(1,1,0)[i,j,0]=delta_ij/sqrt(3); CG(1,1,1)[i,j,k]=eps_ijk/sqrt(6).

def _cg_tables():
    cg = {}
    cg[(0, 0, 0)] = jnp.ones((1, 1, 1), dtype=jnp.float32)
    eye3 = (np.eye(3) / np.sqrt(3.0)).astype(np.float32)
    cg[(0, 1, 1)] = jnp.asarray(eye3.reshape(1, 3, 3))
    cg[(1, 0, 1)] = jnp.asarray(eye3.reshape(3, 1, 3))
    cg[(1, 1, 0)] = jnp.asarray(eye3.reshape(3, 3, 1))
    eps = np.zeros((3, 3, 3), dtype=np.float32)
    for (i, j, k) in [(0, 1, 2), (1, 2, 0), (2, 0, 1)]:
        eps[i, j, k] = 1.0
    for (i, j, k) in [(0, 2, 1), (2, 1, 0), (1, 0, 2)]:
        eps[i, j, k] = -1.0
    cg[(1, 1, 1)] = jnp.asarray(eps / np.sqrt(6.0))
    return cg

# valid (edge_sh_degree, node_irrep_idx, out_irrep_idx) combos for max_sh_degree=1,
# base_irrep_dims=[1,3], in the same iteration order as the torch module.
VALID_COMBOS = [(0, 0, 0), (0, 1, 1), (1, 0, 1), (1, 1, 0), (1, 1, 1)]


def setup_inputs(seed: int = 0) -> dict:
    key = jax.random.key(seed)
    N = 100000
    E = 6400000
    k1, k2, k3, k4, k5 = jax.random.split(key, 5)
    node_irreps = jax.random.normal(k1, (N, 4), dtype=jnp.float32)
    edge_index = jax.random.randint(k2, (2, E), 0, N, dtype=jnp.int32)
    sh_edge_0 = jax.random.normal(k3, (E, 1), dtype=jnp.float32)
    sh_edge_1 = jax.random.normal(k4, (E, 3), dtype=jnp.float32)
    # learned parameters: one scalar weight per valid combo (multiplicity=1)
    weights = jax.random.normal(k5, (len(VALID_COMBOS),), dtype=jnp.float32)
    return {
        "node_irreps": node_irreps,
        "sh_edge_0": sh_edge_0,
        "sh_edge_1": sh_edge_1,
        "weights": weights,
        "edge_index": edge_index,
    }


def reference(node_irreps, sh_edge_0, sh_edge_1, weights, edge_index):
    cg = _cg_tables()
    base_dims = [1, 3]
    src = edge_index[0]
    tgt = edge_index[1]
    N = node_irreps.shape[0]
    source_features = jnp.take(node_irreps, src, axis=0)  # gather [E, 4]
    source_channels = [source_features[:, 0:1], source_features[:, 1:4]]
    sh = [sh_edge_0, sh_edge_1]
    E = source_features.shape[0]
    msgs = [jnp.zeros((E, d), dtype=node_irreps.dtype) for d in base_dims]
    for w_idx, (deg, ni, oi) in enumerate(VALID_COMBOS):
        c = cg[(deg, ni, oi)]
        edge_feat = sh[deg]
        node_feat = source_channels[ni]
        msg = jnp.einsum('ijk,ei,ej->ek', c, edge_feat, node_feat)
        msgs[oi] = msgs[oi] + weights[w_idx] * msg
    agg = [jnp.zeros((N, d), dtype=node_irreps.dtype).at[tgt].add(m)
           for d, m in zip(base_dims, msgs)]  # scatter-add per irrep channel
    return jnp.concatenate(agg, axis=1)

if __name__ == "__main__":
    import jax
    _d = setup_inputs()
    print(jax.jit(kernel)(*tuple(_d.values())))

</pallas_src>

<mosaic_0001>
#map = affine_map<(d0, d1) -> (0)>
#map1 = affine_map<(d0, d1) -> (0, 0)>
module attributes {stable_mosaic.version = 14 : i64} {
  func.func @body(%arg0: i32, %arg1: i32, %arg2: memref<12800000xi32, #tpu.memory_space<hbm>>, %arg3: memref<6400000xf32, #tpu.memory_space<hbm>>, %arg4: memref<19200000xf32, #tpu.memory_space<hbm>>, %arg5: memref<400384xf32, #tpu.memory_space<hbm>>, %arg6: memref<100096xf32, #tpu.memory_space<hbm>>, %arg7: memref<5x16xf32, #tpu.memory_space<hbm>>, %arg8: memref<800768xf32, #tpu.memory_space<hbm>>, %arg9: memref<100096xf32, #tpu.memory_space<vmem_shared>>, %arg10: memref<100096xf32, #tpu.memory_space<vmem_shared>>, %arg11: memref<100096xf32, #tpu.memory_space<vmem_shared>>, %arg12: memref<100096xf32, #tpu.memory_space<vmem_shared>>, %arg13: memref<100096xf32, #tpu.memory_space<vmem_shared>>, %arg14: memref<100096xf32, #tpu.memory_space<vmem_shared>>, %arg15: memref<100096xf32, #tpu.memory_space<vmem_shared>>, %arg16: memref<100096xf32, #tpu.memory_space<vmem_shared>>, %arg17: memref<128xi32, #tpu.memory_space<vmem>>, %arg18: memref<128xi32, #tpu.memory_space<vmem>>, %arg19: memref<128xf32, #tpu.memory_space<vmem>>, %arg20: memref<128xf32, #tpu.memory_space<vmem>>, %arg21: memref<128xf32, #tpu.memory_space<vmem>>, %arg22: memref<128xf32, #tpu.memory_space<vmem>>, %arg23: memref<128xf32, #tpu.memory_space<vmem>>, %arg24: memref<128xf32, #tpu.memory_space<vmem>>, %arg25: memref<128xf32, #tpu.memory_space<vmem>>, %arg26: memref<128xf32, #tpu.memory_space<vmem>>, %arg27: memref<128xf32, #tpu.memory_space<vmem>>, %arg28: memref<128xf32, #tpu.memory_space<vmem>>, %arg29: memref<128xf32, #tpu.memory_space<vmem>>, %arg30: memref<128xf32, #tpu.memory_space<vmem>>, %arg31: memref<128xi32, #tpu.memory_space<vmem>>, %arg32: memref<128xi32, #tpu.memory_space<vmem>>, %arg33: memref<128xf32, #tpu.memory_space<vmem>>, %arg34: memref<128xf32, #tpu.memory_space<vmem>>, %arg35: memref<128xf32, #tpu.memory_space<vmem>>, %arg36: memref<128xf32, #tpu.memory_space<vmem>>, %arg37: memref<128xf32, #tpu.memory_space<vmem>>, %arg38: memref<128xf32, #tpu.memory_space<vmem>>, %arg39: memref<128xf32, #tpu.memory_space<vmem>>, %arg40: memref<128xf32, #tpu.memory_space<vmem>>, %arg41: memref<128xf32, #tpu.memory_space<vmem>>, %arg42: memref<128xf32, #tpu.memory_space<vmem>>, %arg43: memref<128xf32, #tpu.memory_space<vmem>>, %arg44: memref<128xf32, #tpu.memory_space<vmem>>, %arg45: memref<5x16xf32, #tpu.memory_space<vmem>>, %arg46: memref<!tpu.dma_semaphore, #tpu.memory_space<semaphore_mem>>, %arg47: memref<!tpu.dma_semaphore, #tpu.memory_space<semaphore_mem>>, %arg48: memref<!tpu.dma_semaphore, #tpu.memory_space<semaphore_mem>>, %arg49: memref<!tpu.dma_semaphore, #tpu.memory_space<semaphore_mem>>, %arg50: memref<!tpu.dma_semaphore, #tpu.memory_space<semaphore_mem>>, %arg51: memref<!tpu.dma_semaphore, #tpu.memory_space<semaphore_mem>>) attributes {dimension_semantics = [#tpu.dimension_semantics<core_parallel>, #tpu.dimension_semantics<subcore_parallel>], iteration_bounds = array<i64: 2, 16>, scalar_prefetch = 0 : i64, scratch_operands = 43 : i64, tpu.core_type = #tpu.core_type<sc_vector_subcore>, window_params = [{transform_indices = #map}, {transform_indices = #map}, {transform_indices = #map}, {transform_indices = #map}, {transform_indices = #map}, {transform_indices = #map1}, {transform_indices = #map}]} {
    %mul3A = arith.constant 16 : i32
    %mul3A_0 = arith.muli %arg0, %mul3A : i32
    %add3A = arith.addi %mul3A_0, %arg1 : i32
    %eq3A = arith.constant 0 : i32
    %eq3A_1 = arith.cmpi eq, %arg1, %eq3A : i32
    %convert_element_type3A = arith.extui %eq3A_1 : i1 to i32
    %cond3A = arith.constant 0 : i32
    %cond3A_2 = arith.cmpi ne, %convert_element_type3A, %cond3A : i32
    scf.if %cond3A_2 {
      "tpu.region"() ({
        %run_scoped3A = tpu.sem_alloc : memref<!tpu.dma_semaphore, #tpu.memory_space<semaphore_mem>>
        %dma_start3A_78 = arith.constant 0 : i32
        %dma_start3A_79 = tpu.memref_slice %arg5[%dma_start3A_78] : memref<400384xf32, #tpu.memory_space<hbm>> -> memref<100096xf32, #tpu.memory_space<hbm>>
        tpu.enqueue_dma source(%dma_start3A_79 : memref<100096xf32, #tpu.memory_space<hbm>>) target(%arg9 : memref<100096xf32, #tpu.memory_space<vmem_shared>>) target_semaphore(%run_scoped3A : memref<!tpu.dma_semaphore, #tpu.memory_space<semaphore_mem>>)
        %dma_wait3A_80 = arith.constant 0 : i32
        %dma_wait3A_81 = tpu.memref_slice %arg5[%dma_wait3A_80] : memref<400384xf32, #tpu.memory_space<hbm>> -> memref<100096xf32, #tpu.memory_space<hbm>>
        tpu.wait_dma2 semaphore(%run_scoped3A : memref<!tpu.dma_semaphore, #tpu.memory_space<semaphore_mem>>) src(%dma_wait3A_81 : memref<100096xf32, #tpu.memory_space<hbm>>) dst(%arg9 : memref<100096xf32, #tpu.memory_space<vmem_shared>>)
        tpu.yield
      }) : () -> ()
      "tpu.region"() ({
        %run_scoped3A = tpu.sem_alloc : memref<!tpu.dma_semaphore, #tpu.memory_space<semaphore_mem>>
        tpu.enqueue_dma source(%arg6 : memref<100096xf32, #tpu.memory_space<hbm>>) target(%arg13 : memref<100096xf32, #tpu.memory_space<vmem_shared>>) target_semaphore(%run_scoped3A : memref<!tpu.dma_semaphore, #tpu.memory_space<semaphore_mem>>)
        tpu.wait_dma2 semaphore(%run_scoped3A : memref<!tpu.dma_semaphore, #tpu.memory_space<semaphore_mem>>) src(%arg6 : memref<100096xf32, #tpu.memory_space<hbm>>) dst(%arg13 : memref<100096xf32, #tpu.memory_space<vmem_shared>>)
        tpu.yield
      }) : () -> ()
      "tpu.region"() ({
        %run_scoped3A = tpu.sem_alloc : memref<!tpu.dma_semaphore, #tpu.memory_space<semaphore_mem>>
        %dma_start3A_78 = arith.constant 100096 : i32
        %dma_start3A_79 = tpu.memref_slice %arg5[%dma_start3A_78] : memref<400384xf32, #tpu.memory_space<hbm>> -> memref<100096xf32, #tpu.memory_space<hbm>>
        tpu.enqueue_dma source(%dma_start3A_79 : memref<100096xf32, #tpu.memory_space<hbm>>) target(%arg10 : memref<100096xf32, #tpu.memory_space<vmem_shared>>) target_semaphore(%run_scoped3A : memref<!tpu.dma_semaphore, #tpu.memory_space<semaphore_mem>>)
        %dma_wait3A_80 = arith.constant 100096 : i32
        %dma_wait3A_81 = tpu.memref_slice %arg5[%dma_wait3A_80] : memref<400384xf32, #tpu.memory_space<hbm>> -> memref<100096xf32, #tpu.memory_space<hbm>>
        tpu.wait_dma2 semaphore(%run_scoped3A : memref<!tpu.dma_semaphore, #tpu.memory_space<semaphore_mem>>) src(%dma_wait3A_81 : memref<100096xf32, #tpu.memory_space<hbm>>) dst(%arg10 : memref<100096xf32, #tpu.memory_space<vmem_shared>>)
        tpu.yield
      }) : () -> ()
      "tpu.region"() ({
        %run_scoped3A = tpu.sem_alloc : memref<!tpu.dma_semaphore, #tpu.memory_space<semaphore_mem>>
        tpu.enqueue_dma source(%arg6 : memref<100096xf32, #tpu.memory_space<hbm>>) target(%arg14 : memref<100096xf32, #tpu.memory_space<vmem_shared>>) target_semaphore(%run_scoped3A : memref<!tpu.dma_semaphore, #tpu.memory_space<semaphore_mem>>)
        tpu.wait_dma2 semaphore(%run_scoped3A : memref<!tpu.dma_semaphore, #tpu.memory_space<semaphore_mem>>) src(%arg6 : memref<100096xf32, #tpu.memory_space<hbm>>) dst(%arg14 : memref<100096xf32, #tpu.memory_space<vmem_shared>>)
        tpu.yield
      }) : () -> ()
      "tpu.region"() ({
        %run_scoped3A = tpu.sem_alloc : memref<!tpu.dma_semaphore, #tpu.memory_space<semaphore_mem>>
        %dma_start3A_78 = arith.constant 200192 : i32
        %dma_start3A_79 = tpu.memref_slice %arg5[%dma_start3A_78] : memref<400384xf32, #tpu.memory_space<hbm>> -> memref<100096xf32, #tpu.memory_space<hbm>>
        tpu.enqueue_dma source(%dma_start3A_79 : memref<100096xf32, #tpu.memory_space<hbm>>) target(%arg11 : memref<100096xf32, #tpu.memory_space<vmem_shared>>) target_semaphore(%run_scoped3A : memref<!tpu.dma_semaphore, #tpu.memory_space<semaphore_mem>>)
        %dma_wait3A_80 = arith.constant 200192 : i32
        %dma_wait3A_81 = tpu.memref_slice %arg5[%dma_wait3A_80] : memref<400384xf32, #tpu.memory_space<hbm>> -> memref<100096xf32, #tpu.memory_space<hbm>>
        tpu.wait_dma2 semaphore(%run_scoped3A : memref<!tpu.dma_semaphore, #tpu.memory_space<semaphore_mem>>) src(%dma_wait3A_81 : memref<100096xf32, #tpu.memory_space<hbm>>) dst(%arg11 : memref<100096xf32, #tpu.memory_space<vmem_shared>>)
        tpu.yield
      }) : () -> ()
      "tpu.region"() ({
        %run_scoped3A = tpu.sem_alloc : memref<!tpu.dma_semaphore, #tpu.memory_space<semaphore_mem>>
        tpu.enqueue_dma source(%arg6 : memref<100096xf32, #tpu.memory_space<hbm>>) target(%arg15 : memref<100096xf32, #tpu.memory_space<vmem_shared>>) target_semaphore(%run_scoped3A : memref<!tpu.dma_semaphore, #tpu.memory_space<semaphore_mem>>)
        tpu.wait_dma2 semaphore(%run_scoped3A : memref<!tpu.dma_semaphore, #tpu.memory_space<semaphore_mem>>) src(%arg6 : memref<100096xf32, #tpu.memory_space<hbm>>) dst(%arg15 : memref<100096xf32, #tpu.memory_space<vmem_shared>>)
        tpu.yield
      }) : () -> ()
      "tpu.region"() ({
        %run_scoped3A = tpu.sem_alloc : memref<!tpu.dma_semaphore, #tpu.memory_space<semaphore_mem>>
        %dma_start3A_78 = arith.constant 300288 : i32
        %dma_start3A_79 = tpu.memref_slice %arg5[%dma_start3A_78] : memref<400384xf32, #tpu.memory_space<hbm>> -> memref<100096xf32, #tpu.memory_space<hbm>>
        tpu.enqueue_dma source(%dma_start3A_79 : memref<100096xf32, #tpu.memory_space<hbm>>) target(%arg12 : memref<100096xf32, #tpu.memory_space<vmem_shared>>) target_semaphore(%run_scoped3A : memref<!tpu.dma_semaphore, #tpu.memory_space<semaphore_mem>>)
        %dma_wait3A_80 = arith.constant 300288 : i32
        %dma_wait3A_81 = tpu.memref_slice %arg5[%dma_wait3A_80] : memref<400384xf32, #tpu.memory_space<hbm>> -> memref<100096xf32, #tpu.memory_space<hbm>>
        tpu.wait_dma2 semaphore(%run_scoped3A : memref<!tpu.dma_semaphore, #tpu.memory_space<semaphore_mem>>) src(%dma_wait3A_81 : memref<100096xf32, #tpu.memory_space<hbm>>) dst(%arg12 : memref<100096xf32, #tpu.memory_space<vmem_shared>>)
        tpu.yield
      }) : () -> ()
      "tpu.region"() ({
        %run_scoped3A = tpu.sem_alloc : memref<!tpu.dma_semaphore, #tpu.memory_space<semaphore_mem>>
        tpu.enqueue_dma source(%arg6 : memref<100096xf32, #tpu.memory_space<hbm>>) target(%arg16 : memref<100096xf32, #tpu.memory_space<vmem_shared>>) target_semaphore(%run_scoped3A : memref<!tpu.dma_semaphore, #tpu.memory_space<semaphore_mem>>)
        tpu.wait_dma2 semaphore(%run_scoped3A : memref<!tpu.dma_semaphore, #tpu.memory_space<semaphore_mem>>) src(%arg6 : memref<100096xf32, #tpu.memory_space<hbm>>) dst(%arg16 : memref<100096xf32, #tpu.memory_space<vmem_shared>>)
        tpu.yield
      }) : () -> ()
    } else {
    }
    "tpu.region"() ({
      %run_scoped3A = tpu.sem_alloc : memref<!tpu.dma_semaphore, #tpu.memory_space<semaphore_mem>>
      tpu.enqueue_dma source(%arg7 : memref<5x16xf32, #tpu.memory_space<hbm>>) target(%arg45 : memref<5x16xf32, #tpu.memory_space<vmem>>) target_semaphore(%run_scoped3A : memref<!tpu.dma_semaphore, #tpu.memory_space<semaphore_mem>>)
      tpu.wait_dma2 semaphore(%run_scoped3A : memref<!tpu.dma_semaphore, #tpu.memory_space<semaphore_mem>>) src(%arg7 : memref<5x16xf32, #tpu.memory_space<hbm>>) dst(%arg45 : memref<5x16xf32, #tpu.memory_space<vmem>>)
      tpu.yield
    }) : () -> ()
    %barrier3A = arith.constant 0 : index
    tpu.barrier barrier_id(%barrier3A)
    %get3A = arith.constant 0 : i32
    %get3A_3 = arith.index_cast %get3A : i32 to index
    %get3A_4 = arith.constant 0 : index
    %get3A_5 = tpu.vector_load %arg45[%get3A_3, %get3A_4] {strides = array<i32>} : memref<5x16xf32, #tpu.memory_space<vmem>>, vector<1x16xf32>,
    %get3A_6 = vector.shape_cast %get3A_5 : vector<1x16xf32> to vector<16xf32>
    %get3A_7 = arith.constant 1 : i32
    %get3A_8 = arith.index_cast %get3A_7 : i32 to index
    %get3A_9 = arith.constant 0 : index
    %get3A_10 = tpu.vector_load %arg45[%get3A_8, %get3A_9] {strides = array<i32>} : memref<5x16xf32, #tpu.memory_space<vmem>>, vector<1x16xf32>,
    %get3A_11 = vector.shape_cast %get3A_10 : vector<1x16xf32> to vector<16xf32>
    %get3A_12 = arith.constant 2 : i32
    %get3A_13 = arith.index_cast %get3A_12 : i32 to index
    %get3A_14 = arith.constant 0 : index
    %get3A_15 = tpu.vector_load %arg45[%get3A_13, %get3A_14] {strides = array<i32>} : memref<5x16xf32, #tpu.memory_space<vmem>>, vector<1x16xf32>,
    %get3A_16 = vector.shape_cast %get3A_15 : vector<1x16xf32> to vector<16xf32>
    %get3A_17 = arith.constant 3 : i32
    %get3A_18 = arith.index_cast %get3A_17 : i32 to index
    %get3A_19 = arith.constant 0 : index
    %get3A_20 = tpu.vector_load %arg45[%get3A_18, %get3A_19] {strides = array<i32>} : memref<5x16xf32, #tpu.memory_space<vmem>>, vector<1x16xf32>,
    %get3A_21 = vector.shape_cast %get3A_20 : vector<1x16xf32> to vector<16xf32>
    %get3A_22 = arith.constant 4 : i32
    %get3A_23 = arith.index_cast %get3A_22 : i32 to index
    %get3A_24 = arith.constant 0 : index
    %get3A_25 = tpu.vector_load %arg45[%get3A_23, %get3A_24] {strides = array<i32>} : memref<5x16xf32, #tpu.memory_space<vmem>>, vector<1x16xf32>,
    %get3A_26 = vector.shape_cast %get3A_25 : vector<1x16xf32> to vector<16xf32>
    %mul3A_27 = arith.constant 1562 : i32
    %mul3A_28 = arith.muli %add3A, %mul3A_27 : i32
    %mul3A_29 = arith.constant 128 : i32
    %mul3A_30 = arith.muli %mul3A_28, %mul3A_29 : i32
    %multiple_of3A = tpu.assume_multiple %mul3A_30, 128 : i32
    %add3A_31 = arith.constant 6400000 : i32
    %add3A_32 = arith.addi %multiple_of3A, %add3A_31 : i32
    %add3A_33 = arith.constant 6400000 : i32
    %add3A_34 = arith.addi %multiple_of3A, %add3A_33 : i32
    %add3A_35 = arith.constant 12800000 : i32
    %add3A_36 = arith.addi %multiple_of3A, %add3A_35 : i32
    %dma_start3A = tpu.memref_slice %arg2[%multiple_of3A] : memref<12800000xi32, #tpu.memory_space<hbm>> -> memref<128xi32, #tpu.memory_space<hbm>>
    %dma_start3A_37 = tpu.memref_slice %arg2[%multiple_of3A] : memref<12800000xi32, #tpu.memory_space<hbm>> -> memref<128xi32, #tpu.memory_space<hbm>>
    tpu.enqueue_dma source(%dma_start3A_37 : memref<128xi32, #tpu.memory_space<hbm>>) target(%arg17 : memref<128xi32, #tpu.memory_space<vmem>>) target_semaphore(%arg46 : memref<!tpu.dma_semaphore, #tpu.memory_space<semaphore_mem>>)
    %dma_start3A_38 = tpu.memref_slice %arg2[%add3A_32] : memref<12800000xi32, #tpu.memory_space<hbm>> -> memref<128xi32, #tpu.memory_space<hbm>>
    %dma_start3A_39 = tpu.memref_slice %arg2[%add3A_32] : memref<12800000xi32, #tpu.memory_space<hbm>> -> memref<128xi32, #tpu.memory_space<hbm>>
    tpu.enqueue_dma source(%dma_start3A_39 : memref<128xi32, #tpu.memory_space<hbm>>) target(%arg18 : memref<128xi32, #tpu.memory_space<vmem>>) target_semaphore(%arg46 : memref<!tpu.dma_semaphore, #tpu.memory_space<semaphore_mem>>)
    %dma_start3A_40 = tpu.memref_slice %arg3[%multiple_of3A] : memref<6400000xf32, #tpu.memory_space<hbm>> -> memref<128xf32, #tpu.memory_space<hbm>>
    %dma_start3A_41 = tpu.memref_slice %arg3[%multiple_of3A] : memref<6400000xf32, #tpu.memory_space<hbm>> -> memref<128xf32, #tpu.memory_space<hbm>>
    tpu.enqueue_dma source(%dma_start3A_41 : memref<128xf32, #tpu.memory_space<hbm>>) target(%arg19 : memref<128xf32, #tpu.memory_space<vmem>>) target_semaphore(%arg46 : memref<!tpu.dma_semaphore, #tpu.memory_space<semaphore_mem>>)
    %dma_start3A_42 = tpu.memref_slice %arg4[%multiple_of3A] : memref<19200000xf32, #tpu.memory_space<hbm>> -> memref<128xf32, #tpu.memory_space<hbm>>
    %dma_start3A_43 = tpu.memref_slice %arg4[%multiple_of3A] : memref<19200000xf32, #tpu.memory_space<hbm>> -> memref<128xf32, #tpu.memory_space<hbm>>
    tpu.enqueue_dma source(%dma_start3A_43 : memref<128xf32, #tpu.memory_space<hbm>>) target(%arg20 : memref<128xf32, #tpu.memory_space<vmem>>) target_semaphore(%arg46 : memref<!tpu.dma_semaphore, #tpu.memory_space<semaphore_mem>>)
    %dma_start3A_44 = tpu.memref_slice %arg4[%add3A_34] : memref<19200000xf32, #tpu.memory_space<hbm>> -> memref<128xf32, #tpu.memory_space<hbm>>
    %dma_start3A_45 = tpu.memref_slice %arg4[%add3A_34] : memref<19200000xf32, #tpu.memory_space<hbm>> -> memref<128xf32, #tpu.memory_space<hbm>>
    tpu.enqueue_dma source(%dma_start3A_45 : memref<128xf32, #tpu.memory_space<hbm>>) target(%arg21 : memref<128xf32, #tpu.memory_space<vmem>>) target_semaphore(%arg46 : memref<!tpu.dma_semaphore, #tpu.memory_space<semaphore_mem>>)
    %dma_start3A_46 = tpu.memref_slice %arg4[%add3A_36] : memref<19200000xf32, #tpu.memory_space<hbm>> -> memref<128xf32, #tpu.memory_space<hbm>>
    %dma_start3A_47 = tpu.memref_slice %arg4[%add3A_36] : memref<19200000xf32, #tpu.memory_space<hbm>> -> memref<128xf32, #tpu.memory_space<hbm>>
    tpu.enqueue_dma source(%dma_start3A_47 : memref<128xf32, #tpu.memory_space<hbm>>) target(%arg22 : memref<128xf32, #tpu.memory_space<vmem>>) target_semaphore(%arg46 : memref<!tpu.dma_semaphore, #tpu.memory_space<semaphore_mem>>)
    %scan3A = arith.constant 0 : i32
    %scan3A_48 = arith.constant 0 : i32
    %scan3A_49 = arith.constant 781 : i32
    %scan3A_50 = arith.addi %scan3A_48, %scan3A_49 : i32
    %scan3A_51 = arith.constant 1 : i32
    scf.for %scan3A_78 = %scan3A_48 to %scan3A_50 step %scan3A_51  : i32 {
      %mul3A_79 = arith.constant 2 : i32
      %mul3A_80 = arith.muli %mul3A_79, %scan3A_78 : i32
      %add3A_81 = arith.addi %mul3A_28, %mul3A_80 : i32
      %mul3A_82 = arith.constant 128 : i32
      %mul3A_83 = arith.muli %add3A_81, %mul3A_82 : i32
      %multiple_of3A_84 = tpu.assume_multiple %mul3A_83, 128 : i32
      %add3A_85 = arith.constant 6400000 : i32
      %add3A_86 = arith.addi %multiple_of3A_84, %add3A_85 : i32
      %add3A_87 = arith.constant 6400000 : i32
      %add3A_88 = arith.addi %multiple_of3A_84, %add3A_87 : i32
      %add3A_89 = arith.constant 12800000 : i32
      %add3A_90 = arith.addi %multiple_of3A_84, %add3A_89 : i32
      %dma_wait3A_91 = tpu.memref_slice %arg2[%multiple_of3A_84] : memref<12800000xi32, #tpu.memory_space<hbm>> -> memref<128xi32, #tpu.memory_space<hbm>>
      %dma_wait3A_92 = tpu.memref_slice %arg2[%multiple_of3A_84] : memref<12800000xi32, #tpu.memory_space<hbm>> -> memref<128xi32, #tpu.memory_space<hbm>>
      tpu.wait_dma2 semaphore(%arg46 : memref<!tpu.dma_semaphore, #tpu.memory_space<semaphore_mem>>) src(%dma_wait3A_92 : memref<128xi32, #tpu.memory_space<hbm>>) dst(%arg17 : memref<128xi32, #tpu.memory_space<vmem>>)
      %dma_wait3A_93 = tpu.memref_slice %arg2[%add3A_86] : memref<12800000xi32, #tpu.memory_space<hbm>> -> memref<128xi32, #tpu.memory_space<hbm>>
      %dma_wait3A_94 = tpu.memref_slice %arg2[%add3A_86] : memref<12800000xi32, #tpu.memory_space<hbm>> -> memref<128xi32, #tpu.memory_space<hbm>>
      tpu.wait_dma2 semaphore(%arg46 : memref<!tpu.dma_semaphore, #tpu.memory_space<semaphore_mem>>) src(%dma_wait3A_94 : memref<128xi32, #tpu.memory_space<hbm>>) dst(%arg18 : memref<128xi32, #tpu.memory_space<vmem>>)
      %dma_wait3A_95 = tpu.memref_slice %arg3[%multiple_of3A_84] : memref<6400000xf32, #tpu.memory_space<hbm>> -> memref<128xf32, #tpu.memory_space<hbm>>
      %dma_wait3A_96 = tpu.memref_slice %arg3[%multiple_of3A_84] : memref<6400000xf32, #tpu.memory_space<hbm>> -> memref<128xf32, #tpu.memory_space<hbm>>
      tpu.wait_dma2 semaphore(%arg46 : memref<!tpu.dma_semaphore, #tpu.memory_space<semaphore_mem>>) src(%dma_wait3A_96 : memref<128xf32, #tpu.memory_space<hbm>>) dst(%arg19 : memref<128xf32, #tpu.memory_space<vmem>>)
      %dma_wait3A_97 = tpu.memref_slice %arg4[%multiple_of3A_84] : memref<19200000xf32, #tpu.memory_space<hbm>> -> memref<128xf32, #tpu.memory_space<hbm>>
      %dma_wait3A_98 = tpu.memref_slice %arg4[%multiple_of3A_84] : memref<19200000xf32, #tpu.memory_space<hbm>> -> memref<128xf32, #tpu.memory_space<hbm>>
      tpu.wait_dma2 semaphore(%arg46 : memref<!tpu.dma_semaphore, #tpu.memory_space<semaphore_mem>>) src(%dma_wait3A_98 : memref<128xf32, #tpu.memory_space<hbm>>) dst(%arg20 : memref<128xf32, #tpu.memory_space<vmem>>)
      %dma_wait3A_99 = tpu.memref_slice %arg4[%add3A_88] : memref<19200000xf32, #tpu.memory_space<hbm>> -> memref<128xf32, #tpu.memory_space<hbm>>
      %dma_wait3A_100 = tpu.memref_slice %arg4[%add3A_88] : memref<19200000xf32, #tpu.memory_space<hbm>> -> memref<128xf32, #tpu.memory_space<hbm>>
      tpu.wait_dma2 semaphore(%arg46 : memref<!tpu.dma_semaphore, #tpu.memory_space<semaphore_mem>>) src(%dma_wait3A_100 : memref<128xf32, #tpu.memory_space<hbm>>) dst(%arg21 : memref<128xf32, #tpu.memory_space<vmem>>)
      %dma_wait3A_101 = tpu.memref_slice %arg4[%add3A_90] : memref<19200000xf32, #tpu.memory_space<hbm>> -> memref<128xf32, #tpu.memory_space<hbm>>
      %dma_wait3A_102 = tpu.memref_slice %arg4[%add3A_90] : memref<19200000xf32, #tpu.memory_space<hbm>> -> memref<128xf32, #tpu.memory_space<hbm>>
      tpu.wait_dma2 semaphore(%arg46 : memref<!tpu.dma_semaphore, #tpu.memory_space<semaphore_mem>>) src(%dma_wait3A_102 : memref<128xf32, #tpu.memory_space<hbm>>) dst(%arg22 : memref<128xf32, #tpu.memory_space<vmem>>)
      %dma_start3A_103 = arith.constant 0 : i32
      %dma_start3A_104 = tpu.memref_slice %arg9[%dma_start3A_103] : memref<100096xf32, #tpu.memory_space<vmem_shared>> -> memref<100096xf32, #tpu.memory_space<vmem_shared>>
      tpu.enqueue_indirect_dma source(%dma_start3A_104 : memref<100096xf32, #tpu.memory_space<vmem_shared>>) target(%arg23 : memref<128xf32, #tpu.memory_space<vmem>>) offsets(%arg17 : memref<128xi32, #tpu.memory_space<vmem>>) semaphore(%arg48 : memref<!tpu.dma_semaphore, #tpu.memory_space<semaphore_mem>>)
      %dma_start3A_105 = arith.constant 0 : i32
      %dma_start3A_106 = tpu.memref_slice %arg10[%dma_start3A_105] : memref<100096xf32, #tpu.memory_space<vmem_shared>> -> memref<100096xf32, #tpu.memory_space<vmem_shared>>
      tpu.enqueue_indirect_dma source(%dma_start3A_106 : memref<100096xf32, #tpu.memory_space<vmem_shared>>) target(%arg24 : memref<128xf32, #tpu.memory_space<vmem>>) offsets(%arg17 : memref<128xi32, #tpu.memory_space<vmem>>) semaphore(%arg48 : memref<!tpu.dma_semaphore, #tpu.memory_space<semaphore_mem>>)
      %dma_start3A_107 = arith.constant 0 : i32
      %dma_start3A_108 = tpu.memref_slice %arg11[%dma_start3A_107] : memref<100096xf32, #tpu.memory_space<vmem_shared>> -> memref<100096xf32, #tpu.memory_space<vmem_shared>>
      tpu.enqueue_indirect_dma source(%dma_start3A_108 : memref<100096xf32, #tpu.memory_space<vmem_shared>>) target(%arg25 : memref<128xf32, #tpu.memory_space<vmem>>) offsets(%arg17 : memref<128xi32, #tpu.memory_space<vmem>>) semaphore(%arg48 : memref<!tpu.dma_semaphore, #tpu.memory_space<semaphore_mem>>)
      %dma_start3A_109 = arith.constant 0 : i32
      %dma_start3A_110 = tpu.memref_slice %arg12[%dma_start3A_109] : memref<100096xf32, #tpu.memory_space<vmem_shared>> -> memref<100096xf32, #tpu.memory_space<vmem_shared>>
      tpu.enqueue_indirect_dma source(%dma_start3A_110 : memref<100096xf32, #tpu.memory_space<vmem_shared>>) target(%arg26 : memref<128xf32, #tpu.memory_space<vmem>>) offsets(%arg17 : memref<128xi32, #tpu.memory_space<vmem>>) semaphore(%arg48 : memref<!tpu.dma_semaphore, #tpu.memory_space<semaphore_mem>>)
      %gt3A = arith.constant 0 : i32
      %gt3A_111 = arith.cmpi sgt, %scan3A_78, %gt3A : i32
      %convert_element_type3A_112 = arith.extui %gt3A_111 : i1 to i32
      %cond3A_113 = arith.constant 0 : i32
      %cond3A_114 = arith.cmpi ne, %convert_element_type3A_112, %cond3A_113 : i32
      scf.if %cond3A_114 {
        %dma_wait3A_1468 = arith.constant 0 : i32
        %dma_wait3A_1469 = tpu.memref_slice %arg13[%dma_wait3A_1468] : memref<100096xf32, #tpu.memory_space<vmem_shared>> -> memref<100096xf32, #tpu.memory_space<vmem_shared>>
        tpu.wait_indirect_dma semaphore(%arg51 : memref<!tpu.dma_semaphore, #tpu.memory_space<semaphore_mem>>) src(%arg41 : memref<128xf32, #tpu.memory_space<vmem>>) dst(%dma_wait3A_1469 : memref<100096xf32, #tpu.memory_space<vmem_shared>>)
        %dma_wait3A_1470 = arith.constant 0 : i32
        %dma_wait3A_1471 = tpu.memref_slice %arg14[%dma_wait3A_1470] : memref<100096xf32, #tpu.memory_space<vmem_shared>> -> memref<100096xf32, #tpu.memory_space<vmem_shared>>
        tpu.wait_indirect_dma semaphore(%arg51 : memref<!tpu.dma_semaphore, #tpu.memory_space<semaphore_mem>>) src(%arg42 : memref<128xf32, #tpu.memory_space<vmem>>) dst(%dma_wait3A_1471 : memref<100096xf32, #tpu.memory_space<vmem_shared>>)
        %dma_wait3A_1472 = arith.constant 0 : i32
        %dma_wait3A_1473 = tpu.memref_slice %arg15[%dma_wait3A_1472] : memref<100096xf32, #tpu.memory_space<vmem_shared>> -> memref<100096xf32, #tpu.memory_space<vmem_shared>>
        tpu.wait_indirect_dma semaphore(%arg51 : memref<!tpu.dma_semaphore, #tpu.memory_space<semaphore_mem>>) src(%arg43 : memref<128xf32, #tpu.memory_space<vmem>>) dst(%dma_wait3A_1473 : memref<100096xf32, #tpu.memory_space<vmem_shared>>)
        %dma_wait3A_1474 = arith.constant 0 : i32
        %dma_wait3A_1475 = tpu.memref_slice %arg16[%dma_wait3A_1474] : memref<100096xf32, #tpu.memory_space<vmem_shared>> -> memref<100096xf32, #tpu.memory_space<vmem_shared>>
        tpu.wait_indirect_dma semaphore(%arg51 : memref<!tpu.dma_semaphore, #tpu.memory_space<semaphore_mem>>) src(%arg44 : memref<128xf32, #tpu.memory_space<vmem>>) dst(%dma_wait3A_1475 : memref<100096xf32, #tpu.memory_space<vmem_shared>>)
      } else {
      }
      %add3A_115 = arith.constant 1 : i32
      %add3A_116 = arith.addi %add3A_81, %add3A_115 : i32
      %mul3A_117 = arith.constant 128 : i32
      %mul3A_118 = arith.muli %add3A_116, %mul3A_117 : i32
      %multiple_of3A_119 = tpu.assume_multiple %mul3A_118, 128 : i32
      %add3A_120 = arith.constant 6400000 : i32
      %add3A_121 = arith.addi %multiple_of3A_119, %add3A_120 : i32
      %add3A_122 = arith.constant 6400000 : i32
      %add3A_123 = arith.addi %multiple_of3A_119, %add3A_122 : i32
      %add3A_124 = arith.constant 12800000 : i32
      %add3A_125 = arith.addi %multiple_of3A_119, %add3A_124 : i32
      %dma_start3A_126 = tpu.memref_slice %arg2[%multiple_of3A_119] : memref<12800000xi32, #tpu.memory_space<hbm>> -> memref<128xi32, #tpu.memory_space<hbm>>
      %dma_start3A_127 = tpu.memref_slice %arg2[%multiple_of3A_119] : memref<12800000xi32, #tpu.memory_space<hbm>> -> memref<128xi32, #tpu.memory_space<hbm>>
      tpu.enqueue_dma source(%dma_start3A_127 : memref<128xi32, #tpu.memory_space<hbm>>) target(%arg31 : memref<128xi32, #tpu.memory_space<vmem>>) target_semaphore(%arg47 : memref<!tpu.dma_semaphore, #tpu.memory_space<semaphore_mem>>)
      %dma_start3A_128 = tpu.memref_slice %arg2[%add3A_121] : memref<12800000xi32, #tpu.memory_space<hbm>> -> memref<128xi32, #tpu.memory_space<hbm>>
      %dma_start3A_129 = tpu.memref_slice %arg2[%add3A_121] : memref<12800000xi32, #tpu.memory_space<hbm>> -> memref<128xi32, #tpu.memory_space<hbm>>
      tpu.enqueue_dma source(%dma_start3A_129 : memref<128xi32, #tpu.memory_space<hbm>>) target(%arg32 : memref<128xi32, #tpu.memory_space<vmem>>) target_semaphore(%arg47 : memref<!tpu.dma_semaphore, #tpu.memory_space<semaphore_mem>>)
      %dma_start3A_130 = tpu.memref_slice %arg3[%multiple_of3A_119] : memref<6400000xf32, #tpu.memory_space<hbm>> -> memref<128xf32, #tpu.memory_space<hbm>>
      %dma_start3A_131 = tpu.memref_slice %arg3[%multiple_of3A_119] : memref<6400000xf32, #tpu.memory_space<hbm>> -> memref<128xf32, #tpu.memory_space<hbm>>
      tpu.enqueue_dma source(%dma_start3A_131 : memref<128xf32, #tpu.memory_space<hbm>>) target(%arg33 : memref<128xf32, #tpu.memory_space<vmem>>) target_semaphore(%arg47 : memref<!tpu.dma_semaphore, #tpu.memory_space<semaphore_mem>>)
      %dma_start3A_132 = tpu.memref_slice %arg4[%multiple_of3A_119] : memref<19200000xf32, #tpu.memory_space<hbm>> -> memref<128xf32, #tpu.memory_space<hbm>>
      %dma_start3A_133 = tpu.memref_slice %arg4[%multiple_of3A_119] : memref<19200000xf32, #tpu.memory_space<hbm>> -> memref<128xf32, #tpu.memory_space<hbm>>
      tpu.enqueue_dma source(%dma_start3A_133 : memref<128xf32, #tpu.memory_space<hbm>>) target(%arg34 : memref<128xf32, #tpu.memory_space<vmem>>) target_semaphore(%arg47 : memref<!tpu.dma_semaphore, #tpu.memory_space<semaphore_mem>>)
      %dma_start3A_134 = tpu.memref_slice %arg4[%add3A_123] : memref<19200000xf32, #tpu.memory_space<hbm>> -> memref<128xf32, #tpu.memory_space<hbm>>
      %dma_start3A_135 = tpu.memref_slice %arg4[%add3A_123] : memref<19200000xf32, #tpu.memory_space<hbm>> -> memref<128xf32, #tpu.memory_space<hbm>>
      tpu.enqueue_dma source(%dma_start3A_135 : memref<128xf32, #tpu.memory_space<hbm>>) target(%arg35 : memref<128xf32, #tpu.memory_space<vmem>>) target_semaphore(%arg47 : memref<!tpu.dma_semaphore, #tpu.memory_space<semaphore_mem>>)
      %dma_start3A_136 = tpu.memref_slice %arg4[%add3A_125] : memref<19200000xf32, #tpu.memory_space<hbm>> -> memref<128xf32, #tpu.memory_space<hbm>>
      %dma_start3A_137 = tpu.memref_slice %arg4[%add3A_125] : memref<19200000xf32, #tpu.memory_space<hbm>> -> memref<128xf32, #tpu.memory_space<hbm>>
      tpu.enqueue_dma source(%dma_start3A_137 : memref<128xf32, #tpu.memory_space<hbm>>) target(%arg36 : memref<128xf32, #tpu.memory_space<vmem>>) target_semaphore(%arg47 : memref<!tpu.dma_semaphore, #tpu.memory_space<semaphore_mem>>)
      %dma_wait3A_138 = arith.constant 0 : i32
      %dma_wait3A_139 = tpu.memref_slice %arg9[%dma_wait3A_138] : memref<100096xf32, #tpu.memory_space<vmem_shared>> -> memref<100096xf32, #tpu.memory_space<vmem_shared>>
      tpu.wait_indirect_dma semaphore(%arg48 : memref<!tpu.dma_semaphore, #tpu.memory_space<semaphore_mem>>) src(%dma_wait3A_139 : memref<100096xf32, #tpu.memory_space<vmem_shared>>) dst(%arg23 : memref<128xf32, #tpu.memory_space<vmem>>)
      %dma_wait3A_140 = arith.constant 0 : i32
      %dma_wait3A_141 = tpu.memref_slice %arg10[%dma_wait3A_140] : memref<100096xf32, #tpu.memory_space<vmem_shared>> -> memref<100096xf32, #tpu.memory_space<vmem_shared>>
      tpu.wait_indirect_dma semaphore(%arg48 : memref<!tpu.dma_semaphore, #tpu.memory_space<semaphore_mem>>) src(%dma_wait3A_141 : memref<100096xf32, #tpu.memory_space<vmem_shared>>) dst(%arg24 : memref<128xf32, #tpu.memory_space<vmem>>)
      %dma_wait3A_142 = arith.constant 0 : i32
      %dma_wait3A_143 = tpu.memref_slice %arg11[%dma_wait3A_142] : memref<100096xf32, #tpu.memory_space<vmem_shared>> -> memref<100096xf32, #tpu.memory_space<vmem_shared>>
      tpu.wait_indirect_dma semaphore(%arg48 : memref<!tpu.dma_semaphore, #tpu.memory_space<semaphore_mem>>) src(%dma_wait3A_143 : memref<100096xf32, #tpu.memory_space<vmem_shared>>) dst(%arg25 : memref<128xf32, #tpu.memory_space<vmem>>)
      %dma_wait3A_144 = arith.constant 0 : i32
      %dma_wait3A_145 = tpu.memref_slice %arg12[%dma_wait3A_144] : memref<100096xf32, #tpu.memory_space<vmem_shared>> -> memref<100096xf32, #tpu.memory_space<vmem_shared>>
      tpu.wait_indirect_dma semaphore(%arg48 : memref<!tpu.dma_semaphore, #tpu.memory_space<semaphore_mem>>) src(%dma_wait3A_145 : memref<100096xf32, #tpu.memory_space<vmem_shared>>) dst(%arg26 : memref<128xf32, #tpu.memory_space<vmem>>)
      %get3A_146 = arith.constant 0 : index
      %get3A_147 = tpu.vector_load %arg23[%get3A_146] {strides = array<i32>} : memref<128xf32, #tpu.memory_space<vmem>>, vector<16xf32>,
      %get3A_148 = vector.shape_cast %get3A_147 : vector<16xf32> to vector<16xf32>
      %get3A_149 = arith.constant 0 : index
      %get3A_150 = tpu.vector_load %arg24[%get3A_149] {strides = array<i32>} : memref<128xf32, #tpu.memory_space<vmem>>, vector<16xf32>,
      %get3A_151 = vector.shape_cast %get3A_150 : vector<16xf32> to vector<16xf32>
      %get3A_152 = arith.constant 0 : index
      %get3A_153 = tpu.vector_load %arg25[%get3A_152] {strides = array<i32>} : memref<128xf32, #tpu.memory_space<vmem>>, vector<16xf32>,
      %get3A_154 = vector.shape_cast %get3A_153 : vector<16xf32> to vector<16xf32>
      %get3A_155 = arith.constant 0 : index
      %get3A_156 = tpu.vector_load %arg26[%get3A_155] {strides = array<i32>} : memref<128xf32, #tpu.memory_space<vmem>>, vector<16xf32>,
      %get3A_157 = vector.shape_cast %get3A_156 : vector<16xf32> to vector<16xf32>
      %get3A_158 = arith.constant 0 : index
      %get3A_159 = tpu.vector_load %arg20[%get3A_158] {strides = array<i32>} : memref<128xf32, #tpu.memory_space<vmem>>, vector<16xf32>,
      %get3A_160 = vector.shape_cast %get3A_159 : vector<16xf32> to vector<16xf32>
      %get3A_161 = arith.constant 0 : index
      %get3A_162 = tpu.vector_load %arg21[%get3A_161] {strides = array<i32>} : memref<128xf32, #tpu.memory_space<vmem>>, vector<16xf32>,
      %get3A_163 = vector.shape_cast %get3A_162 : vector<16xf32> to vector<16xf32>
      %get3A_164 = arith.constant 0 : index
      %get3A_165 = tpu.vector_load %arg22[%get3A_164] {strides = array<i32>} : memref<128xf32, #tpu.memory_space<vmem>>, vector<16xf32>,
      %get3A_166 = vector.shape_cast %get3A_165 : vector<16xf32> to vector<16xf32>
      %get3A_167 = arith.constant 0 : index
      %get3A_168 = tpu.vector_load %arg19[%get3A_167] {strides = array<i32>} : memref<128xf32, #tpu.memory_space<vmem>>, vector<16xf32>,
      %get3A_169 = vector.shape_cast %get3A_168 : vector<16xf32> to vector<16xf32>
      %mul3A_170 = arith.mulf %get3A_160, %get3A_151 : vector<16xf32>
      %mul3A_171 = arith.mulf %get3A_163, %get3A_154 : vector<16xf32>
      %add3A_172 = arith.addf %mul3A_170, %mul3A_171 : vector<16xf32>
      %mul3A_173 = arith.mulf %get3A_166, %get3A_157 : vector<16xf32>
      %add3A_174 = arith.addf %add3A_172, %mul3A_173 : vector<16xf32>
      %mul3A_175 = arith.mulf %get3A_169, %get3A_148 : vector<16xf32>
      %mul3A_176 = arith.mulf %get3A_6, %mul3A_175 : vector<16xf32>
      %mul3A_177 = arith.mulf %get3A_21, %add3A_174 : vector<16xf32>
      %add3A_178 = arith.addf %mul3A_176, %mul3A_177 : vector<16xf32>
      %swap3A = arith.constant 0 : index
      %swap3A_179 = tpu.vector_load %arg27[%swap3A] {strides = array<i32>} : memref<128xf32, #tpu.memory_space<vmem>>, vector<16xf32>,
      %swap3A_180 = vector.shape_cast %swap3A_179 : vector<16xf32> to vector<16xf32>
      %swap3A_181 = vector.shape_cast %add3A_178 : vector<16xf32> to vector<16xf32>
      tpu.vector_store %arg27[%swap3A], %swap3A_181 {strides = array<i32>} : memref<128xf32, #tpu.memory_space<vmem>>, vector<16xf32>,
      %mul3A_182 = arith.mulf %get3A_169, %get3A_151 : vector<16xf32>
      %mul3A_183 = arith.mulf %get3A_11, %mul3A_182 : vector<16xf32>
      %mul3A_184 = arith.mulf %get3A_148, %get3A_160 : vector<16xf32>
      %mul3A_185 = arith.mulf %get3A_16, %mul3A_184 : vector<16xf32>
      %add3A_186 = arith.addf %mul3A_183, %mul3A_185 : vector<16xf32>
      %mul3A_187 = arith.mulf %get3A_163, %get3A_157 : vector<16xf32>
      %mul3A_188 = arith.mulf %get3A_166, %get3A_154 : vector<16xf32>
      %sub3A = arith.subf %mul3A_187, %mul3A_188 : vector<16xf32>
      %mul3A_189 = arith.mulf %get3A_26, %sub3A : vector<16xf32>
      %add3A_190 = arith.addf %add3A_186, %mul3A_189 : vector<16xf32>
      %swap3A_191 = arith.constant 0 : index
      %swap3A_192 = tpu.vector_load %arg28[%swap3A_191] {strides = array<i32>} : memref<128xf32, #tpu.memory_space<vmem>>, vector<16xf32>,
      %swap3A_193 = vector.shape_cast %swap3A_192 : vector<16xf32> to vector<16xf32>
      %swap3A_194 = vector.shape_cast %add3A_190 : vector<16xf32> to vector<16xf32>
      tpu.vector_store %arg28[%swap3A_191], %swap3A_194 {strides = array<i32>} : memref<128xf32, #tpu.memory_space<vmem>>, vector<16xf32>,
      %mul3A_195 = arith.mulf %get3A_169, %get3A_154 : vector<16xf32>
      %mul3A_196 = arith.mulf %get3A_11, %mul3A_195 : vector<16xf32>
      %mul3A_197 = arith.mulf %get3A_148, %get3A_163 : vector<16xf32>
      %mul3A_198 = arith.mulf %get3A_16, %mul3A_197 : vector<16xf32>
      %add3A_199 = arith.addf %mul3A_196, %mul3A_198 : vector<16xf32>
      %mul3A_200 = arith.mulf %get3A_166, %get3A_151 : vector<16xf32>
      %mul3A_201 = arith.mulf %get3A_160, %get3A_157 : vector<16xf32>
      %sub3A_202 = arith.subf %mul3A_200, %mul3A_201 : vector<16xf32>
      %mul3A_203 = arith.mulf %get3A_26, %sub3A_202 : vector<16xf32>
      %add3A_204 = arith.addf %add3A_199, %mul3A_203 : vector<16xf32>
      %swap3A_205 = arith.constant 0 : index
      %swap3A_206 = tpu.vector_load %arg29[%swap3A_205] {strides = array<i32>} : memref<128xf32, #tpu.memory_space<vmem>>, vector<16xf32>,
      %swap3A_207 = vector.shape_cast %swap3A_206 : vector<16xf32> to vector<16xf32>
      %swap3A_208 = vector.shape_cast %add3A_204 : vector<16xf32> to vector<16xf32>
      tpu.vector_store %arg29[%swap3A_205], %swap3A_208 {strides = array<i32>} : memref<128xf32, #tpu.memory_space<vmem>>, vector<16xf32>,
      %mul3A_209 = arith.mulf %get3A_169, %get3A_157 : vector<16xf32>
      %mul3A_210 = arith.mulf %get3A_11, %mul3A_209 : vector<16xf32>
      %mul3A_211 = arith.mulf %get3A_148, %get3A_166 : vector<16xf32>
      %mul3A_212 = arith.mulf %get3A_16, %mul3A_211 : vector<16xf32>
      %add3A_213 = arith.addf %mul3A_210, %mul3A_212 : vector<16xf32>
      %mul3A_214 = arith.mulf %get3A_160, %get3A_154 : vector<16xf32>
      %mul3A_215 = arith.mulf %get3A_163, %get3A_151 : vector<16xf32>
      %sub3A_216 = arith.subf %mul3A_214, %mul3A_215 : vector<16xf32>
      %mul3A_217 = arith.mulf %get3A_26, %sub3A_216 : vector<16xf32>
      %add3A_218 = arith.addf %add3A_213, %mul3A_217 : vector<16xf32>
      %swap3A_219 = arith.constant 0 : index
      %swap3A_220 = tpu.vector_load %arg30[%swap3A_219] {strides = array<i32>} : memref<128xf32, #tpu.memory_space<vmem>>, vector<16xf32>,
      %swap3A_221 = vector.shape_cast %swap3A_220 : vector<16xf32> to vector<16xf32>
      %swap3A_222 = vector.shape_cast %add3A_218 : vector<16xf32> to vector<16xf32>
      tpu.vector_store %arg30[%swap3A_219], %swap3A_222 {strides = array<i32>} : memref<128xf32, #tpu.memory_space<vmem>>, vector<16xf32>,
      %get3A_223 = arith.constant 16 : index
      %get3A_224 = tpu.vector_load %arg23[%get3A_223] {strides = array<i32>} : memref<128xf32, #tpu.memory_space<vmem>>, vector<16xf32>,
      %get3A_225 = vector.shape_cast %get3A_224 : vector<16xf32> to vector<16xf32>
      %get3A_226 = arith.constant 16 : index
      %get3A_227 = tpu.vector_load %arg24[%get3A_226] {strides = array<i32>} : memref<128xf32, #tpu.memory_space<vmem>>, vector<16xf32>,
      %get3A_228 = vector.shape_cast %get3A_227 : vector<16xf32> to vector<16xf32>
      %get3A_229 = arith.constant 16 : index
      %get3A_230 = tpu.vector_load %arg25[%get3A_229] {strides = array<i32>} : memref<128xf32, #tpu.memory_space<vmem>>, vector<16xf32>,
      %get3A_231 = vector.shape_cast %get3A_230 : vector<16xf32> to vector<16xf32>
      %get3A_232 = arith.constant 16 : index
      %get3A_233 = tpu.vector_load %arg26[%get3A_232] {strides = array<i32>} : memref<128xf32, #tpu.memory_space<vmem>>, vector<16xf32>,
      %get3A_234 = vector.shape_cast %get3A_233 : vector<16xf32> to vector<16xf32>
      %get3A_235 = arith.constant 16 : index
      %get3A_236 = tpu.vector_load %arg20[%get3A_235] {strides = array<i32>} : memref<128xf32, #tpu.memory_space<vmem>>, vector<16xf32>,
      %get3A_237 = vector.shape_cast %get3A_236 : vector<16xf32> to vector<16xf32>
      %get3A_238 = arith.constant 16 : index
      %get3A_239 = tpu.vector_load %arg21[%get3A_238] {strides = array<i32>} : memref<128xf32, #tpu.memory_space<vmem>>, vector<16xf32>,
      %get3A_240 = vector.shape_cast %get3A_239 : vector<16xf32> to vector<16xf32>
      %get3A_241 = arith.constant 16 : index
      %get3A_242 = tpu.vector_load %arg22[%get3A_241] {strides = array<i32>} : memref<128xf32, #tpu.memory_space<vmem>>, vector<16xf32>,
      %get3A_243 = vector.shape_cast %get3A_242 : vector<16xf32> to vector<16xf32>
      %get3A_244 = arith.constant 16 : index
      %get3A_245 = tpu.vector_load %arg19[%get3A_244] {strides = array<i32>} : memref<128xf32, #tpu.memory_space<vmem>>, vector<16xf32>,
      %get3A_246 = vector.shape_cast %get3A_245 : vector<16xf32> to vector<16xf32>
      %mul3A_247 = arith.mulf %get3A_237, %get3A_228 : vector<16xf32>
      %mul3A_248 = arith.mulf %get3A_240, %get3A_231 : vector<16xf32>
      %add3A_249 = arith.addf %mul3A_247, %mul3A_248 : vector<16xf32>
      %mul3A_250 = arith.mulf %get3A_243, %get3A_234 : vector<16xf32>
      %add3A_251 = arith.addf %add3A_249, %mul3A_250 : vector<16xf32>
      %mul3A_252 = arith.mulf %get3A_246, %get3A_225 : vector<16xf32>
      %mul3A_253 = arith.mulf %get3A_6, %mul3A_252 : vector<16xf32>
      %mul3A_254 = arith.mulf %get3A_21, %add3A_251 : vector<16xf32>
      %add3A_255 = arith.addf %mul3A_253, %mul3A_254 : vector<16xf32>
      %swap3A_256 = arith.constant 16 : index
      %swap3A_257 = tpu.vector_load %arg27[%swap3A_256] {strides = array<i32>} : memref<128xf32, #tpu.memory_space<vmem>>, vector<16xf32>,
      %swap3A_258 = vector.shape_cast %swap3A_257 : vector<16xf32> to vector<16xf32>
      %swap3A_259 = vector.shape_cast %add3A_255 : vector<16xf32> to vector<16xf32>
      tpu.vector_store %arg27[%swap3A_256], %swap3A_259 {strides = array<i32>} : memref<128xf32, #tpu.memory_space<vmem>>, vector<16xf32>,
      %mul3A_260 = arith.mulf %get3A_246, %get3A_228 : vector<16xf32>
      %mul3A_261 = arith.mulf %get3A_11, %mul3A_260 : vector<16xf32>
      %mul3A_262 = arith.mulf %get3A_225, %get3A_237 : vector<16xf32>
      %mul3A_263 = arith.mulf %get3A_16, %mul3A_262 : vector<16xf32>
      %add3A_264 = arith.addf %mul3A_261, %mul3A_263 : vector<16xf32>
      %mul3A_265 = arith.mulf %get3A_240, %get3A_234 : vector<16xf32>
      %mul3A_266 = arith.mulf %get3A_243, %get3A_231 : vector<16xf32>
      %sub3A_267 = arith.subf %mul3A_265, %mul3A_266 : vector<16xf32>
      %mul3A_268 = arith.mulf %get3A_26, %sub3A_267 : vector<16xf32>
      %add3A_269 = arith.addf %add3A_264, %mul3A_268 : vector<16xf32>
      %swap3A_270 = arith.constant 16 : index
      %swap3A_271 = tpu.vector_load %arg28[%swap3A_270] {strides = array<i32>} : memref<128xf32, #tpu.memory_space<vmem>>, vector<16xf32>,
      %swap3A_272 = vector.shape_cast %swap3A_271 : vector<16xf32> to vector<16xf32>
      %swap3A_273 = vector.shape_cast %add3A_269 : vector<16xf32> to vector<16xf32>
      tpu.vector_store %arg28[%swap3A_270], %swap3A_273 {strides = array<i32>} : memref<128xf32, #tpu.memory_space<vmem>>, vector<16xf32>,
      %mul3A_274 = arith.mulf %get3A_246, %get3A_231 : vector<16xf32>
      %mul3A_275 = arith.mulf %get3A_11, %mul3A_274 : vector<16xf32>
      %mul3A_276 = arith.mulf %get3A_225, %get3A_240 : vector<16xf32>
      %mul3A_277 = arith.mulf %get3A_16, %mul3A_276 : vector<16xf32>
      %add3A_278 = arith.addf %mul3A_275, %mul3A_277 : vector<16xf32>
      %mul3A_279 = arith.mulf %get3A_243, %get3A_228 : vector<16xf32>
      %mul3A_280 = arith.mulf %get3A_237, %get3A_234 : vector<16xf32>
      %sub3A_281 = arith.subf %mul3A_279, %mul3A_280 : vector<16xf32>
      %mul3A_282 = arith.mulf %get3A_26, %sub3A_281 : vector<16xf32>
      %add3A_283 = arith.addf %add3A_278, %mul3A_282 : vector<16xf32>
      %swap3A_284 = arith.constant 16 : index
      %swap3A_285 = tpu.vector_load %arg29[%swap3A_284] {strides = array<i32>} : memref<128xf32, #tpu.memory_space<vmem>>, vector<16xf32>,
      %swap3A_286 = vector.shape_cast %swap3A_285 : vector<16xf32> to vector<16xf32>
      %swap3A_287 = vector.shape_cast %add3A_283 : vector<16xf32> to vector<16xf32>
      tpu.vector_store %arg29[%swap3A_284], %swap3A_287 {strides = array<i32>} : memref<128xf32, #tpu.memory_space<vmem>>, vector<16xf32>,
      %mul3A_288 = arith.mulf %get3A_246, %get3A_234 : vector<16xf32>
      %mul3A_289 = arith.mulf %get3A_11, %mul3A_288 : vector<16xf32>
      %mul3A_290 = arith.mulf %get3A_225, %get3A_243 : vector<16xf32>
      %mul3A_291 = arith.mulf %get3A_16, %mul3A_290 : vector<16xf32>
      %add3A_292 = arith.addf %mul3A_289, %mul3A_291 : vector<16xf32>
      %mul3A_293 = arith.mulf %get3A_237, %get3A_231 : vector<16xf32>
      %mul3A_294 = arith.mulf %get3A_240, %get3A_228 : vector<16xf32>
      %sub3A_295 = arith.subf %mul3A_293, %mul3A_294 : vector<16xf32>
      %mul3A_296 = arith.mulf %get3A_26, %sub3A_295 : vector<16xf32>
      %add3A_297 = arith.addf %add3A_292, %mul3A_296 : vector<16xf32>
      %swap3A_298 = arith.constant 16 : index
      %swap3A_299 = tpu.vector_load %arg30[%swap3A_298] {strides = array<i32>} : memref<128xf32, #tpu.memory_space<vmem>>, vector<16xf32>,
      %swap3A_300 = vector.shape_cast %swap3A_299 : vector<16xf32> to vector<16xf32>
      %swap3A_301 = vector.shape_cast %add3A_297 : vector<16xf32> to vector<16xf32>
      tpu.vector_store %arg30[%swap3A_298], %swap3A_301 {strides = array<i32>} : memref<128xf32, #tpu.memory_space<vmem>>, vector<16xf32>,
      %get3A_302 = arith.constant 32 : index
      %get3A_303 = tpu.vector_load %arg23[%get3A_302] {strides = array<i32>} : memref<128xf32, #tpu.memory_space<vmem>>, vector<16xf32>,
      %get3A_304 = vector.shape_cast %get3A_303 : vector<16xf32> to vector<16xf32>
      %get3A_305 = arith.constant 32 : index
      %get3A_306 = tpu.vector_load %arg24[%get3A_305] {strides = array<i32>} : memref<128xf32, #tpu.memory_space<vmem>>, vector<16xf32>,
      %get3A_307 = vector.shape_cast %get3A_306 : vector<16xf32> to vector<16xf32>
      %get3A_308 = arith.constant 32 : index
      %get3A_309 = tpu.vector_load %arg25[%get3A_308] {strides = array<i32>} : memref<128xf32, #tpu.memory_space<vmem>>, vector<16xf32>,
      %get3A_310 = vector.shape_cast %get3A_309 : vector<16xf32> to vector<16xf32>
      %get3A_311 = arith.constant 32 : index
      %get3A_312 = tpu.vector_load %arg26[%get3A_311] {strides = array<i32>} : memref<128xf32, #tpu.memory_space<vmem>>, vector<16xf32>,
      %get3A_313 = vector.shape_cast %get3A_312 : vector<16xf32> to vector<16xf32>
      %get3A_314 = arith.constant 32 : index
      %get3A_315 = tpu.vector_load %arg20[%get3A_314] {strides = array<i32>} : memref<128xf32, #tpu.memory_space<vmem>>, vector<16xf32>,
      %get3A_316 = vector.shape_cast %get3A_315 : vector<16xf32> to vector<16xf32>
      %get3A_317 = arith.constant 32 : index
      %get3A_318 = tpu.vector_load %arg21[%get3A_317] {strides = array<i32>} : memref<128xf32, #tpu.memory_space<vmem>>, vector<16xf32>,
      %get3A_319 = vector.shape_cast %get3A_318 : vector<16xf32> to vector<16xf32>
      %get3A_320 = arith.constant 32 : index
      %get3A_321 = tpu.vector_load %arg22[%get3A_320] {strides = array<i32>} : memref<128xf32, #tpu.memory_space<vmem>>, vector<16xf32>,
      %get3A_322 = vector.shape_cast %get3A_321 : vector<16xf32> to vector<16xf32>
      %get3A_323 = arith.constant 32 : index
      %get3A_324 = tpu.vector_load %arg19[%get3A_323] {strides = array<i32>} : memref<128xf32, #tpu.memory_space<vmem>>, vector<16xf32>,
      %get3A_325 = vector.shape_cast %get3A_324 : vector<16xf32> to vector<16xf32>
      %mul3A_326 = arith.mulf %get3A_316, %get3A_307 : vector<16xf32>
      %mul3A_327 = arith.mulf %get3A_319, %get3A_310 : vector<16xf32>
      %add3A_328 = arith.addf %mul3A_326, %mul3A_327 : vector<16xf32>
      %mul3A_329 = arith.mulf %get3A_322, %get3A_313 : vector<16xf32>
      %add3A_330 = arith.addf %add3A_328, %mul3A_329 : vector<16xf32>
      %mul3A_331 = arith.mulf %get3A_325, %get3A_304 : vector<16xf32>
      %mul3A_332 = arith.mulf %get3A_6, %mul3A_331 : vector<16xf32>
      %mul3A_333 = arith.mulf %get3A_21, %add3A_330 : vector<16xf32>
      %add3A_334 = arith.addf %mul3A_332, %mul3A_333 : vector<16xf32>
      %swap3A_335 = arith.constant 32 : index
      %swap3A_336 = tpu.vector_load %arg27[%swap3A_335] {strides = array<i32>} : memref<128xf32, #tpu.memory_space<vmem>>, vector<16xf32>,
      %swap3A_337 = vector.shape_cast %swap3A_336 : vector<16xf32> to vector<16xf32>
      %swap3A_338 = vector.shape_cast %add3A_334 : vector<16xf32> to vector<16xf32>
      tpu.vector_store %arg27[%swap3A_335], %swap3A_338 {strides = array<i32>} : memref<128xf32, #tpu.memory_space<vmem>>, vector<16xf32>,
      %mul3A_339 = arith.mulf %get3A_325, %get3A_307 : vector<16xf32>
      %mul3A_340 = arith.mulf %get3A_11, %mul3A_339 : vector<16xf32>
      %mul3A_341 = arith.mulf %get3A_304, %get3A_316 : vector<16xf32>
      %mul3A_342 = arith.mulf %get3A_16, %mul3A_341 : vector<16xf32>
      %add3A_343 = arith.addf %mul3A_340, %mul3A_342 : vector<16xf32>
      %mul3A_344 = arith.mulf %get3A_319, %get3A_313 : vector<16xf32>
      %mul3A_345 = arith.mulf %get3A_322, %get3A_310 : vector<16xf32>
      %sub3A_346 = arith.subf %mul3A_344, %mul3A_345 : vector<16xf32>
      %mul3A_347 = arith.mulf %get3A_26, %sub3A_346 : vector<16xf32>
      %add3A_348 = arith.addf %add3A_343, %mul3A_347 : vector<16xf32>
      %swap3A_349 = arith.constant 32 : index
      %swap3A_350 = tpu.vector_load %arg28[%swap3A_349] {strides = array<i32>} : memref<128xf32, #tpu.memory_space<vmem>>, vector<16xf32>,
      %swap3A_351 = vector.shape_cast %swap3A_350 : vector<16xf32> to vector<16xf32>
      %swap3A_352 = vector.shape_cast %add3A_348 : vector<16xf32> to vector<16xf32>
      tpu.vector_store %arg28[%swap3A_349], %swap3A_352 {strides = array<i32>} : memref<128xf32, #tpu.memory_space<vmem>>, vector<16xf32>,
      %mul3A_353 = arith.mulf %get3A_325, %get3A_310 : vector<16xf32>
      %mul3A_354 = arith.mulf %get3A_11, %mul3A_353 : vector<16xf32>
      %mul3A_355 = arith.mulf %get3A_304, %get3A_319 : vector<16xf32>
      %mul3A_356 = arith.mulf %get3A_16, %mul3A_355 : vector<16xf32>
      %add3A_357 = arith.addf %mul3A_354, %mul3A_356 : vector<16xf32>
      %mul3A_358 = arith.mulf %get3A_322, %get3A_307 : vector<16xf32>
      %mul3A_359 = arith.mulf %get3A_316, %get3A_313 : vector<16xf32>
      %sub3A_360 = arith.subf %mul3A_358, %mul3A_359 : vector<16xf32>
      %mul3A_361 = arith.mulf %get3A_26, %sub3A_360 : vector<16xf32>
      %add3A_362 = arith.addf %add3A_357, %mul3A_361 : vector<16xf32>
      %swap3A_363 = arith.constant 32 : index
      %swap3A_364 = tpu.vector_load %arg29[%swap3A_363] {strides = array<i32>} : memref<128xf32, #tpu.memory_space<vmem>>, vector<16xf32>,
      %swap3A_365 = vector.shape_cast %swap3A_364 : vector<16xf32> to vector<16xf32>
      %swap3A_366 = vector.shape_cast %add3A_362 : vector<16xf32> to vector<16xf32>
      tpu.vector_store %arg29[%swap3A_363], %swap3A_366 {strides = array<i32>} : memref<128xf32, #tpu.memory_space<vmem>>, vector<16xf32>,
      %mul3A_367 = arith.mulf %get3A_325, %get3A_313 : vector<16xf32>
      %mul3A_368 = arith.mulf %get3A_11, %mul3A_367 : vector<16xf32>
      %mul3A_369 = arith.mulf %get3A_304, %get3A_322 : vector<16xf32>
      %mul3A_370 = arith.mulf %get3A_16, %mul3A_369 : vector<16xf32>
      %add3A_371 = arith.addf %mul3A_368, %mul3A_370 : vector<16xf32>
      %mul3A_372 = arith.mulf %get3A_316, %get3A_310 : vector<16xf32>
      %mul3A_373 = arith.mulf %get3A_319, %get3A_307 : vector<16xf32>
      %sub3A_374 = arith.subf %mul3A_372, %mul3A_373 : vector<16xf32>
      %mul3A_375 = arith.mulf %get3A_26, %sub3A_374 : vector<16xf32>
      %add3A_376 = arith.addf %add3A_371, %mul3A_375 : vector<16xf32>
      %swap3A_377 = arith.constant 32 : index
      %swap3A_378 = tpu.vector_load %arg30[%swap3A_377] {strides = array<i32>} : memref<128xf32, #tpu.memory_space<vmem>>, vector<16xf32>,
      %swap3A_379 = vector.shape_cast %swap3A_378 : vector<16xf32> to vector<16xf32>
      %swap3A_380 = vector.shape_cast %add3A_376 : vector<16xf32> to vector<16xf32>
      tpu.vector_store %arg30[%swap3A_377], %swap3A_380 {strides = array<i32>} : memref<128xf32, #tpu.memory_space<vmem>>, vector<16xf32>,
      %get3A_381 = arith.constant 48 : index
      %get3A_382 = tpu.vector_load %arg23[%get3A_381] {strides = array<i32>} : memref<128xf32, #tpu.memory_space<vmem>>, vector<16xf32>,
      %get3A_383 = vector.shape_cast %get3A_382 : vector<16xf32> to vector<16xf32>
      %get3A_384 = arith.constant 48 : index
      %get3A_385 = tpu.vector_load %arg24[%get3A_384] {strides = array<i32>} : memref<128xf32, #tpu.memory_space<vmem>>, vector<16xf32>,
      %get3A_386 = vector.shape_cast %get3A_385 : vector<16xf32> to vector<16xf32>
      %get3A_387 = arith.constant 48 : index
      %get3A_388 = tpu.vector_load %arg25[%get3A_387] {strides = array<i32>} : memref<128xf32, #tpu.memory_space<vmem>>, vector<16xf32>,
      %get3A_389 = vector.shape_cast %get3A_388 : vector<16xf32> to vector<16xf32>
      %get3A_390 = arith.constant 48 : index
      %get3A_391 = tpu.vector_load %arg26[%get3A_390] {strides = array<i32>} : memref<128xf32, #tpu.memory_space<vmem>>, vector<16xf32>,
      %get3A_392 = vector.shape_cast %get3A_391 : vector<16xf32> to vector<16xf32>
      %get3A_393 = arith.constant 48 : index
      %get3A_394 = tpu.vector_load %arg20[%get3A_393] {strides = array<i32>} : memref<128xf32, #tpu.memory_space<vmem>>, vector<16xf32>,
      %get3A_395 = vector.shape_cast %get3A_394 : vector<16xf32> to vector<16xf32>
      %get3A_396 = arith.constant 48 : index
      %get3A_397 = tpu.vector_load %arg21[%get3A_396] {strides = array<i32>} : memref<128xf32, #tpu.memory_space<vmem>>, vector<16xf32>,
      %get3A_398 = vector.shape_cast %get3A_397 : vector<16xf32> to vector<16xf32>
      %get3A_399 = arith.constant 48 : index
      %get3A_400 = tpu.vector_load %arg22[%get3A_399] {strides = array<i32>} : memref<128xf32, #tpu.memory_space<vmem>>, vector<16xf32>,
      %get3A_401 = vector.shape_cast %get3A_400 : vector<16xf32> to vector<16xf32>
      %get3A_402 = arith.constant 48 : index
      %get3A_403 = tpu.vector_load %arg19[%get3A_402] {strides = array<i32>} : memref<128xf32, #tpu.memory_space<vmem>>, vector<16xf32>,
      %get3A_404 = vector.shape_cast %get3A_403 : vector<16xf32> to vector<16xf32>
      %mul3A_405 = arith.mulf %get3A_395, %get3A_386 : vector<16xf32>
      %mul3A_406 = arith.mulf %get3A_398, %get3A_389 : vector<16xf32>
      %add3A_407 = arith.addf %mul3A_405, %mul3A_406 : vector<16xf32>
      %mul3A_408 = arith.mulf %get3A_401, %get3A_392 : vector<16xf32>
      %add3A_409 = arith.addf %add3A_407, %mul3A_408 : vector<16xf32>
      %mul3A_410 = arith.mulf %get3A_404, %get3A_383 : vector<16xf32>
      %mul3A_411 = arith.mulf %get3A_6, %mul3A_410 : vector<16xf32>
      %mul3A_412 = arith.mulf %get3A_21, %add3A_409 : vector<16xf32>
      %add3A_413 = arith.addf %mul3A_411, %mul3A_412 : vector<16xf32>
      %swap3A_414 = arith.constant 48 : index
      %swap3A_415 = tpu.vector_load %arg27[%swap3A_414] {strides = array<i32>} : memref<128xf32, #tpu.memory_space<vmem>>, vector<16xf32>,
      %swap3A_416 = vector.shape_cast %swap3A_415 : vector<16xf32> to vector<16xf32>
      %swap3A_417 = vector.shape_cast %add3A_413 : vector<16xf32> to vector<16xf32>
      tpu.vector_store %arg27[%swap3A_414], %swap3A_417 {strides = array<i32>} : memref<128xf32, #tpu.memory_space<vmem>>, vector<16xf32>,
      %mul3A_418 = arith.mulf %get3A_404, %get3A_386 : vector<16xf32>
      %mul3A_419 = arith.mulf %get3A_11, %mul3A_418 : vector<16xf32>
      %mul3A_420 = arith.mulf %get3A_383, %get3A_395 : vector<16xf32>
      %mul3A_421 = arith.mulf %get3A_16, %mul3A_420 : vector<16xf32>
      %add3A_422 = arith.addf %mul3A_419, %mul3A_421 : vector<16xf32>
      %mul3A_423 = arith.mulf %get3A_398, %get3A_392 : vector<16xf32>
      %mul3A_424 = arith.mulf %get3A_401, %get3A_389 : vector<16xf32>
      %sub3A_425 = arith.subf %mul3A_423, %mul3A_424 : vector<16xf32>
      %mul3A_426 = arith.mulf %get3A_26, %sub3A_425 : vector<16xf32>
      %add3A_427 = arith.addf %add3A_422, %mul3A_426 : vector<16xf32>
      %swap3A_428 = arith.constant 48 : index
      %swap3A_429 = tpu.vector_load %arg28[%swap3A_428] {strides = array<i32>} : memref<128xf32, #tpu.memory_space<vmem>>, vector<16xf32>,
      %swap3A_430 = vector.shape_cast %swap3A_429 : vector<16xf32> to vector<16xf32>
      %swap3A_431 = vector.shape_cast %add3A_427 : vector<16xf32> to vector<16xf32>
      tpu.vector_store %arg28[%swap3A_428], %swap3A_431 {strides = array<i32>} : memref<128xf32, #tpu.memory_space<vmem>>, vector<16xf32>,
      %mul3A_432 = arith.mulf %get3A_404, %get3A_389 : vector<16xf32>
      %mul3A_433 = arith.mulf %get3A_11, %mul3A_432 : vector<16xf32>
      %mul3A_434 = arith.mulf %get3A_383, %get3A_398 : vector<16xf32>
      %mul3A_435 = arith.mulf %get3A_16, %mul3A_434 : vector<16xf32>
      %add3A_436 = arith.addf %mul3A_433, %mul3A_435 : vector<16xf32>
      %mul3A_437 = arith.mulf %get3A_401, %get3A_386 : vector<16xf32>
      %mul3A_438 = arith.mulf %get3A_395, %get3A_392 : vector<16xf32>
      %sub3A_439 = arith.subf %mul3A_437, %mul3A_438 : vector<16xf32>
      %mul3A_440 = arith.mulf %get3A_26, %sub3A_439 : vector<16xf32>
      %add3A_441 = arith.addf %add3A_436, %mul3A_440 : vector<16xf32>
      %swap3A_442 = arith.constant 48 : index
      %swap3A_443 = tpu.vector_load %arg29[%swap3A_442] {strides = array<i32>} : memref<128xf32, #tpu.memory_space<vmem>>, vector<16xf32>,
      %swap3A_444 = vector.shape_cast %swap3A_443 : vector<16xf32> to vector<16xf32>
      %swap3A_445 = vector.shape_cast %add3A_441 : vector<16xf32> to vector<16xf32>
      tpu.vector_store %arg29[%swap3A_442], %swap3A_445 {strides = array<i32>} : memref<128xf32, #tpu.memory_space<vmem>>, vector<16xf32>,
      %mul3A_446 = arith.mulf %get3A_404, %get3A_392 : vector<16xf32>
      %mul3A_447 = arith.mulf %get3A_11, %mul3A_446 : vector<16xf32>
      %mul3A_448 = arith.mulf %get3A_383, %get3A_401 : vector<16xf32>
      %mul3A_449 = arith.mulf %get3A_16, %mul3A_448 : vector<16xf32>
      %add3A_450 = arith.addf %mul3A_447, %mul3A_449 : vector<16xf32>
      %mul3A_451 = arith.mulf %get3A_395, %get3A_389 : vector<16xf32>
      %mul3A_452 = arith.mulf %get3A_398, %get3A_386 : vector<16xf32>
      %sub3A_453 = arith.subf %mul3A_451, %mul3A_452 : vector<16xf32>
      %mul3A_454 = arith.mulf %get3A_26, %sub3A_453 : vector<16xf32>
      %add3A_455 = arith.addf %add3A_450, %mul3A_454 : vector<16xf32>
      %swap3A_456 = arith.constant 48 : index
      %swap3A_457 = tpu.vector_load %arg30[%swap3A_456] {strides = array<i32>} : memref<128xf32, #tpu.memory_space<vmem>>, vector<16xf32>,
      %swap3A_458 = vector.shape_cast %swap3A_457 : vector<16xf32> to vector<16xf32>
      %swap3A_459 = vector.shape_cast %add3A_455 : vector<16xf32> to vector<16xf32>
      tpu.vector_store %arg30[%swap3A_456], %swap3A_459 {strides = array<i32>} : memref<128xf32, #tpu.memory_space<vmem>>, vector<16xf32>,
      %get3A_460 = arith.constant 64 : index
      %get3A_461 = tpu.vector_load %arg23[%get3A_460] {strides = array<i32>} : memref<128xf32, #tpu.memory_space<vmem>>, vector<16xf32>,
      %get3A_462 = vector.shape_cast %get3A_461 : vector<16xf32> to vector<16xf32>
      %get3A_463 = arith.constant 64 : index
      %get3A_464 = tpu.vector_load %arg24[%get3A_463] {strides = array<i32>} : memref<128xf32, #tpu.memory_space<vmem>>, vector<16xf32>,
      %get3A_465 = vector.shape_cast %get3A_464 : vector<16xf32> to vector<16xf32>
      %get3A_466 = arith.constant 64 : index
      %get3A_467 = tpu.vector_load %arg25[%get3A_466] {strides = array<i32>} : memref<128xf32, #tpu.memory_space<vmem>>, vector<16xf32>,
      %get3A_468 = vector.shape_cast %get3A_467 : vector<16xf32> to vector<16xf32>
      %get3A_469 = arith.constant 64 : index
      %get3A_470 = tpu.vector_load %arg26[%get3A_469] {strides = array<i32>} : memref<128xf32, #tpu.memory_space<vmem>>, vector<16xf32>,
      %get3A_471 = vector.shape_cast %get3A_470 : vector<16xf32> to vector<16xf32>
      %get3A_472 = arith.constant 64 : index
      %get3A_473 = tpu.vector_load %arg20[%get3A_472] {strides = array<i32>} : memref<128xf32, #tpu.memory_space<vmem>>, vector<16xf32>,
      %get3A_474 = vector.shape_cast %get3A_473 : vector<16xf32> to vector<16xf32>
      %get3A_475 = arith.constant 64 : index
      %get3A_476 = tpu.vector_load %arg21[%get3A_475] {strides = array<i32>} : memref<128xf32, #tpu.memory_space<vmem>>, vector<16xf32>,
      %get3A_477 = vector.shape_cast %get3A_476 : vector<16xf32> to vector<16xf32>
      %get3A_478 = arith.constant 64 : index
      %get3A_479 = tpu.vector_load %arg22[%get3A_478] {strides = array<i32>} : memref<128xf32, #tpu.memory_space<vmem>>, vector<16xf32>,
      %get3A_480 = vector.shape_cast %get3A_479 : vector<16xf32> to vector<16xf32>
      %get3A_481 = arith.constant 64 : index
      %get3A_482 = tpu.vector_load %arg19[%get3A_481] {strides = array<i32>} : memref<128xf32, #tpu.memory_space<vmem>>, vector<16xf32>,
      %get3A_483 = vector.shape_cast %get3A_482 : vector<16xf32> to vector<16xf32>
      %mul3A_484 = arith.mulf %get3A_474, %get3A_465 : vector<16xf32>
      %mul3A_485 = arith.mulf %get3A_477, %get3A_468 : vector<16xf32>
      %add3A_486 = arith.addf %mul3A_484, %mul3A_485 : vector<16xf32>
      %mul3A_487 = arith.mulf %get3A_480, %get3A_471 : vector<16xf32>
      %add3A_488 = arith.addf %add3A_486, %mul3A_487 : vector<16xf32>
      %mul3A_489 = arith.mulf %get3A_483, %get3A_462 : vector<16xf32>
      %mul3A_490 = arith.mulf %get3A_6, %mul3A_489 : vector<16xf32>
      %mul3A_491 = arith.mulf %get3A_21, %add3A_488 : vector<16xf32>
      %add3A_492 = arith.addf %mul3A_490, %mul3A_491 : vector<16xf32>
      %swap3A_493 = arith.constant 64 : index
      %swap3A_494 = tpu.vector_load %arg27[%swap3A_493] {strides = array<i32>} : memref<128xf32, #tpu.memory_space<vmem>>, vector<16xf32>,
      %swap3A_495 = vector.shape_cast %swap3A_494 : vector<16xf32> to vector<16xf32>
      %swap3A_496 = vector.shape_cast %add3A_492 : vector<16xf32> to vector<16xf32>
      tpu.vector_store %arg27[%swap3A_493], %swap3A_496 {strides = array<i32>} : memref<128xf32, #tpu.memory_space<vmem>>, vector<16xf32>,
      %mul3A_497 = arith.mulf %get3A_483, %get3A_465 : vector<16xf32>
      %mul3A_498 = arith.mulf %get3A_11, %mul3A_497 : vector<16xf32>
      %mul3A_499 = arith.mulf %get3A_462, %get3A_474 : vector<16xf32>
      %mul3A_500 = arith.mulf %get3A_16, %mul3A_499 : vector<16xf32>
      %add3A_501 = arith.addf %mul3A_498, %mul3A_500 : vector<16xf32>
      %mul3A_502 = arith.mulf %get3A_477, %get3A_471 : vector<16xf32>
      %mul3A_503 = arith.mulf %get3A_480, %get3A_468 : vector<16xf32>
      %sub3A_504 = arith.subf %mul3A_502, %mul3A_503 : vector<16xf32>
      %mul3A_505 = arith.mulf %get3A_26, %sub3A_504 : vector<16xf32>
      %add3A_506 = arith.addf %add3A_501, %mul3A_505 : vector<16xf32>
      %swap3A_507 = arith.constant 64 : index
      %swap3A_508 = tpu.vector_load %arg28[%swap3A_507] {strides = array<i32>} : memref<128xf32, #tpu.memory_space<vmem>>, vector<16xf32>,
      %swap3A_509 = vector.shape_cast %swap3A_508 : vector<16xf32> to vector<16xf32>
      %swap3A_510 = vector.shape_cast %add3A_506 : vector<16xf32> to vector<16xf32>
      tpu.vector_store %arg28[%swap3A_507], %swap3A_510 {strides = array<i32>} : memref<128xf32, #tpu.memory_space<vmem>>, vector<16xf32>,
      %mul3A_511 = arith.mulf %get3A_483, %get3A_468 : vector<16xf32>
      %mul3A_512 = arith.mulf %get3A_11, %mul3A_511 : vector<16xf32>
      %mul3A_513 = arith.mulf %get3A_462, %get3A_477 : vector<16xf32>
      %mul3A_514 = arith.mulf %get3A_16, %mul3A_513 : vector<16xf32>
      %add3A_515 = arith.addf %mul3A_512, %mul3A_514 : vector<16xf32>
      %mul3A_516 = arith.mulf %get3A_480, %get3A_465 : vector<16xf32>
      %mul3A_517 = arith.mulf %get3A_474, %get3A_471 : vector<16xf32>
      %sub3A_518 = arith.subf %mul3A_516, %mul3A_517 : vector<16xf32>
      %mul3A_519 = arith.mulf %get3A_26, %sub3A_518 : vector<16xf32>
      %add3A_520 = arith.addf %add3A_515, %mul3A_519 : vector<16xf32>
      %swap3A_521 = arith.constant 64 : index
      %swap3A_522 = tpu.vector_load %arg29[%swap3A_521] {strides = array<i32>} : memref<128xf32, #tpu.memory_space<vmem>>, vector<16xf32>,
      %swap3A_523 = vector.shape_cast %swap3A_522 : vector<16xf32> to vector<16xf32>
      %swap3A_524 = vector.shape_cast %add3A_520 : vector<16xf32> to vector<16xf32>
      tpu.vector_store %arg29[%swap3A_521], %swap3A_524 {strides = array<i32>} : memref<128xf32, #tpu.memory_space<vmem>>, vector<16xf32>,
      %mul3A_525 = arith.mulf %get3A_483, %get3A_471 : vector<16xf32>
      %mul3A_526 = arith.mulf %get3A_11, %mul3A_525 : vector<16xf32>
      %mul3A_527 = arith.mulf %get3A_462, %get3A_480 : vector<16xf32>
      %mul3A_528 = arith.mulf %get3A_16, %mul3A_527 : vector<16xf32>
      %add3A_529 = arith.addf %mul3A_526, %mul3A_528 : vector<16xf32>
      %mul3A_530 = arith.mulf %get3A_474, %get3A_468 : vector<16xf32>
      %mul3A_531 = arith.mulf %get3A_477, %get3A_465 : vector<16xf32>
      %sub3A_532 = arith.subf %mul3A_530, %mul3A_531 : vector<16xf32>
      %mul3A_533 = arith.mulf %get3A_26, %sub3A_532 : vector<16xf32>
      %add3A_534 = arith.addf %add3A_529, %mul3A_533 : vector<16xf32>
      %swap3A_535 = arith.constant 64 : index
      %swap3A_536 = tpu.vector_load %arg30[%swap3A_535] {strides = array<i32>} : memref<128xf32, #tpu.memory_space<vmem>>, vector<16xf32>,
      %swap3A_537 = vector.shape_cast %swap3A_536 : vector<16xf32> to vector<16xf32>
      %swap3A_538 = vector.shape_cast %add3A_534 : vector<16xf32> to vector<16xf32>
      tpu.vector_store %arg30[%swap3A_535], %swap3A_538 {strides = array<i32>} : memref<128xf32, #tpu.memory_space<vmem>>, vector<16xf32>,
      %get3A_539 = arith.constant 80 : index
      %get3A_540 = tpu.vector_load %arg23[%get3A_539] {strides = array<i32>} : memref<128xf32, #tpu.memory_space<vmem>>, vector<16xf32>,
      %get3A_541 = vector.shape_cast %get3A_540 : vector<16xf32> to vector<16xf32>
      %get3A_542 = arith.constant 80 : index
      %get3A_543 = tpu.vector_load %arg24[%get3A_542] {strides = array<i32>} : memref<128xf32, #tpu.memory_space<vmem>>, vector<16xf32>,
      %get3A_544 = vector.shape_cast %get3A_543 : vector<16xf32> to vector<16xf32>
      %get3A_545 = arith.constant 80 : index
      %get3A_546 = tpu.vector_load %arg25[%get3A_545] {strides = array<i32>} : memref<128xf32, #tpu.memory_space<vmem>>, vector<16xf32>,
      %get3A_547 = vector.shape_cast %get3A_546 : vector<16xf32> to vector<16xf32>
      %get3A_548 = arith.constant 80 : index
      %get3A_549 = tpu.vector_load %arg26[%get3A_548] {strides = array<i32>} : memref<128xf32, #tpu.memory_space<vmem>>, vector<16xf32>,
      %get3A_550 = vector.shape_cast %get3A_549 : vector<16xf32> to vector<16xf32>
      %get3A_551 = arith.constant 80 : index
      %get3A_552 = tpu.vector_load %arg20[%get3A_551] {strides = array<i32>} : memref<128xf32, #tpu.memory_space<vmem>>, vector<16xf32>,
      %get3A_553 = vector.shape_cast %get3A_552 : vector<16xf32> to vector<16xf32>
      %get3A_554 = arith.constant 80 : index
      %get3A_555 = tpu.vector_load %arg21[%get3A_554] {strides = array<i32>} : memref<128xf32, #tpu.memory_space<vmem>>, vector<16xf32>,
      %get3A_556 = vector.shape_cast %get3A_555 : vector<16xf32> to vector<16xf32>
      %get3A_557 = arith.constant 80 : index
      %get3A_558 = tpu.vector_load %arg22[%get3A_557] {strides = array<i32>} : memref<128xf32, #tpu.memory_space<vmem>>, vector<16xf32>,
      %get3A_559 = vector.shape_cast %get3A_558 : vector<16xf32> to vector<16xf32>
      %get3A_560 = arith.constant 80 : index
      %get3A_561 = tpu.vector_load %arg19[%get3A_560] {strides = array<i32>} : memref<128xf32, #tpu.memory_space<vmem>>, vector<16xf32>,
      %get3A_562 = vector.shape_cast %get3A_561 : vector<16xf32> to vector<16xf32>
      %mul3A_563 = arith.mulf %get3A_553, %get3A_544 : vector<16xf32>
      %mul3A_564 = arith.mulf %get3A_556, %get3A_547 : vector<16xf32>
      %add3A_565 = arith.addf %mul3A_563, %mul3A_564 : vector<16xf32>
      %mul3A_566 = arith.mulf %get3A_559, %get3A_550 : vector<16xf32>
      %add3A_567 = arith.addf %add3A_565, %mul3A_566 : vector<16xf32>
      %mul3A_568 = arith.mulf %get3A_562, %get3A_541 : vector<16xf32>
      %mul3A_569 = arith.mulf %get3A_6, %mul3A_568 : vector<16xf32>
      %mul3A_570 = arith.mulf %get3A_21, %add3A_567 : vector<16xf32>
      %add3A_571 = arith.addf %mul3A_569, %mul3A_570 : vector<16xf32>
      %swap3A_572 = arith.constant 80 : index
      %swap3A_573 = tpu.vector_load %arg27[%swap3A_572] {strides = array<i32>} : memref<128xf32, #tpu.memory_space<vmem>>, vector<16xf32>,
      %swap3A_574 = vector.shape_cast %swap3A_573 : vector<16xf32> to vector<16xf32>
      %swap3A_575 = vector.shape_cast %add3A_571 : vector<16xf32> to vector<16xf32>
      tpu.vector_store %arg27[%swap3A_572], %swap3A_575 {strides = array<i32>} : memref<128xf32, #tpu.memory_space<vmem>>, vector<16xf32>,
      %mul3A_576 = arith.mulf %get3A_562, %get3A_544 : vector<16xf32>
      %mul3A_577 = arith.mulf %get3A_11, %mul3A_576 : vector<16xf32>
      %mul3A_578 = arith.mulf %get3A_541, %get3A_553 : vector<16xf32>
      %mul3A_579 = arith.mulf %get3A_16, %mul3A_578 : vector<16xf32>
      %add3A_580 = arith.addf %mul3A_577, %mul3A_579 : vector<16xf32>
      %mul3A_581 = arith.mulf %get3A_556, %get3A_550 : vector<16xf32>
      %mul3A_582 = arith.mulf %get3A_559, %get3A_547 : vector<16xf32>
      %sub3A_583 = arith.subf %mul3A_581, %mul3A_582 : vector<16xf32>
      %mul3A_584 = arith.mulf %get3A_26, %sub3A_583 : vector<16xf32>
      %add3A_585 = arith.addf %add3A_580, %mul3A_584 : vector<16xf32>
      %swap3A_586 = arith.constant 80 : index
      %swap3A_587 = tpu.vector_load %arg28[%swap3A_586] {strides = array<i32>} : memref<128xf32, #tpu.memory_space<vmem>>, vector<16xf32>,
      %swap3A_588 = vector.shape_cast %swap3A_587 : vector<16xf32> to vector<16xf32>
      %swap3A_589 = vector.shape_cast %add3A_585 : vector<16xf32> to vector<16xf32>
      tpu.vector_store %arg28[%swap3A_586], %swap3A_589 {strides = array<i32>} : memref<128xf32, #tpu.memory_space<vmem>>, vector<16xf32>,
      %mul3A_590 = arith.mulf %get3A_562, %get3A_547 : vector<16xf32>
      %mul3A_591 = arith.mulf %get3A_11, %mul3A_590 : vector<16xf32>
      %mul3A_592 = arith.mulf %get3A_541, %get3A_556 : vector<16xf32>
      %mul3A_593 = arith.mulf %get3A_16, %mul3A_592 : vector<16xf32>
      %add3A_594 = arith.addf %mul3A_591, %mul3A_593 : vector<16xf32>
      %mul3A_595 = arith.mulf %get3A_559, %get3A_544 : vector<16xf32>
      %mul3A_596 = arith.mulf %get3A_553, %get3A_550 : vector<16xf32>
      %sub3A_597 = arith.subf %mul3A_595, %mul3A_596 : vector<16xf32>
      %mul3A_598 = arith.mulf %get3A_26, %sub3A_597 : vector<16xf32>
      %add3A_599 = arith.addf %add3A_594, %mul3A_598 : vector<16xf32>
      %swap3A_600 = arith.constant 80 : index
      %swap3A_601 = tpu.vector_load %arg29[%swap3A_600] {strides = array<i32>} : memref<128xf32, #tpu.memory_space<vmem>>, vector<16xf32>,
      %swap3A_602 = vector.shape_cast %swap3A_601 : vector<16xf32> to vector<16xf32>
      %swap3A_603 = vector.shape_cast %add3A_599 : vector<16xf32> to vector<16xf32>
      tpu.vector_store %arg29[%swap3A_600], %swap3A_603 {strides = array<i32>} : memref<128xf32, #tpu.memory_space<vmem>>, vector<16xf32>,
      %mul3A_604 = arith.mulf %get3A_562, %get3A_550 : vector<16xf32>
      %mul3A_605 = arith.mulf %get3A_11, %mul3A_604 : vector<16xf32>
      %mul3A_606 = arith.mulf %get3A_541, %get3A_559 : vector<16xf32>
      %mul3A_607 = arith.mulf %get3A_16, %mul3A_606 : vector<16xf32>
      %add3A_608 = arith.addf %mul3A_605, %mul3A_607 : vector<16xf32>
      %mul3A_609 = arith.mulf %get3A_553, %get3A_547 : vector<16xf32>
      %mul3A_610 = arith.mulf %get3A_556, %get3A_544 : vector<16xf32>
      %sub3A_611 = arith.subf %mul3A_609, %mul3A_610 : vector<16xf32>
      %mul3A_612 = arith.mulf %get3A_26, %sub3A_611 : vector<16xf32>
      %add3A_613 = arith.addf %add3A_608, %mul3A_612 : vector<16xf32>
      %swap3A_614 = arith.constant 80 : index
      %swap3A_615 = tpu.vector_load %arg30[%swap3A_614] {strides = array<i32>} : memref<128xf32, #tpu.memory_space<vmem>>, vector<16xf32>,
      %swap3A_616 = vector.shape_cast %swap3A_615 : vector<16xf32> to vector<16xf32>
      %swap3A_617 = vector.shape_cast %add3A_613 : vector<16xf32> to vector<16xf32>
      tpu.vector_store %arg30[%swap3A_614], %swap3A_617 {strides = array<i32>} : memref<128xf32, #tpu.memory_space<vmem>>, vector<16xf32>,
      %get3A_618 = arith.constant 96 : index
      %get3A_619 = tpu.vector_load %arg23[%get3A_618] {strides = array<i32>} : memref<128xf32, #tpu.memory_space<vmem>>, vector<16xf32>,
      %get3A_620 = vector.shape_cast %get3A_619 : vector<16xf32> to vector<16xf32>
      %get3A_621 = arith.constant 96 : index
      %get3A_622 = tpu.vector_load %arg24[%get3A_621] {strides = array<i32>} : memref<128xf32, #tpu.memory_space<vmem>>, vector<16xf32>,
      %get3A_623 = vector.shape_cast %get3A_622 : vector<16xf32> to vector<16xf32>
      %get3A_624 = arith.constant 96 : index
      %get3A_625 = tpu.vector_load %arg25[%get3A_624] {strides = array<i32>} : memref<128xf32, #tpu.memory_space<vmem>>, vector<16xf32>,
      %get3A_626 = vector.shape_cast %get3A_625 : vector<16xf32> to vector<16xf32>
      %get3A_627 = arith.constant 96 : index
      %get3A_628 = tpu.vector_load %arg26[%get3A_627] {strides = array<i32>} : memref<128xf32, #tpu.memory_space<vmem>>, vector<16xf32>,
      %get3A_629 = vector.shape_cast %get3A_628 : vector<16xf32> to vector<16xf32>
      %get3A_630 = arith.constant 96 : index
      %get3A_631 = tpu.vector_load %arg20[%get3A_630] {strides = array<i32>} : memref<128xf32, #tpu.memory_space<vmem>>, vector<16xf32>,
      %get3A_632 = vector.shape_cast %get3A_631 : vector<16xf32> to vector<16xf32>
      %get3A_633 = arith.constant 96 : index
      %get3A_634 = tpu.vector_load %arg21[%get3A_633] {strides = array<i32>} : memref<128xf32, #tpu.memory_space<vmem>>, vector<16xf32>,
      %get3A_635 = vector.shape_cast %get3A_634 : vector<16xf32> to vector<16xf32>
      %get3A_636 = arith.constant 96 : index
      %get3A_637 = tpu.vector_load %arg22[%get3A_636] {strides = array<i32>} : memref<128xf32, #tpu.memory_space<vmem>>, vector<16xf32>,
      %get3A_638 = vector.shape_cast %get3A_637 : vector<16xf32> to vector<16xf32>
      %get3A_639 = arith.constant 96 : index
      %get3A_640 = tpu.vector_load %arg19[%get3A_639] {strides = array<i32>} : memref<128xf32, #tpu.memory_space<vmem>>, vector<16xf32>,
      %get3A_641 = vector.shape_cast %get3A_640 : vector<16xf32> to vector<16xf32>
      %mul3A_642 = arith.mulf %get3A_632, %get3A_623 : vector<16xf32>
      %mul3A_643 = arith.mulf %get3A_635, %get3A_626 : vector<16xf32>
      %add3A_644 = arith.addf %mul3A_642, %mul3A_643 : vector<16xf32>
      %mul3A_645 = arith.mulf %get3A_638, %get3A_629 : vector<16xf32>
      %add3A_646 = arith.addf %add3A_644, %mul3A_645 : vector<16xf32>
      %mul3A_647 = arith.mulf %get3A_641, %get3A_620 : vector<16xf32>
      %mul3A_648 = arith.mulf %get3A_6, %mul3A_647 : vector<16xf32>
      %mul3A_649 = arith.mulf %get3A_21, %add3A_646 : vector<16xf32>
      %add3A_650 = arith.addf %mul3A_648, %mul3A_649 : vector<16xf32>
      %swap3A_651 = arith.constant 96 : index
      %swap3A_652 = tpu.vector_load %arg27[%swap3A_651] {strides = array<i32>} : memref<128xf32, #tpu.memory_space<vmem>>, vector<16xf32>,
      %swap3A_653 = vector.shape_cast %swap3A_652 : vector<16xf32> to vector<16xf32>
      %swap3A_654 = vector.shape_cast %add3A_650 : vector<16xf32> to vector<16xf32>
      tpu.vector_store %arg27[%swap3A_651], %swap3A_654 {strides = array<i32>} : memref<128xf32, #tpu.memory_space<vmem>>, vector<16xf32>,
      %mul3A_655 = arith.mulf %get3A_641, %get3A_623 : vector<16xf32>
      %mul3A_656 = arith.mulf %get3A_11, %mul3A_655 : vector<16xf32>
      %mul3A_657 = arith.mulf %get3A_620, %get3A_632 : vector<16xf32>
      %mul3A_658 = arith.mulf %get3A_16, %mul3A_657 : vector<16xf32>
      %add3A_659 = arith.addf %mul3A_656, %mul3A_658 : vector<16xf32>
      %mul3A_660 = arith.mulf %get3A_635, %get3A_629 : vector<16xf32>
      %mul3A_661 = arith.mulf %get3A_638, %get3A_626 : vector<16xf32>
      %sub3A_662 = arith.subf %mul3A_660, %mul3A_661 : vector<16xf32>
      %mul3A_663 = arith.mulf %get3A_26, %sub3A_662 : vector<16xf32>
      %add3A_664 = arith.addf %add3A_659, %mul3A_663 : vector<16xf32>
      %swap3A_665 = arith.constant 96 : index
      %swap3A_666 = tpu.vector_load %arg28[%swap3A_665] {strides = array<i32>} : memref<128xf32, #tpu.memory_space<vmem>>, vector<16xf32>,
      %swap3A_667 = vector.shape_cast %swap3A_666 : vector<16xf32> to vector<16xf32>
      %swap3A_668 = vector.shape_cast %add3A_664 : vector<16xf32> to vector<16xf32>
      tpu.vector_store %arg28[%swap3A_665], %swap3A_668 {strides = array<i32>} : memref<128xf32, #tpu.memory_space<vmem>>, vector<16xf32>,
      %mul3A_669 = arith.mulf %get3A_641, %get3A_626 : vector<16xf32>
      %mul3A_670 = arith.mulf %get3A_11, %mul3A_669 : vector<16xf32>
      %mul3A_671 = arith.mulf %get3A_620, %get3A_635 : vector<16xf32>
      %mul3A_672 = arith.mulf %get3A_16, %mul3A_671 : vector<16xf32>
      %add3A_673 = arith.addf %mul3A_670, %mul3A_672 : vector<16xf32>
      %mul3A_674 = arith.mulf %get3A_638, %get3A_623 : vector<16xf32>
      %mul3A_675 = arith.mulf %get3A_632, %get3A_629 : vector<16xf32>
      %sub3A_676 = arith.subf %mul3A_674, %mul3A_675 : vector<16xf32>
      %mul3A_677 = arith.mulf %get3A_26, %sub3A_676 : vector<16xf32>
      %add3A_678 = arith.addf %add3A_673, %mul3A_677 : vector<16xf32>
      %swap3A_679 = arith.constant 96 : index
      %swap3A_680 = tpu.vector_load %arg29[%swap3A_679] {strides = array<i32>} : memref<128xf32, #tpu.memory_space<vmem>>, vector<16xf32>,
      %swap3A_681 = vector.shape_cast %swap3A_680 : vector<16xf32> to vector<16xf32>
      %swap3A_682 = vector.shape_cast %add3A_678 : vector<16xf32> to vector<16xf32>
      tpu.vector_store %arg29[%swap3A_679], %swap3A_682 {strides = array<i32>} : memref<128xf32, #tpu.memory_space<vmem>>, vector<16xf32>,
      %mul3A_683 = arith.mulf %get3A_641, %get3A_629 : vector<16xf32>
      %mul3A_684 = arith.mulf %get3A_11, %mul3A_683 : vector<16xf32>
      %mul3A_685 = arith.mulf %get3A_620, %get3A_638 : vector<16xf32>
      %mul3A_686 = arith.mulf %get3A_16, %mul3A_685 : vector<16xf32>
      %add3A_687 = arith.addf %mul3A_684, %mul3A_686 : vector<16xf32>
      %mul3A_688 = arith.mulf %get3A_632, %get3A_626 : vector<16xf32>
      %mul3A_689 = arith.mulf %get3A_635, %get3A_623 : vector<16xf32>
      %sub3A_690 = arith.subf %mul3A_688, %mul3A_689 : vector<16xf32>
      %mul3A_691 = arith.mulf %get3A_26, %sub3A_690 : vector<16xf32>
      %add3A_692 = arith.addf %add3A_687, %mul3A_691 : vector<16xf32>
      %swap3A_693 = arith.constant 96 : index
      %swap3A_694 = tpu.vector_load %arg30[%swap3A_693] {strides = array<i32>} : memref<128xf32, #tpu.memory_space<vmem>>, vector<16xf32>,
      %swap3A_695 = vector.shape_cast %swap3A_694 : vector<16xf32> to vector<16xf32>
      %swap3A_696 = vector.shape_cast %add3A_692 : vector<16xf32> to vector<16xf32>
      tpu.vector_store %arg30[%swap3A_693], %swap3A_696 {strides = array<i32>} : memref<128xf32, #tpu.memory_space<vmem>>, vector<16xf32>,
      %get3A_697 = arith.constant 112 : index
      %get3A_698 = tpu.vector_load %arg23[%get3A_697] {strides = array<i32>} : memref<128xf32, #tpu.memory_space<vmem>>, vector<16xf32>,
      %get3A_699 = vector.shape_cast %get3A_698 : vector<16xf32> to vector<16xf32>
      %get3A_700 = arith.constant 112 : index
      %get3A_701 = tpu.vector_load %arg24[%get3A_700] {strides = array<i32>} : memref<128xf32, #tpu.memory_space<vmem>>, vector<16xf32>,
      %get3A_702 = vector.shape_cast %get3A_701 : vector<16xf32> to vector<16xf32>
      %get3A_703 = arith.constant 112 : index
      %get3A_704 = tpu.vector_load %arg25[%get3A_703] {strides = array<i32>} : memref<128xf32, #tpu.memory_space<vmem>>, vector<16xf32>,
      %get3A_705 = vector.shape_cast %get3A_704 : vector<16xf32> to vector<16xf32>
      %get3A_706 = arith.constant 112 : index
      %get3A_707 = tpu.vector_load %arg26[%get3A_706] {strides = array<i32>} : memref<128xf32, #tpu.memory_space<vmem>>, vector<16xf32>,
      %get3A_708 = vector.shape_cast %get3A_707 : vector<16xf32> to vector<16xf32>
      %get3A_709 = arith.constant 112 : index
      %get3A_710 = tpu.vector_load %arg20[%get3A_709] {strides = array<i32>} : memref<128xf32, #tpu.memory_space<vmem>>, vector<16xf32>,
      %get3A_711 = vector.shape_cast %get3A_710 : vector<16xf32> to vector<16xf32>
      %get3A_712 = arith.constant 112 : index
      %get3A_713 = tpu.vector_load %arg21[%get3A_712] {strides = array<i32>} : memref<128xf32, #tpu.memory_space<vmem>>, vector<16xf32>,
      %get3A_714 = vector.shape_cast %get3A_713 : vector<16xf32> to vector<16xf32>
      %get3A_715 = arith.constant 112 : index
      %get3A_716 = tpu.vector_load %arg22[%get3A_715] {strides = array<i32>} : memref<128xf32, #tpu.memory_space<vmem>>, vector<16xf32>,
      %get3A_717 = vector.shape_cast %get3A_716 : vector<16xf32> to vector<16xf32>
      %get3A_718 = arith.constant 112 : index
      %get3A_719 = tpu.vector_load %arg19[%get3A_718] {strides = array<i32>} : memref<128xf32, #tpu.memory_space<vmem>>, vector<16xf32>,
      %get3A_720 = vector.shape_cast %get3A_719 : vector<16xf32> to vector<16xf32>
      %mul3A_721 = arith.mulf %get3A_711, %get3A_702 : vector<16xf32>
      %mul3A_722 = arith.mulf %get3A_714, %get3A_705 : vector<16xf32>
      %add3A_723 = arith.addf %mul3A_721, %mul3A_722 : vector<16xf32>
      %mul3A_724 = arith.mulf %get3A_717, %get3A_708 : vector<16xf32>
      %add3A_725 = arith.addf %add3A_723, %mul3A_724 : vector<16xf32>
      %mul3A_726 = arith.mulf %get3A_720, %get3A_699 : vector<16xf32>
      %mul3A_727 = arith.mulf %get3A_6, %mul3A_726 : vector<16xf32>
      %mul3A_728 = arith.mulf %get3A_21, %add3A_725 : vector<16xf32>
      %add3A_729 = arith.addf %mul3A_727, %mul3A_728 : vector<16xf32>
      %swap3A_730 = arith.constant 112 : index
      %swap3A_731 = tpu.vector_load %arg27[%swap3A_730] {strides = array<i32>} : memref<128xf32, #tpu.memory_space<vmem>>, vector<16xf32>,
      %swap3A_732 = vector.shape_cast %swap3A_731 : vector<16xf32> to vector<16xf32>
      %swap3A_733 = vector.shape_cast %add3A_729 : vector<16xf32> to vector<16xf32>
      tpu.vector_store %arg27[%swap3A_730], %swap3A_733 {strides = array<i32>} : memref<128xf32, #tpu.memory_space<vmem>>, vector<16xf32>,
      %mul3A_734 = arith.mulf %get3A_720, %get3A_702 : vector<16xf32>
      %mul3A_735 = arith.mulf %get3A_11, %mul3A_734 : vector<16xf32>
      %mul3A_736 = arith.mulf %get3A_699, %get3A_711 : vector<16xf32>
      %mul3A_737 = arith.mulf %get3A_16, %mul3A_736 : vector<16xf32>
      %add3A_738 = arith.addf %mul3A_735, %mul3A_737 : vector<16xf32>
      %mul3A_739 = arith.mulf %get3A_714, %get3A_708 : vector<16xf32>
      %mul3A_740 = arith.mulf %get3A_717, %get3A_705 : vector<16xf32>
      %sub3A_741 = arith.subf %mul3A_739, %mul3A_740 : vector<16xf32>
      %mul3A_742 = arith.mulf %get3A_26, %sub3A_741 : vector<16xf32>
      %add3A_743 = arith.addf %add3A_738, %mul3A_742 : vector<16xf32>
      %swap3A_744 = arith.constant 112 : index
      %swap3A_745 = tpu.vector_load %arg28[%swap3A_744] {strides = array<i32>} : memref<128xf32, #tpu.memory_space<vmem>>, vector<16xf32>,
      %swap3A_746 = vector.shape_cast %swap3A_745 : vector<16xf32> to vector<16xf32>
      %swap3A_747 = vector.shape_cast %add3A_743 : vector<16xf32> to vector<16xf32>
      tpu.vector_store %arg28[%swap3A_744], %swap3A_747 {strides = array<i32>} : memref<128xf32, #tpu.memory_space<vmem>>, vector<16xf32>,
      %mul3A_748 = arith.mulf %get3A_720, %get3A_705 : vector<16xf32>
      %mul3A_749 = arith.mulf %get3A_11, %mul3A_748 : vector<16xf32>
      %mul3A_750 = arith.mulf %get3A_699, %get3A_714 : vector<16xf32>
      %mul3A_751 = arith.mulf %get3A_16, %mul3A_750 : vector<16xf32>
      %add3A_752 = arith.addf %mul3A_749, %mul3A_751 : vector<16xf32>
      %mul3A_753 = arith.mulf %get3A_717, %get3A_702 : vector<16xf32>
      %mul3A_754 = arith.mulf %get3A_711, %get3A_708 : vector<16xf32>
      %sub3A_755 = arith.subf %mul3A_753, %mul3A_754 : vector<16xf32>
      %mul3A_756 = arith.mulf %get3A_26, %sub3A_755 : vector<16xf32>
      %add3A_757 = arith.addf %add3A_752, %mul3A_756 : vector<16xf32>
      %swap3A_758 = arith.constant 112 : index
      %swap3A_759 = tpu.vector_load %arg29[%swap3A_758] {strides = array<i32>} : memref<128xf32, #tpu.memory_space<vmem>>, vector<16xf32>,
      %swap3A_760 = vector.shape_cast %swap3A_759 : vector<16xf32> to vector<16xf32>
      %swap3A_761 = vector.shape_cast %add3A_757 : vector<16xf32> to vector<16xf32>
      tpu.vector_store %arg29[%swap3A_758], %swap3A_761 {strides = array<i32>} : memref<128xf32, #tpu.memory_space<vmem>>, vector<16xf32>,
      %mul3A_762 = arith.mulf %get3A_720, %get3A_708 : vector<16xf32>
      %mul3A_763 = arith.mulf %get3A_11, %mul3A_762 : vector<16xf32>
      %mul3A_764 = arith.mulf %get3A_699, %get3A_717 : vector<16xf32>
      %mul3A_765 = arith.mulf %get3A_16, %mul3A_764 : vector<16xf32>
      %add3A_766 = arith.addf %mul3A_763, %mul3A_765 : vector<16xf32>
      %mul3A_767 = arith.mulf %get3A_711, %get3A_705 : vector<16xf32>
      %mul3A_768 = arith.mulf %get3A_714, %get3A_702 : vector<16xf32>
      %sub3A_769 = arith.subf %mul3A_767, %mul3A_768 : vector<16xf32>
      %mul3A_770 = arith.mulf %get3A_26, %sub3A_769 : vector<16xf32>
      %add3A_771 = arith.addf %add3A_766, %mul3A_770 : vector<16xf32>
      %swap3A_772 = arith.constant 112 : index
      %swap3A_773 = tpu.vector_load %arg30[%swap3A_772] {strides = array<i32>} : memref<128xf32, #tpu.memory_space<vmem>>, vector<16xf32>,
      %swap3A_774 = vector.shape_cast %swap3A_773 : vector<16xf32> to vector<16xf32>
      %swap3A_775 = vector.shape_cast %add3A_771 : vector<16xf32> to vector<16xf32>
      tpu.vector_store %arg30[%swap3A_772], %swap3A_775 {strides = array<i32>} : memref<128xf32, #tpu.memory_space<vmem>>, vector<16xf32>,
      %dma_start3A_776 = arith.constant 0 : i32
      %dma_start3A_777 = tpu.memref_slice %arg13[%dma_start3A_776] : memref<100096xf32, #tpu.memory_space<vmem_shared>> -> memref<100096xf32, #tpu.memory_space<vmem_shared>>
      tpu.enqueue_indirect_dma source(%arg27 : memref<128xf32, #tpu.memory_space<vmem>>) target(%dma_start3A_777 : memref<100096xf32, #tpu.memory_space<vmem_shared>>) offsets(%arg18 : memref<128xi32, #tpu.memory_space<vmem>>) semaphore(%arg50 : memref<!tpu.dma_semaphore, #tpu.memory_space<semaphore_mem>>) {add = true}
      %dma_start3A_778 = arith.constant 0 : i32
      %dma_start3A_779 = tpu.memref_slice %arg14[%dma_start3A_778] : memref<100096xf32, #tpu.memory_space<vmem_shared>> -> memref<100096xf32, #tpu.memory_space<vmem_shared>>
      tpu.enqueue_indirect_dma source(%arg28 : memref<128xf32, #tpu.memory_space<vmem>>) target(%dma_start3A_779 : memref<100096xf32, #tpu.memory_space<vmem_shared>>) offsets(%arg18 : memref<128xi32, #tpu.memory_space<vmem>>) semaphore(%arg50 : memref<!tpu.dma_semaphore, #tpu.memory_space<semaphore_mem>>) {add = true}
      %dma_start3A_780 = arith.constant 0 : i32
      %dma_start3A_781 = tpu.memref_slice %arg15[%dma_start3A_780] : memref<100096xf32, #tpu.memory_space<vmem_shared>> -> memref<100096xf32, #tpu.memory_space<vmem_shared>>
      tpu.enqueue_indirect_dma source(%arg29 : memref<128xf32, #tpu.memory_space<vmem>>) target(%dma_start3A_781 : memref<100096xf32, #tpu.memory_space<vmem_shared>>) offsets(%arg18 : memref<128xi32, #tpu.memory_space<vmem>>) semaphore(%arg50 : memref<!tpu.dma_semaphore, #tpu.memory_space<semaphore_mem>>) {add = true}
      %dma_start3A_782 = arith.constant 0 : i32
      %dma_start3A_783 = tpu.memref_slice %arg16[%dma_start3A_782] : memref<100096xf32, #tpu.memory_space<vmem_shared>> -> memref<100096xf32, #tpu.memory_space<vmem_shared>>
      tpu.enqueue_indirect_dma source(%arg30 : memref<128xf32, #tpu.memory_space<vmem>>) target(%dma_start3A_783 : memref<100096xf32, #tpu.memory_space<vmem_shared>>) offsets(%arg18 : memref<128xi32, #tpu.memory_space<vmem>>) semaphore(%arg50 : memref<!tpu.dma_semaphore, #tpu.memory_space<semaphore_mem>>) {add = true}
      %add3A_784 = arith.constant 1 : i32
      %add3A_785 = arith.addi %add3A_81, %add3A_784 : i32
      %mul3A_786 = arith.constant 128 : i32
      %mul3A_787 = arith.muli %add3A_785, %mul3A_786 : i32
      %multiple_of3A_788 = tpu.assume_multiple %mul3A_787, 128 : i32
      %add3A_789 = arith.constant 6400000 : i32
      %add3A_790 = arith.addi %multiple_of3A_788, %add3A_789 : i32
      %add3A_791 = arith.constant 6400000 : i32
      %add3A_792 = arith.addi %multiple_of3A_788, %add3A_791 : i32
      %add3A_793 = arith.constant 12800000 : i32
      %add3A_794 = arith.addi %multiple_of3A_788, %add3A_793 : i32
      %dma_wait3A_795 = tpu.memref_slice %arg2[%multiple_of3A_788] : memref<12800000xi32, #tpu.memory_space<hbm>> -> memref<128xi32, #tpu.memory_space<hbm>>
      %dma_wait3A_796 = tpu.memref_slice %arg2[%multiple_of3A_788] : memref<12800000xi32, #tpu.memory_space<hbm>> -> memref<128xi32, #tpu.memory_space<hbm>>
      tpu.wait_dma2 semaphore(%arg47 : memref<!tpu.dma_semaphore, #tpu.memory_space<semaphore_mem>>) src(%dma_wait3A_796 : memref<128xi32, #tpu.memory_space<hbm>>) dst(%arg31 : memref<128xi32, #tpu.memory_space<vmem>>)
      %dma_wait3A_797 = tpu.memref_slice %arg2[%add3A_790] : memref<12800000xi32, #tpu.memory_space<hbm>> -> memref<128xi32, #tpu.memory_space<hbm>>
      %dma_wait3A_798 = tpu.memref_slice %arg2[%add3A_790] : memref<12800000xi32, #tpu.memory_space<hbm>> -> memref<128xi32, #tpu.memory_space<hbm>>
      tpu.wait_dma2 semaphore(%arg47 : memref<!tpu.dma_semaphore, #tpu.memory_space<semaphore_mem>>) src(%dma_wait3A_798 : memref<128xi32, #tpu.memory_space<hbm>>) dst(%arg32 : memref<128xi32, #tpu.memory_space<vmem>>)
      %dma_wait3A_799 = tpu.memref_slice %arg3[%multiple_of3A_788] : memref<6400000xf32, #tpu.memory_space<hbm>> -> memref<128xf32, #tpu.memory_space<hbm>>
      %dma_wait3A_800 = tpu.memref_slice %arg3[%multiple_of3A_788] : memref<6400000xf32, #tpu.memory_space<hbm>> -> memref<128xf32, #tpu.memory_space<hbm>>
      tpu.wait_dma2 semaphore(%arg47 : memref<!tpu.dma_semaphore, #tpu.memory_space<semaphore_mem>>) src(%dma_wait3A_800 : memref<128xf32, #tpu.memory_space<hbm>>) dst(%arg33 : memref<128xf32, #tpu.memory_space<vmem>>)
      %dma_wait3A_801 = tpu.memref_slice %arg4[%multiple_of3A_788] : memref<19200000xf32, #tpu.memory_space<hbm>> -> memref<128xf32, #tpu.memory_space<hbm>>
      %dma_wait3A_802 = tpu.memref_slice %arg4[%multiple_of3A_788] : memref<19200000xf32, #tpu.memory_space<hbm>> -> memref<128xf32, #tpu.memory_space<hbm>>
      tpu.wait_dma2 semaphore(%arg47 : memref<!tpu.dma_semaphore, #tpu.memory_space<semaphore_mem>>) src(%dma_wait3A_802 : memref<128xf32, #tpu.memory_space<hbm>>) dst(%arg34 : memref<128xf32, #tpu.memory_space<vmem>>)
      %dma_wait3A_803 = tpu.memref_slice %arg4[%add3A_792] : memref<19200000xf32, #tpu.memory_space<hbm>> -> memref<128xf32, #tpu.memory_space<hbm>>
      %dma_wait3A_804 = tpu.memref_slice %arg4[%add3A_792] : memref<19200000xf32, #tpu.memory_space<hbm>> -> memref<128xf32, #tpu.memory_space<hbm>>
      tpu.wait_dma2 semaphore(%arg47 : memref<!tpu.dma_semaphore, #tpu.memory_space<semaphore_mem>>) src(%dma_wait3A_804 : memref<128xf32, #tpu.memory_space<hbm>>) dst(%arg35 : memref<128xf32, #tpu.memory_space<vmem>>)
      %dma_wait3A_805 = tpu.memref_slice %arg4[%add3A_794] : memref<19200000xf32, #tpu.memory_space<hbm>> -> memref<128xf32, #tpu.memory_space<hbm>>
      %dma_wait3A_806 = tpu.memref_slice %arg4[%add3A_794] : memref<19200000xf32, #tpu.memory_space<hbm>> -> memref<128xf32, #tpu.memory_space<hbm>>
      tpu.wait_dma2 semaphore(%arg47 : memref<!tpu.dma_semaphore, #tpu.memory_space<semaphore_mem>>) src(%dma_wait3A_806 : memref<128xf32, #tpu.memory_space<hbm>>) dst(%arg36 : memref<128xf32, #tpu.memory_space<vmem>>)
      %dma_start3A_807 = arith.constant 0 : i32
      %dma_start3A_808 = tpu.memref_slice %arg9[%dma_start3A_807] : memref<100096xf32, #tpu.memory_space<vmem_shared>> -> memref<100096xf32, #tpu.memory_space<vmem_shared>>
      tpu.enqueue_indirect_dma source(%dma_start3A_808 : memref<100096xf32, #tpu.memory_space<vmem_shared>>) target(%arg37 : memref<128xf32, #tpu.memory_space<vmem>>) offsets(%arg31 : memref<128xi32, #tpu.memory_space<vmem>>) semaphore(%arg49 : memref<!tpu.dma_semaphore, #tpu.memory_space<semaphore_mem>>)
      %dma_start3A_809 = arith.constant 0 : i32
      %dma_start3A_810 = tpu.memref_slice %arg10[%dma_start3A_809] : memref<100096xf32, #tpu.memory_space<vmem_shared>> -> memref<100096xf32, #tpu.memory_space<vmem_shared>>
      tpu.enqueue_indirect_dma source(%dma_start3A_810 : memref<100096xf32, #tpu.memory_space<vmem_shared>>) target(%arg38 : memref<128xf32, #tpu.memory_space<vmem>>) offsets(%arg31 : memref<128xi32, #tpu.memory_space<vmem>>) semaphore(%arg49 : memref<!tpu.dma_semaphore, #tpu.memory_space<semaphore_mem>>)
      %dma_start3A_811 = arith.constant 0 : i32
      %dma_start3A_812 = tpu.memref_slice %arg11[%dma_start3A_811] : memref<100096xf32, #tpu.memory_space<vmem_shared>> -> memref<100096xf32, #tpu.memory_space<vmem_shared>>
      tpu.enqueue_indirect_dma source(%dma_start3A_812 : memref<100096xf32, #tpu.memory_space<vmem_shared>>) target(%arg39 : memref<128xf32, #tpu.memory_space<vmem>>) offsets(%arg31 : memref<128xi32, #tpu.memory_space<vmem>>) semaphore(%arg49 : memref<!tpu.dma_semaphore, #tpu.memory_space<semaphore_mem>>)
      %dma_start3A_813 = arith.constant 0 : i32
      %dma_start3A_814 = tpu.memref_slice %arg12[%dma_start3A_813] : memref<100096xf32, #tpu.memory_space<vmem_shared>> -> memref<100096xf32, #tpu.memory_space<vmem_shared>>
      tpu.enqueue_indirect_dma source(%dma_start3A_814 : memref<100096xf32, #tpu.memory_space<vmem_shared>>) target(%arg40 : memref<128xf32, #tpu.memory_space<vmem>>) offsets(%arg31 : memref<128xi32, #tpu.memory_space<vmem>>) semaphore(%arg49 : memref<!tpu.dma_semaphore, #tpu.memory_space<semaphore_mem>>)
      %lt3A_815 = arith.constant 780 : i32
      %lt3A_816 = arith.cmpi slt, %scan3A_78, %lt3A_815 : i32
      %convert_element_type3A_817 = arith.extui %lt3A_816 : i1 to i32
      %cond3A_818 = arith.constant 0 : i32
      %cond3A_819 = arith.cmpi ne, %convert_element_type3A_817, %cond3A_818 : i32
      scf.if %cond3A_819 {
        %dma_wait3A_1468 = arith.constant 0 : i32
        %dma_wait3A_1469 = tpu.memref_slice %arg13[%dma_wait3A_1468] : memref<100096xf32, #tpu.memory_space<vmem_shared>> -> memref<100096xf32, #tpu.memory_space<vmem_shared>>
        tpu.wait_indirect_dma semaphore(%arg50 : memref<!tpu.dma_semaphore, #tpu.memory_space<semaphore_mem>>) src(%arg27 : memref<128xf32, #tpu.memory_space<vmem>>) dst(%dma_wait3A_1469 : memref<100096xf32, #tpu.memory_space<vmem_shared>>)
        %dma_wait3A_1470 = arith.constant 0 : i32
        %dma_wait3A_1471 = tpu.memref_slice %arg14[%dma_wait3A_1470] : memref<100096xf32, #tpu.memory_space<vmem_shared>> -> memref<100096xf32, #tpu.memory_space<vmem_shared>>
        tpu.wait_indirect_dma semaphore(%arg50 : memref<!tpu.dma_semaphore, #tpu.memory_space<semaphore_mem>>) src(%arg28 : memref<128xf32, #tpu.memory_space<vmem>>) dst(%dma_wait3A_1471 : memref<100096xf32, #tpu.memory_space<vmem_shared>>)
        %dma_wait3A_1472 = arith.constant 0 : i32
        %dma_wait3A_1473 = tpu.memref_slice %arg15[%dma_wait3A_1472] : memref<100096xf32, #tpu.memory_space<vmem_shared>> -> memref<100096xf32, #tpu.memory_space<vmem_shared>>
        tpu.wait_indirect_dma semaphore(%arg50 : memref<!tpu.dma_semaphore, #tpu.memory_space<semaphore_mem>>) src(%arg29 : memref<128xf32, #tpu.memory_space<vmem>>) dst(%dma_wait3A_1473 : memref<100096xf32, #tpu.memory_space<vmem_shared>>)
        %dma_wait3A_1474 = arith.constant 0 : i32
        %dma_wait3A_1475 = tpu.memref_slice %arg16[%dma_wait3A_1474] : memref<100096xf32, #tpu.memory_space<vmem_shared>> -> memref<100096xf32, #tpu.memory_space<vmem_shared>>
        tpu.wait_indirect_dma semaphore(%arg50 : memref<!tpu.dma_semaphore, #tpu.memory_space<semaphore_mem>>) src(%arg30 : memref<128xf32, #tpu.memory_space<vmem>>) dst(%dma_wait3A_1475 : memref<100096xf32, #tpu.memory_space<vmem_shared>>)
        %add3A_1476 = arith.constant 2 : i32
        %add3A_1477 = arith.addi %add3A_81, %add3A_1476 : i32
        %mul3A_1478 = arith.constant 128 : i32
        %mul3A_1479 = arith.muli %add3A_1477, %mul3A_1478 : i32
        %multiple_of3A_1480 = tpu.assume_multiple %mul3A_1479, 128 : i32
        %add3A_1481 = arith.constant 6400000 : i32
        %add3A_1482 = arith.addi %multiple_of3A_1480, %add3A_1481 : i32
        %add3A_1483 = arith.constant 6400000 : i32
        %add3A_1484 = arith.addi %multiple_of3A_1480, %add3A_1483 : i32
        %add3A_1485 = arith.constant 12800000 : i32
        %add3A_1486 = arith.addi %multiple_of3A_1480, %add3A_1485 : i32
        %dma_start3A_1487 = tpu.memref_slice %arg2[%multiple_of3A_1480] : memref<12800000xi32, #tpu.memory_space<hbm>> -> memref<128xi32, #tpu.memory_space<hbm>>
        %dma_start3A_1488 = tpu.memref_slice %arg2[%multiple_of3A_1480] : memref<12800000xi32, #tpu.memory_space<hbm>> -> memref<128xi32, #tpu.memory_space<hbm>>
        tpu.enqueue_dma source(%dma_start3A_1488 : memref<128xi32, #tpu.memory_space<hbm>>) target(%arg17 : memref<128xi32, #tpu.memory_space<vmem>>) target_semaphore(%arg46 : memref<!tpu.dma_semaphore, #tpu.memory_space<semaphore_mem>>)
        %dma_start3A_1489 = tpu.memref_slice %arg2[%add3A_1482] : memref<12800000xi32, #tpu.memory_space<hbm>> -> memref<128xi32, #tpu.memory_space<hbm>>
        %dma_start3A_1490 = tpu.memref_slice %arg2[%add3A_1482] : memref<12800000xi32, #tpu.memory_space<hbm>> -> memref<128xi32, #tpu.memory_space<hbm>>
        tpu.enqueue_dma source(%dma_start3A_1490 : memref<128xi32, #tpu.memory_space<hbm>>) target(%arg18 : memref<128xi32, #tpu.memory_space<vmem>>) target_semaphore(%arg46 : memref<!tpu.dma_semaphore, #tpu.memory_space<semaphore_mem>>)
        %dma_start3A_1491 = tpu.memref_slice %arg3[%multiple_of3A_1480] : memref<6400000xf32, #tpu.memory_space<hbm>> -> memref<128xf32, #tpu.memory_space<hbm>>
        %dma_start3A_1492 = tpu.memref_slice %arg3[%multiple_of3A_1480] : memref<6400000xf32, #tpu.memory_space<hbm>> -> memref<128xf32, #tpu.memory_space<hbm>>
        tpu.enqueue_dma source(%dma_start3A_1492 : memref<128xf32, #tpu.memory_space<hbm>>) target(%arg19 : memref<128xf32, #tpu.memory_space<vmem>>) target_semaphore(%arg46 : memref<!tpu.dma_semaphore, #tpu.memory_space<semaphore_mem>>)
        %dma_start3A_1493 = tpu.memref_slice %arg4[%multiple_of3A_1480] : memref<19200000xf32, #tpu.memory_space<hbm>> -> memref<128xf32, #tpu.memory_space<hbm>>
        %dma_start3A_1494 = tpu.memref_slice %arg4[%multiple_of3A_1480] : memref<19200000xf32, #tpu.memory_space<hbm>> -> memref<128xf32, #tpu.memory_space<hbm>>
        tpu.enqueue_dma source(%dma_start3A_1494 : memref<128xf32, #tpu.memory_space<hbm>>) target(%arg20 : memref<128xf32, #tpu.memory_space<vmem>>) target_semaphore(%arg46 : memref<!tpu.dma_semaphore, #tpu.memory_space<semaphore_mem>>)
        %dma_start3A_1495 = tpu.memref_slice %arg4[%add3A_1484] : memref<19200000xf32, #tpu.memory_space<hbm>> -> memref<128xf32, #tpu.memory_space<hbm>>
        %dma_start3A_1496 = tpu.memref_slice %arg4[%add3A_1484] : memref<19200000xf32, #tpu.memory_space<hbm>> -> memref<128xf32, #tpu.memory_space<hbm>>
        tpu.enqueue_dma source(%dma_start3A_1496 : memref<128xf32, #tpu.memory_space<hbm>>) target(%arg21 : memref<128xf32, #tpu.memory_space<vmem>>) target_semaphore(%arg46 : memref<!tpu.dma_semaphore, #tpu.memory_space<semaphore_mem>>)
        %dma_start3A_1497 = tpu.memref_slice %arg4[%add3A_1486] : memref<19200000xf32, #tpu.memory_space<hbm>> -> memref<128xf32, #tpu.memory_space<hbm>>
        %dma_start3A_1498 = tpu.memref_slice %arg4[%add3A_1486] : memref<19200000xf32, #tpu.memory_space<hbm>> -> memref<128xf32, #tpu.memory_space<hbm>>
        tpu.enqueue_dma source(%dma_start3A_1498 : memref<128xf32, #tpu.memory_space<hbm>>) target(%arg22 : memref<128xf32, #tpu.memory_space<vmem>>) target_semaphore(%arg46 : memref<!tpu.dma_semaphore, #tpu.memory_space<semaphore_mem>>)
      } else {
      }
      %dma_wait3A_820 = arith.constant 0 : i32
      %dma_wait3A_821 = tpu.memref_slice %arg9[%dma_wait3A_820] : memref<100096xf32, #tpu.memory_space<vmem_shared>> -> memref<100096xf32, #tpu.memory_space<vmem_shared>>
      tpu.wait_indirect_dma semaphore(%arg49 : memref<!tpu.dma_semaphore, #tpu.memory_space<semaphore_mem>>) src(%dma_wait3A_821 : memref<100096xf32, #tpu.memory_space<vmem_shared>>) dst(%arg37 : memref<128xf32, #tpu.memory_space<vmem>>)
      %dma_wait3A_822 = arith.constant 0 : i32
      %dma_wait3A_823 = tpu.memref_slice %arg10[%dma_wait3A_822] : memref<100096xf32, #tpu.memory_space<vmem_shared>> -> memref<100096xf32, #tpu.memory_space<vmem_shared>>
      tpu.wait_indirect_dma semaphore(%arg49 : memref<!tpu.dma_semaphore, #tpu.memory_space<semaphore_mem>>) src(%dma_wait3A_823 : memref<100096xf32, #tpu.memory_space<vmem_shared>>) dst(%arg38 : memref<128xf32, #tpu.memory_space<vmem>>)
      %dma_wait3A_824 = arith.constant 0 : i32
      %dma_wait3A_825 = tpu.memref_slice %arg11[%dma_wait3A_824] : memref<100096xf32, #tpu.memory_space<vmem_shared>> -> memref<100096xf32, #tpu.memory_space<vmem_shared>>
      tpu.wait_indirect_dma semaphore(%arg49 : memref<!tpu.dma_semaphore, #tpu.memory_space<semaphore_mem>>) src(%dma_wait3A_825 : memref<100096xf32, #tpu.memory_space<vmem_shared>>) dst(%arg39 : memref<128xf32, #tpu.memory_space<vmem>>)
      %dma_wait3A_826 = arith.constant 0 : i32
      %dma_wait3A_827 = tpu.memref_slice %arg12[%dma_wait3A_826] : memref<100096xf32, #tpu.memory_space<vmem_shared>> -> memref<100096xf32, #tpu.memory_space<vmem_shared>>
      tpu.wait_indirect_dma semaphore(%arg49 : memref<!tpu.dma_semaphore, #tpu.memory_space<semaphore_mem>>) src(%dma_wait3A_827 : memref<100096xf32, #tpu.memory_space<vmem_shared>>) dst(%arg40 : memref<128xf32, #tpu.memory_space<vmem>>)
      %get3A_828 = arith.constant 0 : index
      %get3A_829 = tpu.vector_load %arg37[%get3A_828] {strides = array<i32>} : memref<128xf32, #tpu.memory_space<vmem>>, vector<16xf32>,
      %get3A_830 = vector.shape_cast %get3A_829 : vector<16xf32> to vector<16xf32>
      %get3A_831 = arith.constant 0 : index
      %get3A_832 = tpu.vector_load %arg38[%get3A_831] {strides = array<i32>} : memref<128xf32, #tpu.memory_space<vmem>>, vector<16xf32>,
      %get3A_833 = vector.shape_cast %get3A_832 : vector<16xf32> to vector<16xf32>
      %get3A_834 = arith.constant 0 : index
      %get3A_835 = tpu.vector_load %arg39[%get3A_834] {strides = array<i32>} : memref<128xf32, #tpu.memory_space<vmem>>, vector<16xf32>,
      %get3A_836 = vector.shape_cast %get3A_835 : vector<16xf32> to vector<16xf32>
      %get3A_837 = arith.constant 0 : index
      %get3A_838 = tpu.vector_load %arg40[%get3A_837] {strides = array<i32>} : memref<128xf32, #tpu.memory_space<vmem>>, vector<16xf32>,
      %get3A_839 = vector.shape_cast %get3A_838 : vector<16xf32> to vector<16xf32>
      %get3A_840 = arith.constant 0 : index
      %get3A_841 = tpu.vector_load %arg34[%get3A_840] {strides = array<i32>} : memref<128xf32, #tpu.memory_space<vmem>>, vector<16xf32>,
      %get3A_842 = vector.shape_cast %get3A_841 : vector<16xf32> to vector<16xf32>
      %get3A_843 = arith.constant 0 : index
      %get3A_844 = tpu.vector_load %arg35[%get3A_843] {strides = array<i32>} : memref<128xf32, #tpu.memory_space<vmem>>, vector<16xf32>,
      %get3A_845 = vector.shape_cast %get3A_844 : vector<16xf32> to vector<16xf32>
      %get3A_846 = arith.constant 0 : index
      %get3A_847 = tpu.vector_load %arg36[%get3A_846] {strides = array<i32>} : memref<128xf32, #tpu.memory_space<vmem>>, vector<16xf32>,
      %get3A_848 = vector.shape_cast %get3A_847 : vector<16xf32> to vector<16xf32>
      %get3A_849 = arith.constant 0 : index
      %get3A_850 = tpu.vector_load %arg33[%get3A_849] {strides = array<i32>} : memref<128xf32, #tpu.memory_space<vmem>>, vector<16xf32>,
      %get3A_851 = vector.shape_cast %get3A_850 : vector<16xf32> to vector<16xf32>
      %mul3A_852 = arith.mulf %get3A_842, %get3A_833 : vector<16xf32>
      %mul3A_853 = arith.mulf %get3A_845, %get3A_836 : vector<16xf32>
      %add3A_854 = arith.addf %mul3A_852, %mul3A_853 : vector<16xf32>
      %mul3A_855 = arith.mulf %get3A_848, %get3A_839 : vector<16xf32>
      %add3A_856 = arith.addf %add3A_854, %mul3A_855 : vector<16xf32>
      %mul3A_857 = arith.mulf %get3A_851, %get3A_830 : vector<16xf32>
      %mul3A_858 = arith.mulf %get3A_6, %mul3A_857 : vector<16xf32>
      %mul3A_859 = arith.mulf %get3A_21, %add3A_856 : vector<16xf32>
      %add3A_860 = arith.addf %mul3A_858, %mul3A_859 : vector<16xf32>
      %swap3A_861 = arith.constant 0 : index
      %swap3A_862 = tpu.vector_load %arg41[%swap3A_861] {strides = array<i32>} : memref<128xf32, #tpu.memory_space<vmem>>, vector<16xf32>,
      %swap3A_863 = vector.shape_cast %swap3A_862 : vector<16xf32> to vector<16xf32>
      %swap3A_864 = vector.shape_cast %add3A_860 : vector<16xf32> to vector<16xf32>
      tpu.vector_store %arg41[%swap3A_861], %swap3A_864 {strides = array<i32>} : memref<128xf32, #tpu.memory_space<vmem>>, vector<16xf32>,
      %mul3A_865 = arith.mulf %get3A_851, %get3A_833 : vector<16xf32>
      %mul3A_866 = arith.mulf %get3A_11, %mul3A_865 : vector<16xf32>
      %mul3A_867 = arith.mulf %get3A_830, %get3A_842 : vector<16xf32>
      %mul3A_868 = arith.mulf %get3A_16, %mul3A_867 : vector<16xf32>
      %add3A_869 = arith.addf %mul3A_866, %mul3A_868 : vector<16xf32>
      %mul3A_870 = arith.mulf %get3A_845, %get3A_839 : vector<16xf32>
      %mul3A_871 = arith.mulf %get3A_848, %get3A_836 : vector<16xf32>
      %sub3A_872 = arith.subf %mul3A_870, %mul3A_871 : vector<16xf32>
      %mul3A_873 = arith.mulf %get3A_26, %sub3A_872 : vector<16xf32>
      %add3A_874 = arith.addf %add3A_869, %mul3A_873 : vector<16xf32>
      %swap3A_875 = arith.constant 0 : index
      %swap3A_876 = tpu.vector_load %arg42[%swap3A_875] {strides = array<i32>} : memref<128xf32, #tpu.memory_space<vmem>>, vector<16xf32>,
      %swap3A_877 = vector.shape_cast %swap3A_876 : vector<16xf32> to vector<16xf32>
      %swap3A_878 = vector.shape_cast %add3A_874 : vector<16xf32> to vector<16xf32>
      tpu.vector_store %arg42[%swap3A_875], %swap3A_878 {strides = array<i32>} : memref<128xf32, #tpu.memory_space<vmem>>, vector<16xf32>,
      %mul3A_879 = arith.mulf %get3A_851, %get3A_836 : vector<16xf32>
      %mul3A_880 = arith.mulf %get3A_11, %mul3A_879 : vector<16xf32>
      %mul3A_881 = arith.mulf %get3A_830, %get3A_845 : vector<16xf32>
      %mul3A_882 = arith.mulf %get3A_16, %mul3A_881 : vector<16xf32>
      %add3A_883 = arith.addf %mul3A_880, %mul3A_882 : vector<16xf32>
      %mul3A_884 = arith.mulf %get3A_848, %get3A_833 : vector<16xf32>
      %mul3A_885 = arith.mulf %get3A_842, %get3A_839 : vector<16xf32>
      %sub3A_886 = arith.subf %mul3A_884, %mul3A_885 : vector<16xf32>
      %mul3A_887 = arith.mulf %get3A_26, %sub3A_886 : vector<16xf32>
      %add3A_888 = arith.addf %add3A_883, %mul3A_887 : vector<16xf32>
      %swap3A_889 = arith.constant 0 : index
      %swap3A_890 = tpu.vector_load %arg43[%swap3A_889] {strides = array<i32>} : memref<128xf32, #tpu.memory_space<vmem>>, vector<16xf32>,
      %swap3A_891 = vector.shape_cast %swap3A_890 : vector<16xf32> to vector<16xf32>
      %swap3A_892 = vector.shape_cast %add3A_888 : vector<16xf32> to vector<16xf32>
      tpu.vector_store %arg43[%swap3A_889], %swap3A_892 {strides = array<i32>} : memref<128xf32, #tpu.memory_space<vmem>>, vector<16xf32>,
      %mul3A_893 = arith.mulf %get3A_851, %get3A_839 : vector<16xf32>
      %mul3A_894 = arith.mulf %get3A_11, %mul3A_893 : vector<16xf32>
      %mul3A_895 = arith.mulf %get3A_830, %get3A_848 : vector<16xf32>
      %mul3A_896 = arith.mulf %get3A_16, %mul3A_895 : vector<16xf32>
      %add3A_897 = arith.addf %mul3A_894, %mul3A_896 : vector<16xf32>
      %mul3A_898 = arith.mulf %get3A_842, %get3A_836 : vector<16xf32>
      %mul3A_899 = arith.mulf %get3A_845, %get3A_833 : vector<16xf32>
      %sub3A_900 = arith.subf %mul3A_898, %mul3A_899 : vector<16xf32>
      %mul3A_901 = arith.mulf %get3A_26, %sub3A_900 : vector<16xf32>
      %add3A_902 = arith.addf %add3A_897, %mul3A_901 : vector<16xf32>
      %swap3A_903 = arith.constant 0 : index
      %swap3A_904 = tpu.vector_load %arg44[%swap3A_903] {strides = array<i32>} : memref<128xf32, #tpu.memory_space<vmem>>, vector<16xf32>,
      %swap3A_905 = vector.shape_cast %swap3A_904 : vector<16xf32> to vector<16xf32>
      %swap3A_906 = vector.shape_cast %add3A_902 : vector<16xf32> to vector<16xf32>
      tpu.vector_store %arg44[%swap3A_903], %swap3A_906 {strides = array<i32>} : memref<128xf32, #tpu.memory_space<vmem>>, vector<16xf32>,
      %get3A_907 = arith.constant 16 : index
      %get3A_908 = tpu.vector_load %arg37[%get3A_907] {strides = array<i32>} : memref<128xf32, #tpu.memory_space<vmem>>, vector<16xf32>,
      %get3A_909 = vector.shape_cast %get3A_908 : vector<16xf32> to vector<16xf32>
      %get3A_910 = arith.constant 16 : index
      %get3A_911 = tpu.vector_load %arg38[%get3A_910] {strides = array<i32>} : memref<128xf32, #tpu.memory_space<vmem>>, vector<16xf32>,
      %get3A_912 = vector.shape_cast %get3A_911 : vector<16xf32> to vector<16xf32>
      %get3A_913 = arith.constant 16 : index
      %get3A_914 = tpu.vector_load %arg39[%get3A_913] {strides = array<i32>} : memref<128xf32, #tpu.memory_space<vmem>>, vector<16xf32>,
      %get3A_915 = vector.shape_cast %get3A_914 : vector<16xf32> to vector<16xf32>
      %get3A_916 = arith.constant 16 : index
      %get3A_917 = tpu.vector_load %arg40[%get3A_916] {strides = array<i32>} : memref<128xf32, #tpu.memory_space<vmem>>, vector<16xf32>,
      %get3A_918 = vector.shape_cast %get3A_917 : vector<16xf32> to vector<16xf32>
      %get3A_919 = arith.constant 16 : index
      %get3A_920 = tpu.vector_load %arg34[%get3A_919] {strides = array<i32>} : memref<128xf32, #tpu.memory_space<vmem>>, vector<16xf32>,
      %get3A_921 = vector.shape_cast %get3A_920 : vector<16xf32> to vector<16xf32>
      %get3A_922 = arith.constant 16 : index
      %get3A_923 = tpu.vector_load %arg35[%get3A_922] {strides = array<i32>} : memref<128xf32, #tpu.memory_space<vmem>>, vector<16xf32>,
      %get3A_924 = vector.shape_cast %get3A_923 : vector<16xf32> to vector<16xf32>
      %get3A_925 = arith.constant 16 : index
      %get3A_926 = tpu.vector_load %arg36[%get3A_925] {strides = array<i32>} : memref<128xf32, #tpu.memory_space<vmem>>, vector<16xf32>,
      %get3A_927 = vector.shape_cast %get3A_926 : vector<16xf32> to vector<16xf32>
      %get3A_928 = arith.constant 16 : index
      %get3A_929 = tpu.vector_load %arg33[%get3A_928] {strides = array<i32>} : memref<128xf32, #tpu.memory_space<vmem>>, vector<16xf32>,
      %get3A_930 = vector.shape_cast %get3A_929 : vector<16xf32> to vector<16xf32>
      %mul3A_931 = arith.mulf %get3A_921, %get3A_912 : vector<16xf32>
      %mul3A_932 = arith.mulf %get3A_924, %get3A_915 : vector<16xf32>
      %add3A_933 = arith.addf %mul3A_931, %mul3A_932 : vector<16xf32>
      %mul3A_934 = arith.mulf %get3A_927, %get3A_918 : vector<16xf32>
      %add3A_935 = arith.addf %add3A_933, %mul3A_934 : vector<16xf32>
      %mul3A_936 = arith.mulf %get3A_930, %get3A_909 : vector<16xf32>
      %mul3A_937 = arith.mulf %get3A_6, %mul3A_936 : vector<16xf32>
      %mul3A_938 = arith.mulf %get3A_21, %add3A_935 : vector<16xf32>
      %add3A_939 = arith.addf %mul3A_937, %mul3A_938 : vector<16xf32>
      %swap3A_940 = arith.constant 16 : index
      %swap3A_941 = tpu.vector_load %arg41[%swap3A_940] {strides = array<i32>} : memref<128xf32, #tpu.memory_space<vmem>>, vector<16xf32>,
      %swap3A_942 = vector.shape_cast %swap3A_941 : vector<16xf32> to vector<16xf32>
      %swap3A_943 = vector.shape_cast %add3A_939 : vector<16xf32> to vector<16xf32>
      tpu.vector_store %arg41[%swap3A_940], %swap3A_943 {strides = array<i32>} : memref<128xf32, #tpu.memory_space<vmem>>, vector<16xf32>,
      %mul3A_944 = arith.mulf %get3A_930, %get3A_912 : vector<16xf32>
      %mul3A_945 = arith.mulf %get3A_11, %mul3A_944 : vector<16xf32>
      %mul3A_946 = arith.mulf %get3A_909, %get3A_921 : vector<16xf32>
      %mul3A_947 = arith.mulf %get3A_16, %mul3A_946 : vector<16xf32>
      %add3A_948 = arith.addf %mul3A_945, %mul3A_947 : vector<16xf32>
      %mul3A_949 = arith.mulf %get3A_924, %get3A_918 : vector<16xf32>
      %mul3A_950 = arith.mulf %get3A_927, %get3A_915 : vector<16xf32>
      %sub3A_951 = arith.subf %mul3A_949, %mul3A_950 : vector<16xf32>
      %mul3A_952 = arith.mulf %get3A_26, %sub3A_951 : vector<16xf32>
      %add3A_953 = arith.addf %add3A_948, %mul3A_952 : vector<16xf32>
      %swap3A_954 = arith.constant 16 : index
      %swap3A_955 = tpu.vector_load %arg42[%swap3A_954] {strides = array<i32>} : memref<128xf32, #tpu.memory_space<vmem>>, vector<16xf32>,
      %swap3A_956 = vector.shape_cast %swap3A_955 : vector<16xf32> to vector<16xf32>
      %swap3A_957 = vector.shape_cast %add3A_953 : vector<16xf32> to vector<16xf32>
      tpu.vector_store %arg42[%swap3A_954], %swap3A_957 {strides = array<i32>} : memref<128xf32, #tpu.memory_space<vmem>>, vector<16xf32>,
      %mul3A_958 = arith.mulf %get3A_930, %get3A_915 : vector<16xf32>
      %mul3A_959 = arith.mulf %get3A_11, %mul3A_958 : vector<16xf32>
      %mul3A_960 = arith.mulf %get3A_909, %get3A_924 : vector<16xf32>
      %mul3A_961 = arith.mulf %get3A_16, %mul3A_960 : vector<16xf32>
      %add3A_962 = arith.addf %mul3A_959, %mul3A_961 : vector<16xf32>
      %mul3A_963 = arith.mulf %get3A_927, %get3A_912 : vector<16xf32>
      %mul3A_964 = arith.mulf %get3A_921, %get3A_918 : vector<16xf32>
      %sub3A_965 = arith.subf %mul3A_963, %mul3A_964 : vector<16xf32>
      %mul3A_966 = arith.mulf %get3A_26, %sub3A_965 : vector<16xf32>
      %add3A_967 = arith.addf %add3A_962, %mul3A_966 : vector<16xf32>
      %swap3A_968 = arith.constant 16 : index
      %swap3A_969 = tpu.vector_load %arg43[%swap3A_968] {strides = array<i32>} : memref<128xf32, #tpu.memory_space<vmem>>, vector<16xf32>,
      %swap3A_970 = vector.shape_cast %swap3A_969 : vector<16xf32> to vector<16xf32>
      %swap3A_971 = vector.shape_cast %add3A_967 : vector<16xf32> to vector<16xf32>
      tpu.vector_store %arg43[%swap3A_968], %swap3A_971 {strides = array<i32>} : memref<128xf32, #tpu.memory_space<vmem>>, vector<16xf32>,
      %mul3A_972 = arith.mulf %get3A_930, %get3A_918 : vector<16xf32>
      %mul3A_973 = arith.mulf %get3A_11, %mul3A_972 : vector<16xf32>
      %mul3A_974 = arith.mulf %get3A_909, %get3A_927 : vector<16xf32>
      %mul3A_975 = arith.mulf %get3A_16, %mul3A_974 : vector<16xf32>
      %add3A_976 = arith.addf %mul3A_973, %mul3A_975 : vector<16xf32>
      %mul3A_977 = arith.mulf %get3A_921, %get3A_915 : vector<16xf32>
      %mul3A_978 = arith.mulf %get3A_924, %get3A_912 : vector<16xf32>
      %sub3A_979 = arith.subf %mul3A_977, %mul3A_978 : vector<16xf32>
      %mul3A_980 = arith.mulf %get3A_26, %sub3A_979 : vector<16xf32>
      %add3A_981 = arith.addf %add3A_976, %mul3A_980 : vector<16xf32>
      %swap3A_982 = arith.constant 16 : index
      %swap3A_983 = tpu.vector_load %arg44[%swap3A_982] {strides = array<i32>} : memref<128xf32, #tpu.memory_space<vmem>>, vector<16xf32>,
      %swap3A_984 = vector.shape_cast %swap3A_983 : vector<16xf32> to vector<16xf32>
      %swap3A_985 = vector.shape_cast %add3A_981 : vector<16xf32> to vector<16xf32>
      tpu.vector_store %arg44[%swap3A_982], %swap3A_985 {strides = array<i32>} : memref<128xf32, #tpu.memory_space<vmem>>, vector<16xf32>,
      %get3A_986 = arith.constant 32 : index
      %get3A_987 = tpu.vector_load %arg37[%get3A_986] {strides = array<i32>} : memref<128xf32, #tpu.memory_space<vmem>>, vector<16xf32>,
      %get3A_988 = vector.shape_cast %get3A_987 : vector<16xf32> to vector<16xf32>
      %get3A_989 = arith.constant 32 : index
      %get3A_990 = tpu.vector_load %arg38[%get3A_989] {strides = array<i32>} : memref<128xf32, #tpu.memory_space<vmem>>, vector<16xf32>,
      %get3A_991 = vector.shape_cast %get3A_990 : vector<16xf32> to vector<16xf32>
      %get3A_992 = arith.constant 32 : index
      %get3A_993 = tpu.vector_load %arg39[%get3A_992] {strides = array<i32>} : memref<128xf32, #tpu.memory_space<vmem>>, vector<16xf32>,
      %get3A_994 = vector.shape_cast %get3A_993 : vector<16xf32> to vector<16xf32>
      %get3A_995 = arith.constant 32 : index
      %get3A_996 = tpu.vector_load %arg40[%get3A_995] {strides = array<i32>} : memref<128xf32, #tpu.memory_space<vmem>>, vector<16xf32>,
      %get3A_997 = vector.shape_cast %get3A_996 : vector<16xf32> to vector<16xf32>
      %get3A_998 = arith.constant 32 : index
      %get3A_999 = tpu.vector_load %arg34[%get3A_998] {strides = array<i32>} : memref<128xf32, #tpu.memory_space<vmem>>, vector<16xf32>,
      %get3A_1000 = vector.shape_cast %get3A_999 : vector<16xf32> to vector<16xf32>
      %get3A_1001 = arith.constant 32 : index
      %get3A_1002 = tpu.vector_load %arg35[%get3A_1001] {strides = array<i32>} : memref<128xf32, #tpu.memory_space<vmem>>, vector<16xf32>,
      %get3A_1003 = vector.shape_cast %get3A_1002 : vector<16xf32> to vector<16xf32>
      %get3A_1004 = arith.constant 32 : index
      %get3A_1005 = tpu.vector_load %arg36[%get3A_1004] {strides = array<i32>} : memref<128xf32, #tpu.memory_space<vmem>>, vector<16xf32>,
      %get3A_1006 = vector.shape_cast %get3A_1005 : vector<16xf32> to vector<16xf32>
      %get3A_1007 = arith.constant 32 : index
      %get3A_1008 = tpu.vector_load %arg33[%get3A_1007] {strides = array<i32>} : memref<128xf32, #tpu.memory_space<vmem>>, vector<16xf32>,
      %get3A_1009 = vector.shape_cast %get3A_1008 : vector<16xf32> to vector<16xf32>
      %mul3A_1010 = arith.mulf %get3A_1000, %get3A_991 : vector<16xf32>
      %mul3A_1011 = arith.mulf %get3A_1003, %get3A_994 : vector<16xf32>
      %add3A_1012 = arith.addf %mul3A_1010, %mul3A_1011 : vector<16xf32>
      %mul3A_1013 = arith.mulf %get3A_1006, %get3A_997 : vector<16xf32>
      %add3A_1014 = arith.addf %add3A_1012, %mul3A_1013 : vector<16xf32>
      %mul3A_1015 = arith.mulf %get3A_1009, %get3A_988 : vector<16xf32>
      %mul3A_1016 = arith.mulf %get3A_6, %mul3A_1015 : vector<16xf32>
      %mul3A_1017 = arith.mulf %get3A_21, %add3A_1014 : vector<16xf32>
      %add3A_1018 = arith.addf %mul3A_1016, %mul3A_1017 : vector<16xf32>
      %swap3A_1019 = arith.constant 32 : index
      %swap3A_1020 = tpu.vector_load %arg41[%swap3A_1019] {strides = array<i32>} : memref<128xf32, #tpu.memory_space<vmem>>, vector<16xf32>,
      %swap3A_1021 = vector.shape_cast %swap3A_1020 : vector<16xf32> to vector<16xf32>
      %swap3A_1022 = vector.shape_cast %add3A_1018 : vector<16xf32> to vector<16xf32>
      tpu.vector_store %arg41[%swap3A_1019], %swap3A_1022 {strides = array<i32>} : memref<128xf32, #tpu.memory_space<vmem>>, vector<16xf32>,
      %mul3A_1023 = arith.mulf %get3A_1009, %get3A_991 : vector<16xf32>
      %mul3A_1024 = arith.mulf %get3A_11, %mul3A_1023 : vector<16xf32>
      %mul3A_1025 = arith.mulf %get3A_988, %get3A_1000 : vector<16xf32>
      %mul3A_1026 = arith.mulf %get3A_16, %mul3A_1025 : vector<16xf32>
      %add3A_1027 = arith.addf %mul3A_1024, %mul3A_1026 : vector<16xf32>
      %mul3A_1028 = arith.mulf %get3A_1003, %get3A_997 : vector<16xf32>
      %mul3A_1029 = arith.mulf %get3A_1006, %get3A_994 : vector<16xf32>
      %sub3A_1030 = arith.subf %mul3A_1028, %mul3A_1029 : vector<16xf32>
      %mul3A_1031 = arith.mulf %get3A_26, %sub3A_1030 : vector<16xf32>
      %add3A_1032 = arith.addf %add3A_1027, %mul3A_1031 : vector<16xf32>
      %swap3A_1033 = arith.constant 32 : index
      %swap3A_1034 = tpu.vector_load %arg42[%swap3A_1033] {strides = array<i32>} : memref<128xf32, #tpu.memory_space<vmem>>, vector<16xf32>,
      %swap3A_1035 = vector.shape_cast %swap3A_1034 : vector<16xf32> to vector<16xf32>
      %swap3A_1036 = vector.shape_cast %add3A_1032 : vector<16xf32> to vector<16xf32>
      tpu.vector_store %arg42[%swap3A_1033], %swap3A_1036 {strides = array<i32>} : memref<128xf32, #tpu.memory_space<vmem>>, vector<16xf32>,
      %mul3A_1037 = arith.mulf %get3A_1009, %get3A_994 : vector<16xf32>
      %mul3A_1038 = arith.mulf %get3A_11, %mul3A_1037 : vector<16xf32>
      %mul3A_1039 = arith.mulf %get3A_988, %get3A_1003 : vector<16xf32>
      %mul3A_1040 = arith.mulf %get3A_16, %mul3A_1039 : vector<16xf32>
      %add3A_1041 = arith.addf %mul3A_1038, %mul3A_1040 : vector<16xf32>
      %mul3A_1042 = arith.mulf %get3A_1006, %get3A_991 : vector<16xf32>
      %mul3A_1043 = arith.mulf %get3A_1000, %get3A_997 : vector<16xf32>
      %sub3A_1044 = arith.subf %mul3A_1042, %mul3A_1043 : vector<16xf32>
      %mul3A_1045 = arith.mulf %get3A_26, %sub3A_1044 : vector<16xf32>
      %add3A_1046 = arith.addf %add3A_1041, %mul3A_1045 : vector<16xf32>
      %swap3A_1047 = arith.constant 32 : index
      %swap3A_1048 = tpu.vector_load %arg43[%swap3A_1047] {strides = array<i32>} : memref<128xf32, #tpu.memory_space<vmem>>, vector<16xf32>,
      %swap3A_1049 = vector.shape_cast %swap3A_1048 : vector<16xf32> to vector<16xf32>
      %swap3A_1050 = vector.shape_cast %add3A_1046 : vector<16xf32> to vector<16xf32>
      tpu.vector_store %arg43[%swap3A_1047], %swap3A_1050 {strides = array<i32>} : memref<128xf32, #tpu.memory_space<vmem>>, vector<16xf32>,
      %mul3A_1051 = arith.mulf %get3A_1009, %get3A_997 : vector<16xf32>
      %mul3A_1052 = arith.mulf %get3A_11, %mul3A_1051 : vector<16xf32>
      %mul3A_1053 = arith.mulf %get3A_988, %get3A_1006 : vector<16xf32>
      %mul3A_1054 = arith.mulf %get3A_16, %mul3A_1053 : vector<16xf32>
      %add3A_1055 = arith.addf %mul3A_1052, %mul3A_1054 : vector<16xf32>
      %mul3A_1056 = arith.mulf %get3A_1000, %get3A_994 : vector<16xf32>
      %mul3A_1057 = arith.mulf %get3A_1003, %get3A_991 : vector<16xf32>
      %sub3A_1058 = arith.subf %mul3A_1056, %mul3A_1057 : vector<16xf32>
      %mul3A_1059 = arith.mulf %get3A_26, %sub3A_1058 : vector<16xf32>
      %add3A_1060 = arith.addf %add3A_1055, %mul3A_1059 : vector<16xf32>
      %swap3A_1061 = arith.constant 32 : index
      %swap3A_1062 = tpu.vector_load %arg44[%swap3A_1061] {strides = array<i32>} : memref<128xf32, #tpu.memory_space<vmem>>, vector<16xf32>,
      %swap3A_1063 = vector.shape_cast %swap3A_1062 : vector<16xf32> to vector<16xf32>
      %swap3A_1064 = vector.shape_cast %add3A_1060 : vector<16xf32> to vector<16xf32>
      tpu.vector_store %arg44[%swap3A_1061], %swap3A_1064 {strides = array<i32>} : memref<128xf32, #tpu.memory_space<vmem>>, vector<16xf32>,
      %get3A_1065 = arith.constant 48 : index
      %get3A_1066 = tpu.vector_load %arg37[%get3A_1065] {strides = array<i32>} : memref<128xf32, #tpu.memory_space<vmem>>, vector<16xf32>,
      %get3A_1067 = vector.shape_cast %get3A_1066 : vector<16xf32> to vector<16xf32>
      %get3A_1068 = arith.constant 48 : index
      %get3A_1069 = tpu.vector_load %arg38[%get3A_1068] {strides = array<i32>} : memref<128xf32, #tpu.memory_space<vmem>>, vector<16xf32>,
      %get3A_1070 = vector.shape_cast %get3A_1069 : vector<16xf32> to vector<16xf32>
      %get3A_1071 = arith.constant 48 : index
      %get3A_1072 = tpu.vector_load %arg39[%get3A_1071] {strides = array<i32>} : memref<128xf32, #tpu.memory_space<vmem>>, vector<16xf32>,
      %get3A_1073 = vector.shape_cast %get3A_1072 : vector<16xf32> to vector<16xf32>
      %get3A_1074 = arith.constant 48 : index
      %get3A_1075 = tpu.vector_load %arg40[%get3A_1074] {strides = array<i32>} : memref<128xf32, #tpu.memory_space<vmem>>, vector<16xf32>,
      %get3A_1076 = vector.shape_cast %get3A_1075 : vector<16xf32> to vector<16xf32>
      %get3A_1077 = arith.constant 48 : index
      %get3A_1078 = tpu.vector_load %arg34[%get3A_1077] {strides = array<i32>} : memref<128xf32, #tpu.memory_space<vmem>>, vector<16xf32>,
      %get3A_1079 = vector.shape_cast %get3A_1078 : vector<16xf32> to vector<16xf32>
      %get3A_1080 = arith.constant 48 : index
      %get3A_1081 = tpu.vector_load %arg35[%get3A_1080] {strides = array<i32>} : memref<128xf32, #tpu.memory_space<vmem>>, vector<16xf32>,
      %get3A_1082 = vector.shape_cast %get3A_1081 : vector<16xf32> to vector<16xf32>
      %get3A_1083 = arith.constant 48 : index
      %get3A_1084 = tpu.vector_load %arg36[%get3A_1083] {strides = array<i32>} : memref<128xf32, #tpu.memory_space<vmem>>, vector<16xf32>,
      %get3A_1085 = vector.shape_cast %get3A_1084 : vector<16xf32> to vector<16xf32>
      %get3A_1086 = arith.constant 48 : index
      %get3A_1087 = tpu.vector_load %arg33[%get3A_1086] {strides = array<i32>} : memref<128xf32, #tpu.memory_space<vmem>>, vector<16xf32>,
      %get3A_1088 = vector.shape_cast %get3A_1087 : vector<16xf32> to vector<16xf32>
      %mul3A_1089 = arith.mulf %get3A_1079, %get3A_1070 : vector<16xf32>
      %mul3A_1090 = arith.mulf %get3A_1082, %get3A_1073 : vector<16xf32>
      %add3A_1091 = arith.addf %mul3A_1089, %mul3A_1090 : vector<16xf32>
      %mul3A_1092 = arith.mulf %get3A_1085, %get3A_1076 : vector<16xf32>
      %add3A_1093 = arith.addf %add3A_1091, %mul3A_1092 : vector<16xf32>
      %mul3A_1094 = arith.mulf %get3A_1088, %get3A_1067 : vector<16xf32>
      %mul3A_1095 = arith.mulf %get3A_6, %mul3A_1094 : vector<16xf32>
      %mul3A_1096 = arith.mulf %get3A_21, %add3A_1093 : vector<16xf32>
      %add3A_1097 = arith.addf %mul3A_1095, %mul3A_1096 : vector<16xf32>
      %swap3A_1098 = arith.constant 48 : index
      %swap3A_1099 = tpu.vector_load %arg41[%swap3A_1098] {strides = array<i32>} : memref<128xf32, #tpu.memory_space<vmem>>, vector<16xf32>,
      %swap3A_1100 = vector.shape_cast %swap3A_1099 : vector<16xf32> to vector<16xf32>
      %swap3A_1101 = vector.shape_cast %add3A_1097 : vector<16xf32> to vector<16xf32>
      tpu.vector_store %arg41[%swap3A_1098], %swap3A_1101 {strides = array<i32>} : memref<128xf32, #tpu.memory_space<vmem>>, vector<16xf32>,
      %mul3A_1102 = arith.mulf %get3A_1088, %get3A_1070 : vector<16xf32>
      %mul3A_1103 = arith.mulf %get3A_11, %mul3A_1102 : vector<16xf32>
      %mul3A_1104 = arith.mulf %get3A_1067, %get3A_1079 : vector<16xf32>
      %mul3A_1105 = arith.mulf %get3A_16, %mul3A_1104 : vector<16xf32>
      %add3A_1106 = arith.addf %mul3A_1103, %mul3A_1105 : vector<16xf32>
      %mul3A_1107 = arith.mulf %get3A_1082, %get3A_1076 : vector<16xf32>
      %mul3A_1108 = arith.mulf %get3A_1085, %get3A_1073 : vector<16xf32>
      %sub3A_1109 = arith.subf %mul3A_1107, %mul3A_1108 : vector<16xf32>
      %mul3A_1110 = arith.mulf %get3A_26, %sub3A_1109 : vector<16xf32>
      %add3A_1111 = arith.addf %add3A_1106, %mul3A_1110 : vector<16xf32>
      %swap3A_1112 = arith.constant 48 : index
      %swap3A_1113 = tpu.vector_load %arg42[%swap3A_1112] {strides = array<i32>} : memref<128xf32, #tpu.memory_space<vmem>>, vector<16xf32>,
      %swap3A_1114 = vector.shape_cast %swap3A_1113 : vector<16xf32> to vector<16xf32>
      %swap3A_1115 = vector.shape_cast %add3A_1111 : vector<16xf32> to vector<16xf32>
      tpu.vector_store %arg42[%swap3A_1112], %swap3A_1115 {strides = array<i32>} : memref<128xf32, #tpu.memory_space<vmem>>, vector<16xf32>,
      %mul3A_1116 = arith.mulf %get3A_1088, %get3A_1073 : vector<16xf32>
      %mul3A_1117 = arith.mulf %get3A_11, %mul3A_1116 : vector<16xf32>
      %mul3A_1118 = arith.mulf %get3A_1067, %get3A_1082 : vector<16xf32>
      %mul3A_1119 = arith.mulf %get3A_16, %mul3A_1118 : vector<16xf32>
      %add3A_1120 = arith.addf %mul3A_1117, %mul3A_1119 : vector<16xf32>
      %mul3A_1121 = arith.mulf %get3A_1085, %get3A_1070 : vector<16xf32>
      %mul3A_1122 = arith.mulf %get3A_1079, %get3A_1076 : vector<16xf32>
      %sub3A_1123 = arith.subf %mul3A_1121, %mul3A_1122 : vector<16xf32>
      %mul3A_1124 = arith.mulf %get3A_26, %sub3A_1123 : vector<16xf32>
      %add3A_1125 = arith.addf %add3A_1120, %mul3A_1124 : vector<16xf32>
      %swap3A_1126 = arith.constant 48 : index
      %swap3A_1127 = tpu.vector_load %arg43[%swap3A_1126] {strides = array<i32>} : memref<128xf32, #tpu.memory_space<vmem>>, vector<16xf32>,
      %swap3A_1128 = vector.shape_cast %swap3A_1127 : vector<16xf32> to vector<16xf32>
      %swap3A_1129 = vector.shape_cast %add3A_1125 : vector<16xf32> to vector<16xf32>
      tpu.vector_store %arg43[%swap3A_1126], %swap3A_1129 {strides = array<i32>} : memref<128xf32, #tpu.memory_space<vmem>>, vector<16xf32>,
      %mul3A_1130 = arith.mulf %get3A_1088, %get3A_1076 : vector<16xf32>
      %mul3A_1131 = arith.mulf %get3A_11, %mul3A_1130 : vector<16xf32>
      %mul3A_1132 = arith.mulf %get3A_1067, %get3A_1085 : vector<16xf32>
      %mul3A_1133 = arith.mulf %get3A_16, %mul3A_1132 : vector<16xf32>
      %add3A_1134 = arith.addf %mul3A_1131, %mul3A_1133 : vector<16xf32>
      %mul3A_1135 = arith.mulf %get3A_1079, %get3A_1073 : vector<16xf32>
      %mul3A_1136 = arith.mulf %get3A_1082, %get3A_1070 : vector<16xf32>
      %sub3A_1137 = arith.subf %mul3A_1135, %mul3A_1136 : vector<16xf32>
      %mul3A_1138 = arith.mulf %get3A_26, %sub3A_1137 : vector<16xf32>
      %add3A_1139 = arith.addf %add3A_1134, %mul3A_1138 : vector<16xf32>
      %swap3A_1140 = arith.constant 48 : index
      %swap3A_1141 = tpu.vector_load %arg44[%swap3A_1140] {strides = array<i32>} : memref<128xf32, #tpu.memory_space<vmem>>, vector<16xf32>,
      %swap3A_1142 = vector.shape_cast %swap3A_1141 : vector<16xf32> to vector<16xf32>
      %swap3A_1143 = vector.shape_cast %add3A_1139 : vector<16xf32> to vector<16xf32>
      tpu.vector_store %arg44[%swap3A_1140], %swap3A_1143 {strides = array<i32>} : memref<128xf32, #tpu.memory_space<vmem>>, vector<16xf32>,
      %get3A_1144 = arith.constant 64 : index
      %get3A_1145 = tpu.vector_load %arg37[%get3A_1144] {strides = array<i32>} : memref<128xf32, #tpu.memory_space<vmem>>, vector<16xf32>,
      %get3A_1146 = vector.shape_cast %get3A_1145 : vector<16xf32> to vector<16xf32>
      %get3A_1147 = arith.constant 64 : index
      %get3A_1148 = tpu.vector_load %arg38[%get3A_1147] {strides = array<i32>} : memref<128xf32, #tpu.memory_space<vmem>>, vector<16xf32>,
      %get3A_1149 = vector.shape_cast %get3A_1148 : vector<16xf32> to vector<16xf32>
      %get3A_1150 = arith.constant 64 : index
      %get3A_1151 = tpu.vector_load %arg39[%get3A_1150] {strides = array<i32>} : memref<128xf32, #tpu.memory_space<vmem>>, vector<16xf32>,
      %get3A_1152 = vector.shape_cast %get3A_1151 : vector<16xf32> to vector<16xf32>
      %get3A_1153 = arith.constant 64 : index
      %get3A_1154 = tpu.vector_load %arg40[%get3A_1153] {strides = array<i32>} : memref<128xf32, #tpu.memory_space<vmem>>, vector<16xf32>,
      %get3A_1155 = vector.shape_cast %get3A_1154 : vector<16xf32> to vector<16xf32>
      %get3A_1156 = arith.constant 64 : index
      %get3A_1157 = tpu.vector_load %arg34[%get3A_1156] {strides = array<i32>} : memref<128xf32, #tpu.memory_space<vmem>>, vector<16xf32>,
      %get3A_1158 = vector.shape_cast %get3A_1157 : vector<16xf32> to vector<16xf32>
      %get3A_1159 = arith.constant 64 : index
      %get3A_1160 = tpu.vector_load %arg35[%get3A_1159] {strides = array<i32>} : memref<128xf32, #tpu.memory_space<vmem>>, vector<16xf32>,
      %get3A_1161 = vector.shape_cast %get3A_1160 : vector<16xf32> to vector<16xf32>
      %get3A_1162 = arith.constant 64 : index
      %get3A_1163 = tpu.vector_load %arg36[%get3A_1162] {strides = array<i32>} : memref<128xf32, #tpu.memory_space<vmem>>, vector<16xf32>,
      %get3A_1164 = vector.shape_cast %get3A_1163 : vector<16xf32> to vector<16xf32>
      %get3A_1165 = arith.constant 64 : index
      %get3A_1166 = tpu.vector_load %arg33[%get3A_1165] {strides = array<i32>} : memref<128xf32, #tpu.memory_space<vmem>>, vector<16xf32>,
      %get3A_1167 = vector.shape_cast %get3A_1166 : vector<16xf32> to vector<16xf32>
      %mul3A_1168 = arith.mulf %get3A_1158, %get3A_1149 : vector<16xf32>
      %mul3A_1169 = arith.mulf %get3A_1161, %get3A_1152 : vector<16xf32>
      %add3A_1170 = arith.addf %mul3A_1168, %mul3A_1169 : vector<16xf32>
      %mul3A_1171 = arith.mulf %get3A_1164, %get3A_1155 : vector<16xf32>
      %add3A_1172 = arith.addf %add3A_1170, %mul3A_1171 : vector<16xf32>
      %mul3A_1173 = arith.mulf %get3A_1167, %get3A_1146 : vector<16xf32>
      %mul3A_1174 = arith.mulf %get3A_6, %mul3A_1173 : vector<16xf32>
      %mul3A_1175 = arith.mulf %get3A_21, %add3A_1172 : vector<16xf32>
      %add3A_1176 = arith.addf %mul3A_1174, %mul3A_1175 : vector<16xf32>
      %swap3A_1177 = arith.constant 64 : index
      %swap3A_1178 = tpu.vector_load %arg41[%swap3A_1177] {strides = array<i32>} : memref<128xf32, #tpu.memory_space<vmem>>, vector<16xf32>,
      %swap3A_1179 = vector.shape_cast %swap3A_1178 : vector<16xf32> to vector<16xf32>
      %swap3A_1180 = vector.shape_cast %add3A_1176 : vector<16xf32> to vector<16xf32>
      tpu.vector_store %arg41[%swap3A_1177], %swap3A_1180 {strides = array<i32>} : memref<128xf32, #tpu.memory_space<vmem>>, vector<16xf32>,
      %mul3A_1181 = arith.mulf %get3A_1167, %get3A_1149 : vector<16xf32>
      %mul3A_1182 = arith.mulf %get3A_11, %mul3A_1181 : vector<16xf32>
      %mul3A_1183 = arith.mulf %get3A_1146, %get3A_1158 : vector<16xf32>
      %mul3A_1184 = arith.mulf %get3A_16, %mul3A_1183 : vector<16xf32>
      %add3A_1185 = arith.addf %mul3A_1182, %mul3A_1184 : vector<16xf32>
      %mul3A_1186 = arith.mulf %get3A_1161, %get3A_1155 : vector<16xf32>
      %mul3A_1187 = arith.mulf %get3A_1164, %get3A_1152 : vector<16xf32>
      %sub3A_1188 = arith.subf %mul3A_1186, %mul3A_1187 : vector<16xf32>
      %mul3A_1189 = arith.mulf %get3A_26, %sub3A_1188 : vector<16xf32>
      %add3A_1190 = arith.addf %add3A_1185, %mul3A_1189 : vector<16xf32>
      %swap3A_1191 = arith.constant 64 : index
      %swap3A_1192 = tpu.vector_load %arg42[%swap3A_1191] {strides = array<i32>} : memref<128xf32, #tpu.memory_space<vmem>>, vector<16xf32>,
      %swap3A_1193 = vector.shape_cast %swap3A_1192 : vector<16xf32> to vector<16xf32>
      %swap3A_1194 = vector.shape_cast %add3A_1190 : vector<16xf32> to vector<16xf32>
      tpu.vector_store %arg42[%swap3A_1191], %swap3A_1194 {strides = array<i32>} : memref<128xf32, #tpu.memory_space<vmem>>, vector<16xf32>,
      %mul3A_1195 = arith.mulf %get3A_1167, %get3A_1152 : vector<16xf32>
      %mul3A_1196 = arith.mulf %get3A_11, %mul3A_1195 : vector<16xf32>
      %mul3A_1197 = arith.mulf %get3A_1146, %get3A_1161 : vector<16xf32>
      %mul3A_1198 = arith.mulf %get3A_16, %mul3A_1197 : vector<16xf32>
      %add3A_1199 = arith.addf %mul3A_1196, %mul3A_1198 : vector<16xf32>
      %mul3A_1200 = arith.mulf %get3A_1164, %get3A_1149 : vector<16xf32>
      %mul3A_1201 = arith.mulf %get3A_1158, %get3A_1155 : vector<16xf32>
      %sub3A_1202 = arith.subf %mul3A_1200, %mul3A_1201 : vector<16xf32>
      %mul3A_1203 = arith.mulf %get3A_26, %sub3A_1202 : vector<16xf32>
      %add3A_1204 = arith.addf %add3A_1199, %mul3A_1203 : vector<16xf32>
      %swap3A_1205 = arith.constant 64 : index
      %swap3A_1206 = tpu.vector_load %arg43[%swap3A_1205] {strides = array<i32>} : memref<128xf32, #tpu.memory_space<vmem>>, vector<16xf32>,
      %swap3A_1207 = vector.shape_cast %swap3A_1206 : vector<16xf32> to vector<16xf32>
      %swap3A_1208 = vector.shape_cast %add3A_1204 : vector<16xf32> to vector<16xf32>
      tpu.vector_store %arg43[%swap3A_1205], %swap3A_1208 {strides = array<i32>} : memref<128xf32, #tpu.memory_space<vmem>>, vector<16xf32>,
      %mul3A_1209 = arith.mulf %get3A_1167, %get3A_1155 : vector<16xf32>
      %mul3A_1210 = arith.mulf %get3A_11, %mul3A_1209 : vector<16xf32>
      %mul3A_1211 = arith.mulf %get3A_1146, %get3A_1164 : vector<16xf32>
      %mul3A_1212 = arith.mulf %get3A_16, %mul3A_1211 : vector<16xf32>
      %add3A_1213 = arith.addf %mul3A_1210, %mul3A_1212 : vector<16xf32>
      %mul3A_1214 = arith.mulf %get3A_1158, %get3A_1152 : vector<16xf32>
      %mul3A_1215 = arith.mulf %get3A_1161, %get3A_1149 : vector<16xf32>
      %sub3A_1216 = arith.subf %mul3A_1214, %mul3A_1215 : vector<16xf32>
      %mul3A_1217 = arith.mulf %get3A_26, %sub3A_1216 : vector<16xf32>
      %add3A_1218 = arith.addf %add3A_1213, %mul3A_1217 : vector<16xf32>
      %swap3A_1219 = arith.constant 64 : index
      %swap3A_1220 = tpu.vector_load %arg44[%swap3A_1219] {strides = array<i32>} : memref<128xf32, #tpu.memory_space<vmem>>, vector<16xf32>,
      %swap3A_1221 = vector.shape_cast %swap3A_1220 : vector<16xf32> to vector<16xf32>
      %swap3A_1222 = vector.shape_cast %add3A_1218 : vector<16xf32> to vector<16xf32>
      tpu.vector_store %arg44[%swap3A_1219], %swap3A_1222 {strides = array<i32>} : memref<128xf32, #tpu.memory_space<vmem>>, vector<16xf32>,
      %get3A_1223 = arith.constant 80 : index
      %get3A_1224 = tpu.vector_load %arg37[%get3A_1223] {strides = array<i32>} : memref<128xf32, #tpu.memory_space<vmem>>, vector<16xf32>,
      %get3A_1225 = vector.shape_cast %get3A_1224 : vector<16xf32> to vector<16xf32>
      %get3A_1226 = arith.constant 80 : index
      %get3A_1227 = tpu.vector_load %arg38[%get3A_1226] {strides = array<i32>} : memref<128xf32, #tpu.memory_space<vmem>>, vector<16xf32>,
      %get3A_1228 = vector.shape_cast %get3A_1227 : vector<16xf32> to vector<16xf32>
      %get3A_1229 = arith.constant 80 : index
      %get3A_1230 = tpu.vector_load %arg39[%get3A_1229] {strides = array<i32>} : memref<128xf32, #tpu.memory_space<vmem>>, vector<16xf32>,
      %get3A_1231 = vector.shape_cast %get3A_1230 : vector<16xf32> to vector<16xf32>
      %get3A_1232 = arith.constant 80 : index
      %get3A_1233 = tpu.vector_load %arg40[%get3A_1232] {strides = array<i32>} : memref<128xf32, #tpu.memory_space<vmem>>, vector<16xf32>,
      %get3A_1234 = vector.shape_cast %get3A_1233 : vector<16xf32> to vector<16xf32>
      %get3A_1235 = arith.constant 80 : index
      %get3A_1236 = tpu.vector_load %arg34[%get3A_1235] {strides = array<i32>} : memref<128xf32, #tpu.memory_space<vmem>>, vector<16xf32>,
      %get3A_1237 = vector.shape_cast %get3A_1236 : vector<16xf32> to vector<16xf32>
      %get3A_1238 = arith.constant 80 : index
      %get3A_1239 = tpu.vector_load %arg35[%get3A_1238] {strides = array<i32>} : memref<128xf32, #tpu.memory_space<vmem>>, vector<16xf32>,
      %get3A_1240 = vector.shape_cast %get3A_1239 : vector<16xf32> to vector<16xf32>
      %get3A_1241 = arith.constant 80 : index
      %get3A_1242 = tpu.vector_load %arg36[%get3A_1241] {strides = array<i32>} : memref<128xf32, #tpu.memory_space<vmem>>, vector<16xf32>,
      %get3A_1243 = vector.shape_cast %get3A_1242 : vector<16xf32> to vector<16xf32>
      %get3A_1244 = arith.constant 80 : index
      %get3A_1245 = tpu.vector_load %arg33[%get3A_1244] {strides = array<i32>} : memref<128xf32, #tpu.memory_space<vmem>>, vector<16xf32>,
      %get3A_1246 = vector.shape_cast %get3A_1245 : vector<16xf32> to vector<16xf32>
      %mul3A_1247 = arith.mulf %get3A_1237, %get3A_1228 : vector<16xf32>
      %mul3A_1248 = arith.mulf %get3A_1240, %get3A_1231 : vector<16xf32>
      %add3A_1249 = arith.addf %mul3A_1247, %mul3A_1248 : vector<16xf32>
      %mul3A_1250 = arith.mulf %get3A_1243, %get3A_1234 : vector<16xf32>
      %add3A_1251 = arith.addf %add3A_1249, %mul3A_1250 : vector<16xf32>
      %mul3A_1252 = arith.mulf %get3A_1246, %get3A_1225 : vector<16xf32>
      %mul3A_1253 = arith.mulf %get3A_6, %mul3A_1252 : vector<16xf32>
      %mul3A_1254 = arith.mulf %get3A_21, %add3A_1251 : vector<16xf32>
      %add3A_1255 = arith.addf %mul3A_1253, %mul3A_1254 : vector<16xf32>
      %swap3A_1256 = arith.constant 80 : index
      %swap3A_1257 = tpu.vector_load %arg41[%swap3A_1256] {strides = array<i32>} : memref<128xf32, #tpu.memory_space<vmem>>, vector<16xf32>,
      %swap3A_1258 = vector.shape_cast %swap3A_1257 : vector<16xf32> to vector<16xf32>
      %swap3A_1259 = vector.shape_cast %add3A_1255 : vector<16xf32> to vector<16xf32>
      tpu.vector_store %arg41[%swap3A_1256], %swap3A_1259 {strides = array<i32>} : memref<128xf32, #tpu.memory_space<vmem>>, vector<16xf32>,
      %mul3A_1260 = arith.mulf %get3A_1246, %get3A_1228 : vector<16xf32>
      %mul3A_1261 = arith.mulf %get3A_11, %mul3A_1260 : vector<16xf32>
      %mul3A_1262 = arith.mulf %get3A_1225, %get3A_1237 : vector<16xf32>
      %mul3A_1263 = arith.mulf %get3A_16, %mul3A_1262 : vector<16xf32>
      %add3A_1264 = arith.addf %mul3A_1261, %mul3A_1263 : vector<16xf32>
      %mul3A_1265 = arith.mulf %get3A_1240, %get3A_1234 : vector<16xf32>
      %mul3A_1266 = arith.mulf %get3A_1243, %get3A_1231 : vector<16xf32>
      %sub3A_1267 = arith.subf %mul3A_1265, %mul3A_1266 : vector<16xf32>
      %mul3A_1268 = arith.mulf %get3A_26, %sub3A_1267 : vector<16xf32>
      %add3A_1269 = arith.addf %add3A_1264, %mul3A_1268 : vector<16xf32>
      %swap3A_1270 = arith.constant 80 : index
      %swap3A_1271 = tpu.vector_load %arg42[%swap3A_1270] {strides = array<i32>} : memref<128xf32, #tpu.memory_space<vmem>>, vector<16xf32>,
      %swap3A_1272 = vector.shape_cast %swap3A_1271 : vector<16xf32> to vector<16xf32>
      %swap3A_1273 = vector.shape_cast %add3A_1269 : vector<16xf32> to vector<16xf32>
      tpu.vector_store %arg42[%swap3A_1270], %swap3A_1273 {strides = array<i32>} : memref<128xf32, #tpu.memory_space<vmem>>, vector<16xf32>,
      %mul3A_1274 = arith.mulf %get3A_1246, %get3A_1231 : vector<16xf32>
      %mul3A_1275 = arith.mulf %get3A_11, %mul3A_1274 : vector<16xf32>
      %mul3A_1276 = arith.mulf %get3A_1225, %get3A_1240 : vector<16xf32>
      %mul3A_1277 = arith.mulf %get3A_16, %mul3A_1276 : vector<16xf32>
      %add3A_1278 = arith.addf %mul3A_1275, %mul3A_1277 : vector<16xf32>
      %mul3A_1279 = arith.mulf %get3A_1243, %get3A_1228 : vector<16xf32>
      %mul3A_1280 = arith.mulf %get3A_1237, %get3A_1234 : vector<16xf32>
      %sub3A_1281 = arith.subf %mul3A_1279, %mul3A_1280 : vector<16xf32>
      %mul3A_1282 = arith.mulf %get3A_26, %sub3A_1281 : vector<16xf32>
      %add3A_1283 = arith.addf %add3A_1278, %mul3A_1282 : vector<16xf32>
      %swap3A_1284 = arith.constant 80 : index
      %swap3A_1285 = tpu.vector_load %arg43[%swap3A_1284] {strides = array<i32>} : memref<128xf32, #tpu.memory_space<vmem>>, vector<16xf32>,
      %swap3A_1286 = vector.shape_cast %swap3A_1285 : vector<16xf32> to vector<16xf32>
      %swap3A_1287 = vector.shape_cast %add3A_1283 : vector<16xf32> to vector<16xf32>
      tpu.vector_store %arg43[%swap3A_1284], %swap3A_1287 {strides = array<i32>} : memref<128xf32, #tpu.memory_space<vmem>>, vector<16xf32>,
      %mul3A_1288 = arith.mulf %get3A_1246, %get3A_1234 : vector<16xf32>
      %mul3A_1289 = arith.mulf %get3A_11, %mul3A_1288 : vector<16xf32>
      %mul3A_1290 = arith.mulf %get3A_1225, %get3A_1243 : vector<16xf32>
      %mul3A_1291 = arith.mulf %get3A_16, %mul3A_1290 : vector<16xf32>
      %add3A_1292 = arith.addf %mul3A_1289, %mul3A_1291 : vector<16xf32>
      %mul3A_1293 = arith.mulf %get3A_1237, %get3A_1231 : vector<16xf32>
      %mul3A_1294 = arith.mulf %get3A_1240, %get3A_1228 : vector<16xf32>
      %sub3A_1295 = arith.subf %mul3A_1293, %mul3A_1294 : vector<16xf32>
      %mul3A_1296 = arith.mulf %get3A_26, %sub3A_1295 : vector<16xf32>
      %add3A_1297 = arith.addf %add3A_1292, %mul3A_1296 : vector<16xf32>
      %swap3A_1298 = arith.constant 80 : index
      %swap3A_1299 = tpu.vector_load %arg44[%swap3A_1298] {strides = array<i32>} : memref<128xf32, #tpu.memory_space<vmem>>, vector<16xf32>,
      %swap3A_1300 = vector.shape_cast %swap3A_1299 : vector<16xf32> to vector<16xf32>
      %swap3A_1301 = vector.shape_cast %add3A_1297 : vector<16xf32> to vector<16xf32>
      tpu.vector_store %arg44[%swap3A_1298], %swap3A_1301 {strides = array<i32>} : memref<128xf32, #tpu.memory_space<vmem>>, vector<16xf32>,
      %get3A_1302 = arith.constant 96 : index
      %get3A_1303 = tpu.vector_load %arg37[%get3A_1302] {strides = array<i32>} : memref<128xf32, #tpu.memory_space<vmem>>, vector<16xf32>,
      %get3A_1304 = vector.shape_cast %get3A_1303 : vector<16xf32> to vector<16xf32>
      %get3A_1305 = arith.constant 96 : index
      %get3A_1306 = tpu.vector_load %arg38[%get3A_1305] {strides = array<i32>} : memref<128xf32, #tpu.memory_space<vmem>>, vector<16xf32>,
      %get3A_1307 = vector.shape_cast %get3A_1306 : vector<16xf32> to vector<16xf32>
      %get3A_1308 = arith.constant 96 : index
      %get3A_1309 = tpu.vector_load %arg39[%get3A_1308] {strides = array<i32>} : memref<128xf32, #tpu.memory_space<vmem>>, vector<16xf32>,
      %get3A_1310 = vector.shape_cast %get3A_1309 : vector<16xf32> to vector<16xf32>
      %get3A_1311 = arith.constant 96 : index
      %get3A_1312 = tpu.vector_load %arg40[%get3A_1311] {strides = array<i32>} : memref<128xf32, #tpu.memory_space<vmem>>, vector<16xf32>,
      %get3A_1313 = vector.shape_cast %get3A_1312 : vector<16xf32> to vector<16xf32>
      %get3A_1314 = arith.constant 96 : index
      %get3A_1315 = tpu.vector_load %arg34[%get3A_1314] {strides = array<i32>} : memref<128xf32, #tpu.memory_space<vmem>>, vector<16xf32>,
      %get3A_1316 = vector.shape_cast %get3A_1315 : vector<16xf32> to vector<16xf32>
      %get3A_1317 = arith.constant 96 : index
      %get3A_1318 = tpu.vector_load %arg35[%get3A_1317] {strides = array<i32>} : memref<128xf32, #tpu.memory_space<vmem>>, vector<16xf32>,
      %get3A_1319 = vector.shape_cast %get3A_1318 : vector<16xf32> to vector<16xf32>
      %get3A_1320 = arith.constant 96 : index
      %get3A_1321 = tpu.vector_load %arg36[%get3A_1320] {strides = array<i32>} : memref<128xf32, #tpu.memory_space<vmem>>, vector<16xf32>,
      %get3A_1322 = vector.shape_cast %get3A_1321 : vector<16xf32> to vector<16xf32>
      %get3A_1323 = arith.constant 96 : index
      %get3A_1324 = tpu.vector_load %arg33[%get3A_1323] {strides = array<i32>} : memref<128xf32, #tpu.memory_space<vmem>>, vector<16xf32>,
      %get3A_1325 = vector.shape_cast %get3A_1324 : vector<16xf32> to vector<16xf32>
      %mul3A_1326 = arith.mulf %get3A_1316, %get3A_1307 : vector<16xf32>
      %mul3A_1327 = arith.mulf %get3A_1319, %get3A_1310 : vector<16xf32>
      %add3A_1328 = arith.addf %mul3A_1326, %mul3A_1327 : vector<16xf32>
      %mul3A_1329 = arith.mulf %get3A_1322, %get3A_1313 : vector<16xf32>
      %add3A_1330 = arith.addf %add3A_1328, %mul3A_1329 : vector<16xf32>
      %mul3A_1331 = arith.mulf %get3A_1325, %get3A_1304 : vector<16xf32>
      %mul3A_1332 = arith.mulf %get3A_6, %mul3A_1331 : vector<16xf32>
      %mul3A_1333 = arith.mulf %get3A_21, %add3A_1330 : vector<16xf32>
      %add3A_1334 = arith.addf %mul3A_1332, %mul3A_1333 : vector<16xf32>
      %swap3A_1335 = arith.constant 96 : index
      %swap3A_1336 = tpu.vector_load %arg41[%swap3A_1335] {strides = array<i32>} : memref<128xf32, #tpu.memory_space<vmem>>, vector<16xf32>,
      %swap3A_1337 = vector.shape_cast %swap3A_1336 : vector<16xf32> to vector<16xf32>
      %swap3A_1338 = vector.shape_cast %add3A_1334 : vector<16xf32> to vector<16xf32>
      tpu.vector_store %arg41[%swap3A_1335], %swap3A_1338 {strides = array<i32>} : memref<128xf32, #tpu.memory_space<vmem>>, vector<16xf32>,
      %mul3A_1339 = arith.mulf %get3A_1325, %get3A_1307 : vector<16xf32>
      %mul3A_1340 = arith.mulf %get3A_11, %mul3A_1339 : vector<16xf32>
      %mul3A_1341 = arith.mulf %get3A_1304, %get3A_1316 : vector<16xf32>
      %mul3A_1342 = arith.mulf %get3A_16, %mul3A_1341 : vector<16xf32>
      %add3A_1343 = arith.addf %mul3A_1340, %mul3A_1342 : vector<16xf32>
      %mul3A_1344 = arith.mulf %get3A_1319, %get3A_1313 : vector<16xf32>
      %mul3A_1345 = arith.mulf %get3A_1322, %get3A_1310 : vector<16xf32>
      %sub3A_1346 = arith.subf %mul3A_1344, %mul3A_1345 : vector<16xf32>
      %mul3A_1347 = arith.mulf %get3A_26, %sub3A_1346 : vector<16xf32>
      %add3A_1348 = arith.addf %add3A_1343, %mul3A_1347 : vector<16xf32>
      %swap3A_1349 = arith.constant 96 : index
      %swap3A_1350 = tpu.vector_load %arg42[%swap3A_1349] {strides = array<i32>} : memref<128xf32, #tpu.memory_space<vmem>>, vector<16xf32>,
      %swap3A_1351 = vector.shape_cast %swap3A_1350 : vector<16xf32> to vector<16xf32>
      %swap3A_1352 = vector.shape_cast %add3A_1348 : vector<16xf32> to vector<16xf32>
      tpu.vector_store %arg42[%swap3A_1349], %swap3A_1352 {strides = array<i32>} : memref<128xf32, #tpu.memory_space<vmem>>, vector<16xf32>,
      %mul3A_1353 = arith.mulf %get3A_1325, %get3A_1310 : vector<16xf32>
      %mul3A_1354 = arith.mulf %get3A_11, %mul3A_1353 : vector<16xf32>
      %mul3A_1355 = arith.mulf %get3A_1304, %get3A_1319 : vector<16xf32>
      %mul3A_1356 = arith.mulf %get3A_16, %mul3A_1355 : vector<16xf32>
      %add3A_1357 = arith.addf %mul3A_1354, %mul3A_1356 : vector<16xf32>
      %mul3A_1358 = arith.mulf %get3A_1322, %get3A_1307 : vector<16xf32>
      %mul3A_1359 = arith.mulf %get3A_1316, %get3A_1313 : vector<16xf32>
      %sub3A_1360 = arith.subf %mul3A_1358, %mul3A_1359 : vector<16xf32>
      %mul3A_1361 = arith.mulf %get3A_26, %sub3A_1360 : vector<16xf32>
      %add3A_1362 = arith.addf %add3A_1357, %mul3A_1361 : vector<16xf32>
      %swap3A_1363 = arith.constant 96 : index
      %swap3A_1364 = tpu.vector_load %arg43[%swap3A_1363] {strides = array<i32>} : memref<128xf32, #tpu.memory_space<vmem>>, vector<16xf32>,
      %swap3A_1365 = vector.shape_cast %swap3A_1364 : vector<16xf32> to vector<16xf32>
      %swap3A_1366 = vector.shape_cast %add3A_1362 : vector<16xf32> to vector<16xf32>
      tpu.vector_store %arg43[%swap3A_1363], %swap3A_1366 {strides = array<i32>} : memref<128xf32, #tpu.memory_space<vmem>>, vector<16xf32>,
      %mul3A_1367 = arith.mulf %get3A_1325, %get3A_1313 : vector<16xf32>
      %mul3A_1368 = arith.mulf %get3A_11, %mul3A_1367 : vector<16xf32>
      %mul3A_1369 = arith.mulf %get3A_1304, %get3A_1322 : vector<16xf32>
      %mul3A_1370 = arith.mulf %get3A_16, %mul3A_1369 : vector<16xf32>
      %add3A_1371 = arith.addf %mul3A_1368, %mul3A_1370 : vector<16xf32>
      %mul3A_1372 = arith.mulf %get3A_1316, %get3A_1310 : vector<16xf32>
      %mul3A_1373 = arith.mulf %get3A_1319, %get3A_1307 : vector<16xf32>
      %sub3A_1374 = arith.subf %mul3A_1372, %mul3A_1373 : vector<16xf32>
      %mul3A_1375 = arith.mulf %get3A_26, %sub3A_1374 : vector<16xf32>
      %add3A_1376 = arith.addf %add3A_1371, %mul3A_1375 : vector<16xf32>
      %swap3A_1377 = arith.constant 96 : index
      %swap3A_1378 = tpu.vector_load %arg44[%swap3A_1377] {strides = array<i32>} : memref<128xf32, #tpu.memory_space<vmem>>, vector<16xf32>,
      %swap3A_1379 = vector.shape_cast %swap3A_1378 : vector<16xf32> to vector<16xf32>
      %swap3A_1380 = vector.shape_cast %add3A_1376 : vector<16xf32> to vector<16xf32>
      tpu.vector_store %arg44[%swap3A_1377], %swap3A_1380 {strides = array<i32>} : memref<128xf32, #tpu.memory_space<vmem>>, vector<16xf32>,
      %get3A_1381 = arith.constant 112 : index
      %get3A_1382 = tpu.vector_load %arg37[%get3A_1381] {strides = array<i32>} : memref<128xf32, #tpu.memory_space<vmem>>, vector<16xf32>,
      %get3A_1383 = vector.shape_cast %get3A_1382 : vector<16xf32> to vector<16xf32>
      %get3A_1384 = arith.constant 112 : index
      %get3A_1385 = tpu.vector_load %arg38[%get3A_1384] {strides = array<i32>} : memref<128xf32, #tpu.memory_space<vmem>>, vector<16xf32>,
      %get3A_1386 = vector.shape_cast %get3A_1385 : vector<16xf32> to vector<16xf32>
      %get3A_1387 = arith.constant 112 : index
      %get3A_1388 = tpu.vector_load %arg39[%get3A_1387] {strides = array<i32>} : memref<128xf32, #tpu.memory_space<vmem>>, vector<16xf32>,
      %get3A_1389 = vector.shape_cast %get3A_1388 : vector<16xf32> to vector<16xf32>
      %get3A_1390 = arith.constant 112 : index
      %get3A_1391 = tpu.vector_load %arg40[%get3A_1390] {strides = array<i32>} : memref<128xf32, #tpu.memory_space<vmem>>, vector<16xf32>,
      %get3A_1392 = vector.shape_cast %get3A_1391 : vector<16xf32> to vector<16xf32>
      %get3A_1393 = arith.constant 112 : index
      %get3A_1394 = tpu.vector_load %arg34[%get3A_1393] {strides = array<i32>} : memref<128xf32, #tpu.memory_space<vmem>>, vector<16xf32>,
      %get3A_1395 = vector.shape_cast %get3A_1394 : vector<16xf32> to vector<16xf32>
      %get3A_1396 = arith.constant 112 : index
      %get3A_1397 = tpu.vector_load %arg35[%get3A_1396] {strides = array<i32>} : memref<128xf32, #tpu.memory_space<vmem>>, vector<16xf32>,
      %get3A_1398 = vector.shape_cast %get3A_1397 : vector<16xf32> to vector<16xf32>
      %get3A_1399 = arith.constant 112 : index
      %get3A_1400 = tpu.vector_load %arg36[%get3A_1399] {strides = array<i32>} : memref<128xf32, #tpu.memory_space<vmem>>, vector<16xf32>,
      %get3A_1401 = vector.shape_cast %get3A_1400 : vector<16xf32> to vector<16xf32>
      %get3A_1402 = arith.constant 112 : index
      %get3A_1403 = tpu.vector_load %arg33[%get3A_1402] {strides = array<i32>} : memref<128xf32, #tpu.memory_space<vmem>>, vector<16xf32>,
      %get3A_1404 = vector.shape_cast %get3A_1403 : vector<16xf32> to vector<16xf32>
      %mul3A_1405 = arith.mulf %get3A_1395, %get3A_1386 : vector<16xf32>
      %mul3A_1406 = arith.mulf %get3A_1398, %get3A_1389 : vector<16xf32>
      %add3A_1407 = arith.addf %mul3A_1405, %mul3A_1406 : vector<16xf32>
      %mul3A_1408 = arith.mulf %get3A_1401, %get3A_1392 : vector<16xf32>
      %add3A_1409 = arith.addf %add3A_1407, %mul3A_1408 : vector<16xf32>
      %mul3A_1410 = arith.mulf %get3A_1404, %get3A_1383 : vector<16xf32>
      %mul3A_1411 = arith.mulf %get3A_6, %mul3A_1410 : vector<16xf32>
      %mul3A_1412 = arith.mulf %get3A_21, %add3A_1409 : vector<16xf32>
      %add3A_1413 = arith.addf %mul3A_1411, %mul3A_1412 : vector<16xf32>
      %swap3A_1414 = arith.constant 112 : index
      %swap3A_1415 = tpu.vector_load %arg41[%swap3A_1414] {strides = array<i32>} : memref<128xf32, #tpu.memory_space<vmem>>, vector<16xf32>,
      %swap3A_1416 = vector.shape_cast %swap3A_1415 : vector<16xf32> to vector<16xf32>
      %swap3A_1417 = vector.shape_cast %add3A_1413 : vector<16xf32> to vector<16xf32>
      tpu.vector_store %arg41[%swap3A_1414], %swap3A_1417 {strides = array<i32>} : memref<128xf32, #tpu.memory_space<vmem>>, vector<16xf32>,
      %mul3A_1418 = arith.mulf %get3A_1404, %get3A_1386 : vector<16xf32>
      %mul3A_1419 = arith.mulf %get3A_11, %mul3A_1418 : vector<16xf32>
      %mul3A_1420 = arith.mulf %get3A_1383, %get3A_1395 : vector<16xf32>
      %mul3A_1421 = arith.mulf %get3A_16, %mul3A_1420 : vector<16xf32>
      %add3A_1422 = arith.addf %mul3A_1419, %mul3A_1421 : vector<16xf32>
      %mul3A_1423 = arith.mulf %get3A_1398, %get3A_1392 : vector<16xf32>
      %mul3A_1424 = arith.mulf %get3A_1401, %get3A_1389 : vector<16xf32>
      %sub3A_1425 = arith.subf %mul3A_1423, %mul3A_1424 : vector<16xf32>
      %mul3A_1426 = arith.mulf %get3A_26, %sub3A_1425 : vector<16xf32>
      %add3A_1427 = arith.addf %add3A_1422, %mul3A_1426 : vector<16xf32>
      %swap3A_1428 = arith.constant 112 : index
      %swap3A_1429 = tpu.vector_load %arg42[%swap3A_1428] {strides = array<i32>} : memref<128xf32, #tpu.memory_space<vmem>>, vector<16xf32>,
      %swap3A_1430 = vector.shape_cast %swap3A_1429 : vector<16xf32> to vector<16xf32>
      %swap3A_1431 = vector.shape_cast %add3A_1427 : vector<16xf32> to vector<16xf32>
      tpu.vector_store %arg42[%swap3A_1428], %swap3A_1431 {strides = array<i32>} : memref<128xf32, #tpu.memory_space<vmem>>, vector<16xf32>,
      %mul3A_1432 = arith.mulf %get3A_1404, %get3A_1389 : vector<16xf32>
      %mul3A_1433 = arith.mulf %get3A_11, %mul3A_1432 : vector<16xf32>
      %mul3A_1434 = arith.mulf %get3A_1383, %get3A_1398 : vector<16xf32>
      %mul3A_1435 = arith.mulf %get3A_16, %mul3A_1434 : vector<16xf32>
      %add3A_1436 = arith.addf %mul3A_1433, %mul3A_1435 : vector<16xf32>
      %mul3A_1437 = arith.mulf %get3A_1401, %get3A_1386 : vector<16xf32>
      %mul3A_1438 = arith.mulf %get3A_1395, %get3A_1392 : vector<16xf32>
      %sub3A_1439 = arith.subf %mul3A_1437, %mul3A_1438 : vector<16xf32>
      %mul3A_1440 = arith.mulf %get3A_26, %sub3A_1439 : vector<16xf32>
      %add3A_1441 = arith.addf %add3A_1436, %mul3A_1440 : vector<16xf32>
      %swap3A_1442 = arith.constant 112 : index
      %swap3A_1443 = tpu.vector_load %arg43[%swap3A_1442] {strides = array<i32>} : memref<128xf32, #tpu.memory_space<vmem>>, vector<16xf32>,
      %swap3A_1444 = vector.shape_cast %swap3A_1443 : vector<16xf32> to vector<16xf32>
      %swap3A_1445 = vector.shape_cast %add3A_1441 : vector<16xf32> to vector<16xf32>
      tpu.vector_store %arg43[%swap3A_1442], %swap3A_1445 {strides = array<i32>} : memref<128xf32, #tpu.memory_space<vmem>>, vector<16xf32>,
      %mul3A_1446 = arith.mulf %get3A_1404, %get3A_1392 : vector<16xf32>
      %mul3A_1447 = arith.mulf %get3A_11, %mul3A_1446 : vector<16xf32>
      %mul3A_1448 = arith.mulf %get3A_1383, %get3A_1401 : vector<16xf32>
      %mul3A_1449 = arith.mulf %get3A_16, %mul3A_1448 : vector<16xf32>
      %add3A_1450 = arith.addf %mul3A_1447, %mul3A_1449 : vector<16xf32>
      %mul3A_1451 = arith.mulf %get3A_1395, %get3A_1389 : vector<16xf32>
      %mul3A_1452 = arith.mulf %get3A_1398, %get3A_1386 : vector<16xf32>
      %sub3A_1453 = arith.subf %mul3A_1451, %mul3A_1452 : vector<16xf32>
      %mul3A_1454 = arith.mulf %get3A_26, %sub3A_1453 : vector<16xf32>
      %add3A_1455 = arith.addf %add3A_1450, %mul3A_1454 : vector<16xf32>
      %swap3A_1456 = arith.constant 112 : index
      %swap3A_1457 = tpu.vector_load %arg44[%swap3A_1456] {strides = array<i32>} : memref<128xf32, #tpu.memory_space<vmem>>, vector<16xf32>,
      %swap3A_1458 = vector.shape_cast %swap3A_1457 : vector<16xf32> to vector<16xf32>
      %swap3A_1459 = vector.shape_cast %add3A_1455 : vector<16xf32> to vector<16xf32>
      tpu.vector_store %arg44[%swap3A_1456], %swap3A_1459 {strides = array<i32>} : memref<128xf32, #tpu.memory_space<vmem>>, vector<16xf32>,
      %dma_start3A_1460 = arith.constant 0 : i32
      %dma_start3A_1461 = tpu.memref_slice %arg13[%dma_start3A_1460] : memref<100096xf32, #tpu.memory_space<vmem_shared>> -> memref<100096xf32, #tpu.memory_space<vmem_shared>>
      tpu.enqueue_indirect_dma source(%arg41 : memref<128xf32, #tpu.memory_space<vmem>>) target(%dma_start3A_1461 : memref<100096xf32, #tpu.memory_space<vmem_shared>>) offsets(%arg32 : memref<128xi32, #tpu.memory_space<vmem>>) semaphore(%arg51 : memref<!tpu.dma_semaphore, #tpu.memory_space<semaphore_mem>>) {add = true}
      %dma_start3A_1462 = arith.constant 0 : i32
      %dma_start3A_1463 = tpu.memref_slice %arg14[%dma_start3A_1462] : memref<100096xf32, #tpu.memory_space<vmem_shared>> -> memref<100096xf32, #tpu.memory_space<vmem_shared>>
      tpu.enqueue_indirect_dma source(%arg42 : memref<128xf32, #tpu.memory_space<vmem>>) target(%dma_start3A_1463 : memref<100096xf32, #tpu.memory_space<vmem_shared>>) offsets(%arg32 : memref<128xi32, #tpu.memory_space<vmem>>) semaphore(%arg51 : memref<!tpu.dma_semaphore, #tpu.memory_space<semaphore_mem>>) {add = true}
      %dma_start3A_1464 = arith.constant 0 : i32
      %dma_start3A_1465 = tpu.memref_slice %arg15[%dma_start3A_1464] : memref<100096xf32, #tpu.memory_space<vmem_shared>> -> memref<100096xf32, #tpu.memory_space<vmem_shared>>
      tpu.enqueue_indirect_dma source(%arg43 : memref<128xf32, #tpu.memory_space<vmem>>) target(%dma_start3A_1465 : memref<100096xf32, #tpu.memory_space<vmem_shared>>) offsets(%arg32 : memref<128xi32, #tpu.memory_space<vmem>>) semaphore(%arg51 : memref<!tpu.dma_semaphore, #tpu.memory_space<semaphore_mem>>) {add = true}
      %dma_start3A_1466 = arith.constant 0 : i32
      %dma_start3A_1467 = tpu.memref_slice %arg16[%dma_start3A_1466] : memref<100096xf32, #tpu.memory_space<vmem_shared>> -> memref<100096xf32, #tpu.memory_space<vmem_shared>>
      tpu.enqueue_indirect_dma source(%arg44 : memref<128xf32, #tpu.memory_space<vmem>>) target(%dma_start3A_1467 : memref<100096xf32, #tpu.memory_space<vmem_shared>>) offsets(%arg32 : memref<128xi32, #tpu.memory_space<vmem>>) semaphore(%arg51 : memref<!tpu.dma_semaphore, #tpu.memory_space<semaphore_mem>>) {add = true}
    }
    %scan3A_52 = arith.constant 781 : i32
    %dma_wait3A = arith.constant 0 : i32
    %dma_wait3A_53 = tpu.memref_slice %arg13[%dma_wait3A] : memref<100096xf32, #tpu.memory_space<vmem_shared>> -> memref<100096xf32, #tpu.memory_space<vmem_shared>>
    tpu.wait_indirect_dma semaphore(%arg50 : memref<!tpu.dma_semaphore, #tpu.memory_space<semaphore_mem>>) src(%arg27 : memref<128xf32, #tpu.memory_space<vmem>>) dst(%dma_wait3A_53 : memref<100096xf32, #tpu.memory_space<vmem_shared>>)
    %dma_wait3A_54 = arith.constant 0 : i32
    %dma_wait3A_55 = tpu.memref_slice %arg14[%dma_wait3A_54] : memref<100096xf32, #tpu.memory_space<vmem_shared>> -> memref<100096xf32, #tpu.memory_space<vmem_shared>>
    tpu.wait_indirect_dma semaphore(%arg50 : memref<!tpu.dma_semaphore, #tpu.memory_space<semaphore_mem>>) src(%arg28 : memref<128xf32, #tpu.memory_space<vmem>>) dst(%dma_wait3A_55 : memref<100096xf32, #tpu.memory_space<vmem_shared>>)
    %dma_wait3A_56 = arith.constant 0 : i32
    %dma_wait3A_57 = tpu.memref_slice %arg15[%dma_wait3A_56] : memref<100096xf32, #tpu.memory_space<vmem_shared>> -> memref<100096xf32, #tpu.memory_space<vmem_shared>>
    tpu.wait_indirect_dma semaphore(%arg50 : memref<!tpu.dma_semaphore, #tpu.memory_space<semaphore_mem>>) src(%arg29 : memref<128xf32, #tpu.memory_space<vmem>>) dst(%dma_wait3A_57 : memref<100096xf32, #tpu.memory_space<vmem_shared>>)
    %dma_wait3A_58 = arith.constant 0 : i32
    %dma_wait3A_59 = tpu.memref_slice %arg16[%dma_wait3A_58] : memref<100096xf32, #tpu.memory_space<vmem_shared>> -> memref<100096xf32, #tpu.memory_space<vmem_shared>>
    tpu.wait_indirect_dma semaphore(%arg50 : memref<!tpu.dma_semaphore, #tpu.memory_space<semaphore_mem>>) src(%arg30 : memref<128xf32, #tpu.memory_space<vmem>>) dst(%dma_wait3A_59 : memref<100096xf32, #tpu.memory_space<vmem_shared>>)
    %dma_wait3A_60 = arith.constant 0 : i32
    %dma_wait3A_61 = tpu.memref_slice %arg13[%dma_wait3A_60] : memref<100096xf32, #tpu.memory_space<vmem_shared>> -> memref<100096xf32, #tpu.memory_space<vmem_shared>>
    tpu.wait_indirect_dma semaphore(%arg51 : memref<!tpu.dma_semaphore, #tpu.memory_space<semaphore_mem>>) src(%arg41 : memref<128xf32, #tpu.memory_space<vmem>>) dst(%dma_wait3A_61 : memref<100096xf32, #tpu.memory_space<vmem_shared>>)
    %dma_wait3A_62 = arith.constant 0 : i32
    %dma_wait3A_63 = tpu.memref_slice %arg14[%dma_wait3A_62] : memref<100096xf32, #tpu.memory_space<vmem_shared>> -> memref<100096xf32, #tpu.memory_space<vmem_shared>>
    tpu.wait_indirect_dma semaphore(%arg51 : memref<!tpu.dma_semaphore, #tpu.memory_space<semaphore_mem>>) src(%arg42 : memref<128xf32, #tpu.memory_space<vmem>>) dst(%dma_wait3A_63 : memref<100096xf32, #tpu.memory_space<vmem_shared>>)
    %dma_wait3A_64 = arith.constant 0 : i32
    %dma_wait3A_65 = tpu.memref_slice %arg15[%dma_wait3A_64] : memref<100096xf32, #tpu.memory_space<vmem_shared>> -> memref<100096xf32, #tpu.memory_space<vmem_shared>>
    tpu.wait_indirect_dma semaphore(%arg51 : memref<!tpu.dma_semaphore, #tpu.memory_space<semaphore_mem>>) src(%arg43 : memref<128xf32, #tpu.memory_space<vmem>>) dst(%dma_wait3A_65 : memref<100096xf32, #tpu.memory_space<vmem_shared>>)
    %dma_wait3A_66 = arith.constant 0 : i32
    %dma_wait3A_67 = tpu.memref_slice %arg16[%dma_wait3A_66] : memref<100096xf32, #tpu.memory_space<vmem_shared>> -> memref<100096xf32, #tpu.memory_space<vmem_shared>>
    tpu.wait_indirect_dma semaphore(%arg51 : memref<!tpu.dma_semaphore, #tpu.memory_space<semaphore_mem>>) src(%arg44 : memref<128xf32, #tpu.memory_space<vmem>>) dst(%dma_wait3A_67 : memref<100096xf32, #tpu.memory_space<vmem_shared>>)
    %lt3A = arith.constant 16 : i32
    %lt3A_68 = arith.cmpi slt, %add3A, %lt3A : i32
    %convert_element_type3A_69 = arith.extui %lt3A_68 : i1 to i32
    %cond3A_70 = arith.constant 0 : i32
    %cond3A_71 = arith.cmpi ne, %convert_element_type3A_69, %cond3A_70 : i32
    scf.if %cond3A_71 {
      %add3A_78 = arith.constant 49984 : i32
      %add3A_79 = arith.addi %add3A_78, %add3A : i32
      %mul3A_80 = arith.constant 128 : i32
      %mul3A_81 = arith.muli %add3A_79, %mul3A_80 : i32
      %multiple_of3A_82 = tpu.assume_multiple %mul3A_81, 128 : i32
      %add3A_83 = arith.constant 6400000 : i32
      %add3A_84 = arith.addi %multiple_of3A_82, %add3A_83 : i32
      %add3A_85 = arith.constant 6400000 : i32
      %add3A_86 = arith.addi %multiple_of3A_82, %add3A_85 : i32
      %add3A_87 = arith.constant 12800000 : i32
      %add3A_88 = arith.addi %multiple_of3A_82, %add3A_87 : i32
      %dma_start3A_89 = tpu.memref_slice %arg2[%multiple_of3A_82] : memref<12800000xi32, #tpu.memory_space<hbm>> -> memref<128xi32, #tpu.memory_space<hbm>>
      %dma_start3A_90 = tpu.memref_slice %arg2[%multiple_of3A_82] : memref<12800000xi32, #tpu.memory_space<hbm>> -> memref<128xi32, #tpu.memory_space<hbm>>
      tpu.enqueue_dma source(%dma_start3A_90 : memref<128xi32, #tpu.memory_space<hbm>>) target(%arg17 : memref<128xi32, #tpu.memory_space<vmem>>) target_semaphore(%arg46 : memref<!tpu.dma_semaphore, #tpu.memory_space<semaphore_mem>>)
      %dma_start3A_91 = tpu.memref_slice %arg2[%add3A_84] : memref<12800000xi32, #tpu.memory_space<hbm>> -> memref<128xi32, #tpu.memory_space<hbm>>
      %dma_start3A_92 = tpu.memref_slice %arg2[%add3A_84] : memref<12800000xi32, #tpu.memory_space<hbm>> -> memref<128xi32, #tpu.memory_space<hbm>>
      tpu.enqueue_dma source(%dma_start3A_92 : memref<128xi32, #tpu.memory_space<hbm>>) target(%arg18 : memref<128xi32, #tpu.memory_space<vmem>>) target_semaphore(%arg46 : memref<!tpu.dma_semaphore, #tpu.memory_space<semaphore_mem>>)
      %dma_start3A_93 = tpu.memref_slice %arg3[%multiple_of3A_82] : memref<6400000xf32, #tpu.memory_space<hbm>> -> memref<128xf32, #tpu.memory_space<hbm>>
      %dma_start3A_94 = tpu.memref_slice %arg3[%multiple_of3A_82] : memref<6400000xf32, #tpu.memory_space<hbm>> -> memref<128xf32, #tpu.memory_space<hbm>>
      tpu.enqueue_dma source(%dma_start3A_94 : memref<128xf32, #tpu.memory_space<hbm>>) target(%arg19 : memref<128xf32, #tpu.memory_space<vmem>>) target_semaphore(%arg46 : memref<!tpu.dma_semaphore, #tpu.memory_space<semaphore_mem>>)
      %dma_start3A_95 = tpu.memref_slice %arg4[%multiple_of3A_82] : memref<19200000xf32, #tpu.memory_space<hbm>> -> memref<128xf32, #tpu.memory_space<hbm>>
      %dma_start3A_96 = tpu.memref_slice %arg4[%multiple_of3A_82] : memref<19200000xf32, #tpu.memory_space<hbm>> -> memref<128xf32, #tpu.memory_space<hbm>>
      tpu.enqueue_dma source(%dma_start3A_96 : memref<128xf32, #tpu.memory_space<hbm>>) target(%arg20 : memref<128xf32, #tpu.memory_space<vmem>>) target_semaphore(%arg46 : memref<!tpu.dma_semaphore, #tpu.memory_space<semaphore_mem>>)
      %dma_start3A_97 = tpu.memref_slice %arg4[%add3A_86] : memref<19200000xf32, #tpu.memory_space<hbm>> -> memref<128xf32, #tpu.memory_space<hbm>>
      %dma_start3A_98 = tpu.memref_slice %arg4[%add3A_86] : memref<19200000xf32, #tpu.memory_space<hbm>> -> memref<128xf32, #tpu.memory_space<hbm>>
      tpu.enqueue_dma source(%dma_start3A_98 : memref<128xf32, #tpu.memory_space<hbm>>) target(%arg21 : memref<128xf32, #tpu.memory_space<vmem>>) target_semaphore(%arg46 : memref<!tpu.dma_semaphore, #tpu.memory_space<semaphore_mem>>)
      %dma_start3A_99 = tpu.memref_slice %arg4[%add3A_88] : memref<19200000xf32, #tpu.memory_space<hbm>> -> memref<128xf32, #tpu.memory_space<hbm>>
      %dma_start3A_100 = tpu.memref_slice %arg4[%add3A_88] : memref<19200000xf32, #tpu.memory_space<hbm>> -> memref<128xf32, #tpu.memory_space<hbm>>
      tpu.enqueue_dma source(%dma_start3A_100 : memref<128xf32, #tpu.memory_space<hbm>>) target(%arg22 : memref<128xf32, #tpu.memory_space<vmem>>) target_semaphore(%arg46 : memref<!tpu.dma_semaphore, #tpu.memory_space<semaphore_mem>>)
      %add3A_101 = arith.constant 49984 : i32
      %add3A_102 = arith.addi %add3A_101, %add3A : i32
      %mul3A_103 = arith.constant 128 : i32
      %mul3A_104 = arith.muli %add3A_102, %mul3A_103 : i32
      %multiple_of3A_105 = tpu.assume_multiple %mul3A_104, 128 : i32
      %add3A_106 = arith.constant 6400000 : i32
      %add3A_107 = arith.addi %multiple_of3A_105, %add3A_106 : i32
      %add3A_108 = arith.constant 6400000 : i32
      %add3A_109 = arith.addi %multiple_of3A_105, %add3A_108 : i32
      %add3A_110 = arith.constant 12800000 : i32
      %add3A_111 = arith.addi %multiple_of3A_105, %add3A_110 : i32
      %dma_wait3A_112 = tpu.memref_slice %arg2[%multiple_of3A_105] : memref<12800000xi32, #tpu.memory_space<hbm>> -> memref<128xi32, #tpu.memory_space<hbm>>
      %dma_wait3A_113 = tpu.memref_slice %arg2[%multiple_of3A_105] : memref<12800000xi32, #tpu.memory_space<hbm>> -> memref<128xi32, #tpu.memory_space<hbm>>
      tpu.wait_dma2 semaphore(%arg46 : memref<!tpu.dma_semaphore, #tpu.memory_space<semaphore_mem>>) src(%dma_wait3A_113 : memref<128xi32, #tpu.memory_space<hbm>>) dst(%arg17 : memref<128xi32, #tpu.memory_space<vmem>>)
      %dma_wait3A_114 = tpu.memref_slice %arg2[%add3A_107] : memref<12800000xi32, #tpu.memory_space<hbm>> -> memref<128xi32, #tpu.memory_space<hbm>>
      %dma_wait3A_115 = tpu.memref_slice %arg2[%add3A_107] : memref<12800000xi32, #tpu.memory_space<hbm>> -> memref<128xi32, #tpu.memory_space<hbm>>
      tpu.wait_dma2 semaphore(%arg46 : memref<!tpu.dma_semaphore, #tpu.memory_space<semaphore_mem>>) src(%dma_wait3A_115 : memref<128xi32, #tpu.memory_space<hbm>>) dst(%arg18 : memref<128xi32, #tpu.memory_space<vmem>>)
      %dma_wait3A_116 = tpu.memref_slice %arg3[%multiple_of3A_105] : memref<6400000xf32, #tpu.memory_space<hbm>> -> memref<128xf32, #tpu.memory_space<hbm>>
      %dma_wait3A_117 = tpu.memref_slice %arg3[%multiple_of3A_105] : memref<6400000xf32, #tpu.memory_space<hbm>> -> memref<128xf32, #tpu.memory_space<hbm>>
      tpu.wait_dma2 semaphore(%arg46 : memref<!tpu.dma_semaphore, #tpu.memory_space<semaphore_mem>>) src(%dma_wait3A_117 : memref<128xf32, #tpu.memory_space<hbm>>) dst(%arg19 : memref<128xf32, #tpu.memory_space<vmem>>)
      %dma_wait3A_118 = tpu.memref_slice %arg4[%multiple_of3A_105] : memref<19200000xf32, #tpu.memory_space<hbm>> -> memref<128xf32, #tpu.memory_space<hbm>>
      %dma_wait3A_119 = tpu.memref_slice %arg4[%multiple_of3A_105] : memref<19200000xf32, #tpu.memory_space<hbm>> -> memref<128xf32, #tpu.memory_space<hbm>>
      tpu.wait_dma2 semaphore(%arg46 : memref<!tpu.dma_semaphore, #tpu.memory_space<semaphore_mem>>) src(%dma_wait3A_119 : memref<128xf32, #tpu.memory_space<hbm>>) dst(%arg20 : memref<128xf32, #tpu.memory_space<vmem>>)
      %dma_wait3A_120 = tpu.memref_slice %arg4[%add3A_109] : memref<19200000xf32, #tpu.memory_space<hbm>> -> memref<128xf32, #tpu.memory_space<hbm>>
      %dma_wait3A_121 = tpu.memref_slice %arg4[%add3A_109] : memref<19200000xf32, #tpu.memory_space<hbm>> -> memref<128xf32, #tpu.memory_space<hbm>>
      tpu.wait_dma2 semaphore(%arg46 : memref<!tpu.dma_semaphore, #tpu.memory_space<semaphore_mem>>) src(%dma_wait3A_121 : memref<128xf32, #tpu.memory_space<hbm>>) dst(%arg21 : memref<128xf32, #tpu.memory_space<vmem>>)
      %dma_wait3A_122 = tpu.memref_slice %arg4[%add3A_111] : memref<19200000xf32, #tpu.memory_space<hbm>> -> memref<128xf32, #tpu.memory_space<hbm>>
      %dma_wait3A_123 = tpu.memref_slice %arg4[%add3A_111] : memref<19200000xf32, #tpu.memory_space<hbm>> -> memref<128xf32, #tpu.memory_space<hbm>>
      tpu.wait_dma2 semaphore(%arg46 : memref<!tpu.dma_semaphore, #tpu.memory_space<semaphore_mem>>) src(%dma_wait3A_123 : memref<128xf32, #tpu.memory_space<hbm>>) dst(%arg22 : memref<128xf32, #tpu.memory_space<vmem>>)
      %dma_start3A_124 = arith.constant 0 : i32
      %dma_start3A_125 = tpu.memref_slice %arg9[%dma_start3A_124] : memref<100096xf32, #tpu.memory_space<vmem_shared>> -> memref<100096xf32, #tpu.memory_space<vmem_shared>>
      tpu.enqueue_indirect_dma source(%dma_start3A_125 : memref<100096xf32, #tpu.memory_space<vmem_shared>>) target(%arg23 : memref<128xf32, #tpu.memory_space<vmem>>) offsets(%arg17 : memref<128xi32, #tpu.memory_space<vmem>>) semaphore(%arg48 : memref<!tpu.dma_semaphore, #tpu.memory_space<semaphore_mem>>)
      %dma_start3A_126 = arith.constant 0 : i32
      %dma_start3A_127 = tpu.memref_slice %arg10[%dma_start3A_126] : memref<100096xf32, #tpu.memory_space<vmem_shared>> -> memref<100096xf32, #tpu.memory_space<vmem_shared>>
      tpu.enqueue_indirect_dma source(%dma_start3A_127 : memref<100096xf32, #tpu.memory_space<vmem_shared>>) target(%arg24 : memref<128xf32, #tpu.memory_space<vmem>>) offsets(%arg17 : memref<128xi32, #tpu.memory_space<vmem>>) semaphore(%arg48 : memref<!tpu.dma_semaphore, #tpu.memory_space<semaphore_mem>>)
      %dma_start3A_128 = arith.constant 0 : i32
      %dma_start3A_129 = tpu.memref_slice %arg11[%dma_start3A_128] : memref<100096xf32, #tpu.memory_space<vmem_shared>> -> memref<100096xf32, #tpu.memory_space<vmem_shared>>
      tpu.enqueue_indirect_dma source(%dma_start3A_129 : memref<100096xf32, #tpu.memory_space<vmem_shared>>) target(%arg25 : memref<128xf32, #tpu.memory_space<vmem>>) offsets(%arg17 : memref<128xi32, #tpu.memory_space<vmem>>) semaphore(%arg48 : memref<!tpu.dma_semaphore, #tpu.memory_space<semaphore_mem>>)
      %dma_start3A_130 = arith.constant 0 : i32
      %dma_start3A_131 = tpu.memref_slice %arg12[%dma_start3A_130] : memref<100096xf32, #tpu.memory_space<vmem_shared>> -> memref<100096xf32, #tpu.memory_space<vmem_shared>>
      tpu.enqueue_indirect_dma source(%dma_start3A_131 : memref<100096xf32, #tpu.memory_space<vmem_shared>>) target(%arg26 : memref<128xf32, #tpu.memory_space<vmem>>) offsets(%arg17 : memref<128xi32, #tpu.memory_space<vmem>>) semaphore(%arg48 : memref<!tpu.dma_semaphore, #tpu.memory_space<semaphore_mem>>)
      %dma_wait3A_132 = arith.constant 0 : i32
      %dma_wait3A_133 = tpu.memref_slice %arg9[%dma_wait3A_132] : memref<100096xf32, #tpu.memory_space<vmem_shared>> -> memref<100096xf32, #tpu.memory_space<vmem_shared>>
      tpu.wait_indirect_dma semaphore(%arg48 : memref<!tpu.dma_semaphore, #tpu.memory_space<semaphore_mem>>) src(%dma_wait3A_133 : memref<100096xf32, #tpu.memory_space<vmem_shared>>) dst(%arg23 : memref<128xf32, #tpu.memory_space<vmem>>)
      %dma_wait3A_134 = arith.constant 0 : i32
      %dma_wait3A_135 = tpu.memref_slice %arg10[%dma_wait3A_134] : memref<100096xf32, #tpu.memory_space<vmem_shared>> -> memref<100096xf32, #tpu.memory_space<vmem_shared>>
      tpu.wait_indirect_dma semaphore(%arg48 : memref<!tpu.dma_semaphore, #tpu.memory_space<semaphore_mem>>) src(%dma_wait3A_135 : memref<100096xf32, #tpu.memory_space<vmem_shared>>) dst(%arg24 : memref<128xf32, #tpu.memory_space<vmem>>)
      %dma_wait3A_136 = arith.constant 0 : i32
      %dma_wait3A_137 = tpu.memref_slice %arg11[%dma_wait3A_136] : memref<100096xf32, #tpu.memory_space<vmem_shared>> -> memref<100096xf32, #tpu.memory_space<vmem_shared>>
      tpu.wait_indirect_dma semaphore(%arg48 : memref<!tpu.dma_semaphore, #tpu.memory_space<semaphore_mem>>) src(%dma_wait3A_137 : memref<100096xf32, #tpu.memory_space<vmem_shared>>) dst(%arg25 : memref<128xf32, #tpu.memory_space<vmem>>)
      %dma_wait3A_138 = arith.constant 0 : i32
      %dma_wait3A_139 = tpu.memref_slice %arg12[%dma_wait3A_138] : memref<100096xf32, #tpu.memory_space<vmem_shared>> -> memref<100096xf32, #tpu.memory_space<vmem_shared>>
      tpu.wait_indirect_dma semaphore(%arg48 : memref<!tpu.dma_semaphore, #tpu.memory_space<semaphore_mem>>) src(%dma_wait3A_139 : memref<100096xf32, #tpu.memory_space<vmem_shared>>) dst(%arg26 : memref<128xf32, #tpu.memory_space<vmem>>)
      %get3A_140 = arith.constant 0 : index
      %get3A_141 = tpu.vector_load %arg23[%get3A_140] {strides = array<i32>} : memref<128xf32, #tpu.memory_space<vmem>>, vector<16xf32>,
      %get3A_142 = vector.shape_cast %get3A_141 : vector<16xf32> to vector<16xf32>
      %get3A_143 = arith.constant 0 : index
      %get3A_144 = tpu.vector_load %arg24[%get3A_143] {strides = array<i32>} : memref<128xf32, #tpu.memory_space<vmem>>, vector<16xf32>,
      %get3A_145 = vector.shape_cast %get3A_144 : vector<16xf32> to vector<16xf32>
      %get3A_146 = arith.constant 0 : index
      %get3A_147 = tpu.vector_load %arg25[%get3A_146] {strides = array<i32>} : memref<128xf32, #tpu.memory_space<vmem>>, vector<16xf32>,
      %get3A_148 = vector.shape_cast %get3A_147 : vector<16xf32> to vector<16xf32>
      %get3A_149 = arith.constant 0 : index
      %get3A_150 = tpu.vector_load %arg26[%get3A_149] {strides = array<i32>} : memref<128xf32, #tpu.memory_space<vmem>>, vector<16xf32>,
      %get3A_151 = vector.shape_cast %get3A_150 : vector<16xf32> to vector<16xf32>
      %get3A_152 = arith.constant 0 : index
      %get3A_153 = tpu.vector_load %arg20[%get3A_152] {strides = array<i32>} : memref<128xf32, #tpu.memory_space<vmem>>, vector<16xf32>,
      %get3A_154 = vector.shape_cast %get3A_153 : vector<16xf32> to vector<16xf32>
      %get3A_155 = arith.constant 0 : index
      %get3A_156 = tpu.vector_load %arg21[%get3A_155] {strides = array<i32>} : memref<128xf32, #tpu.memory_space<vmem>>, vector<16xf32>,
      %get3A_157 = vector.shape_cast %get3A_156 : vector<16xf32> to vector<16xf32>
      %get3A_158 = arith.constant 0 : index
      %get3A_159 = tpu.vector_load %arg22[%get3A_158] {strides = array<i32>} : memref<128xf32, #tpu.memory_space<vmem>>, vector<16xf32>,
      %get3A_160 = vector.shape_cast %get3A_159 : vector<16xf32> to vector<16xf32>
      %get3A_161 = arith.constant 0 : index
      %get3A_162 = tpu.vector_load %arg19[%get3A_161] {strides = array<i32>} : memref<128xf32, #tpu.memory_space<vmem>>, vector<16xf32>,
      %get3A_163 = vector.shape_cast %get3A_162 : vector<16xf32> to vector<16xf32>
      %mul3A_164 = arith.mulf %get3A_154, %get3A_145 : vector<16xf32>
      %mul3A_165 = arith.mulf %get3A_157, %get3A_148 : vector<16xf32>
      %add3A_166 = arith.addf %mul3A_164, %mul3A_165 : vector<16xf32>
      %mul3A_167 = arith.mulf %get3A_160, %get3A_151 : vector<16xf32>
      %add3A_168 = arith.addf %add3A_166, %mul3A_167 : vector<16xf32>
      %mul3A_169 = arith.mulf %get3A_163, %get3A_142 : vector<16xf32>
      %mul3A_170 = arith.mulf %get3A_6, %mul3A_169 : vector<16xf32>
      %mul3A_171 = arith.mulf %get3A_21, %add3A_168 : vector<16xf32>
      %add3A_172 = arith.addf %mul3A_170, %mul3A_171 : vector<16xf32>
      %swap3A = arith.constant 0 : index
      %swap3A_173 = tpu.vector_load %arg27[%swap3A] {strides = array<i32>} : memref<128xf32, #tpu.memory_space<vmem>>, vector<16xf32>,
      %swap3A_174 = vector.shape_cast %swap3A_173 : vector<16xf32> to vector<16xf32>
      %swap3A_175 = vector.shape_cast %add3A_172 : vector<16xf32> to vector<16xf32>
      tpu.vector_store %arg27[%swap3A], %swap3A_175 {strides = array<i32>} : memref<128xf32, #tpu.memory_space<vmem>>, vector<16xf32>,
      %mul3A_176 = arith.mulf %get3A_163, %get3A_145 : vector<16xf32>
      %mul3A_177 = arith.mulf %get3A_11, %mul3A_176 : vector<16xf32>
      %mul3A_178 = arith.mulf %get3A_142, %get3A_154 : vector<16xf32>
      %mul3A_179 = arith.mulf %get3A_16, %mul3A_178 : vector<16xf32>
      %add3A_180 = arith.addf %mul3A_177, %mul3A_179 : vector<16xf32>
      %mul3A_181 = arith.mulf %get3A_157, %get3A_151 : vector<16xf32>
      %mul3A_182 = arith.mulf %get3A_160, %get3A_148 : vector<16xf32>
      %sub3A = arith.subf %mul3A_181, %mul3A_182 : vector<16xf32>
      %mul3A_183 = arith.mulf %get3A_26, %sub3A : vector<16xf32>
      %add3A_184 = arith.addf %add3A_180, %mul3A_183 : vector<16xf32>
      %swap3A_185 = arith.constant 0 : index
      %swap3A_186 = tpu.vector_load %arg28[%swap3A_185] {strides = array<i32>} : memref<128xf32, #tpu.memory_space<vmem>>, vector<16xf32>,
      %swap3A_187 = vector.shape_cast %swap3A_186 : vector<16xf32> to vector<16xf32>
      %swap3A_188 = vector.shape_cast %add3A_184 : vector<16xf32> to vector<16xf32>
      tpu.vector_store %arg28[%swap3A_185], %swap3A_188 {strides = array<i32>} : memref<128xf32, #tpu.memory_space<vmem>>, vector<16xf32>,
      %mul3A_189 = arith.mulf %get3A_163, %get3A_148 : vector<16xf32>
      %mul3A_190 = arith.mulf %get3A_11, %mul3A_189 : vector<16xf32>
      %mul3A_191 = arith.mulf %get3A_142, %get3A_157 : vector<16xf32>
      %mul3A_192 = arith.mulf %get3A_16, %mul3A_191 : vector<16xf32>
      %add3A_193 = arith.addf %mul3A_190, %mul3A_192 : vector<16xf32>
      %mul3A_194 = arith.mulf %get3A_160, %get3A_145 : vector<16xf32>
      %mul3A_195 = arith.mulf %get3A_154, %get3A_151 : vector<16xf32>
      %sub3A_196 = arith.subf %mul3A_194, %mul3A_195 : vector<16xf32>
      %mul3A_197 = arith.mulf %get3A_26, %sub3A_196 : vector<16xf32>
      %add3A_198 = arith.addf %add3A_193, %mul3A_197 : vector<16xf32>
      %swap3A_199 = arith.constant 0 : index
      %swap3A_200 = tpu.vector_load %arg29[%swap3A_199] {strides = array<i32>} : memref<128xf32, #tpu.memory_space<vmem>>, vector<16xf32>,
      %swap3A_201 = vector.shape_cast %swap3A_200 : vector<16xf32> to vector<16xf32>
      %swap3A_202 = vector.shape_cast %add3A_198 : vector<16xf32> to vector<16xf32>
      tpu.vector_store %arg29[%swap3A_199], %swap3A_202 {strides = array<i32>} : memref<128xf32, #tpu.memory_space<vmem>>, vector<16xf32>,
      %mul3A_203 = arith.mulf %get3A_163, %get3A_151 : vector<16xf32>
      %mul3A_204 = arith.mulf %get3A_11, %mul3A_203 : vector<16xf32>
      %mul3A_205 = arith.mulf %get3A_142, %get3A_160 : vector<16xf32>
      %mul3A_206 = arith.mulf %get3A_16, %mul3A_205 : vector<16xf32>
      %add3A_207 = arith.addf %mul3A_204, %mul3A_206 : vector<16xf32>
      %mul3A_208 = arith.mulf %get3A_154, %get3A_148 : vector<16xf32>
      %mul3A_209 = arith.mulf %get3A_157, %get3A_145 : vector<16xf32>
      %sub3A_210 = arith.subf %mul3A_208, %mul3A_209 : vector<16xf32>
      %mul3A_211 = arith.mulf %get3A_26, %sub3A_210 : vector<16xf32>
      %add3A_212 = arith.addf %add3A_207, %mul3A_211 : vector<16xf32>
      %swap3A_213 = arith.constant 0 : index
      %swap3A_214 = tpu.vector_load %arg30[%swap3A_213] {strides = array<i32>} : memref<128xf32, #tpu.memory_space<vmem>>, vector<16xf32>,
      %swap3A_215 = vector.shape_cast %swap3A_214 : vector<16xf32> to vector<16xf32>
      %swap3A_216 = vector.shape_cast %add3A_212 : vector<16xf32> to vector<16xf32>
      tpu.vector_store %arg30[%swap3A_213], %swap3A_216 {strides = array<i32>} : memref<128xf32, #tpu.memory_space<vmem>>, vector<16xf32>,
      %get3A_217 = arith.constant 16 : index
      %get3A_218 = tpu.vector_load %arg23[%get3A_217] {strides = array<i32>} : memref<128xf32, #tpu.memory_space<vmem>>, vector<16xf32>,
      %get3A_219 = vector.shape_cast %get3A_218 : vector<16xf32> to vector<16xf32>
      %get3A_220 = arith.constant 16 : index
      %get3A_221 = tpu.vector_load %arg24[%get3A_220] {strides = array<i32>} : memref<128xf32, #tpu.memory_space<vmem>>, vector<16xf32>,
      %get3A_222 = vector.shape_cast %get3A_221 : vector<16xf32> to vector<16xf32>
      %get3A_223 = arith.constant 16 : index
      %get3A_224 = tpu.vector_load %arg25[%get3A_223] {strides = array<i32>} : memref<128xf32, #tpu.memory_space<vmem>>, vector<16xf32>,
      %get3A_225 = vector.shape_cast %get3A_224 : vector<16xf32> to vector<16xf32>
      %get3A_226 = arith.constant 16 : index
      %get3A_227 = tpu.vector_load %arg26[%get3A_226] {strides = array<i32>} : memref<128xf32, #tpu.memory_space<vmem>>, vector<16xf32>,
      %get3A_228 = vector.shape_cast %get3A_227 : vector<16xf32> to vector<16xf32>
      %get3A_229 = arith.constant 16 : index
      %get3A_230 = tpu.vector_load %arg20[%get3A_229] {strides = array<i32>} : memref<128xf32, #tpu.memory_space<vmem>>, vector<16xf32>,
      %get3A_231 = vector.shape_cast %get3A_230 : vector<16xf32> to vector<16xf32>
      %get3A_232 = arith.constant 16 : index
      %get3A_233 = tpu.vector_load %arg21[%get3A_232] {strides = array<i32>} : memref<128xf32, #tpu.memory_space<vmem>>, vector<16xf32>,
      %get3A_234 = vector.shape_cast %get3A_233 : vector<16xf32> to vector<16xf32>
      %get3A_235 = arith.constant 16 : index
      %get3A_236 = tpu.vector_load %arg22[%get3A_235] {strides = array<i32>} : memref<128xf32, #tpu.memory_space<vmem>>, vector<16xf32>,
      %get3A_237 = vector.shape_cast %get3A_236 : vector<16xf32> to vector<16xf32>
      %get3A_238 = arith.constant 16 : index
      %get3A_239 = tpu.vector_load %arg19[%get3A_238] {strides = array<i32>} : memref<128xf32, #tpu.memory_space<vmem>>, vector<16xf32>,
      %get3A_240 = vector.shape_cast %get3A_239 : vector<16xf32> to vector<16xf32>
      %mul3A_241 = arith.mulf %get3A_231, %get3A_222 : vector<16xf32>
      %mul3A_242 = arith.mulf %get3A_234, %get3A_225 : vector<16xf32>
      %add3A_243 = arith.addf %mul3A_241, %mul3A_242 : vector<16xf32>
      %mul3A_244 = arith.mulf %get3A_237, %get3A_228 : vector<16xf32>
      %add3A_245 = arith.addf %add3A_243, %mul3A_244 : vector<16xf32>
      %mul3A_246 = arith.mulf %get3A_240, %get3A_219 : vector<16xf32>
      %mul3A_247 = arith.mulf %get3A_6, %mul3A_246 : vector<16xf32>
      %mul3A_248 = arith.mulf %get3A_21, %add3A_245 : vector<16xf32>
      %add3A_249 = arith.addf %mul3A_247, %mul3A_248 : vector<16xf32>
      %swap3A_250 = arith.constant 16 : index
      %swap3A_251 = tpu.vector_load %arg27[%swap3A_250] {strides = array<i32>} : memref<128xf32, #tpu.memory_space<vmem>>, vector<16xf32>,
      %swap3A_252 = vector.shape_cast %swap3A_251 : vector<16xf32> to vector<16xf32>
      %swap3A_253 = vector.shape_cast %add3A_249 : vector<16xf32> to vector<16xf32>
      tpu.vector_store %arg27[%swap3A_250], %swap3A_253 {strides = array<i32>} : memref<128xf32, #tpu.memory_space<vmem>>, vector<16xf32>,
      %mul3A_254 = arith.mulf %get3A_240, %get3A_222 : vector<16xf32>
      %mul3A_255 = arith.mulf %get3A_11, %mul3A_254 : vector<16xf32>
      %mul3A_256 = arith.mulf %get3A_219, %get3A_231 : vector<16xf32>
      %mul3A_257 = arith.mulf %get3A_16, %mul3A_256 : vector<16xf32>
      %add3A_258 = arith.addf %mul3A_255, %mul3A_257 : vector<16xf32>
      %mul3A_259 = arith.mulf %get3A_234, %get3A_228 : vector<16xf32>
      %mul3A_260 = arith.mulf %get3A_237, %get3A_225 : vector<16xf32>
      %sub3A_261 = arith.subf %mul3A_259, %mul3A_260 : vector<16xf32>
      %mul3A_262 = arith.mulf %get3A_26, %sub3A_261 : vector<16xf32>
      %add3A_263 = arith.addf %add3A_258, %mul3A_262 : vector<16xf32>
      %swap3A_264 = arith.constant 16 : index
      %swap3A_265 = tpu.vector_load %arg28[%swap3A_264] {strides = array<i32>} : memref<128xf32, #tpu.memory_space<vmem>>, vector<16xf32>,
      %swap3A_266 = vector.shape_cast %swap3A_265 : vector<16xf32> to vector<16xf32>
      %swap3A_267 = vector.shape_cast %add3A_263 : vector<16xf32> to vector<16xf32>
      tpu.vector_store %arg28[%swap3A_264], %swap3A_267 {strides = array<i32>} : memref<128xf32, #tpu.memory_space<vmem>>, vector<16xf32>,
      %mul3A_268 = arith.mulf %get3A_240, %get3A_225 : vector<16xf32>
      %mul3A_269 = arith.mulf %get3A_11, %mul3A_268 : vector<16xf32>
      %mul3A_270 = arith.mulf %get3A_219, %get3A_234 : vector<16xf32>
      %mul3A_271 = arith.mulf %get3A_16, %mul3A_270 : vector<16xf32>
      %add3A_272 = arith.addf %mul3A_269, %mul3A_271 : vector<16xf32>
      %mul3A_273 = arith.mulf %get3A_237, %get3A_222 : vector<16xf32>
      %mul3A_274 = arith.mulf %get3A_231, %get3A_228 : vector<16xf32>
      %sub3A_275 = arith.subf %mul3A_273, %mul3A_274 : vector<16xf32>
      %mul3A_276 = arith.mulf %get3A_26, %sub3A_275 : vector<16xf32>
      %add3A_277 = arith.addf %add3A_272, %mul3A_276 : vector<16xf32>
      %swap3A_278 = arith.constant 16 : index
      %swap3A_279 = tpu.vector_load %arg29[%swap3A_278] {strides = array<i32>} : memref<128xf32, #tpu.memory_space<vmem>>, vector<16xf32>,
      %swap3A_280 = vector.shape_cast %swap3A_279 : vector<16xf32> to vector<16xf32>
      %swap3A_281 = vector.shape_cast %add3A_277 : vector<16xf32> to vector<16xf32>
      tpu.vector_store %arg29[%swap3A_278], %swap3A_281 {strides = array<i32>} : memref<128xf32, #tpu.memory_space<vmem>>, vector<16xf32>,
      %mul3A_282 = arith.mulf %get3A_240, %get3A_228 : vector<16xf32>
      %mul3A_283 = arith.mulf %get3A_11, %mul3A_282 : vector<16xf32>
      %mul3A_284 = arith.mulf %get3A_219, %get3A_237 : vector<16xf32>
      %mul3A_285 = arith.mulf %get3A_16, %mul3A_284 : vector<16xf32>
      %add3A_286 = arith.addf %mul3A_283, %mul3A_285 : vector<16xf32>
      %mul3A_287 = arith.mulf %get3A_231, %get3A_225 : vector<16xf32>
      %mul3A_288 = arith.mulf %get3A_234, %get3A_222 : vector<16xf32>
      %sub3A_289 = arith.subf %mul3A_287, %mul3A_288 : vector<16xf32>
      %mul3A_290 = arith.mulf %get3A_26, %sub3A_289 : vector<16xf32>
      %add3A_291 = arith.addf %add3A_286, %mul3A_290 : vector<16xf32>
      %swap3A_292 = arith.constant 16 : index
      %swap3A_293 = tpu.vector_load %arg30[%swap3A_292] {strides = array<i32>} : memref<128xf32, #tpu.memory_space<vmem>>, vector<16xf32>,
      %swap3A_294 = vector.shape_cast %swap3A_293 : vector<16xf32> to vector<16xf32>
      %swap3A_295 = vector.shape_cast %add3A_291 : vector<16xf32> to vector<16xf32>
      tpu.vector_store %arg30[%swap3A_292], %swap3A_295 {strides = array<i32>} : memref<128xf32, #tpu.memory_space<vmem>>, vector<16xf32>,
      %get3A_296 = arith.constant 32 : index
      %get3A_297 = tpu.vector_load %arg23[%get3A_296] {strides = array<i32>} : memref<128xf32, #tpu.memory_space<vmem>>, vector<16xf32>,
      %get3A_298 = vector.shape_cast %get3A_297 : vector<16xf32> to vector<16xf32>
      %get3A_299 = arith.constant 32 : index
      %get3A_300 = tpu.vector_load %arg24[%get3A_299] {strides = array<i32>} : memref<128xf32, #tpu.memory_space<vmem>>, vector<16xf32>,
      %get3A_301 = vector.shape_cast %get3A_300 : vector<16xf32> to vector<16xf32>
      %get3A_302 = arith.constant 32 : index
      %get3A_303 = tpu.vector_load %arg25[%get3A_302] {strides = array<i32>} : memref<128xf32, #tpu.memory_space<vmem>>, vector<16xf32>,
      %get3A_304 = vector.shape_cast %get3A_303 : vector<16xf32> to vector<16xf32>
      %get3A_305 = arith.constant 32 : index
      %get3A_306 = tpu.vector_load %arg26[%get3A_305] {strides = array<i32>} : memref<128xf32, #tpu.memory_space<vmem>>, vector<16xf32>,
      %get3A_307 = vector.shape_cast %get3A_306 : vector<16xf32> to vector<16xf32>
      %get3A_308 = arith.constant 32 : index
      %get3A_309 = tpu.vector_load %arg20[%get3A_308] {strides = array<i32>} : memref<128xf32, #tpu.memory_space<vmem>>, vector<16xf32>,
      %get3A_310 = vector.shape_cast %get3A_309 : vector<16xf32> to vector<16xf32>
      %get3A_311 = arith.constant 32 : index
      %get3A_312 = tpu.vector_load %arg21[%get3A_311] {strides = array<i32>} : memref<128xf32, #tpu.memory_space<vmem>>, vector<16xf32>,
      %get3A_313 = vector.shape_cast %get3A_312 : vector<16xf32> to vector<16xf32>
      %get3A_314 = arith.constant 32 : index
      %get3A_315 = tpu.vector_load %arg22[%get3A_314] {strides = array<i32>} : memref<128xf32, #tpu.memory_space<vmem>>, vector<16xf32>,
      %get3A_316 = vector.shape_cast %get3A_315 : vector<16xf32> to vector<16xf32>
      %get3A_317 = arith.constant 32 : index
      %get3A_318 = tpu.vector_load %arg19[%get3A_317] {strides = array<i32>} : memref<128xf32, #tpu.memory_space<vmem>>, vector<16xf32>,
      %get3A_319 = vector.shape_cast %get3A_318 : vector<16xf32> to vector<16xf32>
      %mul3A_320 = arith.mulf %get3A_310, %get3A_301 : vector<16xf32>
      %mul3A_321 = arith.mulf %get3A_313, %get3A_304 : vector<16xf32>
      %add3A_322 = arith.addf %mul3A_320, %mul3A_321 : vector<16xf32>
      %mul3A_323 = arith.mulf %get3A_316, %get3A_307 : vector<16xf32>
      %add3A_324 = arith.addf %add3A_322, %mul3A_323 : vector<16xf32>
      %mul3A_325 = arith.mulf %get3A_319, %get3A_298 : vector<16xf32>
      %mul3A_326 = arith.mulf %get3A_6, %mul3A_325 : vector<16xf32>
      %mul3A_327 = arith.mulf %get3A_21, %add3A_324 : vector<16xf32>
      %add3A_328 = arith.addf %mul3A_326, %mul3A_327 : vector<16xf32>
      %swap3A_329 = arith.constant 32 : index
      %swap3A_330 = tpu.vector_load %arg27[%swap3A_329] {strides = array<i32>} : memref<128xf32, #tpu.memory_space<vmem>>, vector<16xf32>,
      %swap3A_331 = vector.shape_cast %swap3A_330 : vector<16xf32> to vector<16xf32>
      %swap3A_332 = vector.shape_cast %add3A_328 : vector<16xf32> to vector<16xf32>
      tpu.vector_store %arg27[%swap3A_329], %swap3A_332 {strides = array<i32>} : memref<128xf32, #tpu.memory_space<vmem>>, vector<16xf32>,
      %mul3A_333 = arith.mulf %get3A_319, %get3A_301 : vector<16xf32>
      %mul3A_334 = arith.mulf %get3A_11, %mul3A_333 : vector<16xf32>
      %mul3A_335 = arith.mulf %get3A_298, %get3A_310 : vector<16xf32>
      %mul3A_336 = arith.mulf %get3A_16, %mul3A_335 : vector<16xf32>
      %add3A_337 = arith.addf %mul3A_334, %mul3A_336 : vector<16xf32>
      %mul3A_338 = arith.mulf %get3A_313, %get3A_307 : vector<16xf32>
      %mul3A_339 = arith.mulf %get3A_316, %get3A_304 : vector<16xf32>
      %sub3A_340 = arith.subf %mul3A_338, %mul3A_339 : vector<16xf32>
      %mul3A_341 = arith.mulf %get3A_26, %sub3A_340 : vector<16xf32>
      %add3A_342 = arith.addf %add3A_337, %mul3A_341 : vector<16xf32>
      %swap3A_343 = arith.constant 32 : index
      %swap3A_344 = tpu.vector_load %arg28[%swap3A_343] {strides = array<i32>} : memref<128xf32, #tpu.memory_space<vmem>>, vector<16xf32>,
      %swap3A_345 = vector.shape_cast %swap3A_344 : vector<16xf32> to vector<16xf32>
      %swap3A_346 = vector.shape_cast %add3A_342 : vector<16xf32> to vector<16xf32>
      tpu.vector_store %arg28[%swap3A_343], %swap3A_346 {strides = array<i32>} : memref<128xf32, #tpu.memory_space<vmem>>, vector<16xf32>,
      %mul3A_347 = arith.mulf %get3A_319, %get3A_304 : vector<16xf32>
      %mul3A_348 = arith.mulf %get3A_11, %mul3A_347 : vector<16xf32>
      %mul3A_349 = arith.mulf %get3A_298, %get3A_313 : vector<16xf32>
      %mul3A_350 = arith.mulf %get3A_16, %mul3A_349 : vector<16xf32>
      %add3A_351 = arith.addf %mul3A_348, %mul3A_350 : vector<16xf32>
      %mul3A_352 = arith.mulf %get3A_316, %get3A_301 : vector<16xf32>
      %mul3A_353 = arith.mulf %get3A_310, %get3A_307 : vector<16xf32>
      %sub3A_354 = arith.subf %mul3A_352, %mul3A_353 : vector<16xf32>
      %mul3A_355 = arith.mulf %get3A_26, %sub3A_354 : vector<16xf32>
      %add3A_356 = arith.addf %add3A_351, %mul3A_355 : vector<16xf32>
      %swap3A_357 = arith.constant 32 : index
      %swap3A_358 = tpu.vector_load %arg29[%swap3A_357] {strides = array<i32>} : memref<128xf32, #tpu.memory_space<vmem>>, vector<16xf32>,
      %swap3A_359 = vector.shape_cast %swap3A_358 : vector<16xf32> to vector<16xf32>
      %swap3A_360 = vector.shape_cast %add3A_356 : vector<16xf32> to vector<16xf32>
      tpu.vector_store %arg29[%swap3A_357], %swap3A_360 {strides = array<i32>} : memref<128xf32, #tpu.memory_space<vmem>>, vector<16xf32>,
      %mul3A_361 = arith.mulf %get3A_319, %get3A_307 : vector<16xf32>
      %mul3A_362 = arith.mulf %get3A_11, %mul3A_361 : vector<16xf32>
      %mul3A_363 = arith.mulf %get3A_298, %get3A_316 : vector<16xf32>
      %mul3A_364 = arith.mulf %get3A_16, %mul3A_363 : vector<16xf32>
      %add3A_365 = arith.addf %mul3A_362, %mul3A_364 : vector<16xf32>
      %mul3A_366 = arith.mulf %get3A_310, %get3A_304 : vector<16xf32>
      %mul3A_367 = arith.mulf %get3A_313, %get3A_301 : vector<16xf32>
      %sub3A_368 = arith.subf %mul3A_366, %mul3A_367 : vector<16xf32>
      %mul3A_369 = arith.mulf %get3A_26, %sub3A_368 : vector<16xf32>
      %add3A_370 = arith.addf %add3A_365, %mul3A_369 : vector<16xf32>
      %swap3A_371 = arith.constant 32 : index
      %swap3A_372 = tpu.vector_load %arg30[%swap3A_371] {strides = array<i32>} : memref<128xf32, #tpu.memory_space<vmem>>, vector<16xf32>,
      %swap3A_373 = vector.shape_cast %swap3A_372 : vector<16xf32> to vector<16xf32>
      %swap3A_374 = vector.shape_cast %add3A_370 : vector<16xf32> to vector<16xf32>
      tpu.vector_store %arg30[%swap3A_371], %swap3A_374 {strides = array<i32>} : memref<128xf32, #tpu.memory_space<vmem>>, vector<16xf32>,
      %get3A_375 = arith.constant 48 : index
      %get3A_376 = tpu.vector_load %arg23[%get3A_375] {strides = array<i32>} : memref<128xf32, #tpu.memory_space<vmem>>, vector<16xf32>,
      %get3A_377 = vector.shape_cast %get3A_376 : vector<16xf32> to vector<16xf32>
      %get3A_378 = arith.constant 48 : index
      %get3A_379 = tpu.vector_load %arg24[%get3A_378] {strides = array<i32>} : memref<128xf32, #tpu.memory_space<vmem>>, vector<16xf32>,
      %get3A_380 = vector.shape_cast %get3A_379 : vector<16xf32> to vector<16xf32>
      %get3A_381 = arith.constant 48 : index
      %get3A_382 = tpu.vector_load %arg25[%get3A_381] {strides = array<i32>} : memref<128xf32, #tpu.memory_space<vmem>>, vector<16xf32>,
      %get3A_383 = vector.shape_cast %get3A_382 : vector<16xf32> to vector<16xf32>
      %get3A_384 = arith.constant 48 : index
      %get3A_385 = tpu.vector_load %arg26[%get3A_384] {strides = array<i32>} : memref<128xf32, #tpu.memory_space<vmem>>, vector<16xf32>,
      %get3A_386 = vector.shape_cast %get3A_385 : vector<16xf32> to vector<16xf32>
      %get3A_387 = arith.constant 48 : index
      %get3A_388 = tpu.vector_load %arg20[%get3A_387] {strides = array<i32>} : memref<128xf32, #tpu.memory_space<vmem>>, vector<16xf32>,
      %get3A_389 = vector.shape_cast %get3A_388 : vector<16xf32> to vector<16xf32>
      %get3A_390 = arith.constant 48 : index
      %get3A_391 = tpu.vector_load %arg21[%get3A_390] {strides = array<i32>} : memref<128xf32, #tpu.memory_space<vmem>>, vector<16xf32>,
      %get3A_392 = vector.shape_cast %get3A_391 : vector<16xf32> to vector<16xf32>
      %get3A_393 = arith.constant 48 : index
      %get3A_394 = tpu.vector_load %arg22[%get3A_393] {strides = array<i32>} : memref<128xf32, #tpu.memory_space<vmem>>, vector<16xf32>,
      %get3A_395 = vector.shape_cast %get3A_394 : vector<16xf32> to vector<16xf32>
      %get3A_396 = arith.constant 48 : index
      %get3A_397 = tpu.vector_load %arg19[%get3A_396] {strides = array<i32>} : memref<128xf32, #tpu.memory_space<vmem>>, vector<16xf32>,
      %get3A_398 = vector.shape_cast %get3A_397 : vector<16xf32> to vector<16xf32>
      %mul3A_399 = arith.mulf %get3A_389, %get3A_380 : vector<16xf32>
      %mul3A_400 = arith.mulf %get3A_392, %get3A_383 : vector<16xf32>
      %add3A_401 = arith.addf %mul3A_399, %mul3A_400 : vector<16xf32>
      %mul3A_402 = arith.mulf %get3A_395, %get3A_386 : vector<16xf32>
      %add3A_403 = arith.addf %add3A_401, %mul3A_402 : vector<16xf32>
      %mul3A_404 = arith.mulf %get3A_398, %get3A_377 : vector<16xf32>
      %mul3A_405 = arith.mulf %get3A_6, %mul3A_404 : vector<16xf32>
      %mul3A_406 = arith.mulf %get3A_21, %add3A_403 : vector<16xf32>
      %add3A_407 = arith.addf %mul3A_405, %mul3A_406 : vector<16xf32>
      %swap3A_408 = arith.constant 48 : index
      %swap3A_409 = tpu.vector_load %arg27[%swap3A_408] {strides = array<i32>} : memref<128xf32, #tpu.memory_space<vmem>>, vector<16xf32>,
      %swap3A_410 = vector.shape_cast %swap3A_409 : vector<16xf32> to vector<16xf32>
      %swap3A_411 = vector.shape_cast %add3A_407 : vector<16xf32> to vector<16xf32>
      tpu.vector_store %arg27[%swap3A_408], %swap3A_411 {strides = array<i32>} : memref<128xf32, #tpu.memory_space<vmem>>, vector<16xf32>,
      %mul3A_412 = arith.mulf %get3A_398, %get3A_380 : vector<16xf32>
      %mul3A_413 = arith.mulf %get3A_11, %mul3A_412 : vector<16xf32>
      %mul3A_414 = arith.mulf %get3A_377, %get3A_389 : vector<16xf32>
      %mul3A_415 = arith.mulf %get3A_16, %mul3A_414 : vector<16xf32>
      %add3A_416 = arith.addf %mul3A_413, %mul3A_415 : vector<16xf32>
      %mul3A_417 = arith.mulf %get3A_392, %get3A_386 : vector<16xf32>
      %mul3A_418 = arith.mulf %get3A_395, %get3A_383 : vector<16xf32>
      %sub3A_419 = arith.subf %mul3A_417, %mul3A_418 : vector<16xf32>
      %mul3A_420 = arith.mulf %get3A_26, %sub3A_419 : vector<16xf32>
      %add3A_421 = arith.addf %add3A_416, %mul3A_420 : vector<16xf32>
      %swap3A_422 = arith.constant 48 : index
      %swap3A_423 = tpu.vector_load %arg28[%swap3A_422] {strides = array<i32>} : memref<128xf32, #tpu.memory_space<vmem>>, vector<16xf32>,
      %swap3A_424 = vector.shape_cast %swap3A_423 : vector<16xf32> to vector<16xf32>
      %swap3A_425 = vector.shape_cast %add3A_421 : vector<16xf32> to vector<16xf32>
      tpu.vector_store %arg28[%swap3A_422], %swap3A_425 {strides = array<i32>} : memref<128xf32, #tpu.memory_space<vmem>>, vector<16xf32>,
      %mul3A_426 = arith.mulf %get3A_398, %get3A_383 : vector<16xf32>
      %mul3A_427 = arith.mulf %get3A_11, %mul3A_426 : vector<16xf32>
      %mul3A_428 = arith.mulf %get3A_377, %get3A_392 : vector<16xf32>
      %mul3A_429 = arith.mulf %get3A_16, %mul3A_428 : vector<16xf32>
      %add3A_430 = arith.addf %mul3A_427, %mul3A_429 : vector<16xf32>
      %mul3A_431 = arith.mulf %get3A_395, %get3A_380 : vector<16xf32>
      %mul3A_432 = arith.mulf %get3A_389, %get3A_386 : vector<16xf32>
      %sub3A_433 = arith.subf %mul3A_431, %mul3A_432 : vector<16xf32>
      %mul3A_434 = arith.mulf %get3A_26, %sub3A_433 : vector<16xf32>
      %add3A_435 = arith.addf %add3A_430, %mul3A_434 : vector<16xf32>
      %swap3A_436 = arith.constant 48 : index
      %swap3A_437 = tpu.vector_load %arg29[%swap3A_436] {strides = array<i32>} : memref<128xf32, #tpu.memory_space<vmem>>, vector<16xf32>,
      %swap3A_438 = vector.shape_cast %swap3A_437 : vector<16xf32> to vector<16xf32>
      %swap3A_439 = vector.shape_cast %add3A_435 : vector<16xf32> to vector<16xf32>
      tpu.vector_store %arg29[%swap3A_436], %swap3A_439 {strides = array<i32>} : memref<128xf32, #tpu.memory_space<vmem>>, vector<16xf32>,
      %mul3A_440 = arith.mulf %get3A_398, %get3A_386 : vector<16xf32>
      %mul3A_441 = arith.mulf %get3A_11, %mul3A_440 : vector<16xf32>
      %mul3A_442 = arith.mulf %get3A_377, %get3A_395 : vector<16xf32>
      %mul3A_443 = arith.mulf %get3A_16, %mul3A_442 : vector<16xf32>
      %add3A_444 = arith.addf %mul3A_441, %mul3A_443 : vector<16xf32>
      %mul3A_445 = arith.mulf %get3A_389, %get3A_383 : vector<16xf32>
      %mul3A_446 = arith.mulf %get3A_392, %get3A_380 : vector<16xf32>
      %sub3A_447 = arith.subf %mul3A_445, %mul3A_446 : vector<16xf32>
      %mul3A_448 = arith.mulf %get3A_26, %sub3A_447 : vector<16xf32>
      %add3A_449 = arith.addf %add3A_444, %mul3A_448 : vector<16xf32>
      %swap3A_450 = arith.constant 48 : index
      %swap3A_451 = tpu.vector_load %arg30[%swap3A_450] {strides = array<i32>} : memref<128xf32, #tpu.memory_space<vmem>>, vector<16xf32>,
      %swap3A_452 = vector.shape_cast %swap3A_451 : vector<16xf32> to vector<16xf32>
      %swap3A_453 = vector.shape_cast %add3A_449 : vector<16xf32> to vector<16xf32>
      tpu.vector_store %arg30[%swap3A_450], %swap3A_453 {strides = array<i32>} : memref<128xf32, #tpu.memory_space<vmem>>, vector<16xf32>,
      %get3A_454 = arith.constant 64 : index
      %get3A_455 = tpu.vector_load %arg23[%get3A_454] {strides = array<i32>} : memref<128xf32, #tpu.memory_space<vmem>>, vector<16xf32>,
      %get3A_456 = vector.shape_cast %get3A_455 : vector<16xf32> to vector<16xf32>
      %get3A_457 = arith.constant 64 : index
      %get3A_458 = tpu.vector_load %arg24[%get3A_457] {strides = array<i32>} : memref<128xf32, #tpu.memory_space<vmem>>, vector<16xf32>,
      %get3A_459 = vector.shape_cast %get3A_458 : vector<16xf32> to vector<16xf32>
      %get3A_460 = arith.constant 64 : index
      %get3A_461 = tpu.vector_load %arg25[%get3A_460] {strides = array<i32>} : memref<128xf32, #tpu.memory_space<vmem>>, vector<16xf32>,
      %get3A_462 = vector.shape_cast %get3A_461 : vector<16xf32> to vector<16xf32>
      %get3A_463 = arith.constant 64 : index
      %get3A_464 = tpu.vector_load %arg26[%get3A_463] {strides = array<i32>} : memref<128xf32, #tpu.memory_space<vmem>>, vector<16xf32>,
      %get3A_465 = vector.shape_cast %get3A_464 : vector<16xf32> to vector<16xf32>
      %get3A_466 = arith.constant 64 : index
      %get3A_467 = tpu.vector_load %arg20[%get3A_466] {strides = array<i32>} : memref<128xf32, #tpu.memory_space<vmem>>, vector<16xf32>,
      %get3A_468 = vector.shape_cast %get3A_467 : vector<16xf32> to vector<16xf32>
      %get3A_469 = arith.constant 64 : index
      %get3A_470 = tpu.vector_load %arg21[%get3A_469] {strides = array<i32>} : memref<128xf32, #tpu.memory_space<vmem>>, vector<16xf32>,
      %get3A_471 = vector.shape_cast %get3A_470 : vector<16xf32> to vector<16xf32>
      %get3A_472 = arith.constant 64 : index
      %get3A_473 = tpu.vector_load %arg22[%get3A_472] {strides = array<i32>} : memref<128xf32, #tpu.memory_space<vmem>>, vector<16xf32>,
      %get3A_474 = vector.shape_cast %get3A_473 : vector<16xf32> to vector<16xf32>
      %get3A_475 = arith.constant 64 : index
      %get3A_476 = tpu.vector_load %arg19[%get3A_475] {strides = array<i32>} : memref<128xf32, #tpu.memory_space<vmem>>, vector<16xf32>,
      %get3A_477 = vector.shape_cast %get3A_476 : vector<16xf32> to vector<16xf32>
      %mul3A_478 = arith.mulf %get3A_468, %get3A_459 : vector<16xf32>
      %mul3A_479 = arith.mulf %get3A_471, %get3A_462 : vector<16xf32>
      %add3A_480 = arith.addf %mul3A_478, %mul3A_479 : vector<16xf32>
      %mul3A_481 = arith.mulf %get3A_474, %get3A_465 : vector<16xf32>
      %add3A_482 = arith.addf %add3A_480, %mul3A_481 : vector<16xf32>
      %mul3A_483 = arith.mulf %get3A_477, %get3A_456 : vector<16xf32>
      %mul3A_484 = arith.mulf %get3A_6, %mul3A_483 : vector<16xf32>
      %mul3A_485 = arith.mulf %get3A_21, %add3A_482 : vector<16xf32>
      %add3A_486 = arith.addf %mul3A_484, %mul3A_485 : vector<16xf32>
      %swap3A_487 = arith.constant 64 : index
      %swap3A_488 = tpu.vector_load %arg27[%swap3A_487] {strides = array<i32>} : memref<128xf32, #tpu.memory_space<vmem>>, vector<16xf32>,
      %swap3A_489 = vector.shape_cast %swap3A_488 : vector<16xf32> to vector<16xf32>
      %swap3A_490 = vector.shape_cast %add3A_486 : vector<16xf32> to vector<16xf32>
      tpu.vector_store %arg27[%swap3A_487], %swap3A_490 {strides = array<i32>} : memref<128xf32, #tpu.memory_space<vmem>>, vector<16xf32>,
      %mul3A_491 = arith.mulf %get3A_477, %get3A_459 : vector<16xf32>
      %mul3A_492 = arith.mulf %get3A_11, %mul3A_491 : vector<16xf32>
      %mul3A_493 = arith.mulf %get3A_456, %get3A_468 : vector<16xf32>
      %mul3A_494 = arith.mulf %get3A_16, %mul3A_493 : vector<16xf32>
      %add3A_495 = arith.addf %mul3A_492, %mul3A_494 : vector<16xf32>
      %mul3A_496 = arith.mulf %get3A_471, %get3A_465 : vector<16xf32>
      %mul3A_497 = arith.mulf %get3A_474, %get3A_462 : vector<16xf32>
      %sub3A_498 = arith.subf %mul3A_496, %mul3A_497 : vector<16xf32>
      %mul3A_499 = arith.mulf %get3A_26, %sub3A_498 : vector<16xf32>
      %add3A_500 = arith.addf %add3A_495, %mul3A_499 : vector<16xf32>
      %swap3A_501 = arith.constant 64 : index
      %swap3A_502 = tpu.vector_load %arg28[%swap3A_501] {strides = array<i32>} : memref<128xf32, #tpu.memory_space<vmem>>, vector<16xf32>,
      %swap3A_503 = vector.shape_cast %swap3A_502 : vector<16xf32> to vector<16xf32>
      %swap3A_504 = vector.shape_cast %add3A_500 : vector<16xf32> to vector<16xf32>
      tpu.vector_store %arg28[%swap3A_501], %swap3A_504 {strides = array<i32>} : memref<128xf32, #tpu.memory_space<vmem>>, vector<16xf32>,
      %mul3A_505 = arith.mulf %get3A_477, %get3A_462 : vector<16xf32>
      %mul3A_506 = arith.mulf %get3A_11, %mul3A_505 : vector<16xf32>
      %mul3A_507 = arith.mulf %get3A_456, %get3A_471 : vector<16xf32>
      %mul3A_508 = arith.mulf %get3A_16, %mul3A_507 : vector<16xf32>
      %add3A_509 = arith.addf %mul3A_506, %mul3A_508 : vector<16xf32>
      %mul3A_510 = arith.mulf %get3A_474, %get3A_459 : vector<16xf32>
      %mul3A_511 = arith.mulf %get3A_468, %get3A_465 : vector<16xf32>
      %sub3A_512 = arith.subf %mul3A_510, %mul3A_511 : vector<16xf32>
      %mul3A_513 = arith.mulf %get3A_26, %sub3A_512 : vector<16xf32>
      %add3A_514 = arith.addf %add3A_509, %mul3A_513 : vector<16xf32>
      %swap3A_515 = arith.constant 64 : index
      %swap3A_516 = tpu.vector_load %arg29[%swap3A_515] {strides = array<i32>} : memref<128xf32, #tpu.memory_space<vmem>>, vector<16xf32>,
      %swap3A_517 = vector.shape_cast %swap3A_516 : vector<16xf32> to vector<16xf32>
      %swap3A_518 = vector.shape_cast %add3A_514 : vector<16xf32> to vector<16xf32>
      tpu.vector_store %arg29[%swap3A_515], %swap3A_518 {strides = array<i32>} : memref<128xf32, #tpu.memory_space<vmem>>, vector<16xf32>,
      %mul3A_519 = arith.mulf %get3A_477, %get3A_465 : vector<16xf32>
      %mul3A_520 = arith.mulf %get3A_11, %mul3A_519 : vector<16xf32>
      %mul3A_521 = arith.mulf %get3A_456, %get3A_474 : vector<16xf32>
      %mul3A_522 = arith.mulf %get3A_16, %mul3A_521 : vector<16xf32>
      %add3A_523 = arith.addf %mul3A_520, %mul3A_522 : vector<16xf32>
      %mul3A_524 = arith.mulf %get3A_468, %get3A_462 : vector<16xf32>
      %mul3A_525 = arith.mulf %get3A_471, %get3A_459 : vector<16xf32>
      %sub3A_526 = arith.subf %mul3A_524, %mul3A_525 : vector<16xf32>
      %mul3A_527 = arith.mulf %get3A_26, %sub3A_526 : vector<16xf32>
      %add3A_528 = arith.addf %add3A_523, %mul3A_527 : vector<16xf32>
      %swap3A_529 = arith.constant 64 : index
      %swap3A_530 = tpu.vector_load %arg30[%swap3A_529] {strides = array<i32>} : memref<128xf32, #tpu.memory_space<vmem>>, vector<16xf32>,
      %swap3A_531 = vector.shape_cast %swap3A_530 : vector<16xf32> to vector<16xf32>
      %swap3A_532 = vector.shape_cast %add3A_528 : vector<16xf32> to vector<16xf32>
      tpu.vector_store %arg30[%swap3A_529], %swap3A_532 {strides = array<i32>} : memref<128xf32, #tpu.memory_space<vmem>>, vector<16xf32>,
      %get3A_533 = arith.constant 80 : index
      %get3A_534 = tpu.vector_load %arg23[%get3A_533] {strides = array<i32>} : memref<128xf32, #tpu.memory_space<vmem>>, vector<16xf32>,
      %get3A_535 = vector.shape_cast %get3A_534 : vector<16xf32> to vector<16xf32>
      %get3A_536 = arith.constant 80 : index
      %get3A_537 = tpu.vector_load %arg24[%get3A_536] {strides = array<i32>} : memref<128xf32, #tpu.memory_space<vmem>>, vector<16xf32>,
      %get3A_538 = vector.shape_cast %get3A_537 : vector<16xf32> to vector<16xf32>
      %get3A_539 = arith.constant 80 : index
      %get3A_540 = tpu.vector_load %arg25[%get3A_539] {strides = array<i32>} : memref<128xf32, #tpu.memory_space<vmem>>, vector<16xf32>,
      %get3A_541 = vector.shape_cast %get3A_540 : vector<16xf32> to vector<16xf32>
      %get3A_542 = arith.constant 80 : index
      %get3A_543 = tpu.vector_load %arg26[%get3A_542] {strides = array<i32>} : memref<128xf32, #tpu.memory_space<vmem>>, vector<16xf32>,
      %get3A_544 = vector.shape_cast %get3A_543 : vector<16xf32> to vector<16xf32>
      %get3A_545 = arith.constant 80 : index
      %get3A_546 = tpu.vector_load %arg20[%get3A_545] {strides = array<i32>} : memref<128xf32, #tpu.memory_space<vmem>>, vector<16xf32>,
      %get3A_547 = vector.shape_cast %get3A_546 : vector<16xf32> to vector<16xf32>
      %get3A_548 = arith.constant 80 : index
      %get3A_549 = tpu.vector_load %arg21[%get3A_548] {strides = array<i32>} : memref<128xf32, #tpu.memory_space<vmem>>, vector<16xf32>,
      %get3A_550 = vector.shape_cast %get3A_549 : vector<16xf32> to vector<16xf32>
      %get3A_551 = arith.constant 80 : index
      %get3A_552 = tpu.vector_load %arg22[%get3A_551] {strides = array<i32>} : memref<128xf32, #tpu.memory_space<vmem>>, vector<16xf32>,
      %get3A_553 = vector.shape_cast %get3A_552 : vector<16xf32> to vector<16xf32>
      %get3A_554 = arith.constant 80 : index
      %get3A_555 = tpu.vector_load %arg19[%get3A_554] {strides = array<i32>} : memref<128xf32, #tpu.memory_space<vmem>>, vector<16xf32>,
      %get3A_556 = vector.shape_cast %get3A_555 : vector<16xf32> to vector<16xf32>
      %mul3A_557 = arith.mulf %get3A_547, %get3A_538 : vector<16xf32>
      %mul3A_558 = arith.mulf %get3A_550, %get3A_541 : vector<16xf32>
      %add3A_559 = arith.addf %mul3A_557, %mul3A_558 : vector<16xf32>
      %mul3A_560 = arith.mulf %get3A_553, %get3A_544 : vector<16xf32>
      %add3A_561 = arith.addf %add3A_559, %mul3A_560 : vector<16xf32>
      %mul3A_562 = arith.mulf %get3A_556, %get3A_535 : vector<16xf32>
      %mul3A_563 = arith.mulf %get3A_6, %mul3A_562 : vector<16xf32>
      %mul3A_564 = arith.mulf %get3A_21, %add3A_561 : vector<16xf32>
      %add3A_565 = arith.addf %mul3A_563, %mul3A_564 : vector<16xf32>
      %swap3A_566 = arith.constant 80 : index
      %swap3A_567 = tpu.vector_load %arg27[%swap3A_566] {strides = array<i32>} : memref<128xf32, #tpu.memory_space<vmem>>, vector<16xf32>,
      %swap3A_568 = vector.shape_cast %swap3A_567 : vector<16xf32> to vector<16xf32>
      %swap3A_569 = vector.shape_cast %add3A_565 : vector<16xf32> to vector<16xf32>
      tpu.vector_store %arg27[%swap3A_566], %swap3A_569 {strides = array<i32>} : memref<128xf32, #tpu.memory_space<vmem>>, vector<16xf32>,
      %mul3A_570 = arith.mulf %get3A_556, %get3A_538 : vector<16xf32>
      %mul3A_571 = arith.mulf %get3A_11, %mul3A_570 : vector<16xf32>
      %mul3A_572 = arith.mulf %get3A_535, %get3A_547 : vector<16xf32>
      %mul3A_573 = arith.mulf %get3A_16, %mul3A_572 : vector<16xf32>
      %add3A_574 = arith.addf %mul3A_571, %mul3A_573 : vector<16xf32>
      %mul3A_575 = arith.mulf %get3A_550, %get3A_544 : vector<16xf32>
      %mul3A_576 = arith.mulf %get3A_553, %get3A_541 : vector<16xf32>
      %sub3A_577 = arith.subf %mul3A_575, %mul3A_576 : vector<16xf32>
      %mul3A_578 = arith.mulf %get3A_26, %sub3A_577 : vector<16xf32>
      %add3A_579 = arith.addf %add3A_574, %mul3A_578 : vector<16xf32>
      %swap3A_580 = arith.constant 80 : index
      %swap3A_581 = tpu.vector_load %arg28[%swap3A_580] {strides = array<i32>} : memref<128xf32, #tpu.memory_space<vmem>>, vector<16xf32>,
      %swap3A_582 = vector.shape_cast %swap3A_581 : vector<16xf32> to vector<16xf32>
      %swap3A_583 = vector.shape_cast %add3A_579 : vector<16xf32> to vector<16xf32>
      tpu.vector_store %arg28[%swap3A_580], %swap3A_583 {strides = array<i32>} : memref<128xf32, #tpu.memory_space<vmem>>, vector<16xf32>,
      %mul3A_584 = arith.mulf %get3A_556, %get3A_541 : vector<16xf32>
      %mul3A_585 = arith.mulf %get3A_11, %mul3A_584 : vector<16xf32>
      %mul3A_586 = arith.mulf %get3A_535, %get3A_550 : vector<16xf32>
      %mul3A_587 = arith.mulf %get3A_16, %mul3A_586 : vector<16xf32>
      %add3A_588 = arith.addf %mul3A_585, %mul3A_587 : vector<16xf32>
      %mul3A_589 = arith.mulf %get3A_553, %get3A_538 : vector<16xf32>
      %mul3A_590 = arith.mulf %get3A_547, %get3A_544 : vector<16xf32>
      %sub3A_591 = arith.subf %mul3A_589, %mul3A_590 : vector<16xf32>
      %mul3A_592 = arith.mulf %get3A_26, %sub3A_591 : vector<16xf32>
      %add3A_593 = arith.addf %add3A_588, %mul3A_592 : vector<16xf32>
      %swap3A_594 = arith.constant 80 : index
      %swap3A_595 = tpu.vector_load %arg29[%swap3A_594] {strides = array<i32>} : memref<128xf32, #tpu.memory_space<vmem>>, vector<16xf32>,
      %swap3A_596 = vector.shape_cast %swap3A_595 : vector<16xf32> to vector<16xf32>
      %swap3A_597 = vector.shape_cast %add3A_593 : vector<16xf32> to vector<16xf32>
      tpu.vector_store %arg29[%swap3A_594], %swap3A_597 {strides = array<i32>} : memref<128xf32, #tpu.memory_space<vmem>>, vector<16xf32>,
      %mul3A_598 = arith.mulf %get3A_556, %get3A_544 : vector<16xf32>
      %mul3A_599 = arith.mulf %get3A_11, %mul3A_598 : vector<16xf32>
      %mul3A_600 = arith.mulf %get3A_535, %get3A_553 : vector<16xf32>
      %mul3A_601 = arith.mulf %get3A_16, %mul3A_600 : vector<16xf32>
      %add3A_602 = arith.addf %mul3A_599, %mul3A_601 : vector<16xf32>
      %mul3A_603 = arith.mulf %get3A_547, %get3A_541 : vector<16xf32>
      %mul3A_604 = arith.mulf %get3A_550, %get3A_538 : vector<16xf32>
      %sub3A_605 = arith.subf %mul3A_603, %mul3A_604 : vector<16xf32>
      %mul3A_606 = arith.mulf %get3A_26, %sub3A_605 : vector<16xf32>
      %add3A_607 = arith.addf %add3A_602, %mul3A_606 : vector<16xf32>
      %swap3A_608 = arith.constant 80 : index
      %swap3A_609 = tpu.vector_load %arg30[%swap3A_608] {strides = array<i32>} : memref<128xf32, #tpu.memory_space<vmem>>, vector<16xf32>,
      %swap3A_610 = vector.shape_cast %swap3A_609 : vector<16xf32> to vector<16xf32>
      %swap3A_611 = vector.shape_cast %add3A_607 : vector<16xf32> to vector<16xf32>
      tpu.vector_store %arg30[%swap3A_608], %swap3A_611 {strides = array<i32>} : memref<128xf32, #tpu.memory_space<vmem>>, vector<16xf32>,
      %get3A_612 = arith.constant 96 : index
      %get3A_613 = tpu.vector_load %arg23[%get3A_612] {strides = array<i32>} : memref<128xf32, #tpu.memory_space<vmem>>, vector<16xf32>,
      %get3A_614 = vector.shape_cast %get3A_613 : vector<16xf32> to vector<16xf32>
      %get3A_615 = arith.constant 96 : index
      %get3A_616 = tpu.vector_load %arg24[%get3A_615] {strides = array<i32>} : memref<128xf32, #tpu.memory_space<vmem>>, vector<16xf32>,
      %get3A_617 = vector.shape_cast %get3A_616 : vector<16xf32> to vector<16xf32>
      %get3A_618 = arith.constant 96 : index
      %get3A_619 = tpu.vector_load %arg25[%get3A_618] {strides = array<i32>} : memref<128xf32, #tpu.memory_space<vmem>>, vector<16xf32>,
      %get3A_620 = vector.shape_cast %get3A_619 : vector<16xf32> to vector<16xf32>
      %get3A_621 = arith.constant 96 : index
      %get3A_622 = tpu.vector_load %arg26[%get3A_621] {strides = array<i32>} : memref<128xf32, #tpu.memory_space<vmem>>, vector<16xf32>,
      %get3A_623 = vector.shape_cast %get3A_622 : vector<16xf32> to vector<16xf32>
      %get3A_624 = arith.constant 96 : index
      %get3A_625 = tpu.vector_load %arg20[%get3A_624] {strides = array<i32>} : memref<128xf32, #tpu.memory_space<vmem>>, vector<16xf32>,
      %get3A_626 = vector.shape_cast %get3A_625 : vector<16xf32> to vector<16xf32>
      %get3A_627 = arith.constant 96 : index
      %get3A_628 = tpu.vector_load %arg21[%get3A_627] {strides = array<i32>} : memref<128xf32, #tpu.memory_space<vmem>>, vector<16xf32>,
      %get3A_629 = vector.shape_cast %get3A_628 : vector<16xf32> to vector<16xf32>
      %get3A_630 = arith.constant 96 : index
      %get3A_631 = tpu.vector_load %arg22[%get3A_630] {strides = array<i32>} : memref<128xf32, #tpu.memory_space<vmem>>, vector<16xf32>,
      %get3A_632 = vector.shape_cast %get3A_631 : vector<16xf32> to vector<16xf32>
      %get3A_633 = arith.constant 96 : index
      %get3A_634 = tpu.vector_load %arg19[%get3A_633] {strides = array<i32>} : memref<128xf32, #tpu.memory_space<vmem>>, vector<16xf32>,
      %get3A_635 = vector.shape_cast %get3A_634 : vector<16xf32> to vector<16xf32>
      %mul3A_636 = arith.mulf %get3A_626, %get3A_617 : vector<16xf32>
      %mul3A_637 = arith.mulf %get3A_629, %get3A_620 : vector<16xf32>
      %add3A_638 = arith.addf %mul3A_636, %mul3A_637 : vector<16xf32>
      %mul3A_639 = arith.mulf %get3A_632, %get3A_623 : vector<16xf32>
      %add3A_640 = arith.addf %add3A_638, %mul3A_639 : vector<16xf32>
      %mul3A_641 = arith.mulf %get3A_635, %get3A_614 : vector<16xf32>
      %mul3A_642 = arith.mulf %get3A_6, %mul3A_641 : vector<16xf32>
      %mul3A_643 = arith.mulf %get3A_21, %add3A_640 : vector<16xf32>
      %add3A_644 = arith.addf %mul3A_642, %mul3A_643 : vector<16xf32>
      %swap3A_645 = arith.constant 96 : index
      %swap3A_646 = tpu.vector_load %arg27[%swap3A_645] {strides = array<i32>} : memref<128xf32, #tpu.memory_space<vmem>>, vector<16xf32>,
      %swap3A_647 = vector.shape_cast %swap3A_646 : vector<16xf32> to vector<16xf32>
      %swap3A_648 = vector.shape_cast %add3A_644 : vector<16xf32> to vector<16xf32>
      tpu.vector_store %arg27[%swap3A_645], %swap3A_648 {strides = array<i32>} : memref<128xf32, #tpu.memory_space<vmem>>, vector<16xf32>,
      %mul3A_649 = arith.mulf %get3A_635, %get3A_617 : vector<16xf32>
      %mul3A_650 = arith.mulf %get3A_11, %mul3A_649 : vector<16xf32>
      %mul3A_651 = arith.mulf %get3A_614, %get3A_626 : vector<16xf32>
      %mul3A_652 = arith.mulf %get3A_16, %mul3A_651 : vector<16xf32>
      %add3A_653 = arith.addf %mul3A_650, %mul3A_652 : vector<16xf32>
      %mul3A_654 = arith.mulf %get3A_629, %get3A_623 : vector<16xf32>
      %mul3A_655 = arith.mulf %get3A_632, %get3A_620 : vector<16xf32>
      %sub3A_656 = arith.subf %mul3A_654, %mul3A_655 : vector<16xf32>
      %mul3A_657 = arith.mulf %get3A_26, %sub3A_656 : vector<16xf32>
      %add3A_658 = arith.addf %add3A_653, %mul3A_657 : vector<16xf32>
      %swap3A_659 = arith.constant 96 : index
      %swap3A_660 = tpu.vector_load %arg28[%swap3A_659] {strides = array<i32>} : memref<128xf32, #tpu.memory_space<vmem>>, vector<16xf32>,
      %swap3A_661 = vector.shape_cast %swap3A_660 : vector<16xf32> to vector<16xf32>
      %swap3A_662 = vector.shape_cast %add3A_658 : vector<16xf32> to vector<16xf32>
      tpu.vector_store %arg28[%swap3A_659], %swap3A_662 {strides = array<i32>} : memref<128xf32, #tpu.memory_space<vmem>>, vector<16xf32>,
      %mul3A_663 = arith.mulf %get3A_635, %get3A_620 : vector<16xf32>
      %mul3A_664 = arith.mulf %get3A_11, %mul3A_663 : vector<16xf32>
      %mul3A_665 = arith.mulf %get3A_614, %get3A_629 : vector<16xf32>
      %mul3A_666 = arith.mulf %get3A_16, %mul3A_665 : vector<16xf32>
      %add3A_667 = arith.addf %mul3A_664, %mul3A_666 : vector<16xf32>
      %mul3A_668 = arith.mulf %get3A_632, %get3A_617 : vector<16xf32>
      %mul3A_669 = arith.mulf %get3A_626, %get3A_623 : vector<16xf32>
      %sub3A_670 = arith.subf %mul3A_668, %mul3A_669 : vector<16xf32>
      %mul3A_671 = arith.mulf %get3A_26, %sub3A_670 : vector<16xf32>
      %add3A_672 = arith.addf %add3A_667, %mul3A_671 : vector<16xf32>
      %swap3A_673 = arith.constant 96 : index
      %swap3A_674 = tpu.vector_load %arg29[%swap3A_673] {strides = array<i32>} : memref<128xf32, #tpu.memory_space<vmem>>, vector<16xf32>,
      %swap3A_675 = vector.shape_cast %swap3A_674 : vector<16xf32> to vector<16xf32>
      %swap3A_676 = vector.shape_cast %add3A_672 : vector<16xf32> to vector<16xf32>
      tpu.vector_store %arg29[%swap3A_673], %swap3A_676 {strides = array<i32>} : memref<128xf32, #tpu.memory_space<vmem>>, vector<16xf32>,
      %mul3A_677 = arith.mulf %get3A_635, %get3A_623 : vector<16xf32>
      %mul3A_678 = arith.mulf %get3A_11, %mul3A_677 : vector<16xf32>
      %mul3A_679 = arith.mulf %get3A_614, %get3A_632 : vector<16xf32>
      %mul3A_680 = arith.mulf %get3A_16, %mul3A_679 : vector<16xf32>
      %add3A_681 = arith.addf %mul3A_678, %mul3A_680 : vector<16xf32>
      %mul3A_682 = arith.mulf %get3A_626, %get3A_620 : vector<16xf32>
      %mul3A_683 = arith.mulf %get3A_629, %get3A_617 : vector<16xf32>
      %sub3A_684 = arith.subf %mul3A_682, %mul3A_683 : vector<16xf32>
      %mul3A_685 = arith.mulf %get3A_26, %sub3A_684 : vector<16xf32>
      %add3A_686 = arith.addf %add3A_681, %mul3A_685 : vector<16xf32>
      %swap3A_687 = arith.constant 96 : index
      %swap3A_688 = tpu.vector_load %arg30[%swap3A_687] {strides = array<i32>} : memref<128xf32, #tpu.memory_space<vmem>>, vector<16xf32>,
      %swap3A_689 = vector.shape_cast %swap3A_688 : vector<16xf32> to vector<16xf32>
      %swap3A_690 = vector.shape_cast %add3A_686 : vector<16xf32> to vector<16xf32>
      tpu.vector_store %arg30[%swap3A_687], %swap3A_690 {strides = array<i32>} : memref<128xf32, #tpu.memory_space<vmem>>, vector<16xf32>,
      %get3A_691 = arith.constant 112 : index
      %get3A_692 = tpu.vector_load %arg23[%get3A_691] {strides = array<i32>} : memref<128xf32, #tpu.memory_space<vmem>>, vector<16xf32>,
      %get3A_693 = vector.shape_cast %get3A_692 : vector<16xf32> to vector<16xf32>
      %get3A_694 = arith.constant 112 : index
      %get3A_695 = tpu.vector_load %arg24[%get3A_694] {strides = array<i32>} : memref<128xf32, #tpu.memory_space<vmem>>, vector<16xf32>,
      %get3A_696 = vector.shape_cast %get3A_695 : vector<16xf32> to vector<16xf32>
      %get3A_697 = arith.constant 112 : index
      %get3A_698 = tpu.vector_load %arg25[%get3A_697] {strides = array<i32>} : memref<128xf32, #tpu.memory_space<vmem>>, vector<16xf32>,
      %get3A_699 = vector.shape_cast %get3A_698 : vector<16xf32> to vector<16xf32>
      %get3A_700 = arith.constant 112 : index
      %get3A_701 = tpu.vector_load %arg26[%get3A_700] {strides = array<i32>} : memref<128xf32, #tpu.memory_space<vmem>>, vector<16xf32>,
      %get3A_702 = vector.shape_cast %get3A_701 : vector<16xf32> to vector<16xf32>
      %get3A_703 = arith.constant 112 : index
      %get3A_704 = tpu.vector_load %arg20[%get3A_703] {strides = array<i32>} : memref<128xf32, #tpu.memory_space<vmem>>, vector<16xf32>,
      %get3A_705 = vector.shape_cast %get3A_704 : vector<16xf32> to vector<16xf32>
      %get3A_706 = arith.constant 112 : index
      %get3A_707 = tpu.vector_load %arg21[%get3A_706] {strides = array<i32>} : memref<128xf32, #tpu.memory_space<vmem>>, vector<16xf32>,
      %get3A_708 = vector.shape_cast %get3A_707 : vector<16xf32> to vector<16xf32>
      %get3A_709 = arith.constant 112 : index
      %get3A_710 = tpu.vector_load %arg22[%get3A_709] {strides = array<i32>} : memref<128xf32, #tpu.memory_space<vmem>>, vector<16xf32>,
      %get3A_711 = vector.shape_cast %get3A_710 : vector<16xf32> to vector<16xf32>
      %get3A_712 = arith.constant 112 : index
      %get3A_713 = tpu.vector_load %arg19[%get3A_712] {strides = array<i32>} : memref<128xf32, #tpu.memory_space<vmem>>, vector<16xf32>,
      %get3A_714 = vector.shape_cast %get3A_713 : vector<16xf32> to vector<16xf32>
      %mul3A_715 = arith.mulf %get3A_705, %get3A_696 : vector<16xf32>
      %mul3A_716 = arith.mulf %get3A_708, %get3A_699 : vector<16xf32>
      %add3A_717 = arith.addf %mul3A_715, %mul3A_716 : vector<16xf32>
      %mul3A_718 = arith.mulf %get3A_711, %get3A_702 : vector<16xf32>
      %add3A_719 = arith.addf %add3A_717, %mul3A_718 : vector<16xf32>
      %mul3A_720 = arith.mulf %get3A_714, %get3A_693 : vector<16xf32>
      %mul3A_721 = arith.mulf %get3A_6, %mul3A_720 : vector<16xf32>
      %mul3A_722 = arith.mulf %get3A_21, %add3A_719 : vector<16xf32>
      %add3A_723 = arith.addf %mul3A_721, %mul3A_722 : vector<16xf32>
      %swap3A_724 = arith.constant 112 : index
      %swap3A_725 = tpu.vector_load %arg27[%swap3A_724] {strides = array<i32>} : memref<128xf32, #tpu.memory_space<vmem>>, vector<16xf32>,
      %swap3A_726 = vector.shape_cast %swap3A_725 : vector<16xf32> to vector<16xf32>
      %swap3A_727 = vector.shape_cast %add3A_723 : vector<16xf32> to vector<16xf32>
      tpu.vector_store %arg27[%swap3A_724], %swap3A_727 {strides = array<i32>} : memref<128xf32, #tpu.memory_space<vmem>>, vector<16xf32>,
      %mul3A_728 = arith.mulf %get3A_714, %get3A_696 : vector<16xf32>
      %mul3A_729 = arith.mulf %get3A_11, %mul3A_728 : vector<16xf32>
      %mul3A_730 = arith.mulf %get3A_693, %get3A_705 : vector<16xf32>
      %mul3A_731 = arith.mulf %get3A_16, %mul3A_730 : vector<16xf32>
      %add3A_732 = arith.addf %mul3A_729, %mul3A_731 : vector<16xf32>
      %mul3A_733 = arith.mulf %get3A_708, %get3A_702 : vector<16xf32>
      %mul3A_734 = arith.mulf %get3A_711, %get3A_699 : vector<16xf32>
      %sub3A_735 = arith.subf %mul3A_733, %mul3A_734 : vector<16xf32>
      %mul3A_736 = arith.mulf %get3A_26, %sub3A_735 : vector<16xf32>
      %add3A_737 = arith.addf %add3A_732, %mul3A_736 : vector<16xf32>
      %swap3A_738 = arith.constant 112 : index
      %swap3A_739 = tpu.vector_load %arg28[%swap3A_738] {strides = array<i32>} : memref<128xf32, #tpu.memory_space<vmem>>, vector<16xf32>,
      %swap3A_740 = vector.shape_cast %swap3A_739 : vector<16xf32> to vector<16xf32>
      %swap3A_741 = vector.shape_cast %add3A_737 : vector<16xf32> to vector<16xf32>
      tpu.vector_store %arg28[%swap3A_738], %swap3A_741 {strides = array<i32>} : memref<128xf32, #tpu.memory_space<vmem>>, vector<16xf32>,
      %mul3A_742 = arith.mulf %get3A_714, %get3A_699 : vector<16xf32>
      %mul3A_743 = arith.mulf %get3A_11, %mul3A_742 : vector<16xf32>
      %mul3A_744 = arith.mulf %get3A_693, %get3A_708 : vector<16xf32>
      %mul3A_745 = arith.mulf %get3A_16, %mul3A_744 : vector<16xf32>
      %add3A_746 = arith.addf %mul3A_743, %mul3A_745 : vector<16xf32>
      %mul3A_747 = arith.mulf %get3A_711, %get3A_696 : vector<16xf32>
      %mul3A_748 = arith.mulf %get3A_705, %get3A_702 : vector<16xf32>
      %sub3A_749 = arith.subf %mul3A_747, %mul3A_748 : vector<16xf32>
      %mul3A_750 = arith.mulf %get3A_26, %sub3A_749 : vector<16xf32>
      %add3A_751 = arith.addf %add3A_746, %mul3A_750 : vector<16xf32>
      %swap3A_752 = arith.constant 112 : index
      %swap3A_753 = tpu.vector_load %arg29[%swap3A_752] {strides = array<i32>} : memref<128xf32, #tpu.memory_space<vmem>>, vector<16xf32>,
      %swap3A_754 = vector.shape_cast %swap3A_753 : vector<16xf32> to vector<16xf32>
      %swap3A_755 = vector.shape_cast %add3A_751 : vector<16xf32> to vector<16xf32>
      tpu.vector_store %arg29[%swap3A_752], %swap3A_755 {strides = array<i32>} : memref<128xf32, #tpu.memory_space<vmem>>, vector<16xf32>,
      %mul3A_756 = arith.mulf %get3A_714, %get3A_702 : vector<16xf32>
      %mul3A_757 = arith.mulf %get3A_11, %mul3A_756 : vector<16xf32>
      %mul3A_758 = arith.mulf %get3A_693, %get3A_711 : vector<16xf32>
      %mul3A_759 = arith.mulf %get3A_16, %mul3A_758 : vector<16xf32>
      %add3A_760 = arith.addf %mul3A_757, %mul3A_759 : vector<16xf32>
      %mul3A_761 = arith.mulf %get3A_705, %get3A_699 : vector<16xf32>
      %mul3A_762 = arith.mulf %get3A_708, %get3A_696 : vector<16xf32>
      %sub3A_763 = arith.subf %mul3A_761, %mul3A_762 : vector<16xf32>
      %mul3A_764 = arith.mulf %get3A_26, %sub3A_763 : vector<16xf32>
      %add3A_765 = arith.addf %add3A_760, %mul3A_764 : vector<16xf32>
      %swap3A_766 = arith.constant 112 : index
      %swap3A_767 = tpu.vector_load %arg30[%swap3A_766] {strides = array<i32>} : memref<128xf32, #tpu.memory_space<vmem>>, vector<16xf32>,
      %swap3A_768 = vector.shape_cast %swap3A_767 : vector<16xf32> to vector<16xf32>
      %swap3A_769 = vector.shape_cast %add3A_765 : vector<16xf32> to vector<16xf32>
      tpu.vector_store %arg30[%swap3A_766], %swap3A_769 {strides = array<i32>} : memref<128xf32, #tpu.memory_space<vmem>>, vector<16xf32>,
      %dma_start3A_770 = arith.constant 0 : i32
      %dma_start3A_771 = tpu.memref_slice %arg13[%dma_start3A_770] : memref<100096xf32, #tpu.memory_space<vmem_shared>> -> memref<100096xf32, #tpu.memory_space<vmem_shared>>
      tpu.enqueue_indirect_dma source(%arg27 : memref<128xf32, #tpu.memory_space<vmem>>) target(%dma_start3A_771 : memref<100096xf32, #tpu.memory_space<vmem_shared>>) offsets(%arg18 : memref<128xi32, #tpu.memory_space<vmem>>) semaphore(%arg50 : memref<!tpu.dma_semaphore, #tpu.memory_space<semaphore_mem>>) {add = true}
      %dma_start3A_772 = arith.constant 0 : i32
      %dma_start3A_773 = tpu.memref_slice %arg14[%dma_start3A_772] : memref<100096xf32, #tpu.memory_space<vmem_shared>> -> memref<100096xf32, #tpu.memory_space<vmem_shared>>
      tpu.enqueue_indirect_dma source(%arg28 : memref<128xf32, #tpu.memory_space<vmem>>) target(%dma_start3A_773 : memref<100096xf32, #tpu.memory_space<vmem_shared>>) offsets(%arg18 : memref<128xi32, #tpu.memory_space<vmem>>) semaphore(%arg50 : memref<!tpu.dma_semaphore, #tpu.memory_space<semaphore_mem>>) {add = true}
      %dma_start3A_774 = arith.constant 0 : i32
      %dma_start3A_775 = tpu.memref_slice %arg15[%dma_start3A_774] : memref<100096xf32, #tpu.memory_space<vmem_shared>> -> memref<100096xf32, #tpu.memory_space<vmem_shared>>
      tpu.enqueue_indirect_dma source(%arg29 : memref<128xf32, #tpu.memory_space<vmem>>) target(%dma_start3A_775 : memref<100096xf32, #tpu.memory_space<vmem_shared>>) offsets(%arg18 : memref<128xi32, #tpu.memory_space<vmem>>) semaphore(%arg50 : memref<!tpu.dma_semaphore, #tpu.memory_space<semaphore_mem>>) {add = true}
      %dma_start3A_776 = arith.constant 0 : i32
      %dma_start3A_777 = tpu.memref_slice %arg16[%dma_start3A_776] : memref<100096xf32, #tpu.memory_space<vmem_shared>> -> memref<100096xf32, #tpu.memory_space<vmem_shared>>
      tpu.enqueue_indirect_dma source(%arg30 : memref<128xf32, #tpu.memory_space<vmem>>) target(%dma_start3A_777 : memref<100096xf32, #tpu.memory_space<vmem_shared>>) offsets(%arg18 : memref<128xi32, #tpu.memory_space<vmem>>) semaphore(%arg50 : memref<!tpu.dma_semaphore, #tpu.memory_space<semaphore_mem>>) {add = true}
      %dma_wait3A_778 = arith.constant 0 : i32
      %dma_wait3A_779 = tpu.memref_slice %arg13[%dma_wait3A_778] : memref<100096xf32, #tpu.memory_space<vmem_shared>> -> memref<100096xf32, #tpu.memory_space<vmem_shared>>
      tpu.wait_indirect_dma semaphore(%arg50 : memref<!tpu.dma_semaphore, #tpu.memory_space<semaphore_mem>>) src(%arg27 : memref<128xf32, #tpu.memory_space<vmem>>) dst(%dma_wait3A_779 : memref<100096xf32, #tpu.memory_space<vmem_shared>>)
      %dma_wait3A_780 = arith.constant 0 : i32
      %dma_wait3A_781 = tpu.memref_slice %arg14[%dma_wait3A_780] : memref<100096xf32, #tpu.memory_space<vmem_shared>> -> memref<100096xf32, #tpu.memory_space<vmem_shared>>
      tpu.wait_indirect_dma semaphore(%arg50 : memref<!tpu.dma_semaphore, #tpu.memory_space<semaphore_mem>>) src(%arg28 : memref<128xf32, #tpu.memory_space<vmem>>) dst(%dma_wait3A_781 : memref<100096xf32, #tpu.memory_space<vmem_shared>>)
      %dma_wait3A_782 = arith.constant 0 : i32
      %dma_wait3A_783 = tpu.memref_slice %arg15[%dma_wait3A_782] : memref<100096xf32, #tpu.memory_space<vmem_shared>> -> memref<100096xf32, #tpu.memory_space<vmem_shared>>
      tpu.wait_indirect_dma semaphore(%arg50 : memref<!tpu.dma_semaphore, #tpu.memory_space<semaphore_mem>>) src(%arg29 : memref<128xf32, #tpu.memory_space<vmem>>) dst(%dma_wait3A_783 : memref<100096xf32, #tpu.memory_space<vmem_shared>>)
      %dma_wait3A_784 = arith.constant 0 : i32
      %dma_wait3A_785 = tpu.memref_slice %arg16[%dma_wait3A_784] : memref<100096xf32, #tpu.memory_space<vmem_shared>> -> memref<100096xf32, #tpu.memory_space<vmem_shared>>
      tpu.wait_indirect_dma semaphore(%arg50 : memref<!tpu.dma_semaphore, #tpu.memory_space<semaphore_mem>>) src(%arg30 : memref<128xf32, #tpu.memory_space<vmem>>) dst(%dma_wait3A_785 : memref<100096xf32, #tpu.memory_space<vmem_shared>>)
    } else {
    }
    %barrier3A_72 = arith.constant 0 : index
    tpu.barrier barrier_id(%barrier3A_72)
    %eq3A_73 = arith.constant 0 : i32
    %eq3A_74 = arith.cmpi eq, %arg1, %eq3A_73 : i32
    %convert_element_type3A_75 = arith.extui %eq3A_74 : i1 to i32
    %cond3A_76 = arith.constant 0 : i32
    %cond3A_77 = arith.cmpi ne, %convert_element_type3A_75, %cond3A_76 : i32
    scf.if %cond3A_77 {
      %mul3A_78 = arith.constant 4 : i32
      %mul3A_79 = arith.muli %arg0, %mul3A_78 : i32
      %add3A_80 = arith.constant 0 : i32
      %add3A_81 = arith.addi %mul3A_79, %add3A_80 : i32
      %mul3A_82 = arith.constant 100096 : i32
      %mul3A_83 = arith.muli %add3A_81, %mul3A_82 : i32
      %multiple_of3A_84 = tpu.assume_multiple %mul3A_83, 128 : i32
      "tpu.region"() ({
        %run_scoped3A = tpu.sem_alloc : memref<!tpu.dma_semaphore, #tpu.memory_space<semaphore_mem>>
        %dma_start3A_106 = tpu.memref_slice %arg8[%multiple_of3A_84] : memref<800768xf32, #tpu.memory_space<hbm>> -> memref<100096xf32, #tpu.memory_space<hbm>>
        tpu.enqueue_dma source(%arg13 : memref<100096xf32, #tpu.memory_space<vmem_shared>>) target(%dma_start3A_106 : memref<100096xf32, #tpu.memory_space<hbm>>) target_semaphore(%run_scoped3A : memref<!tpu.dma_semaphore, #tpu.memory_space<semaphore_mem>>)
        %dma_wait3A_107 = tpu.memref_slice %arg8[%multiple_of3A_84] : memref<800768xf32, #tpu.memory_space<hbm>> -> memref<100096xf32, #tpu.memory_space<hbm>>
        tpu.wait_dma2 semaphore(%run_scoped3A : memref<!tpu.dma_semaphore, #tpu.memory_space<semaphore_mem>>) src(%arg13 : memref<100096xf32, #tpu.memory_space<vmem_shared>>) dst(%dma_wait3A_107 : memref<100096xf32, #tpu.memory_space<hbm>>)
        tpu.yield
      }) : () -> ()
      %mul3A_85 = arith.constant 4 : i32
      %mul3A_86 = arith.muli %arg0, %mul3A_85 : i32
      %add3A_87 = arith.constant 1 : i32
      %add3A_88 = arith.addi %mul3A_86, %add3A_87 : i32
      %mul3A_89 = arith.constant 100096 : i32
      %mul3A_90 = arith.muli %add3A_88, %mul3A_89 : i32
      %multiple_of3A_91 = tpu.assume_multiple %mul3A_90, 128 : i32
      "tpu.region"() ({
        %run_scoped3A = tpu.sem_alloc : memref<!tpu.dma_semaphore, #tpu.memory_space<semaphore_mem>>
        %dma_start3A_106 = tpu.memref_slice %arg8[%multiple_of3A_91] : memref<800768xf32, #tpu.memory_space<hbm>> -> memref<100096xf32, #tpu.memory_space<hbm>>
        tpu.enqueue_dma source(%arg14 : memref<100096xf32, #tpu.memory_space<vmem_shared>>) target(%dma_start3A_106 : memref<100096xf32, #tpu.memory_space<hbm>>) target_semaphore(%run_scoped3A : memref<!tpu.dma_semaphore, #tpu.memory_space<semaphore_mem>>)
        %dma_wait3A_107 = tpu.memref_slice %arg8[%multiple_of3A_91] : memref<800768xf32, #tpu.memory_space<hbm>> -> memref<100096xf32, #tpu.memory_space<hbm>>
        tpu.wait_dma2 semaphore(%run_scoped3A : memref<!tpu.dma_semaphore, #tpu.memory_space<semaphore_mem>>) src(%arg14 : memref<100096xf32, #tpu.memory_space<vmem_shared>>) dst(%dma_wait3A_107 : memref<100096xf32, #tpu.memory_space<hbm>>)
        tpu.yield
      }) : () -> ()
      %mul3A_92 = arith.constant 4 : i32
      %mul3A_93 = arith.muli %arg0, %mul3A_92 : i32
      %add3A_94 = arith.constant 2 : i32
      %add3A_95 = arith.addi %mul3A_93, %add3A_94 : i32
      %mul3A_96 = arith.constant 100096 : i32
      %mul3A_97 = arith.muli %add3A_95, %mul3A_96 : i32
      %multiple_of3A_98 = tpu.assume_multiple %mul3A_97, 128 : i32
      "tpu.region"() ({
        %run_scoped3A = tpu.sem_alloc : memref<!tpu.dma_semaphore, #tpu.memory_space<semaphore_mem>>
        %dma_start3A_106 = tpu.memref_slice %arg8[%multiple_of3A_98] : memref<800768xf32, #tpu.memory_space<hbm>> -> memref<100096xf32, #tpu.memory_space<hbm>>
        tpu.enqueue_dma source(%arg15 : memref<100096xf32, #tpu.memory_space<vmem_shared>>) target(%dma_start3A_106 : memref<100096xf32, #tpu.memory_space<hbm>>) target_semaphore(%run_scoped3A : memref<!tpu.dma_semaphore, #tpu.memory_space<semaphore_mem>>)
        %dma_wait3A_107 = tpu.memref_slice %arg8[%multiple_of3A_98] : memref<800768xf32, #tpu.memory_space<hbm>> -> memref<100096xf32, #tpu.memory_space<hbm>>
        tpu.wait_dma2 semaphore(%run_scoped3A : memref<!tpu.dma_semaphore, #tpu.memory_space<semaphore_mem>>) src(%arg15 : memref<100096xf32, #tpu.memory_space<vmem_shared>>) dst(%dma_wait3A_107 : memref<100096xf32, #tpu.memory_space<hbm>>)
        tpu.yield
      }) : () -> ()
      %mul3A_99 = arith.constant 4 : i32
      %mul3A_100 = arith.muli %arg0, %mul3A_99 : i32
      %add3A_101 = arith.constant 3 : i32
      %add3A_102 = arith.addi %mul3A_100, %add3A_101 : i32
      %mul3A_103 = arith.constant 100096 : i32
      %mul3A_104 = arith.muli %add3A_102, %mul3A_103 : i32
      %multiple_of3A_105 = tpu.assume_multiple %mul3A_104, 128 : i32
      "tpu.region"() ({
        %run_scoped3A = tpu.sem_alloc : memref<!tpu.dma_semaphore, #tpu.memory_space<semaphore_mem>>
        %dma_start3A_106 = tpu.memref_slice %arg8[%multiple_of3A_105] : memref<800768xf32, #tpu.memory_space<hbm>> -> memref<100096xf32, #tpu.memory_space<hbm>>
        tpu.enqueue_dma source(%arg16 : memref<100096xf32, #tpu.memory_space<vmem_shared>>) target(%dma_start3A_106 : memref<100096xf32, #tpu.memory_space<hbm>>) target_semaphore(%run_scoped3A : memref<!tpu.dma_semaphore, #tpu.memory_space<semaphore_mem>>)
        %dma_wait3A_107 = tpu.memref_slice %arg8[%multiple_of3A_105] : memref<800768xf32, #tpu.memory_space<hbm>> -> memref<100096xf32, #tpu.memory_space<hbm>>
        tpu.wait_dma2 semaphore(%run_scoped3A : memref<!tpu.dma_semaphore, #tpu.memory_space<semaphore_mem>>) src(%arg16 : memref<100096xf32, #tpu.memory_space<vmem_shared>>) dst(%dma_wait3A_107 : memref<100096xf32, #tpu.memory_space<hbm>>)
        tpu.yield
      }) : () -> ()
    } else {
    }
    return
  }
}

module attributes {stable_mosaic.version = 14 : i64} {
  func.func @body(%arg0: memref<2x3128x128xf32, #tpu.memory_space<vmem>>, %arg1: memref<3128x128xf32, #tpu.memory_space<vmem>>) attributes {dimension_semantics = [], scalar_prefetch = 0 : i64, scratch_operands = 0 : i64, tpu.core_type = #tpu.core_type<tc>} {
    %get3A = arith.constant 0 : index
    %get3A_0 = arith.constant 0 : index
    %get3A_1 = arith.constant 0 : index
    %get3A_2 = vector.load %arg0[%get3A, %get3A_0, %get3A_1] : memref<2x3128x128xf32, #tpu.memory_space<vmem>>, vector<1x3128x128xf32>
    %get3A_3 = vector.shape_cast %get3A_2 : vector<1x3128x128xf32> to vector<3128x128xf32>
    %get3A_4 = arith.constant 1 : index
    %get3A_5 = arith.constant 0 : index
    %get3A_6 = arith.constant 0 : index
    %get3A_7 = vector.load %arg0[%get3A_4, %get3A_5, %get3A_6] : memref<2x3128x128xf32, #tpu.memory_space<vmem>>, vector<1x3128x128xf32>
    %get3A_8 = vector.shape_cast %get3A_7 : vector<1x3128x128xf32> to vector<3128x128xf32>
    %add3A = arith.addf %get3A_3, %get3A_8 : vector<3128x128xf32>
    %swap3A = arith.constant 0 : index
    %swap3A_9 = arith.constant 0 : index
    %swap3A_10 = vector.load %arg1[%swap3A, %swap3A_9] : memref<3128x128xf32, #tpu.memory_space<vmem>>, vector<3128x128xf32>
    tpu.vector_store %arg1[%swap3A, %swap3A_9], %add3A {strides = array<i32>} : memref<3128x128xf32, #tpu.memory_space<vmem>>, vector<3128x128xf32>,
    return
  }
}

</mosaic_0001>

<sc_bundles>
// kernel: kernel.4.cloned.1.call-start
scs
__scs_entry_jumppad:
0x0: {  	(pc) =	sbr.rel $0x88, $3  }
0x1: {  	(tag) =	ssettag $0x0;
	lr =	simm.s32 $0x1  }
0x2: {  	[smem:$0x3F9C] =	sst lr;
	_ =	strace $0xD0000000  }
0x3: {  	_ = 	snop  }
0x4: {  	_ = 	snop  }
0x5: {  	_ = 	snop  }
0x6: {  	_ = 	snop  }
0x7: {  	_ = 	snop  }
__scs_overlays_trampoline_lowered:
0x8: {  	[smem:$0x3FAB] =	sst s0  }
0x9: {  	[smem:$0x3FAC] =	sst s1  }
0xa: {  	[smem:$0x3FAD] =	sst s2  }
0xb: {  	[smem:$0x3FAE] =	sst s3  }
0xc: {  	[smem:$0x3FAF] =	sst s4  }
0xd: {  	[smem:$0x3FB0] =	sst s5  }
0xe: {  	[smem:$0x3FB1] =	sst s6  }
0xf: {  	[smem:$0x3FB2] =	sst s7  }
0x10: {  	[smem:$0x3FB3] =	sst s8  }
0x11: {  	[smem:$0x3FB4] =	sst s9;
	s0 =	simm.s32 @!p0 $0x0  }
0x12: {  	s1 =	sld [smem:$0x3F9A];
	s0 =	simm.s32 @p0 $0x1  }
0x13: {  	[smem:$0x3FB5] =	sst s0;
	s0 =	simm.s32 @!p1 $0x0  }
0x14: {  	s2 =	sld [smem:$0x3F99];
	s0 =	simm.s32 @p1 $0x1  }
0x15: {  	[smem:$0x3FB6] =	sst s0;
	s0 =	simm.s32 @!p2 $0x0  }
0x16: {  	s3 =	sld [smem:$0x3FDB];
	s0 =	simm.s32 @p2 $0x1  }
0x17: {  	s4 =	simm.s32 $0x1BF5;
	[smem:$0x3FB8] =	sst s0  }
0x18: {  	s0 =	sld [smem:$0x3F9B];
	_ =	swait.ge [sflag:s4], $0x0  }
0x19: {  	s7 =	sld [smem:$0x3F9C]  }
0x1a: {  	s8 =	sadd.s32 $0xFFFFE003, lr  }
0x1b: {  	s9 =	sadd.s32 $0xFFFFFEF7, lr;
	s5 =	simm.s32 $0xFFFFFFFF;
	p2 =	slt.u32 s8, $0xFFFFF086  }
0x1c: {  	p1 =	slt.u32 s9, $0xF7A;
	s5 =	simm.s32 @!p2 $0x0  }
0x1d: {  	s5 =	simm.s32 @p1 $0x1;
	p0 =	seq.s32 s7, s2  }
0x1e: {  	s7 =	smul.u32 @!p0 $0xF7A, s2;
	p2 =	seq.s32 @!p0 s5, $0x0  }
0x1f: {  	s9 =	smul.u32 $0xF7A, s1;
	s8 =	simm.s32 @!p0 $0x1BF5;
	p2 =	por !p2, p0  }
0x20: {  	[sflag:s8] =	ssyncset.s32 @!p0 $0xFFFFF086;
	s6 =	sadd.s32 @!p0 s3, s7;
	s7 =	simm.s32 @!p0 $0x108  }
0x21: {  	s3 =	sadd.s32 s3, s9;
	s6 =	sadd.s32 @!p0 $0x88, s6;
	s7 =	simm.s32 @p2 $0x1082  }
0x22: {  	[simem:s7], [sflag:s8] =	dma.local @!p0 [hbm:s6], $0xF7A  }
0x23: {  	s9 =	sor.u32 $0xD0000000, s2;
	s6 =	simm.s32 $0x108;
	_ =	swait.ge @!p0 [sflag:s8], $0x0  }
0x24: {  	s3 =	sadd.s32 $0x88, s3;
	s6 =	simm.s32 @!p1 $0x1082;
	[sflag:s4] =	ssyncset.s32 $0xFFFFF086  }
0x25: {  	[simem:s6], [sflag:s4] =	dma.local [hbm:s3], $0xF7A  }
0x26: {  	[smem:$0x3F9C] =	sst s1;
	(tag) =	ssettag s2;
	_ =	strace s9  }
0x27: {  	s1 =	sld [smem:$0x3FAC]  }
0x28: {  	s2 =	sld [smem:$0x3FAD]  }
0x29: {  	s4 =	sld [smem:$0x3FAF]  }
0x2a: {  	p0 =	seq.s32 s5, $0x0;
	s5 =	sld [smem:$0x3FB0]  }
0x2b: {  	s6 =	sld [smem:$0x3FB1]  }
0x2c: {  	s7 =	sld [smem:$0x3FB2]  }
0x2d: {  	s3 =	simm.s32 $0x108;
	s8 =	sld [smem:$0x3FB3]  }
0x2e: {  	s3 =	simm.s32 @!p0 $0x1082;
	s9 =	sld [smem:$0x3FB4]  }
0x2f: {  	lr =	sadd.s32 s0, s3;
	s0 =	sld [smem:$0x3FAB]  }
0x30: {  	s3 =	sld [smem:$0x3FAE]  }
0x31: {  	[smem:$0x3FB7] =	sst s10  }
0x32: {  	s10 =	sld [smem:$0x3FB5];
	_ =	sdelay $0x3  }
0x33: {  	p0 =	seq.s32 s10, $0x1;
	s10 =	sld [smem:$0x3FB7];
	_ =	sdelay $0x3  }
0x34: {  	[smem:$0x3FB7] =	sst s10  }
0x35: {  	s10 =	sld [smem:$0x3FB6];
	_ =	sdelay $0x3  }
0x36: {  	p1 =	seq.s32 s10, $0x1;
	s10 =	sld [smem:$0x3FB7];
	_ =	sdelay $0x3  }
0x37: {  	[smem:$0x3FB7] =	sst s10  }
0x38: {  	s10 =	sld [smem:$0x3FB8]  }
0x39: {  	_ = 	snop;
	(pc) =	sbr.ind lr, $3  }
0x3a: {  	_ = 	snop  }
0x3b: {  	_ = 	snop  }
0x3c: {  	p2 =	seq.s32 s10, $0x1;
	s10 =	sld [smem:$0x3FB7]  }
0x3d: {  	_ =	shalt  }
0x3e: {  	_ =	shalt  }
0x3f: {  	_ =	shalt  }
0x40: {  	_ =	shalt  }
0x41: {  	_ =	shalt  }
0x42: {  	_ =	shalt  }
0x43: {  	_ =	shalt  }
0x44: {  	_ =	shalt  }
0x45: {  	_ =	shalt  }
0x46: {  	_ =	shalt  }
0x47: {  	_ =	shalt  }
0x48: {  	_ =	shalt  }
0x49: {  	_ =	shalt  }
0x4a: {  	_ =	shalt  }
0x4b: {  	_ =	shalt  }
0x4c: {  	_ =	shalt  }
0x4d: {  	_ =	shalt  }
0x4e: {  	_ =	shalt  }
0x4f: {  	_ =	shalt  }
0x50: {  	_ =	shalt  }
0x51: {  	_ =	shalt  }
0x52: {  	_ =	shalt  }
0x53: {  	_ =	shalt  }
0x54: {  	_ =	shalt  }
0x55: {  	_ =	shalt  }
0x56: {  	_ =	shalt  }
0x57: {  	_ =	shalt  }
0x58: {  	_ =	shalt  }
0x59: {  	_ =	shalt  }
0x5a: {  	_ =	shalt  }
0x5b: {  	_ =	shalt  }
0x5c: {  	_ =	shalt  }
0x5d: {  	_ =	shalt  }
0x5e: {  	_ =	shalt  }
0x5f: {  	_ =	shalt  }
0x60: {  	_ =	shalt  }
0x61: {  	_ =	shalt  }
0x62: {  	_ =	shalt  }
0x63: {  	_ =	shalt  }
0x64: {  	_ =	shalt  }
0x65: {  	_ =	shalt  }
0x66: {  	_ =	shalt  }
0x67: {  	_ =	shalt  }
0x68: {  	_ =	shalt  }
0x69: {  	_ =	shalt  }
0x6a: {  	_ =	shalt  }
0x6b: {  	_ =	shalt  }
0x6c: {  	_ =	shalt  }
0x6d: {  	_ =	shalt  }
0x6e: {  	_ =	shalt  }
0x6f: {  	_ =	shalt  }
0x70: {  	_ =	shalt  }
0x71: {  	_ =	shalt  }
0x72: {  	_ =	shalt  }
0x73: {  	_ =	shalt  }
0x74: {  	_ =	shalt  }
0x75: {  	_ =	shalt  }
0x76: {  	_ =	shalt  }
0x77: {  	_ =	shalt  }
0x78: {  	_ =	shalt  }
0x79: {  	_ =	shalt  }
0x7a: {  	_ =	shalt  }
0x7b: {  	_ =	shalt  }
0x7c: {  	_ =	shalt  }
0x7d: {  	_ =	shalt  }
0x7e: {  	_ =	shalt  }
0x7f: {  	_ =	shalt  }
0x80: {  	_ =	shalt  }
0x81: {  	_ =	shalt  }
0x82: {  	_ =	shalt  }
0x83: {  	_ =	shalt  }
0x84: {  	_ =	shalt  }
0x85: {  	_ =	shalt  }
0x86: {  	_ =	shalt  }
0x87: {  	_ =	shalt  }
.Lfunc_end0:
.L_simem_size_0:
called_computation.1_lowered:
.L_overlay_start_0:
0x88: {  	s2 =	sld [smem:$0x3FD9]  }
0x89: {  	s3 =	sld [smem:$0x3FFE];
	_ =	sdelay $0x1  }
0x8a: {  	s1 =	srdreg.scid  }
0x8b: {  	s0 =	sand.u32 $0x1, s1  }
0x8c: {  	s17 =	sshll.u32 s0, $0xA;
	s2 =	sadd.s32 s3, s2  }
0x8d: {  	s2 =	sadd.s32 s2, s17  }
0x8e: {  	[smem:$0x3FC3] =	sst s2  }
0x8f: {  	_ = 	snop  }
0x90: {  	s2 =	sld [smem:$0x3FC8]  }
0x91: {  	s18 =	sld [smem:$0x3FD0];
	(tm) =	ssettm $0x1  }
0x92: {  	s4 =	sld [smem:$0x3FFB];
	_ =	sdelay $0x3  }
0x93: {  	_ =	strace s4  }
0x94: {  	s4 =	sld [smem:$0x3FFC];
	_ =	sdelay $0x3  }
0x95: {  	_ =	strace s4  }
0x96: {  	s4 =	sld [smem:$0x3FFD];
	_ =	sdelay $0x3  }
0x97: {  	_ =	strace s4  }
0x98: {  	_ =	strace $0x8FFFFFFF  }
0x99: {  	s19 =	sld [smem:$0x3FDB];
	_ =	sdelay $0x1  }
0x9a: {  	s5 =	simm.s32 $_scs_section_size  }
0x9b: {  	s6 =	simm.s32 $_size__tile_overlayer_lowered;
	s7 =	simm.s32 $_tile_overlayer_lowered  }
0x9c: {  	s22 =	simm.s32 $0x1BFF;
	s21 =	sshll.u32 s7, $0x1;
	s4 =	sadd.s32 s5, s19  }
0x9d: {  	s8 =	simm.s32 $0x0;
	s20 =	sshll.u32 s6, $0x1;
	s6 =	sadd.s32 s21, s4  }
0x9e: {  	[timem:s8], [sflag:s22] =	dma.local [hbm:s6], s20  }
0x9f: {  	_ =	swait.ge [sflag:s22], s20  }
0xa0: {  	s5 =	ssub.s32 $0x0, s20;
	[sflag:s22] =	ssyncset.done $0x0  }
0xa1: {  	[sflag:s22] =	ssyncadd.s32 s5;
	_ =	sdelay $0x1  }
0xa2: {  	s23 =	simm.s32 $0x1B8B  }
0xa3: {  	_ =	swait.ge [sflag:s23], $0x1  }
0xa4: {  	[sflag:s23] =	ssyncset.done $0x0  }
0xa5: {  	s25 =	simm.s32 $0x1B8E;
	s24 =	sld [smem:$0x3FFE];
	[sflag:s23] =	ssyncadd.s32 $0xFFFFFFFF  }
0xa6: {  	s26 =	simm.s32 $execute0_lowered;
	[smem:$0x3FD2] =	sst s25  }
0xa7: {  	s6 =	sshll.u32 s26, $0x1;
	_ =	strace $0x80000049;
	[dreg:$0x1] =	wrdreg $0xFFFFFFFF  }
0xa8: {  	s28 =	simm.s32 $_size_execute0_lowered;
	s4 =	sadd.s32 s4, s6;
	[dreg:$0x0] =	wrdreg $0x0  }
0xa9: {  	s6 =	sshll.u32 s28, $0x1;
	[dreg:$0x2] =	wrdreg s4  }
0xaa: {  	[dreg:$0x3] =	wrdreg s6  }
0xab: {  	[dreg:$0x4] =	wrdreg $0xC0  }
0xac: {  	_ =	task [dreg:s8], $0x5FFFF  }
0xad: {  	[dreg:$0x1] =	wrdreg $0xFFFFFFFF  }
0xae: {  	[dreg:$0x0] =	wrdreg $0x60  }
0xaf: {  	[dreg:$0x2] =	wrdreg s24  }
0xb0: {  	[dreg:$0x3] =	wrdreg s2  }
0xb1: {  	[dreg:$0x4] =	wrdreg s18  }
0xb2: {  	[dreg:$0x5] =	wrdreg $0x0  }
0xb3: {  	[dreg:$0x6] =	wrdreg $0x61C00  }
0xb4: {  	[dreg:$0x7] =	wrdreg $0x18700  }
0xb5: {  	[dreg:$0x8] =	wrdreg $0x7A300  }
0xb6: {  	[dreg:$0x9] =	wrdreg $0x30E00  }
0xb7: {  	[dreg:$0xa] =	wrdreg $0x92A00  }
0xb8: {  	[dreg:$0xb] =	wrdreg $0x49500  }
0xb9: {  	[dreg:$0xc] =	wrdreg $0xAB100  }
0xba: {  	[dreg:$0xd] =	wrdreg $0x9  }
0xbb: {  	_ =	task.clear_ibuf [dreg:s8], $0xEFFFF;
	_ =	strace $0x90000049  }
0xbc: {  	s29 =	simm.s32 $0x9;
	_ =	strace $0x8000004B  }
0xbd: {  	_ =	swait.ge [sflag:s29], $0x1  }
0xbe: {  	[sflag:s29] =	ssyncadd.s32 $0xFFFFFFFF  }
0xbf: {  	_ =	strace $0x9000004B  }
0xc0: {  	_ =	sfence  }
0xc1: {  	s30 =	sld [smem:$0x0];
	_ =	sdelay $0x2  }
0xc2: {  	s31 =	sshll.u32 s1, $0xD;
	s1 =	sshrl.u32 s1, $0x2  }
0xc3: {  	s3 =	sand.u32 $0x4000, s31;
	s1 =	sadd.s32 s1, s30  }
0xc4: {  	s0 =	sor.u32 s3, s0;
	s1 =	sshll.u32 s1, $0x11  }
0xc5: {  	s0 =	sor.u32 s1, s0  }
0xc6: {  	s0 =	sadd.s32 $0x8F2B, s0  }
0xc7: {  	[sflag:s0] =	ssyncadd.remote.s32 $0x1  }
0xc8: {  	_ =	sfence.sel $0xFFFF  }
0xc9: {  	[dreg:$0x0] =	wrdreg $0xFFFFFFFF;
	(pc) =	sbr.abs _section_cstart, $3  }
0xca: {  	[dreg:$0x1] =	wrdreg $0xFFFFFFFF  }
0xcb: {  	_ =	task.clear_ibuf [dreg:s8], $0x2FFFF;
	_ =	strace $0x9FFFFFFF  }
0xcc: {  	(tm) =	ssettm $0x7FFFFFFF  }
0xcd: {  	_ =	shalt  }
tec
execute0_lowered:
.L_overlay_start_1:
0x0: {  	(tag) =	ssettag $0x1  }
0x1: {  	s15 =	rddreg [dreg:$0x0]  }
0x2: {  	s29 =	rddreg [dreg:$0x1]  }
0x3: {  	s0 =	rddreg [dreg:$0x2]  }
0x4: {  	s2 =	rddreg [dreg:$0x3]  }
0x5: {  	s3 =	rddreg [dreg:$0x4]  }
0x6: {  	s4 =	rddreg [dreg:$0x5]  }
0x7: {  	s5 =	rddreg [dreg:$0x6]  }
0x8: {  	s6 =	rddreg [dreg:$0x7]  }
0x9: {  	s7 =	rddreg [dreg:$0x8]  }
0xa: {  	s1 =	srdreg.scid;
	s8 =	rddreg [dreg:$0x9]  }
0xb: {  	s9 =	stileid.u32;
	s10 =	rddreg [dreg:$0xa]  }
0xc: {  	s12 =	simm.s32 $0x0;
	s1 =	sand.u32 $0x1, s1;
	s16 =	smul.u32 $0x61A0, s9  }
0xd: {  	[smem:$0x7FF] =	sst s12;
	s19 =	smul.u32 $0x30D00, s9;
	s25 =	sadd.s32 $0x3D1400, s15  }
0xe: {  	s11 =	sadd.s32 $0x800, s15;
	s14 =	smul.u32 $0x61A00, s1;
	_ =	strace $0x8000004A  }
0xf: {  	s17 =	smul.u32 $0x30D000, s1;
	[smem:$0x7E6] =	sst s25;
	s25 =	sadd.s32 $0x3D1200, s15  }
0x10: {  	[smem:$0x7E7] =	sst s25;
	s25 =	simm.s32 $0xCC80;
	s13 =	sadd.s32 s14, s11  }
0x11: {  	[dreg:$0x17] =	wrdreg s25;
	s25 =	simm.s32 $0xCF80;
	s13 =	sadd.s32 s16, s13  }
0x12: {  	s21 =	sadd.s32 s14, s29;
	[dreg:$0x1d] =	wrdreg s25;
	s18 =	sadd.s32 $0x10, s13  }
0x13: {  	s13 =	sadd.s32 $0x187200, s15;
	[dreg:$0xc] =	wrdreg s18;
	s18 =	sadd.s32 s16, s21  }
0x14: {  	s20 =	sadd.s32 s14, s13;
	s14 =	sadd.s32 s19, s17;
	s22 =	sadd.s32 $0x10, s18  }
0x15: {  	s16 =	sadd.s32 s16, s20;
	s23 =	sadd.s32 $0x61A900, s14;
	s21 =	sadd.s32 $0xC35080, s14  }
0x16: {  	[dreg:$0xd] =	wrdreg s22;
	s16 =	sadd.s32 $0x10, s16;
	s24 =	sshrl.u32 s23, $0x3  }
0x17: {  	s17 =	sshrl.u32 s21, $0x3;
	s21 =	simm.s32 $0xCB80;
	[dreg:$0xe] =	wrdreg s16  }
0x18: {  	s19 =	sadd.s32 $0xC35100, s14;
	s26 =	sadd.s32 s24, s13;
	[dreg:$0x15] =	wrdreg s21  }
0x19: {  	s20 =	sshrl.u32 s19, $0x3;
	s18 =	sadd.s32 s24, s11;
	[dreg:$0xf] =	wrdreg s26  }
0x1a: {  	s16 =	sadd.s32 s20, s13;
	[dreg:$0x10] =	wrdreg s18  }
0x1b: {  	p0 =	sne.s32 s9, $0x0;
	s23 =	sadd.s32 s17, s13;
	[dreg:$0x11] =	wrdreg s16  }
0x1c: {  	s22 =	sadd.s32 $0x61A880, s14;
	s20 =	simm.s32 $0xCD80;
	[dreg:$0x12] =	wrdreg s23  }
0x1d: {  	s24 =	sshrl.u32 s22, $0x3;
	s21 =	simm.s32 $0xCE00;
	[dreg:$0x19] =	wrdreg s20  }
0x1e: {  	p1 =	sne.s32 s1, $0x0;
	s26 =	sadd.s32 s24, s13;
	[dreg:$0x1a] =	wrdreg s21  }
0x1f: {  	s17 =	sadd.s32 s24, s11;
	s18 =	ssub.s32 $0x2, s1;
	[dreg:$0x13] =	wrdreg s26  }
0x20: {  	s23 =	simm.s32 $0xCC00;
	s24 =	sshll.u32 s1, $0x4;
	[dreg:$0x14] =	wrdreg s17  }
0x21: {  	s21 =	simm.s32 $0xD000;
	s22 =	sshrl.u32 s18, $0x1;
	[dreg:$0x16] =	wrdreg s23  }
0x22: {  	s19 =	sor.u32 s9, s24;
	s26 =	simm.s32 $0xCD00;
	s23 =	simm.s32 $0xCF00  }
0x23: {  	s24 =	smul.u32 $0xC380, s1;
	[dreg:$0x1e] =	wrdreg s21;
	s9 =	sshll.u32 s9, $0x4  }
0x24: {  	s19 =	smul.u32 $0x30D00, s19;
	[dreg:$0x18] =	wrdreg s26;
	s17 =	ssub.s32 s18, s22  }
0x25: {  	s22 =	simm.s32 $0xCE80;
	[dreg:$0x1c] =	wrdreg s23;
	s26 =	smul.u32 $0x61C00, s1  }
0x26: {  	s20 =	sor.u32 $0xC3400, s9;
	[dreg:$0x1b] =	wrdreg s22;
	s22 =	simm.s32 $0xD080  }
0x27: {  	s1 =	sadd.s32 s13, s20;
	s18 =	sshrl.u32 s19, $0x3;
	[dreg:$0x1f] =	wrdreg s22  }
0x28: {  	[smem:$0x7F0] =	sst s1;
	s19 =	sadd.s32 s11, s18  }
0x29: {  	s23 =	sshrl.u32 s26, $0x3;
	s26 =	sadd.s32 s29, s18;
	[smem:$0x7E8] =	sst s19  }
0x2a: {  	s15 =	sadd.s32 $0x3D4600, s15;
	s16 =	sadd.s32 s13, s18;
	[smem:$0x7EB] =	sst s26  }
0x2b: {  	s19 =	sadd.s32 s15, s24;
	[smem:$0x7FC] =	sst s16  }
0x2c: {  	s25 =	sadd.s32 $0xC3500, s18;
	s24 =	simm.s32 $0xD100;
	[smem:$0x7E9] =	sst s19  }
0x2d: {  	s21 =	sadd.s32 s11, s25;
	[smem:$0x7EA] =	sst s24  }
0x2e: {  	s22 =	sadd.s32 s13, s25;
	[smem:$0x7EC] =	sst s21  }
0x2f: {  	s15 =	sadd.s32 s15, s23;
	s23 =	sadd.s32 s11, s20;
	[smem:$0x7ED] =	sst s22  }
0x30: {  	s25 =	sor.u32 $0x186900, s9;
	[smem:$0x7EE] =	sst s23;
	s24 =	sadd.s32 s29, s20  }
0x31: {  	s28 =	simm.s32 $0xC380;
	s26 =	sadd.s32 s11, s25;
	[smem:$0x7EF] =	sst s24  }
0x32: {  	s30 =	simm.s32 $0xCA80;
	s1 =	sadd.s32 s13, s25;
	[smem:$0x7F1] =	sst s26  }
0x33: {  	s31 =	simm.s32 $0xCB00;
	s19 =	sadd.s32 $0x30E0, s15;
	[smem:$0x7F2] =	sst s1  }
0x34: {  	s18 =	sadd.s32 s9, s13;
	s20 =	sadd.s32 $0x61C0, s15;
	[smem:$0x7F4] =	sst s19  }
0x35: {  	s9 =	simm.s32 $0x3;
	s21 =	sadd.s32 $0x92A0, s15;
	[smem:$0x7F5] =	sst s20  }
0x36: {  	s22 =	smax.u32 s17, $0x1;
	s23 =	sadd.s32 $0x100, s14;
	[smem:$0x7F6] =	sst s21  }
0x37: {  	s25 =	sadd.s32 $0x61C0, s0;
	s15 =	simm.s32 $0xC400;
	[smem:$0x7F7] =	sst s22  }
0x38: {  	s17 =	simm.s32 $0x80;
	s1 =	sadd.s32 $0x249E00, s18;
	[smem:$0x7F8] =	sst s23  }
.Ltmp0:
0x39: {  	s24 =	sadd.s32 $0x30E0, s0;
	[smem:$0x7FA] =	sst s25;
	(pc) =	sbr.rel .LBB2_1-.Ltmp0, $4  }
0x3a: {  	s0 =	sadd.s32 $0x92A0, s0;
	s26 =	sadd.s32 $0x186A00, s16;
	[smem:$0x7F3] =	sst s1  }
0x3b: {  	s16 =	simm.s32 $0x1;
	s21 =	simm.s32 $0xC680;
	[smem:$0x7F9] =	sst s24  }
0x3c: {  	s22 =	simm.s32 $0xC700;
	s19 =	simm.s32 $0x4;
	[smem:$0x7FB] =	sst s0  }
0x3d: {  	[smem:$0x7FD] =	sst s26;
	s1 =	simm.s32 $0x2;
	s26 =	simm.s32 $0x0  }
.LBB2_5:
0x3e: {  	[bflag:$0x0] =	sbarrier.arrive $0xFFFF  }
0x3f: {  	s14 =	sld [smem:$0x7E9]  }
0x40: {  	s18 =	sld [smem:$0x7E2];
	_ =	sdelay $0x1  }
0x41: {  	s0 =	simm.s32 @!p0 $0x1C07  }
0x42: {  	[hbm:s14], [sflag:s0] =	dma.local @!p0 [spmem:s18], $0x30E0  }
0x43: {  	s14 =	simm.s32 @!p0 $0x7  }
0x44: {  	_ =	swait.ge @!p0 [sflag:s14], $0x30E0  }
0x45: {  	s18 =	sld [smem:$0x7F4]  }
0x46: {  	s20 =	sld [smem:$0x7E3]  }
0x47: {  	[sflag:s14] =	ssyncset.done @!p0 $0x0  }
0x48: {  	[sflag:s14] =	ssyncadd.s32 @!p0 $0xFFFFCF20  }
0x49: {  	[hbm:s18], [sflag:s0] =	dma.local @!p0 [spmem:s20], $0x30E0  }
0x4a: {  	_ =	swait.ge @!p0 [sflag:s14], $0x30E0  }
0x4b: {  	s18 =	sld [smem:$0x7F5]  }
0x4c: {  	s20 =	sld [smem:$0x7E4]  }
0x4d: {  	[sflag:s14] =	ssyncset.done @!p0 $0x0  }
0x4e: {  	[sflag:s14] =	ssyncadd.s32 @!p0 $0xFFFFCF20  }
0x4f: {  	[hbm:s18], [sflag:s0] =	dma.local @!p0 [spmem:s20], $0x30E0  }
0x50: {  	_ =	swait.ge @!p0 [sflag:s14], $0x30E0  }
0x51: {  	s18 =	sld [smem:$0x7F6]  }
0x52: {  	s20 =	sld [smem:$0x7E5]  }
0x53: {  	[sflag:s14] =	ssyncset.done @!p0 $0x0  }
0x54: {  	[sflag:s14] =	ssyncadd.s32 @!p0 $0xFFFFCF20  }
0x55: {  	[hbm:s18], [sflag:s0] =	dma.local @!p0 [spmem:s20], $0x30E0  }
0x56: {  	_ =	swait.ge @!p0 [sflag:s14], $0x30E0  }
0x57: {  	s25 =	sld [smem:$0x7F7];
	_ =	sdelay $0x1  }
0x58: {  	s26 =	sadd.s32 $0x1, s26  }
0x59: {  	p2 =	sne.s32 s26, s25  }
.Ltmp1:
0x5a: {  	_ = 	snop;
	(pc) =	sbr.rel @!p2 .LBB2_6-.Ltmp1, $3  }
0x5b: {  	_ =	sdelay $0x1  }
0x5c: {  	[sflag:s14] =	ssyncset.done @!p0 $0x0  }
0x5d: {  	[sflag:s14] =	ssyncadd.s32 @!p0 $0xFFFFCF20  }
.LBB2_1:
0x5e: {  	[smem:$0x7E1] =	sst s26  }
0x5f: {  	s14 =	sshrl.u32 @!p0 s2, $0x3;
	s26 =	simm.s32 @!p0 $0x1C07;
	s0 =	rddreg [dreg:$0x2]  }
0x60: {  	[spmem:s14], [sflag:s26] =	dma.local @!p0 [hbm:s0], $0x30E0  }
0x61: {  	s14 =	simm.s32 @!p0 $0x7  }
0x62: {  	_ =	swait.ge @!p0 [sflag:s14], $0x30E0  }
0x63: {  	s18 =	sld [smem:$0x7E6]  }
0x64: {  	s0 =	sshrl.u32 @!p0 s3, $0x3;
	[sflag:s14] =	ssyncset.done @!p0 $0x0  }
0x65: {  	[smem:$0x7E2] =	sst s0;
	[sflag:s14] =	ssyncadd.s32 @!p0 $0xFFFFCF20  }
0x66: {  	[spmem:s0], [sflag:s26] =	dma.local @!p0 [hbm:s18], $0x30E0  }
0x67: {  	_ =	swait.ge @!p0 [sflag:s14], $0x30E0  }
0x68: {  	s20 =	sld [smem:$0x7F9]  }
0x69: {  	[sflag:s14] =	ssyncset.done @!p0 $0x0  }
0x6a: {  	s0 =	sshrl.u32 @!p0 s4, $0x3;
	[sflag:s14] =	ssyncadd.s32 @!p0 $0xFFFFCF20  }
0x6b: {  	[spmem:s0], [sflag:s26] =	dma.local @!p0 [hbm:s20], $0x30E0  }
0x6c: {  	_ =	swait.ge @!p0 [sflag:s14], $0x30E0  }
0x6d: {  	s0 =	sshrl.u32 @!p0 s5, $0x3;
	[sflag:s14] =	ssyncset.done @!p0 $0x0  }
0x6e: {  	[smem:$0x7E3] =	sst s0;
	[sflag:s14] =	ssyncadd.s32 @!p0 $0xFFFFCF20  }
0x6f: {  	[spmem:s0], [sflag:s26] =	dma.local @!p0 [hbm:s18], $0x30E0  }
0x70: {  	_ =	swait.ge @!p0 [sflag:s14], $0x30E0  }
0x71: {  	s20 =	sld [smem:$0x7FA]  }
0x72: {  	[sflag:s14] =	ssyncset.done @!p0 $0x0  }
0x73: {  	s0 =	sshrl.u32 @!p0 s6, $0x3;
	[sflag:s14] =	ssyncadd.s32 @!p0 $0xFFFFCF20  }
0x74: {  	[spmem:s0], [sflag:s26] =	dma.local @!p0 [hbm:s20], $0x30E0  }
0x75: {  	_ =	swait.ge @!p0 [sflag:s14], $0x30E0  }
0x76: {  	s0 =	sshrl.u32 @!p0 s7, $0x3;
	[sflag:s14] =	ssyncset.done @!p0 $0x0  }
0x77: {  	[smem:$0x7E4] =	sst s0;
	[sflag:s14] =	ssyncadd.s32 @!p0 $0xFFFFCF20  }
0x78: {  	[spmem:s0], [sflag:s26] =	dma.local @!p0 [hbm:s18], $0x30E0  }
0x79: {  	_ =	swait.ge @!p0 [sflag:s14], $0x30E0  }
0x7a: {  	s20 =	sld [smem:$0x7FB]  }
0x7b: {  	[sflag:s14] =	ssyncset.done @!p0 $0x0  }
0x7c: {  	s0 =	sshrl.u32 @!p0 s8, $0x3;
	[sflag:s14] =	ssyncadd.s32 @!p0 $0xFFFFCF20  }
0x7d: {  	[spmem:s0], [sflag:s26] =	dma.local @!p0 [hbm:s20], $0x30E0  }
0x7e: {  	_ =	swait.ge @!p0 [sflag:s14], $0x30E0  }
0x7f: {  	s0 =	sshrl.u32 @!p0 s10, $0x3;
	[sflag:s14] =	ssyncset.done @!p0 $0x0  }
0x80: {  	[smem:$0x7E5] =	sst s0;
	[sflag:s14] =	ssyncadd.s32 @!p0 $0xFFFFCF20  }
0x81: {  	[spmem:s0], [sflag:s26] =	dma.local @!p0 [hbm:s18], $0x30E0  }
0x82: {  	_ =	swait.ge @!p0 [sflag:s14], $0x30E0  }
0x83: {  	s20 =	sld [smem:$0x7E7]  }
0x84: {  	[sflag:s14] =	ssyncset.done @!p0 $0x0  }
0x85: {  	s26 =	simm.s32 $0xD180;
	s18 =	simm.s32 $0x7;
	[sflag:s14] =	ssyncadd.s32 @!p0 $0xFFFFCF20  }
0x86: {  	[tilespmem:s26], [sflag:$0x7] =	stream.linear.gather [hbm4b:s20+s12], $0x280, $0x38;
	[tilespmem:$0xD580] =	vst v63  }
0x87: {  	_ =	swait.ge [sflag:s18], $0x280  }
0x88: {  	[sflag:s18] =	ssyncset.done $0x0  }
0x89: {  	[sflag:s18] =	ssyncadd.s32 $0xFFFFFD80  }
0x8a: {  	[bflag:$0x0] =	sbarrier.arrive $0xFFFF  }
0x8b: {  	v4 =	vld [tilespmem:$0xD180]  }
0x8c: {  	v1 =	vld [tilespmem:$0xD200];
	s20 =	sld [smem:$0x7E8]  }
0x8d: {  	v2 =	vld [tilespmem:$0xD280]  }
0x8e: {  	v3 =	vld [tilespmem:$0xD300];
	s26 =	sld [smem:$0x7EC]  }
0x8f: {  	v0 =	vld [tilespmem:$0xD380];
	[tilespmem:s28], [sflag:$0x1] =	stream.linear.gather [hbm4b:s20+s12], $0x80, $0x38  }
0x90: {  	s14 =	sld [smem:$0x7EB]  }
0x91: {  	[tilespmem:s15], [sflag:$0x1] =	stream.linear.gather [hbm4b:s26+s12], $0x80, $0x38;
	[tilespmem:$0xD580] =	vst v63  }
0x92: {  	s18 =	simm.s32 $0xC480;
	s20 =	sld [smem:$0x7FC]  }
0x93: {  	[tilespmem:s18], [sflag:$0x1] =	stream.linear.gather [hbm4b:s14+s12], $0x80, $0x38;
	[tilespmem:$0xD580] =	vst v63  }
0x94: {  	s26 =	simm.s32 $0xC500;
	s14 =	sld [smem:$0x7ED]  }
0x95: {  	[tilespmem:s26], [sflag:$0x1] =	stream.linear.gather [hbm4b:s20+s12], $0x80, $0x38;
	[tilespmem:$0xD580] =	vst v63  }
0x96: {  	s18 =	simm.s32 $0xC580;
	s20 =	sld [smem:$0x7FD]  }
0x97: {  	[tilespmem:s18], [sflag:$0x1] =	stream.linear.gather [hbm4b:s14+s12], $0x80, $0x38;
	[tilespmem:$0xD580] =	vst v63  }
0x98: {  	s25 =	simm.s32 $0xC880;
	s23 =	simm.s32 $0xC900;
	s26 =	simm.s32 $0xC600  }
0x99: {  	[tilespmem:s26], [sflag:$0x1] =	stream.linear.gather [hbm4b:s20+s12], $0x80, $0x38;
	[tilespmem:$0xD580] =	vst v63  }
0x9a: {  	s24 =	simm.s32 $0xC800;
	s14 =	sld [smem:$0x7F8];
	s26 =	simm.s32 $0x0  }
.LBB2_2:
0x9b: {  	_ =	swait.ge [sflag:s16], $0x80  }
0x9c: {  	[sflag:s16] =	ssyncset.done $0x0  }
0x9d: {  	[sflag:s16] =	ssyncadd.s32 $0xFFFFFF80  }
0x9e: {  	_ =	swait.ge [sflag:s16], $0x80  }
0x9f: {  	[sflag:s16] =	ssyncset.done $0x0  }
0xa0: {  	[sflag:s16] =	ssyncadd.s32 $0xFFFFFF80  }
0xa1: {  	_ =	swait.ge [sflag:s16], $0x80  }
0xa2: {  	[sflag:s16] =	ssyncset.done $0x0  }
0xa3: {  	[sflag:s16] =	ssyncadd.s32 $0xFFFFFF80  }
0xa4: {  	_ =	swait.ge [sflag:s16], $0x80  }
0xa5: {  	[sflag:s16] =	ssyncset.done $0x0  }
0xa6: {  	[sflag:s16] =	ssyncadd.s32 $0xFFFFFF80  }
0xa7: {  	_ =	swait.ge [sflag:s16], $0x80  }
0xa8: {  	[sflag:s16] =	ssyncset.done $0x0  }
0xa9: {  	[sflag:s16] =	ssyncadd.s32 $0xFFFFFF80  }
0xaa: {  	_ =	swait.ge [sflag:s16], $0x80  }
0xab: {  	[sflag:s16] =	ssyncset.done $0x0  }
0xac: {  	[sflag:s16] =	ssyncadd.s32 $0xFFFFFF80  }
0xad: {  	[tilespmem:s21], [sflag:$0x3] =	stream.indirect.gather [spmem:s2], $0x1, s28, s17, $0xb8;
	[tilespmem:$0xD580] =	vst v63  }
0xae: {  	_ = 	snop  }
0xaf: {  	[tilespmem:s22], [sflag:$0x3] =	stream.indirect.gather [spmem:s4], $0x1, s28, s17, $0xb8;
	[tilespmem:$0xD580] =	vst v63  }
0xb0: {  	s0 =	simm.s32 $0xC780;
	p2 =	seq.s32 s26, $0x0  }
0xb1: {  	[tilespmem:s0], [sflag:$0x3] =	stream.indirect.gather [spmem:s6], $0x1, s28, s17, $0xb8;
	[tilespmem:$0xD580] =	vst v63  }
0xb2: {  	s0 =	simm.s32 @!p2 $0x6  }
0xb3: {  	[tilespmem:s24], [sflag:$0x3] =	stream.indirect.gather [spmem:s8], $0x1, s28, s17, $0xb8;
	[tilespmem:$0xD580] =	vst v63  }
0xb4: {  	_ =	swait.ge @!p2 [sflag:s0], $0x80  }
0xb5: {  	[sflag:s0] =	ssyncset.done @!p2 $0x0  }
0xb6: {  	[sflag:s0] =	ssyncadd.s32 @!p2 $0xFFFFFF80  }
0xb7: {  	_ =	swait.ge @!p2 [sflag:s0], $0x80  }
0xb8: {  	[sflag:s0] =	ssyncset.done @!p2 $0x0  }
0xb9: {  	[sflag:s0] =	ssyncadd.s32 @!p2 $0xFFFFFF80  }
0xba: {  	_ =	swait.ge @!p2 [sflag:s0], $0x80  }
0xbb: {  	[sflag:s0] =	ssyncset.done @!p2 $0x0  }
0xbc: {  	[sflag:s0] =	ssyncadd.s32 @!p2 $0xFFFFFF80  }
0xbd: {  	_ =	swait.ge @!p2 [sflag:s0], $0x80  }
0xbe: {  	s18 =	rddreg [dreg:$0xc]  }
0xbf: {  	s20 =	rddreg [dreg:$0x14]  }
0xc0: {  	[sflag:s0] =	ssyncset.done @!p2 $0x0;
	s21 =	sadd.s32 s26, s18;
	s18 =	rddreg [dreg:$0xd]  }
0xc1: {  	[sflag:s0] =	ssyncadd.s32 @!p2 $0xFFFFFF80;
	s22 =	sadd.s32 s26, s20;
	s20 =	rddreg [dreg:$0x15]  }
0xc2: {  	[tilespmem:s30], [sflag:$0x2] =	stream.linear.gather [hbm4b:s21+s12], $0x80, $0x38;
	[tilespmem:$0xD580] =	vst v63  }
0xc3: {  	s21 =	rddreg [dreg:$0x16]  }
0xc4: {  	s0 =	sadd.s32 s26, s18;
	s18 =	rddreg [dreg:$0x13]  }
0xc5: {  	[tilespmem:s31], [sflag:$0x2] =	stream.linear.gather [hbm4b:s22+s12], $0x80, $0x38;
	[tilespmem:$0xD580] =	vst v63  }
0xc6: {  	s22 =	rddreg [dreg:$0xe]  }
0xc7: {  	[tilespmem:s20], [sflag:$0x2] =	stream.linear.gather [hbm4b:s0+s12], $0x80, $0x38;
	[tilespmem:$0xD580] =	vst v63  }
0xc8: {  	s22 =	sadd.s32 s26, s22;
	s20 =	rddreg [dreg:$0x17]  }
0xc9: {  	[tilespmem:s21], [sflag:$0x2] =	stream.linear.gather [hbm4b:s22+s12], $0x80, $0x38;
	[tilespmem:$0xD580] =	vst v63  }
0xca: {  	s0 =	sadd.s32 s26, s18;
	s21 =	rddreg [dreg:$0x12]  }
0xcb: {  	[tilespmem:s20], [sflag:$0x2] =	stream.linear.gather [hbm4b:s0+s12], $0x80, $0x38;
	[tilespmem:$0xD580] =	vst v63  }
0xcc: {  	s22 =	rddreg [dreg:$0x18];
	s20 =	sadd.s32 s26, s21  }
0xcd: {  	[tilespmem:s22], [sflag:$0x2] =	stream.linear.gather [hbm4b:s20+s12], $0x80, $0x38;
	[tilespmem:$0xD580] =	vst v63  }
0xce: {  	_ =	swait.ge [sflag:s9], $0x80  }
0xcf: {  	[sflag:s9] =	ssyncset.done $0x0  }
0xd0: {  	[sflag:s9] =	ssyncadd.s32 $0xFFFFFF80  }
0xd1: {  	_ =	swait.ge [sflag:s9], $0x80  }
0xd2: {  	[sflag:s9] =	ssyncset.done $0x0  }
0xd3: {  	[sflag:s9] =	ssyncadd.s32 $0xFFFFFF80  }
0xd4: {  	_ =	swait.ge [sflag:s9], $0x80  }
0xd5: {  	[sflag:s9] =	ssyncset.done $0x0  }
0xd6: {  	[sflag:s9] =	ssyncadd.s32 $0xFFFFFF80  }
0xd7: {  	_ =	swait.ge [sflag:s9], $0x80  }
0xd8: {  	[sflag:s9] =	ssyncset.done $0x0  }
0xd9: {  	[sflag:s9] =	ssyncadd.s32 $0xFFFFFF80  }
0xda: {  	v5 =	vld [tilespmem:$0xC680]  }
0xdb: {  	v6 =	vld [tilespmem:$0xC700]  }
0xdc: {  	v7 =	vld [tilespmem:$0xC780]  }
0xdd: {  	v8 =	vld [tilespmem:$0xC500]  }
0xde: {  	v9 =	vld [tilespmem:$0xC580]  }
0xdf: {  	v10 =	vld [tilespmem:$0xC800]  }
0xe0: {  	v11 =	vld [tilespmem:$0xC600]  }
0xe1: {  	v12 =	vld [tilespmem:$0xC480]  }
0xe2: {  	v18 =	vld [tilespmem:$0xC710]  }
0xe3: {  	v54 =	vld [tilespmem:$0xC790]  }
0xe4: {  	v21 =	vld [tilespmem:$0xC510]  }
0xe5: {  	v22 =	vld [tilespmem:$0xC590]  }
0xe6: {  	v24 =	vld [tilespmem:$0xC810];
	v13 =	vmul.f32 v8, v6;
	v14 =	vmul.f32 v9, v7  }
0xe7: {  	v27 =	vld [tilespmem:$0xC610];
	v52 =	vmul.f32 v11, v10;
	v15 =	vmul.f32 v12, v5  }
0xe8: {  	v55 =	vld [tilespmem:$0xC690];
	v53 =	vmul.f32 v9, v10;
	v16 =	vmul.f32 v11, v7  }
0xe9: {  	v56 =	vld [tilespmem:$0xC490];
	v17 =	vmul.f32 v12, v6;
	v19 =	vmul.f32 v8, v5  }
0xea: {  	v32 =	vld [tilespmem:$0xC720];
	v20 =	vmul.f32 v12, v7;
	v23 =	vmul.f32 v9, v5  }
0xeb: {  	v63 =	vld [tilespmem:$0xC7A0];
	v25 =	vmul.f32 v11, v6;
	v26 =	vmul.f32 v8, v10  }
0xec: {  	v34 =	vld [tilespmem:$0xC520];
	v10 =	vmul.f32 v12, v10;
	v7 =	vmul.f32 v8, v7  }
0xed: {  	v37 =	vld [tilespmem:$0xC5A0];
	v6 =	vmul.f32 v9, v6;
	v57 =	vmul.f32 v21, v18  }
0xee: {  	v45 =	vld [tilespmem:$0xC820];
	v58 =	vmul.f32 v22, v54;
	v5 =	vmul.f32 v11, v5  }
0xef: {  	v39 =	vld [tilespmem:$0xC620];
	v59 =	vmul.f32 v27, v24;
	v61 =	vmul.f32 v56, v18  }
0xf0: {  	v62 =	vmul.f32 v22, v24;
	v28 =	vmul.f32 v27, v54  }
0xf1: {  	v43 =	vmul.f32 v56, v54;
	v44 =	vmul.f32 v22, v55  }
0xf2: {  	v8 =	vmul.f32 v56, v24;
	v12 =	vmul.f32 v27, v55  }
0xf3: {  	v47 =	vmul.f32 v22, v18;
	v48 =	vmul.f32 v34, v32  }
0xf4: {  	v49 =	vmul.f32 v37, v63;
	v51 =	vmul.f32 v39, v45  }
0xf5: {  	v29 =	vld [tilespmem:$0xC6A0];
	v15 =	vmul.f32 v15, v4;
	v17 =	vmul.f32 v17, v1  }
0xf6: {  	v46 =	vld [tilespmem:$0xC4A0];
	v19 =	vmul.f32 v19, v2;
	v20 =	vmul.f32 v20, v1  }
0xf7: {  	v23 =	vmul.f32 v23, v2;
	v6 =	vsub.f32 v7, v6;
	v7 =	vmul.f32 v10, v1  }
0xf8: {  	v13 =	vadd.f32 v14, v13;
	v11 =	vmul.f32 v5, v2;
	v33 =	vmul.f32 v61, v1  }
0xf9: {  	v14 =	vsub.f32 v53, v16;
	v38 =	vmul.f32 v43, v1;
	v12 =	vmul.f32 v12, v2  }
0xfa: {  	v9 =	vadd.f32 v58, v57;
	v53 =	vmul.f32 v39, v63;
	v57 =	vmul.f32 v37, v29  }
0xfb: {  	v25 =	vsub.f32 v25, v26;
	v58 =	vmul.f32 v39, v32;
	v10 =	vmul.f32 v46, v45  }
0xfc: {  	v61 =	vmul.f32 v34, v63;
	v14 =	vmul.f32 v14, v0  }
0xfd: {  	v25 =	vmul.f32 v25, v0;
	v60 =	vmul.f32 v6, v0  }
0xfe: {  	v42 =	vld [tilespmem:$0xC5B0];
	v13 =	vadd.f32 v52, v13;
	v6 =	vmul.f32 v56, v55;
	v52 =	vmul.f32 v37, v45  }
0xff: {  	v16 =	vld [tilespmem:$0xC7B0];
	v5 =	vadd.f32 v59, v9;
	v56 =	vmul.f32 v46, v63;
	v59 =	vmul.f32 v34, v45  }
0x100: {  	v26 =	vmul.f32 v57, v2;
	v45 =	vmul.f32 v39, v29  }
0x101: {  	v17 =	vadd.f32 v17, v19;
	v13 =	vmul.f32 v13, v3;
	v30 =	vmul.f32 v6, v4  }
0x102: {  	v43 =	vld [tilespmem:$0xC830];
	v7 =	vadd.f32 v7, v11;
	v31 =	vmul.f32 v5, v3;
	v5 =	vmul.f32 v21, v55  }
0x103: {  	v19 =	vld [tilespmem:$0xC530];
	v6 =	vsub.f32 v62, v28;
	v28 =	vmul.f32 v44, v2;
	v55 =	vmul.f32 v34, v29  }
0x104: {  	v50 =	vadd.f32 v49, v48;
	v63 =	vld [tilespmem:$0xC4B0];
	v62 =	vmul.f32 v37, v32;
	v44 =	vmul.f32 v42, v16  }
0x105: {  	v7 =	vadd.f32 v7, v60;
	v35 =	vmul.f32 v5, v2;
	v36 =	vmul.f32 v6, v0  }
0x106: {  	v60 =	vsub.f32 v58, v59;
	v5 =	vmul.f32 v27, v18;
	v6 =	vmul.f32 v21, v24  }
0x107: {  	v20 =	vadd.f32 v20, v23;
	v27 =	vmul.f32 v8, v1;
	v23 =	vmul.f32 v55, v2  }
0x108: {  	v9 =	vadd.f32 v31, v30;
	v34 =	vmul.f32 v60, v0;
	v31 =	vmul.f32 v45, v2  }
0x109: {  	v8 =	vadd.f32 v51, v50;
	v55 =	vmul.f32 v63, v16;
	v57 =	vmul.f32 v19, v43  }
0x10a: {  	v24 =	vld [tilespmem:$0xC6B0];
	v60 =	vmul.f32 v63, v43;
	v5 =	vsub.f32 v5, v6;
	v6 =	vmul.f32 v21, v54  }
0x10b: {  	v54 =	vmul.f32 v46, v32;
	v40 =	vmul.f32 v8, v3  }
0x10c: {  	v21 =	vld [tilespmem:$0xC730];
	v8 =	vadd.f32 v20, v25;
	v20 =	vmul.f32 v10, v1;
	v12 =	vadd.f32 v27, v12  }
0x10d: {  	v25 =	vld [tilespmem:$0xC630];
	v27 =	vmul.f32 v55, v1;
	v22 =	vmul.f32 v5, v0;
	v6 =	vsub.f32 v6, v47  }
0x10e: {  	v5 =	vadd.f32 v13, v15;
	v13 =	vsub.f32 v52, v53;
	v52 =	vmul.f32 v42, v43  }
0x10f: {  	v50 =	vmul.f32 v63, v24;
	v45 =	vmul.f32 v42, v24  }
0x110: {  	v15 =	vmul.f32 v6, v0;
	v6 =	vmul.f32 v46, v29  }
0x111: {  	v41 =	vmul.f32 v13, v0;
	v37 =	vmul.f32 v19, v21  }
0x112: {  	v48 =	vadd.f32 v33, v35;
	v47 =	vmul.f32 v25, v43;
	v51 =	vmul.f32 v63, v21  }
0x113: {  	v28 =	vadd.f32 v38, v28;
	v53 =	vmul.f32 v25, v16;
	v38 =	vmul.f32 v50, v4  }
0x114: {  	v35 =	vld [tilespmem:$0xC740];
	v10 =	vadd.f32 v48, v36;
	v45 =	vmul.f32 v45, v2;
	v16 =	vmul.f32 v19, v16  }
0x115: {  	v36 =	vld [tilespmem:$0xC5C0];
	v13 =	vsub.f32 v61, v62;
	v59 =	vmul.f32 v42, v21;
	v18 =	vmul.f32 v6, v4  }
0x116: {  	v6 =	vadd.f32 v17, v14;
	v14 =	vmul.f32 v54, v1;
	v46 =	vadd.f32 v44, v37;
	v37 =	vld [tilespmem:$0xC7C0]  }
0x117: {  	v17 =	vmul.f32 v56, v1;
	v33 =	vmul.f32 v13, v0;
	v13 =	vadd.f32 v28, v22;
	v44 =	vld [tilespmem:$0xC540]  }
0x118: {  	v56 =	vmul.f32 v25, v21;
	v30 =	vsub.f32 v52, v53;
	v11 =	vadd.f32 v40, v18;
	v40 =	vld [tilespmem:$0xC4C0]  }
0x119: {  	v54 =	vmul.f32 v19, v24;
	v12 =	vadd.f32 v12, v15;
	v49 =	vadd.f32 v47, v46;
	v46 =	vld [tilespmem:$0xC840]  }
0x11a: {  	v29 =	vmul.f32 v51, v1;
	v15 =	vsub.f32 v56, v57;
	v28 =	vmul.f32 v30, v0;
	v30 =	vld [tilespmem:$0xC640]  }
0x11b: {  	v16 =	vsub.f32 v16, v59;
	v22 =	vmul.f32 v54, v2;
	v18 =	vmul.f32 v60, v1;
	v47 =	vld [tilespmem:$0xC6C0]  }
0x11c: {  	v52 =	vadd.f32 v20, v31;
	v63 =	vmul.f32 v15, v0;
	v39 =	vmul.f32 v49, v3  }
0x11d: {  	v27 =	vadd.f32 v27, v45;
	v58 =	vmul.f32 v44, v35;
	v48 =	vmul.f32 v36, v37  }
0x11e: {  	v14 =	vadd.f32 v14, v23;
	v60 =	vmul.f32 v44, v37;
	v53 =	vmul.f32 v40, v35  }
0x11f: {  	v43 =	vld [tilespmem:$0xC850];
	v51 =	vadd.f32 v17, v26;
	v59 =	vmul.f32 v40, v37;
	v62 =	vmul.f32 v30, v46  }
0x120: {  	v42 =	vld [tilespmem:$0xC5D0];
	v61 =	vadd.f32 v48, v58;
	v48 =	vmul.f32 v25, v24;
	v50 =	vmul.f32 v40, v47  }
0x121: {  	v14 =	vadd.f32 v14, v41;
	v24 =	vmul.f32 v16, v0;
	v54 =	vmul.f32 v44, v47  }
0x122: {  	v22 =	vadd.f32 v29, v22;
	v55 =	vmul.f32 v36, v46;
	v56 =	vmul.f32 v30, v37  }
0x123: {  	v15 =	vadd.f32 v51, v34;
	v41 =	vld [tilespmem:$0xC7D0];
	v57 =	vmul.f32 v30, v35;
	v58 =	vmul.f32 v44, v46  }
0x124: {  	v22 =	vadd.f32 v22, v28;
	v40 =	vmul.f32 v40, v46;
	v30 =	vmul.f32 v30, v47  }
0x125: {  	v21 =	vld [tilespmem:$0xC6D0];
	v16 =	vadd.f32 v52, v33;
	v35 =	vmul.f32 v36, v35;
	v52 =	vmul.f32 v42, v43  }
0x126: {  	v45 =	vld [tilespmem:$0xC7E0];
	v27 =	vadd.f32 v27, v63;
	v20 =	vmul.f32 v53, v1;
	v34 =	vmul.f32 v59, v1  }
0x127: {  	v38 =	vadd.f32 v39, v38;
	v39 =	vld [tilespmem:$0xC650];
	v23 =	vmul.f32 v48, v2;
	v17 =	vmul.f32 v50, v4  }
0x128: {  	v26 =	vld [tilespmem:$0xC750];
	v49 =	vadd.f32 v62, v61;
	v25 =	vmul.f32 v54, v2;
	v62 =	vmul.f32 v42, v41  }
0x129: {  	v44 =	vld [tilespmem:$0xC760];
	v31 =	vsub.f32 v55, v56;
	v63 =	vmul.f32 v40, v1;
	v30 =	vmul.f32 v30, v2  }
0x12a: {  	v48 =	vld [tilespmem:$0xC550];
	v33 =	vsub.f32 v57, v58;
	v58 =	vmul.f32 v42, v21;
	v19 =	vmul.f32 v49, v3  }
0x12b: {  	v46 =	vld [tilespmem:$0xC860];
	v28 =	vsub.f32 v60, v35;
	v49 =	vmul.f32 v36, v47;
	v31 =	vmul.f32 v31, v0  }
0x12c: {  	v40 =	vld [tilespmem:$0xC560];
	v33 =	vmul.f32 v33, v0;
	v50 =	vmul.f32 v39, v43  }
0x12d: {  	v35 =	vld [tilespmem:$0xC5E0];
	v53 =	vmul.f32 v39, v41;
	v28 =	vmul.f32 v28, v0  }
0x12e: {  	v18 =	vadd.f32 v18, v23;
	v59 =	vmul.f32 v39, v26;
	v29 =	vmul.f32 v49, v2;
	v49 =	vld [tilespmem:$0xC4D0]  }
0x12f: {  	v47 =	vmul.f32 v58, v2;
	v23 =	vsub.f32 v52, v53;
	v55 =	vmul.f32 v48, v21  }
0x130: {  	v61 =	vmul.f32 v48, v26;
	v60 =	vmul.f32 v48, v41  }
0x131: {  	v20 =	vadd.f32 v20, v25;
	v23 =	vmul.f32 v23, v0;
	v56 =	vmul.f32 v55, v2  }
0x132: {  	v32 =	vadd.f32 v62, v61;
	v61 =	vmul.f32 v40, v44;
	v62 =	vmul.f32 v35, v45  }
0x133: {  	v30 =	vadd.f32 v63, v30;
	v55 =	vmul.f32 v40, v46;
	v51 =	vmul.f32 v49, v21  }
0x134: {  	v52 =	vld [tilespmem:$0xC6E0];
	v32 =	vadd.f32 v50, v32;
	v54 =	vmul.f32 v49, v26;
	v57 =	vmul.f32 v49, v41  }
0x135: {  	v18 =	vadd.f32 v18, v24;
	v26 =	vmul.f32 v42, v26;
	v21 =	vmul.f32 v39, v21  }
0x136: {  	v17 =	vadd.f32 v19, v17;
	v36 =	vmul.f32 v51, v4;
	v24 =	vmul.f32 v32, v3  }
0x137: {  	v29 =	vadd.f32 v34, v29;
	v50 =	vld [tilespmem:$0xC660];
	v32 =	vmul.f32 v54, v1;
	v51 =	vmul.f32 v48, v43  }
0x138: {  	v41 =	vld [tilespmem:$0xC4E0];
	v19 =	vmul.f32 v57, v1;
	v43 =	vmul.f32 v49, v43;
	v26 =	vsub.f32 v60, v26  }
0x139: {  	[tilespmem:$0xC880] =	vst v5;
	v20 =	vadd.f32 v20, v31;
	v21 =	vmul.f32 v21, v2;
	v49 =	vmul.f32 v40, v52  }
0x13a: {  	[tilespmem:$0xC900] =	vst v6;
	v34 =	vld [tilespmem:$0xC570];
	v6 =	vadd.f32 v29, v33;
	v5 =	vmul.f32 v43, v1;
	v26 =	vmul.f32 v26, v0  }
0x13b: {  	v33 =	vld [tilespmem:$0xC770];
	v31 =	vsub.f32 v59, v51;
	v51 =	vmul.f32 v35, v46;
	v58 =	vmul.f32 v49, v2  }
0x13c: {  	v59 =	vmul.f32 v35, v52;
	v63 =	vmul.f32 v50, v46  }
0x13d: {  	[tilespmem:$0xC980] =	vst v8;
	v8 =	vadd.f32 v30, v28;
	v43 =	vmul.f32 v41, v52;
	v48 =	vmul.f32 v41, v44  }
0x13e: {  	[tilespmem:$0xCA00] =	vst v7;
	v30 =	vld [tilespmem:$0xC6F0];
	v37 =	vadd.f32 v62, v61;
	v53 =	vmul.f32 v50, v45;
	v54 =	vmul.f32 v50, v44  }
0x13f: {  	[tilespmem:$0xC890] =	vst v9;
	v39 =	vld [tilespmem:$0xC4F0];
	v7 =	vadd.f32 v32, v56;
	v57 =	vmul.f32 v41, v45;
	v41 =	vmul.f32 v41, v46  }
0x140: {  	[tilespmem:$0xC910] =	vst v10;
	v9 =	vadd.f32 v24, v36;
	v46 =	vmul.f32 v34, v33;
	v31 =	vmul.f32 v31, v0  }
0x141: {  	[tilespmem:$0xC990] =	vst v13;
	v60 =	vadd.f32 v19, v47;
	v28 =	vmul.f32 v43, v4;
	v56 =	vmul.f32 v48, v1  }
0x142: {  	[tilespmem:$0xCA10] =	vst v12;
	v25 =	vld [tilespmem:$0xC670];
	v42 =	vadd.f32 v63, v37;
	v62 =	vmul.f32 v57, v1;
	v63 =	vmul.f32 v59, v2  }
0x143: {  	[tilespmem:$0xC8A0] =	vst v11;
	v36 =	vld [tilespmem:$0xC7F0];
	v7 =	vadd.f32 v7, v23;
	v43 =	vmul.f32 v40, v45;
	v45 =	vmul.f32 v35, v44  }
0x144: {  	[tilespmem:$0xC9A0] =	vst v15;
	v24 =	vsub.f32 v51, v53;
	v15 =	vmul.f32 v41, v1;
	v51 =	vmul.f32 v39, v30  }
0x145: {  	[tilespmem:$0xC920] =	vst v14;
	v23 =	vld [tilespmem:$0xC5F0];
	v10 =	vsub.f32 v54, v55;
	v55 =	vmul.f32 v39, v33;
	v57 =	vmul.f32 v34, v30  }
0x146: {  	[tilespmem:$0xC930] =	vst v22;
	v11 =	vadd.f32 v60, v31;
	v29 =	vmul.f32 v42, v3;
	v61 =	vmul.f32 v24, v0  }
0x147: {  	[tilespmem:$0xCA20] =	vst v16;
	v10 =	vmul.f32 v10, v0;
	v42 =	vmul.f32 v50, v52;
	v16 =	vsub.f32 v43, v45  }
0x148: {  	[tilespmem:$0xC9B0] =	vst v27;
	v12 =	vadd.f32 v56, v58;
	v53 =	vmul.f32 v25, v36;
	v56 =	vmul.f32 v51, v4  }
0x149: {  	[tilespmem:$0xC8B0] =	vst v38;
	v37 =	vld [tilespmem:$0xC870];
	v59 =	vmul.f32 v55, v1;
	v60 =	vadd.f32 v62, v63;
	v63 =	vmul.f32 v39, v36  }
0x14a: {  	[tilespmem:$0xCA30] =	vst v18;
	v24 =	vmul.f32 v25, v33;
	v47 =	vmul.f32 v23, v36  }
0x14b: {  	[tilespmem:$0xC8C0] =	vst v17;
	v5 =	vadd.f32 v5, v21;
	v48 =	vmul.f32 v42, v2;
	v16 =	vmul.f32 v16, v0  }
0x14c: {  	[tilespmem:$0xC9C0] =	vst v6;
	v6 =	vadd.f32 v12, v61;
	v61 =	vmul.f32 v57, v2;
	v22 =	vmul.f32 v23, v30  }
0x14d: {  	[tilespmem:$0xC940] =	vst v20;
	v28 =	vadd.f32 v29, v28;
	v29 =	vmul.f32 v25, v30;
	v30 =	vmul.f32 v34, v36  }
0x14e: {  	[tilespmem:$0xCA40] =	vst v8;
	v5 =	vadd.f32 v5, v26;
	v31 =	vmul.f32 v23, v33;
	v50 =	vmul.f32 v25, v37  }
0x14f: {  	[tilespmem:$0xC950] =	vst v7;
	v7 =	vadd.f32 v60, v10;
	v52 =	vmul.f32 v23, v37;
	v26 =	vmul.f32 v34, v37  }
0x150: {  	[tilespmem:$0xC8D0] =	vst v9;
	v27 =	vmul.f32 v39, v37;
	v49 =	vadd.f32 v47, v46;
	v62 =	vadd.f32 v15, v48  }
0x151: {  	[tilespmem:$0xCA50] =	vst v5;
	v5 =	vadd.f32 v59, v61;
	v15 =	vmul.f32 v63, v1;
	v13 =	vsub.f32 v52, v53  }
0x152: {  	[tilespmem:$0xC9D0] =	vst v11;
	v18 =	vmul.f32 v22, v2;
	v32 =	vmul.f32 v29, v2;
	v54 =	vadd.f32 v50, v49  }
0x153: {  	[tilespmem:$0xC960] =	vst v6;
	v33 =	vsub.f32 v30, v31;
	v6 =	vmul.f32 v27, v1;
	v13 =	vmul.f32 v13, v0  }
0x154: {  	[tilespmem:$0xC8E0] =	vst v28;
	v8 =	vsub.f32 v24, v26;
	v9 =	vadd.f32 v62, v16;
	v58 =	vmul.f32 v54, v3  }
0x155: {  	[tilespmem:$0xC9E0] =	vst v7;
	v35 =	vmul.f32 v33, v0;
	v6 =	vadd.f32 v6, v32;
	v5 =	vadd.f32 v5, v13  }
0x156: {  	v34 =	vadd.f32 v15, v18;
	v8 =	vmul.f32 v8, v0;
	[tilespmem:$0xCA60] =	vst v9;
	v7 =	vadd.f32 v58, v56  }
0x157: {  	[tilespmem:$0xC970] =	vst v5;
	v5 =	vadd.f32 v6, v35  }
0x158: {  	[tilespmem:$0xC8F0] =	vst v7;
	v7 =	vadd.f32 v34, v8  }
0x159: {  	[tilespmem:$0xCA70] =	vst v5  }
0x15a: {  	[tilespmem:$0xC9F0] =	vst v7  }
0x15b: {  	[spmem:s3] =	stream.indirect.scatter.add.f32 [tilespmem:s25], [sflag:$0x5], $0x1, s15, s17, $0xb8;
	[tilespmem:$0xD580] =	vst v63  }
0x15c: {  	_ = 	snop  }
0x15d: {  	[spmem:s5] =	stream.indirect.scatter.add.f32 [tilespmem:s23], [sflag:$0x5], $0x1, s15, s17, $0xb8;
	[tilespmem:$0xD580] =	vst v63  }
0x15e: {  	s21 =	simm.s32 $0xC980  }
0x15f: {  	[spmem:s7] =	stream.indirect.scatter.add.f32 [tilespmem:s21], [sflag:$0x5], $0x1, s15, s17, $0xb8;
	[tilespmem:$0xD580] =	vst v63  }
0x160: {  	s22 =	simm.s32 $0xCA00  }
0x161: {  	[spmem:s10] =	stream.indirect.scatter.add.f32 [tilespmem:s22], [sflag:$0x5], $0x1, s15, s17, $0xb8;
	[tilespmem:$0xD580] =	vst v63  }
0x162: {  	_ =	swait.ge [sflag:s1], $0x80  }
0x163: {  	[sflag:s1] =	ssyncset.done $0x0  }
0x164: {  	[sflag:s1] =	ssyncadd.s32 $0xFFFFFF80  }
0x165: {  	_ =	swait.ge [sflag:s1], $0x80  }
0x166: {  	[sflag:s1] =	ssyncset.done $0x0  }
0x167: {  	[sflag:s1] =	ssyncadd.s32 $0xFFFFFF80  }
0x168: {  	_ =	swait.ge [sflag:s1], $0x80  }
0x169: {  	[sflag:s1] =	ssyncset.done $0x0  }
0x16a: {  	[sflag:s1] =	ssyncadd.s32 $0xFFFFFF80  }
0x16b: {  	_ =	swait.ge [sflag:s1], $0x80  }
0x16c: {  	[sflag:s1] =	ssyncset.done $0x0  }
0x16d: {  	[sflag:s1] =	ssyncadd.s32 $0xFFFFFF80  }
0x16e: {  	_ =	swait.ge [sflag:s1], $0x80  }
0x16f: {  	[sflag:s1] =	ssyncset.done $0x0  }
0x170: {  	[sflag:s1] =	ssyncadd.s32 $0xFFFFFF80  }
0x171: {  	_ =	swait.ge [sflag:s1], $0x80  }
0x172: {  	[sflag:s1] =	ssyncset.done $0x0  }
0x173: {  	s18 =	rddreg [dreg:$0x19];
	[sflag:s1] =	ssyncadd.s32 $0xFFFFFF80  }
0x174: {  	[tilespmem:s18], [sflag:$0x4] =	stream.indirect.gather [spmem:s2], $0x1, s30, s17, $0xb8;
	[tilespmem:$0xD580] =	vst v63  }
0x175: {  	s20 =	rddreg [dreg:$0x1a]  }
0x176: {  	[tilespmem:s20], [sflag:$0x4] =	stream.indirect.gather [spmem:s4], $0x1, s30, s17, $0xb8;
	[tilespmem:$0xD580] =	vst v63  }
0x177: {  	p2 =	seq.s32 s26, $0x6180;
	s21 =	rddreg [dreg:$0x1b]  }
0x178: {  	[tilespmem:s21], [sflag:$0x4] =	stream.indirect.gather [spmem:s6], $0x1, s30, s17, $0xb8;
	[tilespmem:$0xD580] =	vst v63  }
0x179: {  	s0 =	simm.s32 @!p2 $0x5;
	s22 =	rddreg [dreg:$0x1c]  }
0x17a: {  	[tilespmem:s22], [sflag:$0x4] =	stream.indirect.gather [spmem:s8], $0x1, s30, s17, $0xb8;
	[tilespmem:$0xD580] =	vst v63  }
0x17b: {  	_ =	swait.ge @!p2 [sflag:s0], $0x80  }
0x17c: {  	[sflag:s0] =	ssyncset.done @!p2 $0x0  }
0x17d: {  	[sflag:s0] =	ssyncadd.s32 @!p2 $0xFFFFFF80  }
0x17e: {  	_ =	swait.ge @!p2 [sflag:s0], $0x80  }
0x17f: {  	[sflag:s0] =	ssyncset.done @!p2 $0x0  }
0x180: {  	[sflag:s0] =	ssyncadd.s32 @!p2 $0xFFFFFF80  }
0x181: {  	_ =	swait.ge @!p2 [sflag:s0], $0x80  }
0x182: {  	[sflag:s0] =	ssyncset.done @!p2 $0x0  }
0x183: {  	[sflag:s0] =	ssyncadd.s32 @!p2 $0xFFFFFF80  }
0x184: {  	_ =	swait.ge @!p2 [sflag:s0], $0x80  }
0x185: {  	s21 =	simm.s32 @!p2 $0x0;
	[sflag:s0] =	ssyncset.done @!p2 $0x0  }
0x186: {  	s22 =	smov.u32 s29;
	[sflag:s0] =	ssyncadd.s32 @!p2 $0xFFFFFF80;
	s0 =	sshrl.u32 @!p2 s14, $0x3  }
0x187: {  	s29 =	simm.s32 @!p2 $0xC380;
	s18 =	rddreg [dreg:$0x10];
	s20 =	sadd.s32 @!p2 s11, s0  }
0x188: {  	[tilespmem:s29], [sflag:$0x1] =	stream.linear.gather @!p2 [hbm4b:s20+s21], $0x80, $0x38;
	[tilespmem:$0xD580] =	vst v63  }
0x189: {  	s18 =	sadd.s32 @!p2 s26, s18;
	s29 =	smov.u32 s22;
	s20 =	simm.s32 @!p2 $0xC400  }
0x18a: {  	[tilespmem:s20], [sflag:$0x1] =	stream.linear.gather @!p2 [hbm4b:s18+s21], $0x80, $0x38;
	[tilespmem:$0xD580] =	vst v63  }
0x18b: {  	s18 =	sadd.s32 @!p2 s29, s0;
	s20 =	simm.s32 @!p2 $0xC480  }
0x18c: {  	[tilespmem:s20], [sflag:$0x1] =	stream.linear.gather @!p2 [hbm4b:s18+s21], $0x80, $0x38;
	[tilespmem:$0xD580] =	vst v63  }
0x18d: {  	s0 =	sadd.s32 @!p2 s13, s0;
	s18 =	simm.s32 @!p2 $0xC500;
	s20 =	rddreg [dreg:$0xf]  }
0x18e: {  	[tilespmem:s18], [sflag:$0x1] =	stream.linear.gather @!p2 [hbm4b:s0+s21], $0x80, $0x38;
	[tilespmem:$0xD580] =	vst v63  }
0x18f: {  	s0 =	rddreg [dreg:$0x11];
	s18 =	sadd.s32 @!p2 s26, s20;
	s20 =	simm.s32 @!p2 $0xC580  }
0x190: {  	[tilespmem:s20], [sflag:$0x1] =	stream.linear.gather @!p2 [hbm4b:s18+s21], $0x80, $0x38;
	[tilespmem:$0xD580] =	vst v63  }
0x191: {  	s0 =	sadd.s32 @!p2 s26, s0;
	s18 =	simm.s32 @!p2 $0xC600  }
0x192: {  	[tilespmem:s18], [sflag:$0x1] =	stream.linear.gather @!p2 [hbm4b:s0+s21], $0x80, $0x38;
	[tilespmem:$0xD580] =	vst v63  }
0x193: {  	_ =	swait.ge [sflag:s19], $0x80  }
0x194: {  	[sflag:s19] =	ssyncset.done $0x0  }
0x195: {  	[sflag:s19] =	ssyncadd.s32 $0xFFFFFF80  }
0x196: {  	_ =	swait.ge [sflag:s19], $0x80  }
0x197: {  	[sflag:s19] =	ssyncset.done $0x0  }
0x198: {  	[sflag:s19] =	ssyncadd.s32 $0xFFFFFF80  }
0x199: {  	_ =	swait.ge [sflag:s19], $0x80  }
0x19a: {  	[sflag:s19] =	ssyncset.done $0x0  }
0x19b: {  	[sflag:s19] =	ssyncadd.s32 $0xFFFFFF80  }
0x19c: {  	_ =	swait.ge [sflag:s19], $0x80  }
0x19d: {  	[sflag:s19] =	ssyncset.done $0x0  }
0x19e: {  	[sflag:s19] =	ssyncadd.s32 $0xFFFFFF80  }
0x19f: {  	v5 =	vld [tilespmem:$0xCD80]  }
0x1a0: {  	v6 =	vld [tilespmem:$0xCE00]  }
0x1a1: {  	v7 =	vld [tilespmem:$0xCE80]  }
0x1a2: {  	v36 =	vld [tilespmem:$0xCC00]  }
0x1a3: {  	v37 =	vld [tilespmem:$0xCC80]  }
0x1a4: {  	v38 =	vld [tilespmem:$0xCF00]  }
0x1a5: {  	v39 =	vld [tilespmem:$0xCD00]  }
0x1a6: {  	v40 =	vld [tilespmem:$0xCB80];
	_ =	sdelay $0x1  }
0x1a7: {  	v18 =	vld [tilespmem:$0xCE10]  }
0x1a8: {  	v49 =	vld [tilespmem:$0xCE90];
	v41 =	vmul.f32 v36, v6  }
0x1a9: {  	v51 =	vld [tilespmem:$0xCC10];
	v42 =	vmul.f32 v37, v7;
	v43 =	vmul.f32 v39, v38  }
0x1aa: {  	v52 =	vld [tilespmem:$0xCC90];
	v44 =	vmul.f32 v40, v5;
	v45 =	vmul.f32 v37, v38  }
0x1ab: {  	v54 =	vld [tilespmem:$0xCF10];
	v46 =	vmul.f32 v39, v7;
	v47 =	vmul.f32 v40, v6  }
0x1ac: {  	v57 =	vld [tilespmem:$0xCD10];
	v48 =	vmul.f32 v36, v5;
	v50 =	vmul.f32 v40, v7  }
0x1ad: {  	v59 =	vld [tilespmem:$0xCB90];
	v53 =	vmul.f32 v37, v5;
	v55 =	vmul.f32 v39, v6  }
0x1ae: {  	v58 =	vld [tilespmem:$0xCD90];
	v56 =	vmul.f32 v36, v38;
	v10 =	vmul.f32 v40, v38  }
0x1af: {  	v7 =	vmul.f32 v36, v7;
	v6 =	vmul.f32 v37, v6  }
0x1b0: {  	v60 =	vmul.f32 v51, v18;
	v61 =	vmul.f32 v52, v49  }
0x1b1: {  	v5 =	vmul.f32 v39, v5;
	v62 =	vmul.f32 v57, v54  }
0x1b2: {  	v40 =	vmul.f32 v59, v18;
	v8 =	vmul.f32 v59, v54  }
0x1b3: {  	v12 =	vmul.f32 v57, v58;
	v15 =	vmul.f32 v44, v4  }
0x1b4: {  	v17 =	vmul.f32 v47, v1;
	v19 =	vmul.f32 v48, v2  }
0x1b5: {  	v13 =	vadd.f32 v42, v41;
	v20 =	vmul.f32 v50, v1;
	v23 =	vmul.f32 v53, v2  }
0x1b6: {  	v29 =	vld [tilespmem:$0xCDA0];
	v6 =	vsub.f32 v7, v6;
	v7 =	vmul.f32 v10, v1;
	v11 =	vmul.f32 v5, v2  }
0x1b7: {  	v32 =	vld [tilespmem:$0xCE20];
	v14 =	vsub.f32 v45, v46;
	v41 =	vmul.f32 v52, v54;
	v42 =	vmul.f32 v57, v49  }
0x1b8: {  	v39 =	vld [tilespmem:$0xCD20];
	v25 =	vsub.f32 v55, v56;
	v33 =	vmul.f32 v40, v1;
	v44 =	vmul.f32 v52, v58  }
0x1b9: {  	v45 =	vld [tilespmem:$0xCC20];
	v27 =	vmul.f32 v8, v1;
	v12 =	vmul.f32 v12, v2  }
0x1ba: {  	v9 =	vadd.f32 v61, v60;
	v46 =	vld [tilespmem:$0xCCA0];
	v14 =	vmul.f32 v14, v0;
	v25 =	vmul.f32 v25, v0  }
0x1bb: {  	v47 =	vld [tilespmem:$0xCF20];
	v13 =	vadd.f32 v43, v13;
	v63 =	vmul.f32 v6, v0;
	v6 =	vmul.f32 v59, v58  }
0x1bc: {  	v48 =	vld [tilespmem:$0xCBA0];
	v5 =	vadd.f32 v62, v9;
	v43 =	vmul.f32 v59, v49;
	v28 =	vmul.f32 v44, v2  }
0x1bd: {  	v61 =	vmul.f32 v39, v32;
	v13 =	vmul.f32 v13, v3  }
0x1be: {  	v30 =	vmul.f32 v6, v4;
	v31 =	vmul.f32 v5, v3  }
0x1bf: {  	v5 =	vmul.f32 v51, v58;
	v38 =	vmul.f32 v43, v1  }
0x1c0: {  	v50 =	vmul.f32 v45, v32;
	v53 =	vmul.f32 v39, v47  }
0x1c1: {  	v9 =	vld [tilespmem:$0xCEA0];
	v6 =	vsub.f32 v41, v42;
	v56 =	vmul.f32 v48, v32;
	v60 =	vmul.f32 v46, v29  }
0x1c2: {  	v21 =	vld [tilespmem:$0xCE30];
	v62 =	vmul.f32 v45, v47;
	v10 =	vmul.f32 v48, v47  }
0x1c3: {  	v16 =	vld [tilespmem:$0xCEB0];
	v35 =	vmul.f32 v5, v2;
	v36 =	vmul.f32 v6, v0  }
0x1c4: {  	v24 =	vld [tilespmem:$0xCDB0];
	v17 =	vadd.f32 v17, v19;
	v5 =	vmul.f32 v57, v18;
	v6 =	vmul.f32 v51, v54  }
0x1c5: {  	v19 =	vld [tilespmem:$0xCC30];
	v20 =	vadd.f32 v20, v23;
	v54 =	vmul.f32 v46, v47;
	v57 =	vmul.f32 v45, v29  }
0x1c6: {  	v59 =	vadd.f32 v7, v11;
	v42 =	vld [tilespmem:$0xCCB0];
	v55 =	vmul.f32 v39, v9;
	v58 =	vmul.f32 v48, v9  }
0x1c7: {  	v7 =	vadd.f32 v20, v25;
	v25 =	vld [tilespmem:$0xCD30];
	v26 =	vmul.f32 v60, v2;
	v44 =	vmul.f32 v45, v9  }
0x1c8: {  	v45 =	vmul.f32 v46, v32;
	v20 =	vmul.f32 v10, v1  }
0x1c9: {  	v43 =	vld [tilespmem:$0xCF30];
	v5 =	vsub.f32 v5, v6;
	v6 =	vmul.f32 v51, v49;
	v49 =	vmul.f32 v52, v18  }
0x1ca: {  	v51 =	vmul.f32 v46, v9;
	v23 =	vmul.f32 v57, v2  }
0x1cb: {  	v12 =	vadd.f32 v27, v12;
	v46 =	vmul.f32 v19, v21;
	v57 =	vmul.f32 v19, v24  }
0x1cc: {  	v28 =	vadd.f32 v38, v28;
	v32 =	vld [tilespmem:$0xCBB0];
	v47 =	vmul.f32 v42, v16;
	v60 =	vmul.f32 v25, v21  }
0x1cd: {  	v22 =	vmul.f32 v5, v0;
	v6 =	vsub.f32 v6, v49;
	v52 =	vadd.f32 v51, v50  }
0x1ce: {  	v5 =	vadd.f32 v13, v15;
	v13 =	vsub.f32 v54, v55;
	v50 =	vmul.f32 v25, v43  }
0x1cf: {  	v51 =	vadd.f32 v33, v35;
	v55 =	vmul.f32 v42, v43;
	v15 =	vmul.f32 v6, v0  }
0x1d0: {  	v49 =	vadd.f32 v47, v46;
	v6 =	vmul.f32 v48, v29;
	v41 =	vmul.f32 v13, v0  }
0x1d1: {  	v8 =	vadd.f32 v53, v52;
	v48 =	vmul.f32 v39, v29;
	v53 =	vmul.f32 v32, v24  }
0x1d2: {  	v54 =	vmul.f32 v32, v21;
	v10 =	vadd.f32 v51, v36;
	v51 =	vmul.f32 v25, v24  }
0x1d3: {  	v13 =	vsub.f32 v44, v45;
	v18 =	vmul.f32 v6, v4;
	v40 =	vmul.f32 v8, v3  }
0x1d4: {  	v6 =	vadd.f32 v17, v14;
	v14 =	vmul.f32 v56, v1;
	v17 =	vmul.f32 v58, v1  }
0x1d5: {  	v37 =	vld [tilespmem:$0xCEC0];
	v9 =	vadd.f32 v31, v30;
	v31 =	vmul.f32 v48, v2;
	v33 =	vmul.f32 v13, v0  }
0x1d6: {  	v35 =	vld [tilespmem:$0xCE40];
	v52 =	vadd.f32 v50, v49;
	v56 =	vmul.f32 v25, v16;
	v38 =	vmul.f32 v53, v4  }
0x1d7: {  	v46 =	vld [tilespmem:$0xCF40];
	v8 =	vadd.f32 v59, v63;
	v29 =	vmul.f32 v54, v1;
	v58 =	vmul.f32 v32, v16  }
0x1d8: {  	v44 =	vld [tilespmem:$0xCC40];
	v59 =	vmul.f32 v42, v24;
	v13 =	vadd.f32 v28, v22;
	v22 =	vmul.f32 v57, v2  }
0x1d9: {  	v36 =	vld [tilespmem:$0xCCC0];
	v63 =	vsub.f32 v61, v62;
	v61 =	vmul.f32 v19, v43;
	v16 =	vmul.f32 v19, v16  }
0x1da: {  	v47 =	vld [tilespmem:$0xCDC0];
	v42 =	vmul.f32 v42, v21;
	v43 =	vmul.f32 v32, v43  }
0x1db: {  	v12 =	vadd.f32 v12, v15;
	v39 =	vmul.f32 v52, v3;
	v34 =	vmul.f32 v63, v0  }
0x1dc: {  	v27 =	vmul.f32 v58, v1;
	v45 =	vmul.f32 v59, v2;
	v11 =	vadd.f32 v40, v18  }
0x1dd: {  	v14 =	vadd.f32 v14, v23;
	v18 =	vmul.f32 v43, v1;
	v23 =	vmul.f32 v51, v2  }
0x1de: {  	v30 =	vsub.f32 v55, v56;
	v40 =	vld [tilespmem:$0xCBC0];
	v62 =	vmul.f32 v44, v35;
	v63 =	vmul.f32 v36, v37  }
0x1df: {  	v15 =	vsub.f32 v60, v61;
	v56 =	vmul.f32 v44, v47;
	v57 =	vmul.f32 v36, v46  }
0x1e0: {  	v16 =	vsub.f32 v16, v42;
	v60 =	vmul.f32 v44, v46;
	v51 =	vmul.f32 v44, v37  }
0x1e1: {  	v54 =	vadd.f32 v17, v26;
	v28 =	vmul.f32 v30, v0;
	v30 =	vld [tilespmem:$0xCD40];
	v32 =	vmul.f32 v15, v0  }
0x1e2: {  	v21 =	vld [tilespmem:$0xCDD0];
	v20 =	vadd.f32 v20, v31;
	v24 =	vmul.f32 v16, v0;
	v26 =	vmul.f32 v56, v2  }
0x1e3: {  	v42 =	vld [tilespmem:$0xCED0];
	v49 =	vadd.f32 v63, v62;
	v62 =	vmul.f32 v36, v47;
	v53 =	vmul.f32 v40, v47  }
0x1e4: {  	v43 =	vld [tilespmem:$0xCF50];
	v22 =	vadd.f32 v29, v22;
	v55 =	vmul.f32 v40, v35;
	v61 =	vmul.f32 v40, v37  }
0x1e5: {  	v15 =	vadd.f32 v20, v33;
	v33 =	vld [tilespmem:$0xCCD0];
	v63 =	vmul.f32 v62, v2;
	v40 =	vmul.f32 v40, v46  }
0x1e6: {  	v14 =	vadd.f32 v14, v41;
	v41 =	vld [tilespmem:$0xCD50];
	v50 =	vmul.f32 v30, v46;
	v17 =	vmul.f32 v53, v4  }
0x1e7: {  	v38 =	vadd.f32 v39, v38;
	v58 =	vmul.f32 v30, v37;
	v59 =	vmul.f32 v30, v35  }
0x1e8: {  	v48 =	vld [tilespmem:$0xCC50];
	v16 =	vadd.f32 v54, v34;
	v25 =	vmul.f32 v55, v1;
	v39 =	vmul.f32 v61, v1  }
0x1e9: {  	v31 =	vld [tilespmem:$0xCE50];
	v27 =	vadd.f32 v27, v45;
	v30 =	vmul.f32 v30, v47;
	v35 =	vmul.f32 v36, v35  }
0x1ea: {  	v18 =	vadd.f32 v18, v23;
	v53 =	vmul.f32 v33, v42;
	v54 =	vmul.f32 v40, v1  }
0x1eb: {  	v22 =	vadd.f32 v22, v28;
	v55 =	vmul.f32 v41, v43;
	v62 =	vmul.f32 v33, v21  }
0x1ec: {  	v45 =	vld [tilespmem:$0xCC60];
	v52 =	vadd.f32 v50, v49;
	v34 =	vsub.f32 v57, v58;
	v30 =	vmul.f32 v30, v2  }
0x1ed: {  	v40 =	vld [tilespmem:$0xCE60];
	v20 =	vsub.f32 v59, v60;
	v57 =	vmul.f32 v33, v43;
	v58 =	vmul.f32 v41, v42  }
0x1ee: {  	v60 =	vmul.f32 v48, v21;
	v29 =	vadd.f32 v39, v63;
	v63 =	vmul.f32 v41, v31  }
0x1ef: {  	v28 =	vsub.f32 v51, v35;
	v51 =	vmul.f32 v48, v43;
	v19 =	vmul.f32 v52, v3  }
0x1f0: {  	v44 =	vld [tilespmem:$0xCDE0];
	v27 =	vadd.f32 v27, v32;
	v34 =	vmul.f32 v34, v0;
	v20 =	vmul.f32 v20, v0  }
0x1f1: {  	v49 =	vld [tilespmem:$0xCBD0];
	v25 =	vadd.f32 v25, v26;
	v52 =	vmul.f32 v48, v31;
	v28 =	vmul.f32 v28, v0  }
0x1f2: {  	v47 =	vld [tilespmem:$0xCCE0];
	v23 =	vsub.f32 v57, v58;
	v30 =	vadd.f32 v54, v30;
	v54 =	vmul.f32 v45, v40  }
0x1f3: {  	v35 =	vld [tilespmem:$0xCEE0];
	v32 =	vadd.f32 v53, v52;
	v17 =	vadd.f32 v19, v17;
	v19 =	vmul.f32 v60, v2  }
0x1f4: {  	v50 =	vld [tilespmem:$0xCF60];
	v23 =	vmul.f32 v23, v0;
	v25 =	vadd.f32 v25, v34;
	v52 =	vmul.f32 v48, v42  }
0x1f5: {  	v34 =	vsub.f32 v63, v51;
	v53 =	vmul.f32 v62, v2;
	v63 =	vmul.f32 v45, v44  }
0x1f6: {  	v56 =	vmul.f32 v49, v21;
	v59 =	vmul.f32 v49, v31  }
0x1f7: {  	v61 =	vmul.f32 v49, v42;
	v49 =	vmul.f32 v49, v43  }
0x1f8: {  	v21 =	vmul.f32 v41, v21;
	v31 =	vmul.f32 v33, v31  }
0x1f9: {  	v41 =	vld [tilespmem:$0xCD60];
	v60 =	vmul.f32 v47, v50;
	v32 =	vadd.f32 v55, v32;
	v55 =	vmul.f32 v47, v35  }
0x1fa: {  	v18 =	vadd.f32 v18, v24;
	v42 =	vld [tilespmem:$0xCBE0];
	v48 =	vmul.f32 v63, v2;
	v36 =	vmul.f32 v56, v4  }
0x1fb: {  	v20 =	vadd.f32 v29, v20;
	v26 =	vmul.f32 v61, v1;
	v56 =	vmul.f32 v34, v0  }
0x1fc: {  	[tilespmem:$0xCF80] =	vst v5;
	v29 =	vsub.f32 v52, v31;
	v34 =	vmul.f32 v49, v1;
	v5 =	vmul.f32 v21, v2  }
0x1fd: {  	[tilespmem:$0xD000] =	vst v6;
	v6 =	vadd.f32 v30, v28;
	v24 =	vmul.f32 v32, v3;
	v32 =	vmul.f32 v59, v1  }
0x1fe: {  	v28 =	vmul.f32 v29, v0;
	v49 =	vadd.f32 v26, v53;
	v53 =	vmul.f32 v45, v50  }
0x1ff: {  	[tilespmem:$0xD080] =	vst v7;
	v30 =	vld [tilespmem:$0xCEF0];
	v58 =	vmul.f32 v41, v50;
	v59 =	vmul.f32 v42, v44  }
0x200: {  	[tilespmem:$0xCF90] =	vst v9;
	v63 =	vld [tilespmem:$0xCD70];
	v57 =	vadd.f32 v55, v54;
	v61 =	vmul.f32 v41, v35;
	v62 =	vmul.f32 v42, v40  }
0x201: {  	[tilespmem:$0xD010] =	vst v10;
	v52 =	vld [tilespmem:$0xCF70];
	v43 =	vadd.f32 v32, v19;
	v51 =	vmul.f32 v41, v40;
	v54 =	vmul.f32 v42, v50  }
0x202: {  	[tilespmem:$0xCFA0] =	vst v11;
	v55 =	vld [tilespmem:$0xCC70];
	v11 =	vadd.f32 v49, v56;
	v56 =	vmul.f32 v42, v35;
	v9 =	vmul.f32 v59, v4  }
0x203: {  	[tilespmem:$0xD100] =	vst v8;
	v7 =	vadd.f32 v58, v57;
	v46 =	vmul.f32 v62, v1;
	v57 =	vmul.f32 v45, v35  }
0x204: {  	[tilespmem:$0xD090] =	vst v13;
	v21 =	vsub.f32 v60, v61;
	v59 =	vmul.f32 v47, v44;
	v60 =	vmul.f32 v47, v40  }
0x205: {  	[tilespmem:$0xD110] =	vst v12;
	v29 =	vld [tilespmem:$0xCE70];
	v10 =	vadd.f32 v43, v23;
	v62 =	vmul.f32 v41, v44;
	v23 =	vmul.f32 v54, v1  }
0x206: {  	[tilespmem:$0xCFB0] =	vst v38;
	v8 =	vadd.f32 v24, v36;
	v41 =	vmul.f32 v63, v52;
	v13 =	vmul.f32 v56, v1  }
0x207: {  	[tilespmem:$0xD020] =	vst v14;
	v36 =	vld [tilespmem:$0xCDF0];
	v12 =	vsub.f32 v51, v53;
	v51 =	vmul.f32 v55, v52;
	v53 =	vmul.f32 v55, v30  }
0x208: {  	[tilespmem:$0xD0A0] =	vst v16;
	v58 =	vld [tilespmem:$0xCCF0];
	v7 =	vmul.f32 v7, v3;
	v21 =	vmul.f32 v21, v0  }
0x209: {  	[tilespmem:$0xD120] =	vst v15;
	v5 =	vadd.f32 v34, v5;
	v61 =	vld [tilespmem:$0xCBF0];
	v14 =	vmul.f32 v59, v2;
	v12 =	vmul.f32 v12, v0  }
0x20a: {  	[tilespmem:$0xD030] =	vst v22;
	v26 =	vsub.f32 v57, v60;
	v16 =	vmul.f32 v62, v2;
	v38 =	vmul.f32 v55, v29  }
0x20b: {  	[tilespmem:$0xD0B0] =	vst v27;
	v19 =	vadd.f32 v46, v48;
	v48 =	vmul.f32 v63, v30;
	v57 =	vmul.f32 v63, v29  }
0x20c: {  	[tilespmem:$0xD130] =	vst v18;
	v5 =	vadd.f32 v5, v28;
	v42 =	vmul.f32 v55, v36;
	v56 =	vmul.f32 v63, v36  }
0x20d: {  	[tilespmem:$0xCFC0] =	vst v17;
	v7 =	vadd.f32 v7, v9;
	v31 =	vmul.f32 v26, v0;
	v39 =	vmul.f32 v58, v30  }
0x20e: {  	[tilespmem:$0xD040] =	vst v25;
	v13 =	vadd.f32 v13, v14;
	v40 =	vmul.f32 v61, v29;
	v44 =	vmul.f32 v61, v36  }
0x20f: {  	[tilespmem:$0xD0C0] =	vst v20;
	v43 =	vadd.f32 v19, v21;
	v46 =	vmul.f32 v42, v2;
	v47 =	vmul.f32 v58, v52  }
0x210: {  	[tilespmem:$0xD140] =	vst v6;
	v6 =	vadd.f32 v23, v16;
	v49 =	vmul.f32 v61, v30;
	v50 =	vmul.f32 v61, v52  }
0x211: {  	[tilespmem:$0xCFD0] =	vst v8;
	v54 =	vmul.f32 v58, v36;
	v58 =	vmul.f32 v58, v29;
	v12 =	vadd.f32 v13, v12  }
0x212: {  	[tilespmem:$0xD0D0] =	vst v11;
	v62 =	vmul.f32 v56, v2;
	v6 =	vadd.f32 v6, v31;
	v15 =	vadd.f32 v39, v38  }
0x213: {  	[tilespmem:$0xCFE0] =	vst v7;
	v7 =	vsub.f32 v57, v51;
	v45 =	vmul.f32 v40, v1;
	v55 =	vsub.f32 v47, v48  }
0x214: {  	[tilespmem:$0xD150] =	vst v5;
	v59 =	vmul.f32 v44, v4;
	v60 =	vmul.f32 v49, v1;
	v52 =	vadd.f32 v41, v15  }
0x215: {  	[tilespmem:$0xD050] =	vst v10;
	v5 =	vadd.f32 v45, v46;
	v10 =	vmul.f32 v55, v0;
	v15 =	vmul.f32 v54, v2  }
0x216: {  	[tilespmem:$0xD060] =	vst v43;
	v9 =	vsub.f32 v53, v58;
	v61 =	vmul.f32 v50, v1;
	v8 =	vmul.f32 v52, v3  }
0x217: {  	[tilespmem:$0xD0E0] =	vst v12;
	v7 =	vmul.f32 v7, v0;
	v63 =	vadd.f32 v60, v15;
	v5 =	vadd.f32 v5, v10  }
0x218: {  	[tilespmem:$0xD160] =	vst v6;
	v6 =	vadd.f32 v61, v62;
	v9 =	vmul.f32 v9, v0;
	v8 =	vadd.f32 v8, v59  }
0x219: {  	v7 =	vadd.f32 v63, v7;
	[tilespmem:$0xD070] =	vst v5  }
0x21a: {  	v5 =	vadd.f32 v6, v9;
	[tilespmem:$0xCFF0] =	vst v8  }
0x21b: {  	[tilespmem:$0xD0F0] =	vst v7  }
0x21c: {  	s26 =	sadd.s32 $0x20, s26;
	s18 =	rddreg [dreg:$0x1d];
	[tilespmem:$0xD170] =	vst v5  }
0x21d: {  	[spmem:s3] =	stream.indirect.scatter.add.f32 [tilespmem:s18], [sflag:$0x6], $0x1, s31, s17, $0xb8;
	[tilespmem:$0xD580] =	vst v63  }
0x21e: {  	p2 =	sne.s32 s26, $0x61A0;
	s20 =	rddreg [dreg:$0x1e]  }
0x21f: {  	[spmem:s5] =	stream.indirect.scatter.add.f32 [tilespmem:s20], [sflag:$0x6], $0x1, s31, s17, $0xb8;
	[tilespmem:$0xD580] =	vst v63  }
.Ltmp2:
0x220: {  	s0 =	rddreg [dreg:$0x1f];
	(pc) =	sbr.rel @p2 .LBB2_2-.Ltmp2, $4  }
0x221: {  	s20 =	sld [smem:$0x7EA]  }
0x222: {  	[spmem:s7] =	stream.indirect.scatter.add.f32 [tilespmem:s0], [sflag:$0x6], $0x1, s31, s17, $0xb8;
	[tilespmem:$0xD580] =	vst v63  }
0x223: {  	s14 =	sadd.s32 $0x100, s14;
	s22 =	simm.s32 $0xC700;
	s21 =	simm.s32 $0xC680  }
0x224: {  	[spmem:s10] =	stream.indirect.scatter.add.f32 [tilespmem:s20], [sflag:$0x6], $0x1, s31, s17, $0xb8;
	[tilespmem:$0xD580] =	vst v63  }
0x225: {  	s0 =	simm.s32 $0x5  }
0x226: {  	_ =	swait.ge [sflag:s0], $0x80  }
0x227: {  	[sflag:s0] =	ssyncset.done $0x0  }
0x228: {  	[sflag:s0] =	ssyncadd.s32 $0xFFFFFF80  }
0x229: {  	_ =	swait.ge [sflag:s0], $0x80  }
0x22a: {  	[sflag:s0] =	ssyncset.done $0x0  }
0x22b: {  	[sflag:s0] =	ssyncadd.s32 $0xFFFFFF80  }
0x22c: {  	_ =	swait.ge [sflag:s0], $0x80  }
0x22d: {  	[sflag:s0] =	ssyncset.done $0x0  }
0x22e: {  	[sflag:s0] =	ssyncadd.s32 $0xFFFFFF80  }
0x22f: {  	_ =	swait.ge [sflag:s0], $0x80  }
0x230: {  	[sflag:s0] =	ssyncset.done $0x0  }
0x231: {  	s26 =	simm.s32 $0x6;
	[sflag:s0] =	ssyncadd.s32 $0xFFFFFF80  }
0x232: {  	_ =	swait.ge [sflag:s26], $0x80  }
0x233: {  	[sflag:s26] =	ssyncset.done $0x0  }
0x234: {  	[sflag:s26] =	ssyncadd.s32 $0xFFFFFF80  }
0x235: {  	_ =	swait.ge [sflag:s26], $0x80  }
0x236: {  	[sflag:s26] =	ssyncset.done $0x0  }
0x237: {  	[sflag:s26] =	ssyncadd.s32 $0xFFFFFF80  }
0x238: {  	_ =	swait.ge [sflag:s26], $0x80  }
.Ltmp3:
0x239: {  	[sflag:s26] =	ssyncset.done $0x0;
	(pc) =	sbr.rel @p1 .LBB2_5-.Ltmp3, $4  }
0x23a: {  	[sflag:s26] =	ssyncadd.s32 $0xFFFFFF80  }
0x23b: {  	s18 =	simm.s32 $0xC780;
	s20 =	simm.s32 $0xC800;
	_ =	swait.ge [sflag:s26], $0x80  }
0x23c: {  	s23 =	simm.s32 $0xC880;
	s24 =	simm.s32 $0xC900;
	[sflag:s26] =	ssyncset.done $0x0  }
0x23d: {  	s25 =	simm.s32 $0xC980;
	[sflag:s26] =	ssyncadd.s32 $0xFFFFFF80;
	s26 =	sld [smem:$0x7E1]  }
0x23e: {  	s0 =	sld [smem:$0x7EE];
	_ =	sdelay $0x1  }
0x23f: {  	s14 =	sld [smem:$0x7F1]  }
0x240: {  	[tilespmem:s28], [sflag:$0x1] =	stream.linear.gather [hbm4b:s0+s12], $0x80, $0x38;
	[tilespmem:$0xD580] =	vst v63  }
0x241: {  	s0 =	sld [smem:$0x7EF]  }
0x242: {  	[tilespmem:s15], [sflag:$0x1] =	stream.linear.gather [hbm4b:s14+s12], $0x80, $0x38;
	[tilespmem:$0xD580] =	vst v63  }
0x243: {  	s14 =	simm.s32 $0xC480  }
0x244: {  	[tilespmem:s14], [sflag:$0x1] =	stream.linear.gather [hbm4b:s0+s12], $0x80, $0x38;
	[tilespmem:$0xD580] =	vst v63  }
0x245: {  	s0 =	sld [smem:$0x7F0];
	_ =	sdelay $0x1  }
0x246: {  	s14 =	simm.s32 $0xC500  }
0x247: {  	[tilespmem:s14], [sflag:$0x1] =	stream.linear.gather [hbm4b:s0+s12], $0x80, $0x38;
	[tilespmem:$0xD580] =	vst v63  }
0x248: {  	s0 =	sld [smem:$0x7F2];
	_ =	sdelay $0x1  }
0x249: {  	s14 =	simm.s32 $0xC580  }
0x24a: {  	[tilespmem:s14], [sflag:$0x1] =	stream.linear.gather [hbm4b:s0+s12], $0x80, $0x38;
	[tilespmem:$0xD580] =	vst v63  }
0x24b: {  	s0 =	sld [smem:$0x7F3];
	_ =	sdelay $0x1  }
0x24c: {  	s14 =	simm.s32 $0xC600  }
0x24d: {  	[tilespmem:s14], [sflag:$0x1] =	stream.linear.gather [hbm4b:s0+s12], $0x80, $0x38;
	[tilespmem:$0xD580] =	vst v63  }
0x24e: {  	_ =	swait.ge [sflag:s16], $0x80  }
0x24f: {  	[sflag:s16] =	ssyncset.done $0x0  }
0x250: {  	[sflag:s16] =	ssyncadd.s32 $0xFFFFFF80  }
0x251: {  	_ =	swait.ge [sflag:s16], $0x80  }
0x252: {  	[sflag:s16] =	ssyncset.done $0x0  }
0x253: {  	[sflag:s16] =	ssyncadd.s32 $0xFFFFFF80  }
0x254: {  	_ =	swait.ge [sflag:s16], $0x80  }
0x255: {  	[sflag:s16] =	ssyncset.done $0x0  }
0x256: {  	[sflag:s16] =	ssyncadd.s32 $0xFFFFFF80  }
0x257: {  	_ =	swait.ge [sflag:s16], $0x80  }
0x258: {  	[sflag:s16] =	ssyncset.done $0x0  }
0x259: {  	[sflag:s16] =	ssyncadd.s32 $0xFFFFFF80  }
0x25a: {  	_ =	swait.ge [sflag:s16], $0x80  }
0x25b: {  	[sflag:s16] =	ssyncset.done $0x0  }
0x25c: {  	[sflag:s16] =	ssyncadd.s32 $0xFFFFFF80  }
0x25d: {  	_ =	swait.ge [sflag:s16], $0x80  }
0x25e: {  	[sflag:s16] =	ssyncset.done $0x0  }
0x25f: {  	[sflag:s16] =	ssyncadd.s32 $0xFFFFFF80  }
0x260: {  	[tilespmem:s21], [sflag:$0x3] =	stream.indirect.gather [spmem:s2], $0x1, s28, s17, $0xb8;
	[tilespmem:$0xD580] =	vst v63  }
0x261: {  	_ = 	snop  }
0x262: {  	[tilespmem:s22], [sflag:$0x3] =	stream.indirect.gather [spmem:s4], $0x1, s28, s17, $0xb8;
	[tilespmem:$0xD580] =	vst v63  }
0x263: {  	_ = 	snop  }
0x264: {  	[tilespmem:s18], [sflag:$0x3] =	stream.indirect.gather [spmem:s6], $0x1, s28, s17, $0xb8;
	[tilespmem:$0xD580] =	vst v63  }
0x265: {  	_ = 	snop  }
0x266: {  	[tilespmem:s20], [sflag:$0x3] =	stream.indirect.gather [spmem:s8], $0x1, s28, s17, $0xb8;
	[tilespmem:$0xD580] =	vst v63  }
0x267: {  	_ =	swait.ge [sflag:s9], $0x80  }
0x268: {  	[sflag:s9] =	ssyncset.done $0x0  }
0x269: {  	[sflag:s9] =	ssyncadd.s32 $0xFFFFFF80  }
0x26a: {  	_ =	swait.ge [sflag:s9], $0x80  }
0x26b: {  	[sflag:s9] =	ssyncset.done $0x0  }
0x26c: {  	[sflag:s9] =	ssyncadd.s32 $0xFFFFFF80  }
0x26d: {  	_ =	swait.ge [sflag:s9], $0x80  }
0x26e: {  	[sflag:s9] =	ssyncset.done $0x0  }
0x26f: {  	[sflag:s9] =	ssyncadd.s32 $0xFFFFFF80  }
0x270: {  	_ =	swait.ge [sflag:s9], $0x80  }
0x271: {  	[sflag:s9] =	ssyncset.done $0x0  }
0x272: {  	[sflag:s9] =	ssyncadd.s32 $0xFFFFFF80  }
0x273: {  	v5 =	vld [tilespmem:$0xC680]  }
0x274: {  	v6 =	vld [tilespmem:$0xC700]  }
0x275: {  	v7 =	vld [tilespmem:$0xC780]  }
0x276: {  	v8 =	vld [tilespmem:$0xC500]  }
0x277: {  	v9 =	vld [tilespmem:$0xC580]  }
0x278: {  	v10 =	vld [tilespmem:$0xC800]  }
0x279: {  	v11 =	vld [tilespmem:$0xC600]  }
0x27a: {  	v12 =	vld [tilespmem:$0xC480]  }
0x27b: {  	v18 =	vld [tilespmem:$0xC710]  }
0x27c: {  	v58 =	vld [tilespmem:$0xC790]  }
0x27d: {  	v21 =	vld [tilespmem:$0xC510]  }
0x27e: {  	v22 =	vld [tilespmem:$0xC590];
	v13 =	vmul.f32 v8, v6;
	v14 =	vmul.f32 v9, v7  }
0x27f: {  	v24 =	vld [tilespmem:$0xC810];
	v56 =	vmul.f32 v11, v10;
	v15 =	vmul.f32 v12, v5  }
0x280: {  	v27 =	vld [tilespmem:$0xC610];
	v57 =	vmul.f32 v9, v10;
	v16 =	vmul.f32 v11, v7  }
0x281: {  	v59 =	vld [tilespmem:$0xC690];
	v17 =	vmul.f32 v12, v6;
	v19 =	vmul.f32 v8, v5  }
0x282: {  	v60 =	vld [tilespmem:$0xC490];
	v20 =	vmul.f32 v12, v7;
	v23 =	vmul.f32 v9, v5  }
0x283: {  	v25 =	vmul.f32 v11, v6;
	v26 =	vmul.f32 v8, v10  }
0x284: {  	v10 =	vmul.f32 v12, v10;
	v7 =	vmul.f32 v8, v7  }
0x285: {  	v6 =	vmul.f32 v9, v6;
	v61 =	vmul.f32 v21, v18  }
0x286: {  	v62 =	vmul.f32 v22, v58;
	v5 =	vmul.f32 v11, v5  }
0x287: {  	v32 =	vld [tilespmem:$0xC720];
	v37 =	vmul.f32 v27, v24;
	v39 =	vmul.f32 v60, v59  }
0x288: {  	v34 =	vld [tilespmem:$0xC520];
	v40 =	vmul.f32 v60, v18;
	v41 =	vmul.f32 v22, v24  }
0x289: {  	v49 =	vld [tilespmem:$0xC4A0];
	v28 =	vmul.f32 v27, v58;
	v42 =	vmul.f32 v21, v59  }
0x28a: {  	v29 =	vld [tilespmem:$0xC6A0];
	v44 =	vmul.f32 v60, v58;
	v45 =	vmul.f32 v22, v59  }
0x28b: {  	v47 =	vmul.f32 v27, v18;
	v48 =	vmul.f32 v21, v24  }
0x28c: {  	v8 =	vmul.f32 v60, v24;
	v12 =	vmul.f32 v27, v59  }
0x28d: {  	v50 =	vmul.f32 v21, v58;
	v51 =	vmul.f32 v22, v18  }
0x28e: {  	v52 =	vmul.f32 v34, v32;
	v59 =	vmul.f32 v49, v32  }
0x28f: {  	v60 =	vmul.f32 v34, v29;
	v15 =	vmul.f32 v15, v4  }
0x290: {  	v13 =	vadd.f32 v14, v13;
	v17 =	vmul.f32 v17, v1;
	v19 =	vmul.f32 v19, v2  }
0x291: {  	v46 =	vld [tilespmem:$0xC820];
	v14 =	vsub.f32 v57, v16;
	v20 =	vmul.f32 v20, v1;
	v23 =	vmul.f32 v23, v2  }
0x292: {  	v25 =	vsub.f32 v25, v26;
	v63 =	vmul.f32 v10, v1;
	v11 =	vmul.f32 v5, v2  }
0x293: {  	v6 =	vsub.f32 v7, v6;
	v30 =	vmul.f32 v39, v4;
	v33 =	vmul.f32 v40, v1  }
0x294: {  	v43 =	vsub.f32 v41, v28;
	v35 =	vmul.f32 v42, v2;
	v28 =	vmul.f32 v45, v2  }
0x295: {  	v9 =	vadd.f32 v62, v61;
	v27 =	vmul.f32 v8, v1;
	v12 =	vmul.f32 v12, v2  }
0x296: {  	v5 =	vsub.f32 v47, v48;
	v10 =	vmul.f32 v49, v46;
	v14 =	vmul.f32 v14, v0  }
0x297: {  	v39 =	vld [tilespmem:$0xC620];
	v13 =	vadd.f32 v56, v13;
	v25 =	vmul.f32 v25, v0;
	v26 =	vmul.f32 v6, v0  }
0x298: {  	v38 =	vadd.f32 v37, v9;
	v36 =	vmul.f32 v43, v0;
	v22 =	vmul.f32 v5, v0  }
0x299: {  	v9 =	vld [tilespmem:$0xC7A0];
	v56 =	vmul.f32 v49, v29;
	v20 =	vadd.f32 v20, v23;
	v23 =	vmul.f32 v60, v2  }
0x29a: {  	v37 =	vld [tilespmem:$0xC5A0];
	v6 =	vsub.f32 v50, v51;
	v13 =	vmul.f32 v13, v3;
	v31 =	vmul.f32 v38, v3  }
0x29b: {  	v21 =	vld [tilespmem:$0xC730];
	v17 =	vadd.f32 v17, v19;
	v38 =	vmul.f32 v44, v1;
	v18 =	vmul.f32 v56, v4  }
0x29c: {  	v16 =	vld [tilespmem:$0xC7B0];
	v7 =	vadd.f32 v63, v11;
	v44 =	vmul.f32 v34, v46;
	v55 =	vmul.f32 v39, v46  }
0x29d: {  	v19 =	vld [tilespmem:$0xC530];
	v63 =	vmul.f32 v39, v32;
	v50 =	vmul.f32 v39, v29;
	v5 =	vadd.f32 v13, v15  }
0x29e: {  	v42 =	vld [tilespmem:$0xC5B0];
	v15 =	vmul.f32 v6, v0;
	v6 =	vadd.f32 v17, v14;
	v14 =	vmul.f32 v59, v1  }
0x29f: {  	v24 =	vld [tilespmem:$0xC6B0];
	v53 =	vmul.f32 v37, v9;
	v57 =	vmul.f32 v37, v46  }
0x2a0: {  	v58 =	vmul.f32 v39, v9;
	v61 =	vmul.f32 v49, v9  }
0x2a1: {  	v43 =	vld [tilespmem:$0xC830];
	v62 =	vmul.f32 v37, v29;
	v46 =	vmul.f32 v34, v9  }
0x2a2: {  	v45 =	vsub.f32 v63, v44;
	v47 =	vmul.f32 v37, v32;
	v48 =	vmul.f32 v19, v21  }
0x2a3: {  	v9 =	vadd.f32 v31, v30;
	v49 =	vmul.f32 v42, v16;
	v31 =	vmul.f32 v50, v2  }
0x2a4: {  	v7 =	vadd.f32 v7, v26;
	v32 =	vld [tilespmem:$0xC4B0];
	v59 =	vmul.f32 v19, v24;
	v17 =	vmul.f32 v61, v1  }
0x2a5: {  	v54 =	vadd.f32 v53, v52;
	v26 =	vmul.f32 v62, v2;
	v34 =	vmul.f32 v45, v0  }
0x2a6: {  	v37 =	vld [tilespmem:$0xC7C0];
	v13 =	vsub.f32 v57, v58;
	v57 =	vmul.f32 v42, v43;
	v45 =	vmul.f32 v42, v24  }
0x2a7: {  	v44 =	vld [tilespmem:$0xC540];
	v53 =	vadd.f32 v33, v35;
	v62 =	vmul.f32 v19, v43;
	v42 =	vmul.f32 v42, v21  }
0x2a8: {  	v35 =	vld [tilespmem:$0xC740];
	v8 =	vadd.f32 v55, v54;
	v41 =	vmul.f32 v13, v0;
	v45 =	vmul.f32 v45, v2  }
0x2a9: {  	v13 =	vsub.f32 v46, v47;
	v46 =	vld [tilespmem:$0xC840];
	v55 =	vmul.f32 v32, v24;
	v56 =	vmul.f32 v32, v21  }
0x2aa: {  	v28 =	vadd.f32 v38, v28;
	v47 =	vld [tilespmem:$0xC6C0];
	v60 =	vmul.f32 v32, v16;
	v40 =	vmul.f32 v8, v3  }
0x2ab: {  	v8 =	vadd.f32 v20, v25;
	v25 =	vld [tilespmem:$0xC630];
	v20 =	vmul.f32 v10, v1;
	v33 =	vmul.f32 v13, v0  }
0x2ac: {  	v10 =	vadd.f32 v53, v36;
	v36 =	vld [tilespmem:$0xC5C0];
	v13 =	vadd.f32 v28, v22;
	v22 =	vmul.f32 v59, v2  }
0x2ad: {  	v38 =	vmul.f32 v55, v4;
	v29 =	vmul.f32 v56, v1  }
0x2ae: {  	v12 =	vadd.f32 v27, v12;
	v27 =	vmul.f32 v60, v1;
	v63 =	vmul.f32 v44, v35  }
0x2af: {  	v56 =	vmul.f32 v44, v47;
	v60 =	vmul.f32 v44, v46  }
0x2b0: {  	v11 =	vadd.f32 v40, v18;
	v40 =	vld [tilespmem:$0xC4C0];
	v52 =	vmul.f32 v25, v43;
	v58 =	vmul.f32 v25, v16  }
0x2b1: {  	v51 =	vadd.f32 v49, v48;
	v61 =	vmul.f32 v25, v21;
	v48 =	vmul.f32 v36, v37  }
0x2b2: {  	v12 =	vadd.f32 v12, v15;
	v16 =	vmul.f32 v19, v16;
	v43 =	vmul.f32 v32, v43  }
0x2b3: {  	v14 =	vadd.f32 v14, v23;
	v50 =	vmul.f32 v25, v24;
	v25 =	vmul.f32 v56, v2  }
0x2b4: {  	v21 =	vld [tilespmem:$0xC6D0];
	v54 =	vadd.f32 v52, v51;
	v30 =	vsub.f32 v57, v58;
	v18 =	vmul.f32 v43, v1  }
0x2b5: {  	v15 =	vsub.f32 v61, v62;
	v52 =	vmul.f32 v40, v47;
	v23 =	vmul.f32 v50, v2;
	v43 =	vld [tilespmem:$0xC850]  }
0x2b6: {  	v16 =	vsub.f32 v16, v42;
	v55 =	vmul.f32 v40, v35;
	v57 =	vmul.f32 v36, v46;
	v42 =	vld [tilespmem:$0xC5D0]  }
0x2b7: {  	v48 =	vadd.f32 v48, v63;
	v61 =	vmul.f32 v40, v37;
	v63 =	vld [tilespmem:$0xC4D0];
	v40 =	vmul.f32 v40, v46  }
0x2b8: {  	v39 =	vmul.f32 v54, v3;
	v28 =	vmul.f32 v30, v0;
	v30 =	vld [tilespmem:$0xC640]  }
0x2b9: {  	v53 =	vadd.f32 v17, v26;
	v32 =	vmul.f32 v15, v0;
	v24 =	vmul.f32 v16, v0  }
0x2ba: {  	v17 =	vmul.f32 v52, v4;
	v54 =	vadd.f32 v20, v31;
	v20 =	vmul.f32 v55, v1  }
0x2bb: {  	v26 =	vld [tilespmem:$0xC750];
	v15 =	vadd.f32 v53, v34;
	v34 =	vmul.f32 v61, v1;
	v52 =	vmul.f32 v40, v1  }
0x2bc: {  	v16 =	vadd.f32 v54, v33;
	v38 =	vadd.f32 v39, v38;
	v39 =	vld [tilespmem:$0xC650];
	v54 =	vmul.f32 v63, v21  }
0x2bd: {  	v14 =	vadd.f32 v14, v41;
	v41 =	vld [tilespmem:$0xC7D0];
	v55 =	vmul.f32 v42, v43;
	v49 =	vmul.f32 v30, v46  }
0x2be: {  	v22 =	vadd.f32 v29, v22;
	v58 =	vmul.f32 v30, v37;
	v59 =	vmul.f32 v30, v35  }
0x2bf: {  	v27 =	vadd.f32 v27, v45;
	v30 =	vmul.f32 v30, v47;
	v35 =	vmul.f32 v36, v35  }
0x2c0: {  	v51 =	vadd.f32 v49, v48;
	v49 =	vmul.f32 v36, v47;
	v47 =	vmul.f32 v44, v37  }
0x2c1: {  	v18 =	vadd.f32 v18, v23;
	v30 =	vmul.f32 v30, v2;
	v53 =	vmul.f32 v39, v43  }
0x2c2: {  	v31 =	vsub.f32 v57, v58;
	v56 =	vmul.f32 v39, v41;
	v57 =	vmul.f32 v63, v26  }
0x2c3: {  	v33 =	vsub.f32 v59, v60;
	v36 =	vmul.f32 v54, v4;
	v59 =	vmul.f32 v63, v41  }
0x2c4: {  	v22 =	vadd.f32 v22, v28;
	v48 =	vld [tilespmem:$0xC550];
	v60 =	vmul.f32 v42, v21;
	v61 =	vmul.f32 v39, v26  }
0x2c5: {  	v27 =	vadd.f32 v27, v32;
	v19 =	vmul.f32 v51, v3;
	v31 =	vmul.f32 v31, v0  }
0x2c6: {  	v45 =	vld [tilespmem:$0xC560];
	v62 =	vmul.f32 v49, v2;
	v33 =	vmul.f32 v33, v0;
	v28 =	vsub.f32 v47, v35  }
0x2c7: {  	v40 =	vld [tilespmem:$0xC760];
	v51 =	vmul.f32 v42, v41;
	v23 =	vsub.f32 v55, v56;
	v49 =	vmul.f32 v63, v43  }
0x2c8: {  	v20 =	vadd.f32 v20, v25;
	v44 =	vld [tilespmem:$0xC6E0];
	v25 =	vmul.f32 v59, v1;
	v28 =	vmul.f32 v28, v0  }
0x2c9: {  	v35 =	vld [tilespmem:$0xC7E0];
	v30 =	vadd.f32 v52, v30;
	v23 =	vmul.f32 v23, v0;
	v50 =	vmul.f32 v48, v26  }
0x2ca: {  	v47 =	vld [tilespmem:$0xC5E0];
	v29 =	vadd.f32 v34, v62;
	v58 =	vmul.f32 v48, v21;
	v62 =	vmul.f32 v48, v43  }
0x2cb: {  	v17 =	vadd.f32 v19, v17;
	v21 =	vmul.f32 v39, v21;
	v63 =	vmul.f32 v48, v41  }
0x2cc: {  	v20 =	vadd.f32 v20, v31;
	v41 =	vld [tilespmem:$0xC4E0];
	v48 =	vmul.f32 v60, v2;
	v26 =	vmul.f32 v42, v26  }
0x2cd: {  	[tilespmem:$0xC900] =	vst v6;
	v39 =	vld [tilespmem:$0xC660];
	v43 =	vmul.f32 v49, v1;
	v60 =	vmul.f32 v45, v44;
	v6 =	vadd.f32 v30, v28  }
0x2ce: {  	v32 =	vadd.f32 v51, v50;
	v19 =	vmul.f32 v58, v2;
	v31 =	vsub.f32 v61, v62  }
0x2cf: {  	v30 =	vld [tilespmem:$0xC6F0];
	v51 =	vmul.f32 v45, v40;
	v52 =	vmul.f32 v47, v35;
	v26 =	vsub.f32 v63, v26  }
0x2d0: {  	[tilespmem:$0xC880] =	vst v5;
	v28 =	vld [tilespmem:$0xC570];
	v5 =	vmul.f32 v21, v2;
	v31 =	vmul.f32 v31, v0  }
0x2d1: {  	v18 =	vadd.f32 v18, v24;
	v50 =	vld [tilespmem:$0xC860];
	v26 =	vmul.f32 v26, v0;
	v55 =	vmul.f32 v41, v44  }
0x2d2: {  	v32 =	vadd.f32 v53, v32;
	v58 =	vmul.f32 v39, v35;
	v59 =	vmul.f32 v41, v40  }
0x2d3: {  	v34 =	vld [tilespmem:$0xC670];
	v62 =	vadd.f32 v25, v48;
	v63 =	vmul.f32 v41, v35;
	v48 =	vmul.f32 v39, v40  }
0x2d4: {  	v42 =	vld [tilespmem:$0xC7F0];
	v53 =	vadd.f32 v52, v51;
	v24 =	vmul.f32 v32, v3;
	v32 =	vmul.f32 v57, v1  }
0x2d5: {  	[tilespmem:$0xC8B0] =	vst v38;
	v51 =	vadd.f32 v62, v31;
	v62 =	vmul.f32 v47, v40;
	v38 =	vmul.f32 v28, v30  }
0x2d6: {  	[tilespmem:$0xCA00] =	vst v7;
	v37 =	vld [tilespmem:$0xC770];
	v54 =	vmul.f32 v39, v50;
	v57 =	vmul.f32 v47, v50  }
0x2d7: {  	[tilespmem:$0xC890] =	vst v9;
	v9 =	vmul.f32 v55, v4;
	v49 =	vmul.f32 v41, v50  }
0x2d8: {  	[tilespmem:$0xCA10] =	vst v12;
	v52 =	vmul.f32 v45, v50;
	v55 =	vmul.f32 v39, v44  }
0x2d9: {  	[tilespmem:$0xC980] =	vst v8;
	v46 =	vld [tilespmem:$0xC870];
	v41 =	vmul.f32 v34, v42;
	v50 =	vmul.f32 v34, v30;
	v7 =	vadd.f32 v24, v36  }
0x2da: {  	[tilespmem:$0xC910] =	vst v10;
	v61 =	vadd.f32 v32, v19;
	v19 =	vmul.f32 v59, v1;
	v24 =	vmul.f32 v60, v2  }
0x2db: {  	v5 =	vadd.f32 v43, v5;
	v59 =	vmul.f32 v63, v1;
	[tilespmem:$0xC9D0] =	vst v51;
	v51 =	vmul.f32 v34, v37  }
0x2dc: {  	[tilespmem:$0xC990] =	vst v13;
	v32 =	vld [tilespmem:$0xC5F0];
	v56 =	vadd.f32 v54, v53;
	v21 =	vsub.f32 v57, v58;
	v53 =	vmul.f32 v45, v35  }
0x2dd: {  	[tilespmem:$0xC920] =	vst v14;
	v12 =	vsub.f32 v48, v52;
	v57 =	vmul.f32 v28, v37;
	v14 =	vmul.f32 v55, v2  }
0x2de: {  	[tilespmem:$0xC8A0] =	vst v11;
	v48 =	vmul.f32 v28, v42;
	v10 =	vadd.f32 v61, v23;
	v61 =	vmul.f32 v34, v46  }
0x2df: {  	[tilespmem:$0xC9A0] =	vst v15;
	v29 =	vadd.f32 v29, v33;
	v54 =	vld [tilespmem:$0xC4F0];
	v23 =	vmul.f32 v49, v1;
	v8 =	vmul.f32 v56, v3  }
0x2e0: {  	[tilespmem:$0xCA20] =	vst v16;
	v5 =	vadd.f32 v5, v26;
	v21 =	vmul.f32 v21, v0;
	v56 =	vmul.f32 v47, v44  }
0x2e1: {  	[tilespmem:$0xC930] =	vst v22;
	v31 =	vadd.f32 v19, v24;
	v12 =	vmul.f32 v12, v0;
	v58 =	vmul.f32 v32, v42  }
0x2e2: {  	[tilespmem:$0xC9B0] =	vst v27;
	v60 =	vmul.f32 v56, v2;
	v8 =	vadd.f32 v8, v9;
	v39 =	vmul.f32 v32, v46  }
0x2e3: {  	[tilespmem:$0xCA30] =	vst v18;
	v9 =	vsub.f32 v53, v62;
	v49 =	vmul.f32 v32, v30;
	v53 =	vmul.f32 v32, v37  }
0x2e4: {  	[tilespmem:$0xC8C0] =	vst v17;
	v44 =	vadd.f32 v23, v14;
	v63 =	vmul.f32 v54, v30;
	v27 =	vmul.f32 v54, v37  }
0x2e5: {  	[tilespmem:$0xC940] =	vst v20;
	v17 =	vadd.f32 v31, v21;
	v43 =	vmul.f32 v54, v42;
	v45 =	vmul.f32 v54, v46  }
0x2e6: {  	[tilespmem:$0xC9C0] =	vst v29;
	v46 =	vmul.f32 v28, v46;
	v13 =	vadd.f32 v58, v57;
	v16 =	vadd.f32 v59, v60  }
0x2e7: {  	[tilespmem:$0xCA40] =	vst v6;
	v9 =	vmul.f32 v9, v0;
	v47 =	vsub.f32 v39, v41;
	v56 =	vmul.f32 v49, v2  }
0x2e8: {  	[tilespmem:$0xCA50] =	vst v5;
	v58 =	vmul.f32 v50, v2;
	v59 =	vsub.f32 v48, v53;
	v18 =	vmul.f32 v27, v1  }
0x2e9: {  	[tilespmem:$0xC8D0] =	vst v7;
	v54 =	vsub.f32 v51, v46;
	v55 =	vmul.f32 v43, v1;
	v13 =	vadd.f32 v61, v13  }
0x2ea: {  	[tilespmem:$0xC950] =	vst v10;
	v57 =	vmul.f32 v45, v1;
	v40 =	vadd.f32 v16, v12;
	v7 =	vadd.f32 v44, v9  }
0x2eb: {  	[tilespmem:$0xC8E0] =	vst v8;
	v62 =	vmul.f32 v59, v0;
	v60 =	vadd.f32 v55, v56;
	v61 =	vmul.f32 v54, v0  }
0x2ec: {  	[tilespmem:$0xC960] =	vst v17;
	v1 =	vadd.f32 v57, v58;
	v36 =	vmul.f32 v13, v3;
	v13 =	vmul.f32 v38, v2  }
0x2ed: {  	v26 =	vmul.f32 v63, v4;
	[tilespmem:$0xC9E0] =	vst v40;
	v63 =	vadd.f32 v60, v61  }
0x2ee: {  	v10 =	vmul.f32 v47, v0;
	[tilespmem:$0xCA60] =	vst v7;
	v0 =	vadd.f32 v1, v62;
	v52 =	vadd.f32 v18, v13  }
0x2ef: {  	v3 =	vadd.f32 v36, v26;
	[tilespmem:$0xC9F0] =	vst v63  }
0x2f0: {  	[tilespmem:$0xCA70] =	vst v0;
	v5 =	vadd.f32 v52, v10  }
0x2f1: {  	[tilespmem:$0xC8F0] =	vst v3  }
0x2f2: {  	[tilespmem:$0xC970] =	vst v5  }
0x2f3: {  	[spmem:s3] =	stream.indirect.scatter.add.f32 [tilespmem:s23], [sflag:$0x5], $0x1, s15, s17, $0xb8;
	[tilespmem:$0xD580] =	vst v63  }
0x2f4: {  	_ = 	snop  }
0x2f5: {  	[spmem:s5] =	stream.indirect.scatter.add.f32 [tilespmem:s24], [sflag:$0x5], $0x1, s15, s17, $0xb8;
	[tilespmem:$0xD580] =	vst v63  }
0x2f6: {  	_ = 	snop  }
0x2f7: {  	[spmem:s7] =	stream.indirect.scatter.add.f32 [tilespmem:s25], [sflag:$0x5], $0x1, s15, s17, $0xb8;
	[tilespmem:$0xD580] =	vst v63  }
0x2f8: {  	s24 =	simm.s32 $0xCA00;
	s25 =	simm.s32 $0x5  }
0x2f9: {  	[spmem:s10] =	stream.indirect.scatter.add.f32 [tilespmem:s24], [sflag:$0x5], $0x1, s15, s17, $0xb8;
	[tilespmem:$0xD580] =	vst v63  }
0x2fa: {  	_ =	swait.ge [sflag:s25], $0x80  }
0x2fb: {  	[sflag:s25] =	ssyncset.done $0x0  }
0x2fc: {  	[sflag:s25] =	ssyncadd.s32 $0xFFFFFF80  }
0x2fd: {  	_ =	swait.ge [sflag:s25], $0x80  }
0x2fe: {  	[sflag:s25] =	ssyncset.done $0x0  }
0x2ff: {  	[sflag:s25] =	ssyncadd.s32 $0xFFFFFF80  }
0x300: {  	_ =	swait.ge [sflag:s25], $0x80  }
.Ltmp4:
0x301: {  	[sflag:s25] =	ssyncset.done $0x0;
	(pc) =	sbr.rel .LBB2_5-.Ltmp4, $4  }
0x302: {  	[sflag:s25] =	ssyncadd.s32 $0xFFFFFF80  }
0x303: {  	_ =	swait.ge [sflag:s25], $0x80  }
0x304: {  	[sflag:s25] =	ssyncset.done $0x0  }
0x305: {  	[sflag:s25] =	ssyncadd.s32 $0xFFFFFF80  }
.LBB2_6:
0x306: {  	_ =	sfence.sel $0x180000  }
0x307: {  	[bflag:$0x0] =	sbarrier.arrive $0xFFFF  }
0x308: {  	_ =	strace $0x9000004A  }
0x309: {  	[bflag:$0x2] =	sbarrier.arrive $0xFFFF  }
0x30a: {  	s0 =	rddreg [dreg:$0xb]  }
0x30b: {  	s0 =	sadd.s32 @!p0 $0x100000, s0  }
0x30c: {  	[sflag:s0] =	ssyncadd.tile.s32 @!p0 $0x1;
	_ =	shalt  }
.Lfunc_end2:
_tile_overlayer_lowered:
.L_overlay_start_2:
0x30d: {  	(tag) =	ssettag $0x2  }
0x30e: {  	s0 =	rddreg [dreg:$0x0];
	s2 =	stileid.u32  }
0x30f: {  	s1 =	rddreg [dreg:$0x1];
	p0 =	sne.s32 s2, $0x0  }
0x310: {  	s3 =	rddreg [dreg:$0x2];
	[bflag:$0x3] =	sbarrier.arrive $0xFFFF;
	s2 =	simm.s32 @!p0 $0x1C07  }
0x311: {  	[timem:s3], [sflag:s2] =	dma.local @!p0 [hbm:s0], s1  }
0x312: {  	s0 =	simm.s32 @!p0 $0x7  }
0x313: {  	_ =	swait.ge @!p0 [sflag:s0], s1  }
0x314: {  	s1 =	ssub.s32 @!p0 $0x0, s1;
	[sflag:s0] =	ssyncset.done @!p0 $0x0  }
0x315: {  	[sflag:s0] =	ssyncadd.s32 @!p0 s1  }
0x316: {  	[bflag:$0x3] =	sbarrier.arrive $0xFFFF  }
0x317: {  	_ =	shalt  }

// kernel: sparse-core-data-format-call.cloned.1.call-start
scs
called_computation_lowered:
.L_overlay_start_0:
0x0: {  	s2 =	sld [smem:$0x3FD9]  }
0x1: {  	s3 =	sld [smem:$0x3FFE];
	_ =	sdelay $0x1  }
0x2: {  	s1 =	srdreg.scid  }
0x3: {  	s0 =	sand.u32 $0x1, s1  }
0x4: {  	s18 =	sshll.u32 s0, $0xA;
	s2 =	sadd.s32 s3, s2  }
0x5: {  	s2 =	sadd.s32 s2, s18  }
0x6: {  	[smem:$0x3FC3] =	sst s2  }
0x7: {  	_ = 	snop  }
0x8: {  	s2 =	sld [smem:$0x3FC5];
	(tm) =	ssettm $0x1  }
0x9: {  	s19 =	sld [smem:$0x3FFB];
	_ =	sdelay $0x3  }
0xa: {  	_ =	strace s19  }
0xb: {  	s3 =	sld [smem:$0x3FFC];
	_ =	sdelay $0x3  }
0xc: {  	_ =	strace s3  }
0xd: {  	s3 =	sld [smem:$0x3FFD];
	_ =	sdelay $0x3  }
0xe: {  	_ =	strace s3  }
0xf: {  	_ =	strace $0x8FFFFFFF  }
0x10: {  	s20 =	sld [smem:$0x3FDB];
	_ =	sdelay $0x1  }
0x11: {  	s4 =	simm.s32 $_scs_section_size  }
0x12: {  	s5 =	simm.s32 $_size__tile_overlayer_lowered;
	s6 =	simm.s32 $_tile_overlayer_lowered  }
0x13: {  	s23 =	simm.s32 $0x1BFF;
	s22 =	sshll.u32 s6, $0x1;
	s3 =	sadd.s32 s4, s20  }
0x14: {  	s7 =	simm.s32 $0x0;
	s21 =	sshll.u32 s5, $0x1;
	s5 =	sadd.s32 s22, s3  }
0x15: {  	[timem:s7], [sflag:s23] =	dma.local [hbm:s5], s21  }
0x16: {  	_ =	swait.ge [sflag:s23], s21  }
0x17: {  	s4 =	ssub.s32 $0x0, s21;
	[sflag:s23] =	ssyncset.done $0x0  }
0x18: {  	[sflag:s23] =	ssyncadd.s32 s4;
	_ =	sdelay $0x1  }
0x19: {  	s24 =	simm.s32 $0x1B8B  }
0x1a: {  	_ =	swait.ge [sflag:s24], $0x1  }
0x1b: {  	[sflag:s24] =	ssyncset.done $0x0  }
0x1c: {  	s26 =	simm.s32 $0x1B8E;
	s25 =	sld [smem:$0x3FFE];
	[sflag:s24] =	ssyncadd.s32 $0xFFFFFFFF  }
0x1d: {  	s27 =	simm.s32 $execute0_lowered;
	[smem:$0x3FD2] =	sst s26  }
0x1e: {  	s5 =	sshll.u32 s27, $0x1;
	_ =	strace $0x80000046;
	[dreg:$0x1] =	wrdreg $0xFFFFFFFF  }
0x1f: {  	s28 =	simm.s32 $_size_execute0_lowered;
	s3 =	sadd.s32 s3, s5;
	[dreg:$0x0] =	wrdreg $0x0  }
0x20: {  	s5 =	sshll.u32 s28, $0x1;
	[dreg:$0x2] =	wrdreg s3  }
0x21: {  	[dreg:$0x3] =	wrdreg s5  }
0x22: {  	[dreg:$0x4] =	wrdreg $0xC0  }
0x23: {  	_ =	task [dreg:s7], $0x5FFFF  }
0x24: {  	[dreg:$0x1] =	wrdreg $0xFFFFFFFF  }
0x25: {  	[dreg:$0x0] =	wrdreg $0x60  }
0x26: {  	[dreg:$0x2] =	wrdreg s2  }
0x27: {  	[dreg:$0x3] =	wrdreg s25  }
0x28: {  	[dreg:$0x4] =	wrdreg $0x9  }
0x29: {  	_ =	task.clear_ibuf [dreg:s7], $0x5FFFF;
	_ =	strace $0x90000046  }
0x2a: {  	s29 =	simm.s32 $0x9;
	_ =	strace $0x80000048  }
0x2b: {  	_ =	swait.ge [sflag:s29], $0x1  }
0x2c: {  	[sflag:s29] =	ssyncadd.s32 $0xFFFFFFFF  }
0x2d: {  	_ =	strace $0x90000048  }
0x2e: {  	_ =	sfence  }
0x2f: {  	s30 =	sld [smem:$0x0];
	_ =	sdelay $0x2  }
0x30: {  	s31 =	sshll.u32 s1, $0xD;
	s1 =	sshrl.u32 s1, $0x2  }
0x31: {  	s3 =	sand.u32 $0x4000, s31;
	s1 =	sadd.s32 s1, s30  }
0x32: {  	s0 =	sor.u32 s3, s0;
	s1 =	sshll.u32 s1, $0x11  }
0x33: {  	s0 =	sor.u32 s1, s0  }
0x34: {  	s0 =	sadd.s32 $0x8F2B, s0  }
0x35: {  	[sflag:s0] =	ssyncadd.remote.s32 $0x1  }
0x36: {  	_ =	sfence.sel $0xFFFF  }
0x37: {  	[dreg:$0x0] =	wrdreg $0xFFFFFFFF;
	(pc) =	sbr.abs _section_cstart, $3  }
0x38: {  	[dreg:$0x1] =	wrdreg $0xFFFFFFFF  }
0x39: {  	_ =	task.clear_ibuf [dreg:s7], $0x2FFFF;
	_ =	strace $0x9FFFFFFF  }
0x3a: {  	(tm) =	ssettm $0x7FFFFFFF  }
0x3b: {  	_ =	shalt  }
tec
execute0_lowered:
.L_overlay_start_1:
0x0: {  	(tag) =	ssettag $0x1  }
0x1: {  	s0 =	stileid.u32;
	s7 =	rddreg [dreg:$0x0]  }
0x2: {  	s1 =	srdreg.scid;
	s4 =	rddreg [dreg:$0x1]  }
0x3: {  	s30 =	simm.s32 $0x2;
	s10 =	simm.s32 $0x0;
	s14 =	simm.s32 $0x0  }
0x4: {  	s15 =	simm.s32 $0x0;
	s11 =	simm.s32 $0x0;
	s13 =	simm.s32 $0x0  }
0x5: {  	s2 =	sand.u32 $0x1, s1;
	s3 =	sshll.u32 s0, $0x7;
	s1 =	rddreg [dreg:$0x2]  }
0x6: {  	_ =	strace $0x80000047;
	s5 =	ssub.s32 $0xC300, s3;
	s6 =	ssub.s32 $0x2, s2  }
.Ltmp0:
0x7: {  	s5 =	sshrl.u32 s5, $0xB;
	s8 =	sshrl.u32 s6, $0x1;
	(pc) =	sbr.rel .LBB1_1-.Ltmp0, $4  }
0x8: {  	s4 =	sadd.s32 $0x800, s4;
	s9 =	sadd.s32 $0x1, s5;
	s6 =	ssub.s32 s6, s8  }
0x9: {  	s31 =	sshll.u32 s2, $0x4;
	s5 =	simm.s32 $0x1;
	s6 =	smul.u32 s9, s6  }
0xa: {  	s12 =	smov.u32 s3;
	s7 =	sadd.s32 s7, s31;
	[sflag:s5] =	ssyncpa.u1 $0x0  }
0xb: {  	s9 =	simm.s32 $0x0;
	[sflag:s30] =	ssyncpa.u1 $0x0;
	s8 =	sadd.s32 $0x1, s6  }
.LBB1_4:
0xc: {  	s21 =	simm.s32 $0x0  }
.LBB1_8:
0xd: {  	_ =	sdelay $0x3  }
0xe: {  	v6 =	vld [tilespmem:s18+$0xFFFFFFC0];
	[tilespmem:v0+s20+$0x30 ss:$0x1] =	vst.idx.msk @p0 $0xffff, v2  }
0xf: {  	v58 =	vld [tilespmem:s18+$0xFFFFFFD0];
	[tilespmem:v0+s20+$0x40 ss:$0x1] =	vst.idx.msk @p0 $0xffff, v3;
	s21 =	sadd.s32 @p0 $0x80, s21  }
0x10: {  	v59 =	vld [tilespmem:s18+$0xFFFFFFE0];
	[tilespmem:v0+s20+$0x50 ss:$0x1] =	vst.idx.msk @p0 $0xffff, v5;
	s19 =	smov.u32 @p0 s21  }
0x11: {  	v60 =	vld [tilespmem:s18+$0xFFFFFFF0];
	[tilespmem:v0+s20+$0x60 ss:$0x1] =	vst.idx.msk @p0 $0xffff, v4;
	s19 =	sand.u32 $0x3F80, s19  }
0x12: {  	v61 =	vld [tilespmem:s18+$0x0];
	[tilespmem:v0+s19+$0x70 ss:$0x1] =	vst.idx.msk $0xffff, v1  }
0x13: {  	v62 =	vld [tilespmem:s18+$0x10];
	[tilespmem:v0+s19+$0x0 ss:$0x1] =	vst.idx.msk $0xffff, v6  }
0x14: {  	v63 =	vld [tilespmem:s18+$0x20];
	[tilespmem:v0+s19+$0x10 ss:$0x1] =	vst.idx.msk $0xffff, v58  }
0x15: {  	[tilespmem:v0+s19+$0x20 ss:$0x1] =	vst.idx.msk $0xffff, v59  }
0x16: {  	[tilespmem:v0+s19+$0x30 ss:$0x1] =	vst.idx.msk $0xffff, v60  }
0x17: {  	[tilespmem:v0+s19+$0x40 ss:$0x1] =	vst.idx.msk $0xffff, v61  }
0x18: {  	[tilespmem:v0+s19+$0x50 ss:$0x1] =	vst.idx.msk $0xffff, v62  }
0x19: {  	[tilespmem:v0+s19+$0x60 ss:$0x1] =	vst.idx.msk $0xffff, v63  }
.LBB1_9:
0x1a: {  	s18 =	sand.u32 $0x1FFFFFF, s11  }
0x1b: {  	s19 =	smulhi.u32 $0x14F8B59, s18;
	_ =	sdelay $0x1  }
0x1c: {  	s19 =	sshrl.u32 s19, $0x8  }
0x1d: {  	s19 =	smul.u32 $0xC350, s19  }
0x1e: {  	s15 =	smul.u32 $0xC3500, s15  }
0x1f: {  	s18 =	ssub.s32 s18, s19  }
0x20: {  	s15 =	sadd.s32 s4, s15;
	s18 =	sshll.u32 s18, $0x4  }
0x21: {  	s15 =	sadd.s32 s18, s15  }
0x22: {  	[hbm4b:s15+s9] =	stream.linear.scatter [tilespmem:s17], [sflag:$0x2], s16, $0x38;
	[tilespmem:$0x10000] =	vst v63  }
.LBB1_10:
0x23: {  	p0 =	slt.u32 s13, $0x2  }
0x24: {  	p1 =	sgt.s32 @!p0 s14, $0xC2D0  }
0x25: {  	s15 =	smov.u32 s14;
	s16 =	sshra.s32 @!p0 s14, $0x1F;
	p1 =	por !p1, p0  }
0x26: {  	s14 =	sand.u32 @!p0 s16, s14;
	s15 =	simm.s32 @p1 $0xC2D0  }
0x27: {  	s14 =	ssub.s32 @!p0 s15, s14  }
0x28: {  	s14 =	sadd.s32 @!p0 $0xFFFF3D30, s14  }
0x29: {  	s15 =	sshll.u32 @!p0 s14, $0x7  }
0x2a: {  	p1 =	sgt.s32 @!p0 s14, $0x7F;
	s14 =	ssub.s32 @!p0 $0x4000, s15  }
0x2b: {  	s16 =	sadd.s32 $0x800, s12;
	p1 =	por !p1, p0;
	s14 =	sand.u32 @!p0 $0x3FFFFF80, s14  }
0x2c: {  	s14 =	simm.s32 @!p1 $0x0;
	p1 =	sgt.s32 s16, $0xC34F  }
0x2d: {  	s16 =	smov.u32 @p1 s3;
	p1 =	sne.s32 s13, s8  }
.Ltmp1:
0x2e: {  	_ = 	snop;
	(pc) =	sbr.rel @!p1 .LBB1_11-.Ltmp1, $4  }
0x2f: {  	s10 =	sadd.s32 $0x4000, s10;
	s15 =	simm.s32 @!p0 $0x2  }
0x30: {  	_ =	swait.ge @!p0 [sflag:s15], s14;
	s17 =	ssub.s32 @!p0 $0x0, s14;
	s14 =	smov.u32 s11  }
0x31: {  	s13 =	sadd.s32 $0x1, s13;
	s11 =	smov.u32 s12;
	[sflag:s15] =	ssyncset.done @!p0 $0x0  }
0x32: {  	s12 =	smov.u32 s16;
	[sflag:s15] =	ssyncadd.s32 @!p0 s17;
	s15 =	smov.u32 s2  }
.LBB1_1:
0x33: {  	p0 =	sge.u32 s13, s6  }
0x34: {  	p1 =	sgt.s32 @!p0 s12, $0xC2D0  }
0x35: {  	s16 =	smov.u32 s12;
	s17 =	sshra.s32 @!p0 s12, $0x1F;
	p1 =	por !p1, p0  }
0x36: {  	s17 =	sand.u32 @!p0 s17, s12;
	s16 =	simm.s32 @p1 $0xC2D0  }
0x37: {  	s16 =	ssub.s32 @!p0 s16, s17  }
0x38: {  	s31 =	sadd.s32 $0xFFFFFFFF, s13;
	s18 =	sxor.u32 @!p0 $0xFFFFFFFF, s13;
	s16 =	sadd.s32 @!p0 $0xFFFF3D30, s16  }
0x39: {  	s19 =	simm.s32 @!p0 $0x80;
	s20 =	simm.s32 @!p0 $0x100;
	s17 =	sshll.u32 @!p0 s16, $0x7  }
0x3a: {  	p1 =	sgt.s32 @!p0 s16, $0x7F;
	s16 =	ssub.s32 @!p0 $0x4000, s17;
	s17 =	sshll.u32 @!p0 s18, $0xE  }
0x3b: {  	p1 =	por !p1, p0;
	s18 =	sshll.u32 @!p0 s12, $0x5;
	s16 =	sand.u32 @!p0 $0x3FFFFF80, s16  }
0x3c: {  	s17 =	sand.u32 @!p0 $0x4000, s17;
	s18 =	sadd.s32 @!p0 s18, s7;
	s16 =	simm.s32 @!p1 $0x0  }
0x3d: {  	[tilespmem:s17], [sflag:$0x1] =	stream.strided.gather @!p0 [hbm4b:s18+s19], s16, s20, s19, $0x38;
	[tilespmem:$0x10000] =	vst v63  }
0x3e: {  	p0 =	sge.u32 s31, s6  }
.Ltmp2:
0x3f: {  	_ = 	snop;
	(pc) =	sbr.rel @p0 .LBB1_10-.Ltmp2, $1  }
0x40: {  	_ =	sdelay $0x3  }
0x41: {  	p0 =	sgt.s32 s11, $0xC2D0;
	s16 =	smov.u32 s11;
	s17 =	sshra.s32 s11, $0x1F  }
0x42: {  	s16 =	simm.s32 @!p0 $0xC2D0;
	s17 =	sand.u32 s17, s11  }
0x43: {  	s16 =	ssub.s32 s16, s17  }
0x44: {  	s16 =	sadd.s32 $0xFFFF3D30, s16  }
0x45: {  	s30 =	sshll.u32 s16, $0x7  }
0x46: {  	s17 =	ssub.s32 $0x4000, s30  }
0x47: {  	p0 =	sgt.s32 s16, $0x7F;
	s16 =	sand.u32 $0x3FFFFF80, s17;
	s17 =	sadd.s32 $0x80, s11  }
0x48: {  	s16 =	simm.s32 @p0 $0x0;
	p0 =	slt.s32 s17, $0xC350  }
0x49: {  	s17 =	simm.s32 @!p0 $0xC350  }
0x4a: {  	s20 =	ssub.s32 s17, s11  }
0x4b: {  	p0 =	slt.s32 s20, $0x1  }
.Ltmp3:
0x4c: {  	_ = 	snop;
	(pc) =	sbr.rel @p0 .LBB1_9-.Ltmp3, $4  }
0x4d: {  	_ = 	snop  }
0x4e: {  	s19 =	sshll.u32 s13, $0xE;
	_ =	swait.ge [sflag:s5], s16  }
0x4f: {  	s31 =	sand.u32 $0x4000, s19;
	s18 =	ssub.s32 $0x0, s16;
	[sflag:s5] =	ssyncset.done $0x0  }
0x50: {  	s17 =	sor.u32 $0x8000, s31;
	[sflag:s5] =	ssyncadd.s32 s18  }
0x51: {  	p1 =	sne.s32 s20, $0x1  }
.Ltmp4:
0x52: {  	v0 =	vmov s17;
	(pc) =	sbr.rel @!p1 .LBB1_4-.Ltmp4, $4  }
0x53: {  	_ = 	snop  }
0x54: {  	s18 =	sand.u32 $0x4000, s10  }
0x55: {  	s18 =	sor.u32 $0x40, s18  }
0x56: {  	s19 =	simm.s32 $0x0;
	s21 =	sadd.s32 $0xFFFFFFFF, s20;
	p0 =	por $0x0, $0x0;
	v1 =	vld [tilespmem:s18+$0x30]  }
0x57: {  	v4 =	vld [tilespmem:s18+$0xFFFFFFC0]  }
0x58: {  	v6 =	vld [tilespmem:s18+$0xFFFFFFD0]  }
0x59: {  	v7 =	vld [tilespmem:s18+$0xFFFFFFE0];
	p1 =	sne.s32 s21, $0x1  }
.Ltmp5:
0x5a: {  	v2 =	vld [tilespmem:s18+$0xFFFFFFF0];
	s20 =	sand.u32 $0x3F80, s19;
	(pc) =	sbr.rel @!p1 .LBB1_6-.Ltmp5, $4  }
0x5b: {  	v3 =	vld [tilespmem:s18+$0x0];
	[tilespmem:v0+s20+$0x70 ss:$0x1] =	vst.idx.msk $0xffff, v1  }
0x5c: {  	v5 =	vld [tilespmem:s18+$0x10];
	[tilespmem:v0+s20+$0x0 ss:$0x1] =	vst.idx.msk $0xffff, v4  }
0x5d: {  	v4 =	vld [tilespmem:s18+$0x20];
	[tilespmem:v0+s20+$0x10 ss:$0x1] =	vst.idx.msk $0xffff, v6;
	s18 =	sadd.s32 $0x80, s18  }
0x5e: {  	s22 =	sadd.s32 $0xFFFFFFFF, s21;
	p0 =	por $0x1, $0x1;
	s21 =	simm.s32 $0x0;
	[tilespmem:v0+s20+$0x20 ss:$0x1] =	vst.idx.msk $0xffff, v7;
	v1 =	vld [tilespmem:s18+$0x30]  }
.LBB1_7:
0x5f: {  	p1 =	sne.s32 s22, $0x1;
	v6 =	vld [tilespmem:s18+$0xFFFFFFC0];
	[tilespmem:v0+s20+$0x30 ss:$0x1] =	vst.idx.msk $0xffff, v2  }
0x60: {  	v7 =	vld [tilespmem:s18+$0xFFFFFFD0];
	[tilespmem:v0+s20+$0x40 ss:$0x1] =	vst.idx.msk $0xffff, v3  }
0x61: {  	s21 =	sadd.s32 $0x80, s21;
	v8 =	vld [tilespmem:s18+$0xFFFFFFE0];
	[tilespmem:v0+s20+$0x50 ss:$0x1] =	vst.idx.msk $0xffff, v5  }
.Ltmp6:
0x62: {  	v2 =	vld [tilespmem:s18+$0xFFFFFFF0];
	[tilespmem:v0+s20+$0x60 ss:$0x1] =	vst.idx.msk $0xffff, v4;
	s20 =	sand.u32 $0x3F80, s21;
	(pc) =	sbr.rel @p1 .LBB1_7-.Ltmp6, $4  }
0x63: {  	v3 =	vld [tilespmem:s18+$0x0];
	[tilespmem:v0+s20+$0x70 ss:$0x1] =	vst.idx.msk $0xffff, v1  }
0x64: {  	[tilespmem:v0+s20+$0x0 ss:$0x1] =	vst.idx.msk $0xffff, v6;
	v5 =	vld [tilespmem:s18+$0x10]  }
0x65: {  	[tilespmem:v0+s20+$0x10 ss:$0x1] =	vst.idx.msk $0xffff, v7;
	v4 =	vld [tilespmem:s18+$0x20];
	s18 =	sadd.s32 $0x80, s18  }
0x66: {  	s22 =	sadd.s32 $0xFFFFFFFF, s22;
	v1 =	vld [tilespmem:s18+$0x30];
	[tilespmem:v0+s20+$0x20 ss:$0x1] =	vst.idx.msk $0xffff, v8  }
.Ltmp7:
0x67: {  	_ = 	snop;
	(pc) =	sbr.rel .LBB1_8-.Ltmp7, $1  }
0x68: {  	_ =	sdelay $0x3  }
.LBB1_6:
.Ltmp8:
0x69: {  	(pc) =	sbr.rel .LBB1_8-.Ltmp8, $2  }
0x6a: {  	_ =	sdelay $0x2  }
0x6b: {  	s21 =	simm.s32 $0x0  }
.LBB1_11:
0x6c: {  	_ =	sfence.sel $0x180000  }
0x6d: {  	s2 =	simm.s32 $0x1;
	[bflag:$0x0] =	sbarrier.arrive $0xFFFF  }
0x6e: {  	s31 =	simm.s32 $0x2;
	[sflag:s2] =	ssyncpa.u1 $0x1  }
0x6f: {  	[sflag:s31] =	ssyncpa.u1 $0x1  }
0x70: {  	p0 =	sne.s32 s0, $0x0;
	_ =	strace $0x90000047  }
0x71: {  	s0 =	sadd.s32 @!p0 $0x100000, s1;
	[bflag:$0x2] =	sbarrier.arrive $0xFFFF  }
0x72: {  	[sflag:s0] =	ssyncadd.tile.s32 @!p0 $0x1;
	_ =	shalt  }
.Lfunc_end1:
_tile_overlayer_lowered:
.L_overlay_start_2:
0x73: {  	(tag) =	ssettag $0x2  }
0x74: {  	s0 =	rddreg [dreg:$0x0];
	s2 =	stileid.u32  }
0x75: {  	s1 =	rddreg [dreg:$0x1];
	p0 =	sne.s32 s2, $0x0  }
0x76: {  	s3 =	rddreg [dreg:$0x2];
	[bflag:$0x3] =	sbarrier.arrive $0xFFFF;
	s2 =	simm.s32 @!p0 $0x1C01  }
0x77: {  	[timem:s3], [sflag:s2] =	dma.local @!p0 [hbm:s0], s1  }
0x78: {  	s0 =	simm.s32 @!p0 $0x1  }
0x79: {  	_ =	swait.ge @!p0 [sflag:s0], s1  }
0x7a: {  	s1 =	ssub.s32 @!p0 $0x0, s1;
	[sflag:s0] =	ssyncset.done @!p0 $0x0  }
0x7b: {  	[sflag:s0] =	ssyncadd.s32 @!p0 s1  }
0x7c: {  	[bflag:$0x3] =	sbarrier.arrive $0xFFFF  }
0x7d: {  	_ =	shalt  }

</sc_bundles>
